<compile_context>
chip_gen: v7x
topology: tpu7x:2x2x1
jax: 0.10.2.dev20260603
libtpu: 0.0.44.dev20260713+nightly
codegen_flags: <defaults>
</compile_context>

<pallas_src>
import functools
import jax
import jax.numpy as jnp
from jax import lax
from jax.experimental import pallas as pl
from jax.experimental.pallas import tpu as pltpu
from jax.experimental.pallas import tpu_sc as plsc

N = 10000
E = 160000
T = 64
ET = 512
D = 256
H = 256
NH = 8
HD = 32
NC = 10

EREAL = E + N
ETT = ET + T
CHUNK = 128
NCHUNK = 84
EP = 16 * NCHUNK * CHUNK
NROW = N // 16

TILE = 2000
GRID = N // TILE

_sc_mesh = plsc.VectorSubcoreMesh(core_axis_name="c", subcore_axis_name="s")

_ROWSPLIT = ((0, 128), (128, 128), (256, 128), (384, 128), (512, 113))


_sc_params = pltpu.CompilerParams(use_tc_tiling_on_sc=False,
                                  needs_layout_passes=False)

_tc_params = pltpu.CompilerParams(dimension_semantics=("arbitrary",))


def _zero_buf(ref, ncol, zero16):
    def body(r, _):
        for j in range(ncol // 16):
            ref[r, pl.ds(j * 16, 16)] = zero16
        return 0
    lax.fori_loop(0, CHUNK, body, 0)


@functools.partial(
    pl.kernel,
    mesh=_sc_mesh,
    compiler_params=_sc_params,
    out_type=[
        jax.ShapeDtypeStruct((2, N, 128), jnp.float32),
        jax.ShapeDtypeStruct((2, N, 8), jnp.float32),
    ],
    scratch_types=[
        pltpu.VMEM_SHARED((N, 128), jnp.float32),
        pltpu.VMEM_SHARED((N, 8), jnp.float32),
        pltpu.VMEM((CHUNK,), jnp.int32),
        pltpu.VMEM((CHUNK,), jnp.int32),
        pltpu.VMEM((CHUNK, 16), jnp.float32),
        pltpu.VMEM((CHUNK, 16), jnp.float32),
        pltpu.VMEM((CHUNK, 128), jnp.float32),
        pltpu.VMEM((CHUNK, 8), jnp.float32),
        pltpu.VMEM((CHUNK,), jnp.int32),
        pltpu.VMEM((CHUNK,), jnp.int32),
        pltpu.VMEM((CHUNK, 16), jnp.float32),
        pltpu.VMEM((CHUNK, 16), jnp.float32),
        pltpu.VMEM((CHUNK, 128), jnp.float32),
        pltpu.VMEM((CHUNK, 8), jnp.float32),
        pltpu.VMEM((16,), jnp.float32),
        pltpu.SemaphoreType.DMA,
        pltpu.SemaphoreType.DMA,
        pltpu.SemaphoreType.DMA,
        pltpu.SemaphoreType.DMA,
    ],
)
def _edge_kernel(src_hbm, dst_hbm, as_hbm, ad_hbm, h0_hbm, h1_hbm, m_hbm,
                 num_out, den_out,
                 num_sp, den_sp,
                 srcv0, dstv0, asv0, adv0, hv0, exbuf0,
                 srcv1, dstv1, asv1, adv1, hv1, exbuf1,
                 mv, sg0, sg1, ssc0, ssc1):
    c = lax.axis_index("c")
    s = lax.axis_index("s")
    iota = lax.iota(jnp.int32, 16)
    zero16 = jnp.zeros((16,), jnp.float32)

    B = ({"src": srcv0, "dst": dstv0, "as": asv0, "ad": adv0, "hv": hv0,
          "ex": exbuf0, "sg": sg0, "ssc": ssc0},
         {"src": srcv1, "dst": dstv1, "as": asv1, "ad": adv1, "hv": hv1,
          "ex": exbuf1, "sg": sg1, "ssc": ssc1})

    _zero_buf(hv0, 128, zero16)
    _zero_buf(exbuf0, 8, zero16)
    _zero_buf(exbuf1, 8, zero16)
    pltpu.sync_copy(m_hbm, mv)

    row0 = s * NROW
    for off, sz in _ROWSPLIT:
        pltpu.sync_copy(hv0.at[pl.ds(0, sz), :], num_sp.at[pl.ds(row0 + off, sz), :])
        pltpu.sync_copy(exbuf0.at[pl.ds(0, sz), :], den_sp.at[pl.ds(row0 + off, sz), :])
    plsc.subcore_barrier()

    def idx_load(t, b):
        base = (s * NCHUNK + t) * CHUNK
        pltpu.sync_copy(src_hbm.at[pl.ds(base, CHUNK)], b["src"])
        pltpu.sync_copy(dst_hbm.at[pl.ds(base, CHUNK)], b["dst"])

    def fire_gathers(b):
        pltpu.async_copy(as_hbm.at[b["src"]], b["as"], b["sg"])
        pltpu.async_copy(ad_hbm.at[b["dst"]], b["ad"], b["sg"])

        @pl.when(c == 0)
        def _():
            pltpu.async_copy(h0_hbm.at[b["src"]], b["hv"], b["sg"])

        @pl.when(c == 1)
        def _():
            pltpu.async_copy(h1_hbm.at[b["src"]], b["hv"], b["sg"])

    def wait_gathers(b):
        pltpu.make_async_copy(as_hbm.at[b["src"]], b["as"], b["sg"]).wait()
        pltpu.make_async_copy(ad_hbm.at[b["dst"]], b["ad"], b["sg"]).wait()
        pltpu.make_async_copy(h0_hbm.at[b["src"]], b["hv"], b["sg"]).wait()

    def fire_den_scatter(b):
        pltpu.async_copy(b["ex"], den_sp.at[b["dst"]], b["ssc"], add=True)

    def wait_den_scatter(b):
        pltpu.make_async_copy(b["ex"], den_sp.at[b["dst"]], b["ssc"]).wait()

    def fire_num_scatter(b):
        pltpu.async_copy(b["hv"], num_sp.at[b["dst"]], b["ssc"], add=True)

    def wait_num_scatter(b):
        pltpu.make_async_copy(b["hv"], num_sp.at[b["dst"]], b["ssc"]).wait()

    def compute(t, b):
        base = (s * NCHUNK + t) * CHUNK
        asv, adv, hv, exbuf = b["as"], b["ad"], b["hv"], b["ex"]

        def group_body(g, _):
            row = g * 16 + iota
            valid = (base + row) < EREAL
            for hh in range(4):
                colv = jnp.full((16,), hh, jnp.int32) + c * 4
                colv2 = colv + 8
                es1 = plsc.load_gather(asv, [row, colv])
                es2 = plsc.load_gather(asv, [row, colv2])
                ed1 = plsc.load_gather(adv, [row, colv])
                ed2 = plsc.load_gather(adv, [row, colv2])
                tau = plsc.load_gather(mv, [colv])
                p1 = es1 * ed1
                p2 = es2 * ed2
                exv = jnp.where(p1 >= tau, p1, p2)
                exv = jnp.where(valid, exv, 0.0)
                plsc.store_scatter(exbuf, [row, jnp.full((16,), hh, jnp.int32)], exv)
            return 0

        lax.fori_loop(0, 8, group_body, 0)

    def scale_rows(b):
        hv, exbuf = b["hv"], b["ex"]
        zi = jnp.zeros((16,), jnp.int32)

        def row_body(r, _):
            for hh in range(4):
                sp = plsc.load_gather(exbuf, [zi + r, jnp.full((16,), hh, jnp.int32)])
                for jv in range(2):
                    col = hh * 32 + jv * 16
                    hval = hv[r, pl.ds(col, 16)]
                    hv[r, pl.ds(col, 16)] = hval * sp
            return 0

        lax.fori_loop(0, CHUNK, row_body, 0)

    idx_load(0, B[0])
    fire_gathers(B[0])

    def outer_body(tt, _):
        for p in (0, 1):
            t = 2 * tt + p
            bp, bq = B[p], B[1 - p]

            @pl.when(t >= 1)
            def _():
                wait_num_scatter(bq)

            @pl.when(t + 1 < NCHUNK)
            def _():
                idx_load(t + 1, bq)
                fire_gathers(bq)

            wait_gathers(bp)
            compute(t, bp)
            fire_den_scatter(bp)
            wait_den_scatter(bp)
            scale_rows(bp)
            fire_num_scatter(bp)
        return 0

    lax.fori_loop(0, NCHUNK // 2, outer_body, 0)
    wait_num_scatter(B[(NCHUNK - 1) % 2])
    plsc.subcore_barrier()

    for off, sz in _ROWSPLIT:
        rs = pl.ds(row0 + off, sz)
        pltpu.sync_copy(num_sp.at[rs, :], num_out.at[c, rs, :])
        pltpu.sync_copy(den_sp.at[rs, :], den_out.at[c, rs, :])


@functools.partial(
    pl.kernel,
    mesh=_sc_mesh,
    compiler_params=_sc_params,
    out_type=jax.ShapeDtypeStruct((2, N, 64), jnp.float32),
    scratch_types=[
        pltpu.VMEM_SHARED((N, 64), jnp.float32),
        pltpu.VMEM((CHUNK,), jnp.int32),
        pltpu.VMEM((CHUNK,), jnp.int32),
        pltpu.VMEM((CHUNK, 16), jnp.int32),
        pltpu.VMEM((CHUNK, 64), jnp.float32),
        pltpu.SemaphoreType.DMA,
    ],
)
def _hist_kernel(src_hbm, dst_hbm, cl_hbm, m_out,
                 M_sp, srcv, dstv, clv, ohbuf, sem0):
    c = lax.axis_index("c")
    s = lax.axis_index("s")
    iota = lax.iota(jnp.int32, 16)
    zero16 = jnp.zeros((16,), jnp.float32)

    _zero_buf(ohbuf, 64, zero16)
    row0 = s * NROW
    for off, sz in _ROWSPLIT:
        pltpu.sync_copy(ohbuf.at[pl.ds(0, sz), :], M_sp.at[pl.ds(row0 + off, sz), :])
    plsc.subcore_barrier()

    def chunk_body(t, _):
        @pl.when(lax.rem(t, 2) == c)
        def _():
            base = (s * NCHUNK + t) * CHUNK
            pltpu.sync_copy(src_hbm.at[pl.ds(base, CHUNK)], srcv)
            pltpu.sync_copy(dst_hbm.at[pl.ds(base, CHUNK)], dstv)
            pltpu.async_copy(cl_hbm.at[srcv], clv, sem0).wait()

            def oh_body(g, _):
                row = g * 16 + iota
                valid = (base + row) < EREAL
                clg = plsc.load_gather(clv, [row, jnp.zeros((16,), jnp.int32)])
                one = jnp.where(valid, 1.0, 0.0)
                plsc.store_scatter(ohbuf, [row, clg], one)
                return 0

            lax.fori_loop(0, 8, oh_body, 0)
            pltpu.sync_copy(ohbuf, M_sp.at[dstv], add=True)

            def oh_zero(g, _):
                row = g * 16 + iota
                clg = plsc.load_gather(clv, [row, jnp.zeros((16,), jnp.int32)])
                plsc.store_scatter(ohbuf, [row, clg], jnp.zeros((16,), jnp.float32))
                return 0

            lax.fori_loop(0, 8, oh_zero, 0)
        return 0

    lax.fori_loop(0, NCHUNK, chunk_body, 0)
    plsc.subcore_barrier()

    for off, sz in _ROWSPLIT:
        rs = pl.ds(row0 + off, sz)
        pltpu.sync_copy(M_sp.at[rs, :], m_out.at[c, rs, :])



def _dot(a, b):
    return jax.lax.dot_general(a, b, (((1,), (0,)), ((), ())),
                               preferred_element_type=jnp.float32)


def _dotT(a, b):
    return jax.lax.dot_general(a, b, (((0,), (0,)), ((), ())),
                               preferred_element_type=jnp.float32)


def _sum8():
    r = lax.broadcasted_iota(jnp.int32, (H, NH), 0) // HD
    c = lax.broadcasted_iota(jnp.int32, (H, NH), 1)
    return (r == c).astype(jnp.float32)


def _exp8():
    r = lax.broadcasted_iota(jnp.int32, (NH, H), 0)
    c = lax.broadcasted_iota(jnp.int32, (NH, H), 1) // HD
    return (r == c).astype(jnp.float32)


def _onehot(cl_ref, n):
    cl = cl_ref[...]
    return (cl == lax.broadcasted_iota(jnp.int32, (n, T), 1)).astype(jnp.float32)


def _elu(x):
    return jnp.where(x > 0, x, jnp.exp(jnp.minimum(x, 0.0)) - 1.0)


def _lrelu(x):
    return jnp.where(x >= 0, x, 0.2 * x)


def _pre_body(x_ref, cl_ref, wci_ref, bci_ref, wg_ref, ats_ref, atd_ref,
              h_ref, as_ref, ad_ref, tis_ref, cnt_ref, ms_ref, md_ref):
    i = pl.program_id(0)
    x = x_ref[...]
    ch = jnp.dot(x, wci_ref[...], preferred_element_type=jnp.float32) + bci_ref[...]
    h = jnp.dot(ch, wg_ref[...], preferred_element_type=jnp.float32)
    h_ref[...] = h
    S8 = _sum8()
    a_s = _dot(h * ats_ref[...], S8)
    a_d = _dot(h * atd_ref[...], S8)
    as_ref[...] = a_s
    ad_ref[...] = a_d
    oh = _onehot(cl_ref, TILE)
    tis_p = _dotT(oh, x)
    cnt_p = _dotT(oh, jnp.ones((TILE, 1), jnp.float32))
    msv = jnp.max(a_s, axis=0, keepdims=True)
    mdv = jnp.max(a_d, axis=0, keepdims=True)

    @pl.when(i == 0)
    def _():
        tis_ref[...] = tis_p
        cnt_ref[...] = cnt_p
        ms_ref[...] = msv
        md_ref[...] = mdv

    @pl.when(i > 0)
    def _():
        tis_ref[...] = tis_ref[...] + tis_p
        cnt_ref[...] = cnt_ref[...] + cnt_p
        ms_ref[...] = jnp.maximum(ms_ref[...], msv)
        md_ref[...] = jnp.maximum(md_ref[...], mdv)


def _pre(x, cl2, wci, bci, wg, ats, atd):
    row = pl.BlockSpec((TILE, H), lambda i: (i, 0))
    row1 = pl.BlockSpec((TILE, 1), lambda i: (i, 0))
    row8 = pl.BlockSpec((TILE, NH), lambda i: (i, 0))
    full = lambda a, b: pl.BlockSpec((a, b), lambda i: (0, 0))
    return pl.pallas_call(
        _pre_body,
        grid=(GRID,),
        in_specs=[row, row1, full(H, H), full(1, H), full(H, H),
                  full(1, H), full(1, H)],
        out_specs=[row, row8, row8, full(T, H), full(T, 1),
                   full(1, NH), full(1, NH)],
        out_shape=[
            jax.ShapeDtypeStruct((N, H), jnp.float32),
            jax.ShapeDtypeStruct((N, NH), jnp.float32),
            jax.ShapeDtypeStruct((N, NH), jnp.float32),
            jax.ShapeDtypeStruct((T, H), jnp.float32),
            jax.ShapeDtypeStruct((T, 1), jnp.float32),
            jax.ShapeDtypeStruct((1, NH), jnp.float32),
            jax.ShapeDtypeStruct((1, NH), jnp.float32),
        ],
        compiler_params=_tc_params,
    )(x, cl2, wci, bci, wg, ats, atd)


def _tables_body(as_ref, ad_ref, ms_ref, md_ref, es_ref, ed_ref, tau_ref):
    ms = ms_ref[...]
    md = md_ref[...]
    m_h = _lrelu(ms + md)
    a_s = as_ref[...]
    a_d = ad_ref[...]
    es_ref[:, 0:NH] = jnp.exp(a_s - ms)
    es_ref[:, NH:2 * NH] = jnp.exp(0.2 * (a_s - ms))
    ed_ref[:, 0:NH] = jnp.exp(a_d - (m_h - ms))
    ed_ref[:, NH:2 * NH] = jnp.exp(0.2 * a_d - (m_h - 0.2 * ms))

    @pl.when(pl.program_id(0) == 0)
    def _():
        tau_ref[:, 0:NH] = jnp.exp(-m_h)
        tau_ref[:, NH:2 * NH] = jnp.zeros((1, NH), jnp.float32)


def _tables(a_s, a_d, ms, md):
    row8 = pl.BlockSpec((TILE, NH), lambda i: (i, 0))
    row16 = pl.BlockSpec((TILE, 16), lambda i: (i, 0))
    full = lambda a, b: pl.BlockSpec((a, b), lambda i: (0, 0))
    return pl.pallas_call(
        _tables_body,
        grid=(GRID,),
        in_specs=[row8, row8, full(1, NH), full(1, NH)],
        out_specs=[row16, row16, full(1, 16)],
        out_shape=[
            jax.ShapeDtypeStruct((N, 16), jnp.float32),
            jax.ShapeDtypeStruct((N, 16), jnp.float32),
            jax.ShapeDtypeStruct((1, 16), jnp.float32),
        ],
        compiler_params=_tc_params,
    )(a_s, a_d, ms, md)


def _cluster_pre_body(ts_ref, td_ref, tis_ref, cnt_ref, wti_ref, bti_ref,
                      wgcn_ref, bgcn_ref, wq_ref, bq_ref, A_ref, q_ref):
    ohs = (ts_ref[...] == lax.broadcasted_iota(jnp.int32, (ETT, T), 1)).astype(jnp.float32)
    ohd = (td_ref[...] == lax.broadcasted_iota(jnp.int32, (ETT, T), 1)).astype(jnp.float32)
    degt = _dotT(ohd, jnp.ones((ETT, 1), jnp.float32))
    dinv = lax.rsqrt(jnp.maximum(degt, 1.0))
    ns = jnp.dot(ohs, dinv, preferred_element_type=jnp.float32)
    nd = jnp.dot(ohd, dinv, preferred_element_type=jnp.float32)
    A = _dotT(ohd * (ns * nd), ohs)
    A_ref[...] = A
    tis_x = tis_ref[...] / jnp.maximum(cnt_ref[...], 1.0)
    tis_h = jnp.dot(tis_x, wti_ref[...], preferred_element_type=jnp.float32) + bti_ref[...]
    xt = jnp.dot(tis_h, wgcn_ref[...], preferred_element_type=jnp.float32)
    tg = jax.nn.relu(jnp.dot(A, xt, preferred_element_type=jnp.float32) + bgcn_ref[...])
    q_ref[...] = jnp.dot(tg, wq_ref[...], preferred_element_type=jnp.float32) + bq_ref[...]


def _cluster_pre(ts2, td2, tis, cnt, wti, bti, wgcn, bgcn, wq, bq):
    return pl.pallas_call(
        _cluster_pre_body,
        out_shape=[
            jax.ShapeDtypeStruct((T, T), jnp.float32),
            jax.ShapeDtypeStruct((T, H), jnp.float32),
        ],
    )(ts2, td2, tis, cnt, wti, bti, wgcn, bgcn, wq, bq)


def _kv_tail(ch, cl_ref, q_ref, wk_ref, bk_ref, wv_ref, bv_ref,
             v_ref, sc_ref, m_ref):
    k = jnp.dot(ch, wk_ref[...], preferred_element_type=jnp.float32) + bk_ref[...]
    v = jnp.dot(ch, wv_ref[...], preferred_element_type=jnp.float32) + bv_ref[...]
    v_ref[...] = v
    oh = _onehot(cl_ref, TILE)
    qg = jnp.dot(oh, q_ref[...], preferred_element_type=jnp.float32)
    scv = _dot(qg * k, _sum8()) * (1.0 / jnp.sqrt(float(HD)))
    sc_ref[...] = scv
    tm = jnp.max(scv, axis=0, keepdims=True)
    i = pl.program_id(0)

    @pl.when(i == 0)
    def _():
        m_ref[...] = tm

    @pl.when(i > 0)
    def _():
        m_ref[...] = jnp.maximum(m_ref[...], tm)


def _post0_body(num_ref, den_ref, bg_ref, cl_ref, q_ref,
                wk_ref, bk_ref, wv_ref, bv_ref, v_ref, sc_ref, m_ref):
    denx = _dot(den_ref[...], _exp8())
    ch = _elu(num_ref[...] / (denx + 1e-16) + bg_ref[...])
    _kv_tail(ch, cl_ref, q_ref, wk_ref, bk_ref, wv_ref, bv_ref,
             v_ref, sc_ref, m_ref)


def _post0(num, den, bg, cl2, q, wk, bk, wv, bv):
    row = pl.BlockSpec((TILE, H), lambda i: (i, 0))
    row1 = pl.BlockSpec((TILE, 1), lambda i: (i, 0))
    row8 = pl.BlockSpec((TILE, NH), lambda i: (i, 0))
    full = lambda a, b: pl.BlockSpec((a, b), lambda i: (0, 0))
    return pl.pallas_call(
        _post0_body,
        grid=(GRID,),
        in_specs=[row, row8, full(1, H), row1, full(T, H),
                  full(H, H), full(1, H), full(H, H), full(1, H)],
        out_specs=[row, row8, full(1, NH)],
        out_shape=[
            jax.ShapeDtypeStruct((N, H), jnp.float32),
            jax.ShapeDtypeStruct((N, NH), jnp.float32),
            jax.ShapeDtypeStruct((1, NH), jnp.float32),
        ],
        compiler_params=_tc_params,
    )(num, den, bg, cl2, q, wk, bk, wv, bv)


def _buacc_body(sc_ref, m_ref, v_ref, cl_ref, den_ref, agg_ref):
    i = pl.program_id(0)
    ex = jnp.exp(sc_ref[...] - m_ref[...])
    vw = v_ref[...] * _dot(ex, _exp8())
    oh = _onehot(cl_ref, TILE)
    dp = _dotT(oh, ex)
    ap = _dotT(oh, vw)

    @pl.when(i == 0)
    def _():
        den_ref[...] = dp
        agg_ref[...] = ap

    @pl.when(i > 0)
    def _():
        den_ref[...] = den_ref[...] + dp
        agg_ref[...] = agg_ref[...] + ap


def _buacc(sc, m, v, cl2):
    row = pl.BlockSpec((TILE, H), lambda i: (i, 0))
    row1 = pl.BlockSpec((TILE, 1), lambda i: (i, 0))
    row8 = pl.BlockSpec((TILE, NH), lambda i: (i, 0))
    full = lambda a, b: pl.BlockSpec((a, b), lambda i: (0, 0))
    return pl.pallas_call(
        _buacc_body,
        grid=(GRID,),
        in_specs=[row8, full(1, NH), row, row1],
        out_specs=[full(T, NH), full(T, H)],
        out_shape=[
            jax.ShapeDtypeStruct((T, NH), jnp.float32),
            jax.ShapeDtypeStruct((T, H), jnp.float32),
        ],
        compiler_params=_tc_params,
    )(sc, m, v, cl2)


def _cluster_post(agg_ref, den_ref, wo_ref, bo_ref, twv_ref, tbv_ref,
                  two_ref, tbo_ref, gwih_ref, gbih_ref, gwhh_ref, gbhh_ref):
    aggn = agg_ref[...] / (_dot(den_ref[...], _exp8()) + 1e-16)
    tis_h = jnp.dot(aggn, wo_ref[...], preferred_element_type=jnp.float32) + bo_ref[...]
    tv = jnp.dot(jnp.dot(tis_h, twv_ref[...], preferred_element_type=jnp.float32)
                 + tbv_ref[...], two_ref[...],
                 preferred_element_type=jnp.float32) + tbo_ref[...]
    C = tv
    gi = (jnp.dot(C, gwih_ref[0:H, :], preferred_element_type=jnp.float32)
          + jnp.dot(tis_h, gwih_ref[H:2 * H, :], preferred_element_type=jnp.float32)
          + gbih_ref[...])
    gh = jnp.dot(C, gwhh_ref[...], preferred_element_type=jnp.float32) + gbhh_ref[...]
    r = jax.nn.sigmoid(gi[:, 0:H] + gh[:, 0:H])
    z = jax.nn.sigmoid(gi[:, H:2 * H] + gh[:, H:2 * H])
    nn = jnp.tanh(gi[:, 2 * H:3 * H] + r * gh[:, 2 * H:3 * H])
    return tis_h, (1.0 - z) * nn + z * C


def _cluster_mid_body(agg_ref, den_ref, wo_ref, bo_ref, twv_ref, tbv_ref,
                      two_ref, tbo_ref, gwih_ref, gbih_ref, gwhh_ref, gbhh_ref,
                      wg1_ref, ats_ref, atd_ref, A_ref, wgcn_ref, bgcn_ref,
                      wq_ref, bq_ref, hc_ref, ex1_ref, q_ref):
    tis_h, C = _cluster_post(agg_ref, den_ref, wo_ref, bo_ref, twv_ref,
                             tbv_ref, two_ref, tbo_ref, gwih_ref, gbih_ref,
                             gwhh_ref, gbhh_ref)
    hc2 = jnp.dot(C, wg1_ref[...], preferred_element_type=jnp.float32)
    hc_ref[...] = hc2
    S8 = _sum8()
    as_c = _dot(hc2 * ats_ref[...], S8)
    ad_c = _dot(hc2 * atd_ref[...], S8)
    eye = (lax.broadcasted_iota(jnp.int32, (T, T), 0)
           == lax.broadcasted_iota(jnp.int32, (T, T), 1)).astype(jnp.float32)
    asT = _dotT(as_c, eye)
    for hh in range(NH):
        et = _lrelu(ad_c[:, hh:hh + 1] + asT[hh:hh + 1, :])
        m1 = jnp.max(et, axis=1, keepdims=True)
        ex1_ref[:, hh * T:(hh + 1) * T] = jnp.exp(et - m1)
    xt = jnp.dot(tis_h, wgcn_ref[...], preferred_element_type=jnp.float32)
    tg = jax.nn.relu(jnp.dot(A_ref[...], xt, preferred_element_type=jnp.float32)
                     + bgcn_ref[...])
    q_ref[...] = jnp.dot(tg, wq_ref[...], preferred_element_type=jnp.float32) + bq_ref[...]


def _cluster_mid(agg, den, wo, bo, twv, tbv, two, tbo, gwih, gbih, gwhh, gbhh,
                 wg1, ats, atd, A, wgcn, bgcn, wq, bq):
    return pl.pallas_call(
        _cluster_mid_body,
        out_shape=[
            jax.ShapeDtypeStruct((T, H), jnp.float32),
            jax.ShapeDtypeStruct((T, NH * T), jnp.float32),
            jax.ShapeDtypeStruct((T, H), jnp.float32),
        ],
    )(agg, den, wo, bo, twv, tbv, two, tbo, gwih, gbih, gwhh, gbhh,
      wg1, ats, atd, A, wgcn, bgcn, wq, bq)


def _l1_body(m0_ref, m1_ref, cl_ref, ex1_ref, hc_ref, bg_ref, q_ref,
             wk_ref, bk_ref, wv_ref, bv_ref, v_ref, sc_ref, m_ref, num_sc):
    Mt = m0_ref[...] + m1_ref[...]
    oh = _onehot(cl_ref, TILE)
    exg = jnp.dot(oh, ex1_ref[...], preferred_element_type=jnp.float32)
    rep = (lax.broadcasted_iota(jnp.int32, (T, NH * T), 1) % T
           == lax.broadcasted_iota(jnp.int32, (T, NH * T), 0)).astype(jnp.float32)
    Kf = _dot(Mt, rep) * exg
    s64 = (lax.broadcasted_iota(jnp.int32, (NH * T, NH), 0) // T
           == lax.broadcasted_iota(jnp.int32, (NH * T, NH), 1)).astype(jnp.float32)
    den1 = _dot(Kf, s64)
    hc = hc_ref[...]
    for hh in range(NH):
        numh = jnp.dot(Kf[:, hh * T:(hh + 1) * T], hc[:, hh * HD:(hh + 1) * HD],
                       preferred_element_type=jnp.float32)
        num_sc[:, hh * HD:(hh + 1) * HD] = numh
    ch = _elu(num_sc[...] / (_dot(den1, _exp8()) + 1e-16) + bg_ref[...])
    _kv_tail(ch, cl_ref, q_ref, wk_ref, bk_ref, wv_ref, bv_ref,
             v_ref, sc_ref, m_ref)


def _l1(m0p, m1p, cl2, ex1p, hc2, bg, q, wk, bk, wv, bv):
    row = pl.BlockSpec((TILE, H), lambda i: (i, 0))
    row1 = pl.BlockSpec((TILE, 1), lambda i: (i, 0))
    row64 = pl.BlockSpec((TILE, T), lambda i: (i, 0))
    full = lambda a, b: pl.BlockSpec((a, b), lambda i: (0, 0))
    return pl.pallas_call(
        _l1_body,
        grid=(GRID,),
        in_specs=[row64, row64, row1, full(T, NH * T), full(T, H), full(1, H),
                  full(T, H), full(H, H), full(1, H), full(H, H), full(1, H)],
        out_specs=[row, row8_spec(), full(1, NH)],
        out_shape=[
            jax.ShapeDtypeStruct((N, H), jnp.float32),
            jax.ShapeDtypeStruct((N, NH), jnp.float32),
            jax.ShapeDtypeStruct((1, NH), jnp.float32),
        ],
        scratch_shapes=[pltpu.VMEM((TILE, H), jnp.float32)],
        compiler_params=_tc_params,
    )(m0p, m1p, cl2, ex1p, hc2, bg, q, wk, bk, wv, bv)


def row8_spec():
    return pl.BlockSpec((TILE, NH), lambda i: (i, 0))


def _final_body(agg_ref, den_ref, wo_ref, bo_ref, twv_ref, tbv_ref,
                two_ref, tbo_ref, gwih_ref, gbih_ref, gwhh_ref, gbhh_ref,
                cnt_ref, w1_ref, b1_ref, w2_ref, b2_ref, w3_ref, b3_ref,
                out_ref, comb_sc):
    tis_h, C = _cluster_post(agg_ref, den_ref, wo_ref, bo_ref, twv_ref,
                             tbv_ref, two_ref, tbo_ref, gwih_ref, gbih_ref,
                             gwhh_ref, gbhh_ref)
    cm = _dotT(cnt_ref[...], C) * (1.0 / float(N))
    mask = cnt_ref[...] > 0
    cmax = jnp.max(jnp.where(mask, C, -jnp.inf), axis=0, keepdims=True)
    tmean = jnp.sum(tis_h, axis=0, keepdims=True) * (1.0 / float(T))
    tmax = jnp.max(tis_h, axis=0, keepdims=True)
    comb_sc[:, 0:H] = jnp.broadcast_to(cm, (8, H))
    comb_sc[:, H:2 * H] = jnp.broadcast_to(cmax, (8, H))
    comb_sc[:, 2 * H:3 * H] = jnp.broadcast_to(tmean, (8, H))
    comb_sc[:, 3 * H:4 * H] = jnp.broadcast_to(tmax, (8, H))
    comb = comb_sc[...]
    h1 = jax.nn.relu(jnp.dot(comb, w1_ref[...],
                             preferred_element_type=jnp.float32) + b1_ref[...])
    h2 = jax.nn.relu(jnp.dot(h1, w2_ref[...],
                             preferred_element_type=jnp.float32) + b2_ref[...])
    out_ref[...] = jnp.dot(h2, w3_ref[...],
                           preferred_element_type=jnp.float32) + b3_ref[...]


def _final(agg, den, wo, bo, twv, tbv, two, tbo, gwih, gbih, gwhh, gbhh,
           cnt, w1, b1, w2, b2, w3, b3):
    return pl.pallas_call(
        _final_body,
        out_shape=jax.ShapeDtypeStruct((8, NC), jnp.float32),
        scratch_shapes=[pltpu.VMEM((8, 4 * H), jnp.float32)],
    )(agg, den, wo, bo, twv, tbv, two, tbo, gwih, gbih, gwhh, gbhh,
      cnt, w1, b1, w2, b2, w3, b3)


def kernel(cell_features, cell_edge_index, cluster_labels, tissue_edge_index,
           w_cell_in, b_cell_in, w_tis_in, b_tis_in, w_gat, att_src, att_dst,
           b_gat, w_gcn, b_gcn, bu_wq, bu_bq, bu_wk, bu_bk, bu_wv, bu_bv,
           bu_wo, bu_bo, td_wv, td_bv, td_wo, td_bo, gru_w_ih, gru_b_ih,
           gru_w_hh, gru_b_hh, cls_w1, cls_b1, cls_w2, cls_b2, cls_w3, cls_b3):
    X = cell_features
    cl = cluster_labels
    cl2 = cl[:, None]

    h, a_s, a_d, tis_acc, cnt, ms, md = _pre(
        X, cl2, w_cell_in, b_cell_in[None], w_gat[0],
        att_src[0].reshape(1, H), att_dst[0].reshape(1, H))
    es, ed, tau16 = _tables(a_s, a_d, ms, md)

    sl = jnp.arange(N, dtype=cell_edge_index.dtype)
    ei = jnp.concatenate([cell_edge_index, jnp.stack([sl, sl])], axis=1)
    src, dst = ei[0], ei[1]
    slt = jnp.arange(T, dtype=tissue_edge_index.dtype)
    eit = jnp.concatenate([tissue_edge_index, jnp.stack([slt, slt])], axis=1)
    ts, tdn = eit[0], eit[1]

    pad = jnp.zeros((EP - EREAL,), jnp.int32)
    srcp = jnp.concatenate([src, pad])
    dstp = jnp.concatenate([dst, pad])
    cl16 = jnp.tile(cl2, (1, 16))

    num, den = _edge_kernel(srcp, dstp, es, ed, h[:, :128], h[:, 128:],
                            tau16.reshape(16))
    Mp = _hist_kernel(srcp, dstp, cl16)
    numf = jnp.concatenate([num[0], num[1]], axis=-1)
    denf = jnp.concatenate([den[0][:, :4], den[1][:, :4]], axis=-1)

    A, q0 = _cluster_pre(ts[:, None], tdn[:, None], tis_acc, cnt,
                         w_tis_in, b_tis_in[None], w_gcn[0], b_gcn[0][None],
                         bu_wq, bu_bq[None])
    v0, sc0, m00 = _post0(numf, denf, b_gat[0][None], cl2, q0,
                          bu_wk, bu_bk[None], bu_wv, bu_bv[None])
    den00, agg0 = _buacc(sc0, m00, v0, cl2)
    hc2, ex1p, q1 = _cluster_mid(
        agg0, den00, bu_wo, bu_bo[None], td_wv, td_bv[None], td_wo,
        td_bo[None], gru_w_ih, gru_b_ih[None], gru_w_hh, gru_b_hh[None],
        w_gat[1], att_src[1].reshape(1, H), att_dst[1].reshape(1, H),
        A, w_gcn[1], b_gcn[1][None], bu_wq, bu_bq[None])
    v1, sc1, m01 = _l1(Mp[0], Mp[1], cl2, ex1p, hc2, b_gat[1][None], q1,
                       bu_wk, bu_bk[None], bu_wv, bu_bv[None])
    den01, agg1 = _buacc(sc1, m01, v1, cl2)
    out = _final(agg1, den01, bu_wo, bu_bo[None], td_wv, td_bv[None],
                 td_wo, td_bo[None], gru_w_ih, gru_b_ih[None],
                 gru_w_hh, gru_b_hh[None], cnt, cls_w1, cls_b1[None],
                 cls_w2, cls_b2[None], cls_w3, cls_b3[None])
    return out[:1]

# --- scband reference (transcript-rebuilt; emitter-appended) ---
"""Pipeline reference for scband-hi-gate-85873576117155 (READ-ONLY COPY).

The authoritative reference and input builder live on the scoring server;
editing this copy changes nothing except your own understanding.
"""

import jax, jax.numpy as jnp
import numpy as np

N = 10000
E = 160000
T = 64
ET = 512
D = 256
H = 256
NH = 8
HD = 32
L = 2
NC = 10


def _seg_softmax(e, seg, num):
    m = jax.ops.segment_max(e, seg, num_segments=num)
    ex = jnp.exp(e - m[seg])
    den = jax.ops.segment_sum(ex, seg, num_segments=num)
    return ex / (den[seg] + 1e-16)


def _forward(params, cell_edge_index, cluster_labels, tissue_edge_index):
    (cell_features, w_cell_in, b_cell_in, w_tis_in, b_tis_in, w_gat, att_src, att_dst, b_gat,
     w_gcn, b_gcn, bu_wq, bu_bq, bu_wk, bu_bk, bu_wv, bu_bv, bu_wo, bu_bo,
     td_wv, td_bv, td_wo, td_bo, gru_w_ih, gru_b_ih, gru_w_hh, gru_b_hh,
     cls_w1, cls_b1, cls_w2, cls_b2, cls_w3, cls_b3) = params
    cnt = jax.ops.segment_sum(jnp.ones((N,), jnp.float32), cluster_labels, num_segments=T)
    tis_x = jax.ops.segment_sum(cell_features, cluster_labels, num_segments=T) / jnp.clip(cnt, 1.0)[:, None]
    cell_h = cell_features @ w_cell_in + b_cell_in
    tis_h = tis_x @ w_tis_in + b_tis_in
    sl = jnp.arange(N, dtype=cell_edge_index.dtype)
    ei = jnp.concatenate([cell_edge_index, jnp.stack([sl, sl])], axis=1)
    src, dst = ei[0], ei[1]
    slt = jnp.arange(T, dtype=tissue_edge_index.dtype)
    eit = jnp.concatenate([tissue_edge_index, jnp.stack([slt, slt])], axis=1)
    ts, tdn = eit[0], eit[1]
    degt = jax.ops.segment_sum(jnp.ones((eit.shape[1],), jnp.float32), tdn, num_segments=T)
    dinv = 1.0 / jnp.sqrt(jnp.clip(degt, 1.0))
    norm = dinv[ts] * dinv[tdn]
    for l in range(L):
        h = (cell_h @ w_gat[l]).reshape(N, NH, HD)
        a_s = jnp.sum(h * att_src[l], axis=-1)
        a_d = jnp.sum(h * att_dst[l], axis=-1)
        e = jax.nn.leaky_relu(a_s[src] + a_d[dst], 0.2)
        a = _seg_softmax(e, dst, N)
        cell_h = jax.nn.elu(jax.ops.segment_sum(h[src] * a[:, :, None], dst, num_segments=N).reshape(N, H) + b_gat[l])
        xt = tis_h @ w_gcn[l]
        tis_h = jax.nn.relu(jax.ops.segment_sum(xt[ts] * norm[:, None], tdn, num_segments=T) + b_gcn[l])
        q = (tis_h @ bu_wq + bu_bq).reshape(T, NH, HD)
        k = (cell_h @ bu_wk + bu_bk).reshape(N, NH, HD)
        v = (cell_h @ bu_wv + bu_bv).reshape(N, NH, HD)
        sc = jnp.sum(q[cluster_labels] * k, axis=-1) / jnp.sqrt(float(HD))
        aw = _seg_softmax(sc, cluster_labels, T)
        agg = jax.ops.segment_sum(v * aw[:, :, None], cluster_labels, num_segments=T).reshape(T, H)
        tis_h = agg @ bu_wo + bu_bo
        tv = (tis_h @ td_wv + td_bv) @ td_wo + td_bo
        cell_h = tv[cluster_labels]
        x = jnp.concatenate([cell_h, tis_h[cluster_labels]], axis=-1)
        gi = x @ gru_w_ih + gru_b_ih
        gh = cell_h @ gru_w_hh + gru_b_hh
        ir, iz, inn = jnp.split(gi, 3, axis=-1)
        hr, hz, hn = jnp.split(gh, 3, axis=-1)
        r = jax.nn.sigmoid(ir + hr)
        z = jax.nn.sigmoid(iz + hz)
        n = jnp.tanh(inn + r * hn)
        cell_h = (1.0 - z) * n + z * cell_h
    cell_emb = jnp.concatenate([cell_h.mean(axis=0), cell_h.max(axis=0)])
    tis_emb = jnp.concatenate([tis_h.mean(axis=0), tis_h.max(axis=0)])
    comb = jnp.concatenate([cell_emb, tis_emb])[None, :]
    h1 = jax.nn.relu(comb @ cls_w1 + cls_b1)
    h2 = jax.nn.relu(h1 @ cls_w2 + cls_b2)
    return h2 @ cls_w3 + cls_b3


def setup_inputs():
    ks = jax.random.split(jax.random.key(0), 40)
    def w(i, shape, s=0.05):
        return jax.random.normal(ks[i], shape, dtype=jnp.float32) * s
    inp = {}
    inp['cell_features'] = jax.random.normal(ks[0], (N, D), dtype=jnp.float32)
    inp['cell_edge_index'] = jax.random.randint(ks[1], (2, E), 0, N, dtype=jnp.int32)
    inp['cluster_labels'] = jax.random.randint(ks[34], (N,), 0, T, dtype=jnp.int32)
    inp['tissue_edge_index'] = jax.random.randint(ks[35], (2, ET), 0, T, dtype=jnp.int32)
    inp['w_cell_in'] = w(2, (D, H))
    inp['b_cell_in'] = w(3, (H,))
    inp['w_tis_in'] = w(4, (D, H))
    inp['b_tis_in'] = w(5, (H,))
    inp['w_gat'] = w(6, (L, H, H))
    inp['att_src'] = w(7, (L, NH, HD))
    inp['att_dst'] = w(8, (L, NH, HD))
    inp['b_gat'] = w(9, (L, H))
    inp['w_gcn'] = w(10, (L, H, H))
    inp['b_gcn'] = w(11, (L, H))
    inp['bu_wq'] = w(12, (H, H))
    inp['bu_bq'] = w(13, (H,))
    inp['bu_wk'] = w(14, (H, H))
    inp['bu_bk'] = w(15, (H,))
    inp['bu_wv'] = w(16, (H, H))
    inp['bu_bv'] = w(17, (H,))
    inp['bu_wo'] = w(18, (H, H))
    inp['bu_bo'] = w(19, (H,))
    inp['td_wv'] = w(20, (H, H))
    inp['td_bv'] = w(21, (H,))
    inp['td_wo'] = w(22, (H, H))
    inp['td_bo'] = w(23, (H,))
    inp['gru_w_ih'] = w(24, (2 * H, 3 * H))
    inp['gru_b_ih'] = w(25, (3 * H,))
    inp['gru_w_hh'] = w(26, (H, 3 * H))
    inp['gru_b_hh'] = w(27, (3 * H,))
    inp['cls_w1'] = w(28, (4 * H, 2 * H))
    inp['cls_b1'] = w(29, (2 * H,))
    inp['cls_w2'] = w(30, (2 * H, H))
    inp['cls_b2'] = w(31, (H,))
    inp['cls_w3'] = w(32, (H, NC))
    inp['cls_b3'] = w(33, (NC,))
    return inp


def reference(cell_features, cell_edge_index, cluster_labels, tissue_edge_index, w_cell_in, b_cell_in, w_tis_in, b_tis_in, w_gat, att_src, att_dst, b_gat, w_gcn, b_gcn, bu_wq, bu_bq, bu_wk, bu_bk, bu_wv, bu_bv, bu_wo, bu_bo, td_wv, td_bv, td_wo, td_bo, gru_w_ih, gru_b_ih, gru_w_hh, gru_b_hh, cls_w1, cls_b1, cls_w2, cls_b2, cls_w3, cls_b3):
    params = (cell_features, w_cell_in, b_cell_in, w_tis_in, b_tis_in, w_gat, att_src, att_dst, b_gat,
              w_gcn, b_gcn, bu_wq, bu_bq, bu_wk, bu_bk, bu_wv, bu_bv, bu_wo, bu_bo,
              td_wv, td_bv, td_wo, td_bo, gru_w_ih, gru_b_ih, gru_w_hh, gru_b_hh,
              cls_w1, cls_b1, cls_w2, cls_b2, cls_w3, cls_b3)
    return _forward(params, cell_edge_index, cluster_labels, tissue_edge_index)

if __name__ == "__main__":
    import jax
    _d = setup_inputs()
    print(jax.jit(kernel)(*tuple(_d.values())))

</pallas_src>

<mosaic_0001>
#map = affine_map<(d0, d1) -> (0)>
#map1 = affine_map<(d0, d1) -> (0, 0)>
#map2 = affine_map<(d0, d1) -> (0, 0, 0)>
module attributes {stable_mosaic.version = 14 : i64} {
  func.func @_edge_kernel(%arg0: i32, %arg1: i32, %arg2: memref<172032xi32, #tpu.memory_space<hbm>>, %arg3: memref<172032xi32, #tpu.memory_space<hbm>>, %arg4: memref<10000x16xf32, #tpu.memory_space<hbm>>, %arg5: memref<10000x16xf32, #tpu.memory_space<hbm>>, %arg6: memref<10000x128xf32, #tpu.memory_space<hbm>>, %arg7: memref<10000x128xf32, #tpu.memory_space<hbm>>, %arg8: memref<16xf32, #tpu.memory_space<hbm>>, %arg9: memref<2x10000x128xf32, #tpu.memory_space<hbm>>, %arg10: memref<2x10000x8xf32, #tpu.memory_space<hbm>>, %arg11: memref<10000x128xf32, #tpu.memory_space<vmem_shared>>, %arg12: memref<10000x8xf32, #tpu.memory_space<vmem_shared>>, %arg13: memref<128xi32, #tpu.memory_space<vmem>>, %arg14: memref<128xi32, #tpu.memory_space<vmem>>, %arg15: memref<128x16xf32, #tpu.memory_space<vmem>>, %arg16: memref<128x16xf32, #tpu.memory_space<vmem>>, %arg17: memref<128x128xf32, #tpu.memory_space<vmem>>, %arg18: memref<128x8xf32, #tpu.memory_space<vmem>>, %arg19: memref<128xi32, #tpu.memory_space<vmem>>, %arg20: memref<128xi32, #tpu.memory_space<vmem>>, %arg21: memref<128x16xf32, #tpu.memory_space<vmem>>, %arg22: memref<128x16xf32, #tpu.memory_space<vmem>>, %arg23: memref<128x128xf32, #tpu.memory_space<vmem>>, %arg24: memref<128x8xf32, #tpu.memory_space<vmem>>, %arg25: memref<16xf32, #tpu.memory_space<vmem>>, %arg26: memref<!tpu.dma_semaphore, #tpu.memory_space<semaphore_mem>>, %arg27: memref<!tpu.dma_semaphore, #tpu.memory_space<semaphore_mem>>, %arg28: memref<!tpu.dma_semaphore, #tpu.memory_space<semaphore_mem>>, %arg29: memref<!tpu.dma_semaphore, #tpu.memory_space<semaphore_mem>>) attributes {dimension_semantics = [#tpu.dimension_semantics<core_parallel>, #tpu.dimension_semantics<subcore_parallel>], iteration_bounds = array<i64: 2, 16>, scalar_prefetch = 0 : i64, scratch_operands = 19 : i64, tpu.core_type = #tpu.core_type<sc_vector_subcore>, window_params = [{transform_indices = #map}, {transform_indices = #map}, {transform_indices = #map1}, {transform_indices = #map1}, {transform_indices = #map1}, {transform_indices = #map1}, {transform_indices = #map}, {transform_indices = #map2}, {transform_indices = #map2}]} {
    %iota3A = tpu.iota {dimensions = array<i32: 0>} : vector<16xi32>
    %broadcast_in_dim3A = arith.constant 0.000000e+00 : f32
    %broadcast_in_dim3A_0 = vector.broadcast %broadcast_in_dim3A : f32 to vector<16xf32>
    %scan3A = arith.constant 0 : i32
    %scan3A_1 = arith.constant 0 : i32
    %scan3A_2 = arith.constant 128 : i32
    %scan3A_3 = arith.addi %scan3A_1, %scan3A_2 : i32
    %scan3A_4 = arith.constant 1 : i32
    %scan3A_5 = scf.for %scan3A_79 = %scan3A_1 to %scan3A_3 step %scan3A_4 iter_args(%scan3A_80 = %scan3A) -> (i32)  : i32 {
      %swap3A = arith.index_cast %scan3A_79 : i32 to index
      %swap3A_81 = arith.constant 0 : index
      %swap3A_82 = tpu.vector_load %arg17[%swap3A, %swap3A_81] {strides = array<i32>} : memref<128x128xf32, #tpu.memory_space<vmem>>, vector<16xf32>,
      tpu.vector_store %arg17[%swap3A, %swap3A_81], %broadcast_in_dim3A_0 {strides = array<i32>} : memref<128x128xf32, #tpu.memory_space<vmem>>, vector<16xf32>,
      %swap3A_83 = arith.index_cast %scan3A_79 : i32 to index
      %swap3A_84 = arith.constant 16 : index
      %swap3A_85 = tpu.vector_load %arg17[%swap3A_83, %swap3A_84] {strides = array<i32>} : memref<128x128xf32, #tpu.memory_space<vmem>>, vector<16xf32>,
      tpu.vector_store %arg17[%swap3A_83, %swap3A_84], %broadcast_in_dim3A_0 {strides = array<i32>} : memref<128x128xf32, #tpu.memory_space<vmem>>, vector<16xf32>,
      %swap3A_86 = arith.index_cast %scan3A_79 : i32 to index
      %swap3A_87 = arith.constant 32 : index
      %swap3A_88 = tpu.vector_load %arg17[%swap3A_86, %swap3A_87] {strides = array<i32>} : memref<128x128xf32, #tpu.memory_space<vmem>>, vector<16xf32>,
      tpu.vector_store %arg17[%swap3A_86, %swap3A_87], %broadcast_in_dim3A_0 {strides = array<i32>} : memref<128x128xf32, #tpu.memory_space<vmem>>, vector<16xf32>,
      %swap3A_89 = arith.index_cast %scan3A_79 : i32 to index
      %swap3A_90 = arith.constant 48 : index
      %swap3A_91 = tpu.vector_load %arg17[%swap3A_89, %swap3A_90] {strides = array<i32>} : memref<128x128xf32, #tpu.memory_space<vmem>>, vector<16xf32>,
      tpu.vector_store %arg17[%swap3A_89, %swap3A_90], %broadcast_in_dim3A_0 {strides = array<i32>} : memref<128x128xf32, #tpu.memory_space<vmem>>, vector<16xf32>,
      %swap3A_92 = arith.index_cast %scan3A_79 : i32 to index
      %swap3A_93 = arith.constant 64 : index
      %swap3A_94 = tpu.vector_load %arg17[%swap3A_92, %swap3A_93] {strides = array<i32>} : memref<128x128xf32, #tpu.memory_space<vmem>>, vector<16xf32>,
      tpu.vector_store %arg17[%swap3A_92, %swap3A_93], %broadcast_in_dim3A_0 {strides = array<i32>} : memref<128x128xf32, #tpu.memory_space<vmem>>, vector<16xf32>,
      %swap3A_95 = arith.index_cast %scan3A_79 : i32 to index
      %swap3A_96 = arith.constant 80 : index
      %swap3A_97 = tpu.vector_load %arg17[%swap3A_95, %swap3A_96] {strides = array<i32>} : memref<128x128xf32, #tpu.memory_space<vmem>>, vector<16xf32>,
      tpu.vector_store %arg17[%swap3A_95, %swap3A_96], %broadcast_in_dim3A_0 {strides = array<i32>} : memref<128x128xf32, #tpu.memory_space<vmem>>, vector<16xf32>,
      %swap3A_98 = arith.index_cast %scan3A_79 : i32 to index
      %swap3A_99 = arith.constant 96 : index
      %swap3A_100 = tpu.vector_load %arg17[%swap3A_98, %swap3A_99] {strides = array<i32>} : memref<128x128xf32, #tpu.memory_space<vmem>>, vector<16xf32>,
      tpu.vector_store %arg17[%swap3A_98, %swap3A_99], %broadcast_in_dim3A_0 {strides = array<i32>} : memref<128x128xf32, #tpu.memory_space<vmem>>, vector<16xf32>,
      %swap3A_101 = arith.index_cast %scan3A_79 : i32 to index
      %swap3A_102 = arith.constant 112 : index
      %swap3A_103 = tpu.vector_load %arg17[%swap3A_101, %swap3A_102] {strides = array<i32>} : memref<128x128xf32, #tpu.memory_space<vmem>>, vector<16xf32>,
      tpu.vector_store %arg17[%swap3A_101, %swap3A_102], %broadcast_in_dim3A_0 {strides = array<i32>} : memref<128x128xf32, #tpu.memory_space<vmem>>, vector<16xf32>,
      %scan3A_104 = arith.constant 0 : i32
      scf.yield %scan3A_104 : i32
    }
    %scan3A_6 = arith.constant 128 : i32
    %scan3A_7 = arith.constant 0 : i32
    %scan3A_8 = arith.constant 0 : i32
    %scan3A_9 = arith.constant 128 : i32
    %scan3A_10 = arith.addi %scan3A_8, %scan3A_9 : i32
    %scan3A_11 = arith.constant 1 : i32
    %scan3A_12 = scf.for %scan3A_79 = %scan3A_8 to %scan3A_10 step %scan3A_11 iter_args(%scan3A_80 = %scan3A_7) -> (i32)  : i32 {
      %scan3A_81 = arith.constant 0 : i32
      scf.yield %scan3A_81 : i32
    }
    %scan3A_13 = arith.constant 128 : i32
    %scan3A_14 = arith.constant 0 : i32
    %scan3A_15 = arith.constant 0 : i32
    %scan3A_16 = arith.constant 128 : i32
    %scan3A_17 = arith.addi %scan3A_15, %scan3A_16 : i32
    %scan3A_18 = arith.constant 1 : i32
    %scan3A_19 = scf.for %scan3A_79 = %scan3A_15 to %scan3A_17 step %scan3A_18 iter_args(%scan3A_80 = %scan3A_14) -> (i32)  : i32 {
      %scan3A_81 = arith.constant 0 : i32
      scf.yield %scan3A_81 : i32
    }
    %scan3A_20 = arith.constant 128 : i32
    "tpu.region"() ({
      %run_scoped3A = tpu.sem_alloc : memref<!tpu.dma_semaphore, #tpu.memory_space<semaphore_mem>>
      tpu.enqueue_dma source(%arg8 : memref<16xf32, #tpu.memory_space<hbm>>) target(%arg25 : memref<16xf32, #tpu.memory_space<vmem>>) target_semaphore(%run_scoped3A : memref<!tpu.dma_semaphore, #tpu.memory_space<semaphore_mem>>)
      tpu.wait_dma2 semaphore(%run_scoped3A : memref<!tpu.dma_semaphore, #tpu.memory_space<semaphore_mem>>) src(%arg8 : memref<16xf32, #tpu.memory_space<hbm>>) dst(%arg25 : memref<16xf32, #tpu.memory_space<vmem>>)
      tpu.yield
    }) : () -> ()
    %mul3A = arith.constant 625 : i32
    %mul3A_21 = arith.muli %arg1, %mul3A : i32
    %add3A = arith.constant 0 : i32
    %add3A_22 = arith.addi %mul3A_21, %add3A : i32
    "tpu.region"() ({
      %run_scoped3A = tpu.sem_alloc : memref<!tpu.dma_semaphore, #tpu.memory_space<semaphore_mem>>
      %dma_start3A_79 = arith.constant 0 : i32
      %dma_start3A_80 = arith.constant 0 : i32
      %dma_start3A_81 = tpu.memref_slice %arg17[%dma_start3A_79, %dma_start3A_80] : memref<128x128xf32, #tpu.memory_space<vmem>> -> memref<128x128xf32, #tpu.memory_space<vmem>>
      %dma_start3A_82 = arith.constant 0 : i32
      %dma_start3A_83 = tpu.memref_slice %arg11[%add3A_22, %dma_start3A_82] : memref<10000x128xf32, #tpu.memory_space<vmem_shared>> -> memref<128x128xf32, #tpu.memory_space<vmem_shared>>
      %dma_start3A_84 = arith.constant 0 : i32
      %dma_start3A_85 = tpu.memref_slice %arg11[%add3A_22, %dma_start3A_84] : memref<10000x128xf32, #tpu.memory_space<vmem_shared>> -> memref<128x128xf32, #tpu.memory_space<vmem_shared>>
      %dma_start3A_86 = arith.constant 0 : i32
      %dma_start3A_87 = arith.constant 0 : i32
      %dma_start3A_88 = tpu.memref_slice %arg17[%dma_start3A_86, %dma_start3A_87] : memref<128x128xf32, #tpu.memory_space<vmem>> -> memref<128x128xf32, #tpu.memory_space<vmem>>
      tpu.enqueue_dma source(%dma_start3A_88 : memref<128x128xf32, #tpu.memory_space<vmem>>) target(%dma_start3A_85 : memref<128x128xf32, #tpu.memory_space<vmem_shared>>) target_semaphore(%run_scoped3A : memref<!tpu.dma_semaphore, #tpu.memory_space<semaphore_mem>>)
      %dma_wait3A_89 = arith.constant 0 : i32
      %dma_wait3A_90 = arith.constant 0 : i32
      %dma_wait3A_91 = tpu.memref_slice %arg17[%dma_wait3A_89, %dma_wait3A_90] : memref<128x128xf32, #tpu.memory_space<vmem>> -> memref<128x128xf32, #tpu.memory_space<vmem>>
      %dma_wait3A_92 = arith.constant 0 : i32
      %dma_wait3A_93 = tpu.memref_slice %arg11[%add3A_22, %dma_wait3A_92] : memref<10000x128xf32, #tpu.memory_space<vmem_shared>> -> memref<128x128xf32, #tpu.memory_space<vmem_shared>>
      %dma_wait3A_94 = arith.constant 0 : i32
      %dma_wait3A_95 = tpu.memref_slice %arg11[%add3A_22, %dma_wait3A_94] : memref<10000x128xf32, #tpu.memory_space<vmem_shared>> -> memref<128x128xf32, #tpu.memory_space<vmem_shared>>
      %dma_wait3A_96 = arith.constant 0 : i32
      %dma_wait3A_97 = arith.constant 0 : i32
      %dma_wait3A_98 = tpu.memref_slice %arg17[%dma_wait3A_96, %dma_wait3A_97] : memref<128x128xf32, #tpu.memory_space<vmem>> -> memref<128x128xf32, #tpu.memory_space<vmem>>
      tpu.wait_dma2 semaphore(%run_scoped3A : memref<!tpu.dma_semaphore, #tpu.memory_space<semaphore_mem>>) src(%dma_wait3A_98 : memref<128x128xf32, #tpu.memory_space<vmem>>) dst(%dma_wait3A_95 : memref<128x128xf32, #tpu.memory_space<vmem_shared>>)
      tpu.yield
    }) : () -> ()
    %add3A_23 = arith.constant 0 : i32
    %add3A_24 = arith.addi %mul3A_21, %add3A_23 : i32
    "tpu.region"() ({
      %run_scoped3A = tpu.sem_alloc : memref<!tpu.dma_semaphore, #tpu.memory_space<semaphore_mem>>
      %dma_start3A_79 = arith.constant 0 : i32
      %dma_start3A_80 = arith.constant 0 : i32
      %dma_start3A_81 = tpu.memref_slice %arg18[%dma_start3A_79, %dma_start3A_80] : memref<128x8xf32, #tpu.memory_space<vmem>> -> memref<128x8xf32, #tpu.memory_space<vmem>>
      %dma_start3A_82 = arith.constant 0 : i32
      %dma_start3A_83 = tpu.memref_slice %arg12[%add3A_24, %dma_start3A_82] : memref<10000x8xf32, #tpu.memory_space<vmem_shared>> -> memref<128x8xf32, #tpu.memory_space<vmem_shared>>
      %dma_start3A_84 = arith.constant 0 : i32
      %dma_start3A_85 = tpu.memref_slice %arg12[%add3A_24, %dma_start3A_84] : memref<10000x8xf32, #tpu.memory_space<vmem_shared>> -> memref<128x8xf32, #tpu.memory_space<vmem_shared>>
      %dma_start3A_86 = arith.constant 0 : i32
      %dma_start3A_87 = arith.constant 0 : i32
      %dma_start3A_88 = tpu.memref_slice %arg18[%dma_start3A_86, %dma_start3A_87] : memref<128x8xf32, #tpu.memory_space<vmem>> -> memref<128x8xf32, #tpu.memory_space<vmem>>
      tpu.enqueue_dma source(%dma_start3A_88 : memref<128x8xf32, #tpu.memory_space<vmem>>) target(%dma_start3A_85 : memref<128x8xf32, #tpu.memory_space<vmem_shared>>) target_semaphore(%run_scoped3A : memref<!tpu.dma_semaphore, #tpu.memory_space<semaphore_mem>>)
      %dma_wait3A_89 = arith.constant 0 : i32
      %dma_wait3A_90 = arith.constant 0 : i32
      %dma_wait3A_91 = tpu.memref_slice %arg18[%dma_wait3A_89, %dma_wait3A_90] : memref<128x8xf32, #tpu.memory_space<vmem>> -> memref<128x8xf32, #tpu.memory_space<vmem>>
      %dma_wait3A_92 = arith.constant 0 : i32
      %dma_wait3A_93 = tpu.memref_slice %arg12[%add3A_24, %dma_wait3A_92] : memref<10000x8xf32, #tpu.memory_space<vmem_shared>> -> memref<128x8xf32, #tpu.memory_space<vmem_shared>>
      %dma_wait3A_94 = arith.constant 0 : i32
      %dma_wait3A_95 = tpu.memref_slice %arg12[%add3A_24, %dma_wait3A_94] : memref<10000x8xf32, #tpu.memory_space<vmem_shared>> -> memref<128x8xf32, #tpu.memory_space<vmem_shared>>
      %dma_wait3A_96 = arith.constant 0 : i32
      %dma_wait3A_97 = arith.constant 0 : i32
      %dma_wait3A_98 = tpu.memref_slice %arg18[%dma_wait3A_96, %dma_wait3A_97] : memref<128x8xf32, #tpu.memory_space<vmem>> -> memref<128x8xf32, #tpu.memory_space<vmem>>
      tpu.wait_dma2 semaphore(%run_scoped3A : memref<!tpu.dma_semaphore, #tpu.memory_space<semaphore_mem>>) src(%dma_wait3A_98 : memref<128x8xf32, #tpu.memory_space<vmem>>) dst(%dma_wait3A_95 : memref<128x8xf32, #tpu.memory_space<vmem_shared>>)
      tpu.yield
    }) : () -> ()
    %add3A_25 = arith.constant 128 : i32
    %add3A_26 = arith.addi %mul3A_21, %add3A_25 : i32
    "tpu.region"() ({
      %run_scoped3A = tpu.sem_alloc : memref<!tpu.dma_semaphore, #tpu.memory_space<semaphore_mem>>
      %dma_start3A_79 = arith.constant 0 : i32
      %dma_start3A_80 = arith.constant 0 : i32
      %dma_start3A_81 = tpu.memref_slice %arg17[%dma_start3A_79, %dma_start3A_80] : memref<128x128xf32, #tpu.memory_space<vmem>> -> memref<128x128xf32, #tpu.memory_space<vmem>>
      %dma_start3A_82 = arith.constant 0 : i32
      %dma_start3A_83 = tpu.memref_slice %arg11[%add3A_26, %dma_start3A_82] : memref<10000x128xf32, #tpu.memory_space<vmem_shared>> -> memref<128x128xf32, #tpu.memory_space<vmem_shared>>
      %dma_start3A_84 = arith.constant 0 : i32
      %dma_start3A_85 = tpu.memref_slice %arg11[%add3A_26, %dma_start3A_84] : memref<10000x128xf32, #tpu.memory_space<vmem_shared>> -> memref<128x128xf32, #tpu.memory_space<vmem_shared>>
      %dma_start3A_86 = arith.constant 0 : i32
      %dma_start3A_87 = arith.constant 0 : i32
      %dma_start3A_88 = tpu.memref_slice %arg17[%dma_start3A_86, %dma_start3A_87] : memref<128x128xf32, #tpu.memory_space<vmem>> -> memref<128x128xf32, #tpu.memory_space<vmem>>
      tpu.enqueue_dma source(%dma_start3A_88 : memref<128x128xf32, #tpu.memory_space<vmem>>) target(%dma_start3A_85 : memref<128x128xf32, #tpu.memory_space<vmem_shared>>) target_semaphore(%run_scoped3A : memref<!tpu.dma_semaphore, #tpu.memory_space<semaphore_mem>>)
      %dma_wait3A_89 = arith.constant 0 : i32
      %dma_wait3A_90 = arith.constant 0 : i32
      %dma_wait3A_91 = tpu.memref_slice %arg17[%dma_wait3A_89, %dma_wait3A_90] : memref<128x128xf32, #tpu.memory_space<vmem>> -> memref<128x128xf32, #tpu.memory_space<vmem>>
      %dma_wait3A_92 = arith.constant 0 : i32
      %dma_wait3A_93 = tpu.memref_slice %arg11[%add3A_26, %dma_wait3A_92] : memref<10000x128xf32, #tpu.memory_space<vmem_shared>> -> memref<128x128xf32, #tpu.memory_space<vmem_shared>>
      %dma_wait3A_94 = arith.constant 0 : i32
      %dma_wait3A_95 = tpu.memref_slice %arg11[%add3A_26, %dma_wait3A_94] : memref<10000x128xf32, #tpu.memory_space<vmem_shared>> -> memref<128x128xf32, #tpu.memory_space<vmem_shared>>
      %dma_wait3A_96 = arith.constant 0 : i32
      %dma_wait3A_97 = arith.constant 0 : i32
      %dma_wait3A_98 = tpu.memref_slice %arg17[%dma_wait3A_96, %dma_wait3A_97] : memref<128x128xf32, #tpu.memory_space<vmem>> -> memref<128x128xf32, #tpu.memory_space<vmem>>
      tpu.wait_dma2 semaphore(%run_scoped3A : memref<!tpu.dma_semaphore, #tpu.memory_space<semaphore_mem>>) src(%dma_wait3A_98 : memref<128x128xf32, #tpu.memory_space<vmem>>) dst(%dma_wait3A_95 : memref<128x128xf32, #tpu.memory_space<vmem_shared>>)
      tpu.yield
    }) : () -> ()
    %add3A_27 = arith.constant 128 : i32
    %add3A_28 = arith.addi %mul3A_21, %add3A_27 : i32
    "tpu.region"() ({
      %run_scoped3A = tpu.sem_alloc : memref<!tpu.dma_semaphore, #tpu.memory_space<semaphore_mem>>
      %dma_start3A_79 = arith.constant 0 : i32
      %dma_start3A_80 = arith.constant 0 : i32
      %dma_start3A_81 = tpu.memref_slice %arg18[%dma_start3A_79, %dma_start3A_80] : memref<128x8xf32, #tpu.memory_space<vmem>> -> memref<128x8xf32, #tpu.memory_space<vmem>>
      %dma_start3A_82 = arith.constant 0 : i32
      %dma_start3A_83 = tpu.memref_slice %arg12[%add3A_28, %dma_start3A_82] : memref<10000x8xf32, #tpu.memory_space<vmem_shared>> -> memref<128x8xf32, #tpu.memory_space<vmem_shared>>
      %dma_start3A_84 = arith.constant 0 : i32
      %dma_start3A_85 = tpu.memref_slice %arg12[%add3A_28, %dma_start3A_84] : memref<10000x8xf32, #tpu.memory_space<vmem_shared>> -> memref<128x8xf32, #tpu.memory_space<vmem_shared>>
      %dma_start3A_86 = arith.constant 0 : i32
      %dma_start3A_87 = arith.constant 0 : i32
      %dma_start3A_88 = tpu.memref_slice %arg18[%dma_start3A_86, %dma_start3A_87] : memref<128x8xf32, #tpu.memory_space<vmem>> -> memref<128x8xf32, #tpu.memory_space<vmem>>
      tpu.enqueue_dma source(%dma_start3A_88 : memref<128x8xf32, #tpu.memory_space<vmem>>) target(%dma_start3A_85 : memref<128x8xf32, #tpu.memory_space<vmem_shared>>) target_semaphore(%run_scoped3A : memref<!tpu.dma_semaphore, #tpu.memory_space<semaphore_mem>>)
      %dma_wait3A_89 = arith.constant 0 : i32
      %dma_wait3A_90 = arith.constant 0 : i32
      %dma_wait3A_91 = tpu.memref_slice %arg18[%dma_wait3A_89, %dma_wait3A_90] : memref<128x8xf32, #tpu.memory_space<vmem>> -> memref<128x8xf32, #tpu.memory_space<vmem>>
      %dma_wait3A_92 = arith.constant 0 : i32
      %dma_wait3A_93 = tpu.memref_slice %arg12[%add3A_28, %dma_wait3A_92] : memref<10000x8xf32, #tpu.memory_space<vmem_shared>> -> memref<128x8xf32, #tpu.memory_space<vmem_shared>>
      %dma_wait3A_94 = arith.constant 0 : i32
      %dma_wait3A_95 = tpu.memref_slice %arg12[%add3A_28, %dma_wait3A_94] : memref<10000x8xf32, #tpu.memory_space<vmem_shared>> -> memref<128x8xf32, #tpu.memory_space<vmem_shared>>
      %dma_wait3A_96 = arith.constant 0 : i32
      %dma_wait3A_97 = arith.constant 0 : i32
      %dma_wait3A_98 = tpu.memref_slice %arg18[%dma_wait3A_96, %dma_wait3A_97] : memref<128x8xf32, #tpu.memory_space<vmem>> -> memref<128x8xf32, #tpu.memory_space<vmem>>
      tpu.wait_dma2 semaphore(%run_scoped3A : memref<!tpu.dma_semaphore, #tpu.memory_space<semaphore_mem>>) src(%dma_wait3A_98 : memref<128x8xf32, #tpu.memory_space<vmem>>) dst(%dma_wait3A_95 : memref<128x8xf32, #tpu.memory_space<vmem_shared>>)
      tpu.yield
    }) : () -> ()
    %add3A_29 = arith.constant 256 : i32
    %add3A_30 = arith.addi %mul3A_21, %add3A_29 : i32
    "tpu.region"() ({
      %run_scoped3A = tpu.sem_alloc : memref<!tpu.dma_semaphore, #tpu.memory_space<semaphore_mem>>
      %dma_start3A_79 = arith.constant 0 : i32
      %dma_start3A_80 = arith.constant 0 : i32
      %dma_start3A_81 = tpu.memref_slice %arg17[%dma_start3A_79, %dma_start3A_80] : memref<128x128xf32, #tpu.memory_space<vmem>> -> memref<128x128xf32, #tpu.memory_space<vmem>>
      %dma_start3A_82 = arith.constant 0 : i32
      %dma_start3A_83 = tpu.memref_slice %arg11[%add3A_30, %dma_start3A_82] : memref<10000x128xf32, #tpu.memory_space<vmem_shared>> -> memref<128x128xf32, #tpu.memory_space<vmem_shared>>
      %dma_start3A_84 = arith.constant 0 : i32
      %dma_start3A_85 = tpu.memref_slice %arg11[%add3A_30, %dma_start3A_84] : memref<10000x128xf32, #tpu.memory_space<vmem_shared>> -> memref<128x128xf32, #tpu.memory_space<vmem_shared>>
      %dma_start3A_86 = arith.constant 0 : i32
      %dma_start3A_87 = arith.constant 0 : i32
      %dma_start3A_88 = tpu.memref_slice %arg17[%dma_start3A_86, %dma_start3A_87] : memref<128x128xf32, #tpu.memory_space<vmem>> -> memref<128x128xf32, #tpu.memory_space<vmem>>
      tpu.enqueue_dma source(%dma_start3A_88 : memref<128x128xf32, #tpu.memory_space<vmem>>) target(%dma_start3A_85 : memref<128x128xf32, #tpu.memory_space<vmem_shared>>) target_semaphore(%run_scoped3A : memref<!tpu.dma_semaphore, #tpu.memory_space<semaphore_mem>>)
      %dma_wait3A_89 = arith.constant 0 : i32
      %dma_wait3A_90 = arith.constant 0 : i32
      %dma_wait3A_91 = tpu.memref_slice %arg17[%dma_wait3A_89, %dma_wait3A_90] : memref<128x128xf32, #tpu.memory_space<vmem>> -> memref<128x128xf32, #tpu.memory_space<vmem>>
      %dma_wait3A_92 = arith.constant 0 : i32
      %dma_wait3A_93 = tpu.memref_slice %arg11[%add3A_30, %dma_wait3A_92] : memref<10000x128xf32, #tpu.memory_space<vmem_shared>> -> memref<128x128xf32, #tpu.memory_space<vmem_shared>>
      %dma_wait3A_94 = arith.constant 0 : i32
      %dma_wait3A_95 = tpu.memref_slice %arg11[%add3A_30, %dma_wait3A_94] : memref<10000x128xf32, #tpu.memory_space<vmem_shared>> -> memref<128x128xf32, #tpu.memory_space<vmem_shared>>
      %dma_wait3A_96 = arith.constant 0 : i32
      %dma_wait3A_97 = arith.constant 0 : i32
      %dma_wait3A_98 = tpu.memref_slice %arg17[%dma_wait3A_96, %dma_wait3A_97] : memref<128x128xf32, #tpu.memory_space<vmem>> -> memref<128x128xf32, #tpu.memory_space<vmem>>
      tpu.wait_dma2 semaphore(%run_scoped3A : memref<!tpu.dma_semaphore, #tpu.memory_space<semaphore_mem>>) src(%dma_wait3A_98 : memref<128x128xf32, #tpu.memory_space<vmem>>) dst(%dma_wait3A_95 : memref<128x128xf32, #tpu.memory_space<vmem_shared>>)
      tpu.yield
    }) : () -> ()
    %add3A_31 = arith.constant 256 : i32
    %add3A_32 = arith.addi %mul3A_21, %add3A_31 : i32
    "tpu.region"() ({
      %run_scoped3A = tpu.sem_alloc : memref<!tpu.dma_semaphore, #tpu.memory_space<semaphore_mem>>
      %dma_start3A_79 = arith.constant 0 : i32
      %dma_start3A_80 = arith.constant 0 : i32
      %dma_start3A_81 = tpu.memref_slice %arg18[%dma_start3A_79, %dma_start3A_80] : memref<128x8xf32, #tpu.memory_space<vmem>> -> memref<128x8xf32, #tpu.memory_space<vmem>>
      %dma_start3A_82 = arith.constant 0 : i32
      %dma_start3A_83 = tpu.memref_slice %arg12[%add3A_32, %dma_start3A_82] : memref<10000x8xf32, #tpu.memory_space<vmem_shared>> -> memref<128x8xf32, #tpu.memory_space<vmem_shared>>
      %dma_start3A_84 = arith.constant 0 : i32
      %dma_start3A_85 = tpu.memref_slice %arg12[%add3A_32, %dma_start3A_84] : memref<10000x8xf32, #tpu.memory_space<vmem_shared>> -> memref<128x8xf32, #tpu.memory_space<vmem_shared>>
      %dma_start3A_86 = arith.constant 0 : i32
      %dma_start3A_87 = arith.constant 0 : i32
      %dma_start3A_88 = tpu.memref_slice %arg18[%dma_start3A_86, %dma_start3A_87] : memref<128x8xf32, #tpu.memory_space<vmem>> -> memref<128x8xf32, #tpu.memory_space<vmem>>
      tpu.enqueue_dma source(%dma_start3A_88 : memref<128x8xf32, #tpu.memory_space<vmem>>) target(%dma_start3A_85 : memref<128x8xf32, #tpu.memory_space<vmem_shared>>) target_semaphore(%run_scoped3A : memref<!tpu.dma_semaphore, #tpu.memory_space<semaphore_mem>>)
      %dma_wait3A_89 = arith.constant 0 : i32
      %dma_wait3A_90 = arith.constant 0 : i32
      %dma_wait3A_91 = tpu.memref_slice %arg18[%dma_wait3A_89, %dma_wait3A_90] : memref<128x8xf32, #tpu.memory_space<vmem>> -> memref<128x8xf32, #tpu.memory_space<vmem>>
      %dma_wait3A_92 = arith.constant 0 : i32
      %dma_wait3A_93 = tpu.memref_slice %arg12[%add3A_32, %dma_wait3A_92] : memref<10000x8xf32, #tpu.memory_space<vmem_shared>> -> memref<128x8xf32, #tpu.memory_space<vmem_shared>>
      %dma_wait3A_94 = arith.constant 0 : i32
      %dma_wait3A_95 = tpu.memref_slice %arg12[%add3A_32, %dma_wait3A_94] : memref<10000x8xf32, #tpu.memory_space<vmem_shared>> -> memref<128x8xf32, #tpu.memory_space<vmem_shared>>
      %dma_wait3A_96 = arith.constant 0 : i32
      %dma_wait3A_97 = arith.constant 0 : i32
      %dma_wait3A_98 = tpu.memref_slice %arg18[%dma_wait3A_96, %dma_wait3A_97] : memref<128x8xf32, #tpu.memory_space<vmem>> -> memref<128x8xf32, #tpu.memory_space<vmem>>
      tpu.wait_dma2 semaphore(%run_scoped3A : memref<!tpu.dma_semaphore, #tpu.memory_space<semaphore_mem>>) src(%dma_wait3A_98 : memref<128x8xf32, #tpu.memory_space<vmem>>) dst(%dma_wait3A_95 : memref<128x8xf32, #tpu.memory_space<vmem_shared>>)
      tpu.yield
    }) : () -> ()
    %add3A_33 = arith.constant 384 : i32
    %add3A_34 = arith.addi %mul3A_21, %add3A_33 : i32
    "tpu.region"() ({
      %run_scoped3A = tpu.sem_alloc : memref<!tpu.dma_semaphore, #tpu.memory_space<semaphore_mem>>
      %dma_start3A_79 = arith.constant 0 : i32
      %dma_start3A_80 = arith.constant 0 : i32
      %dma_start3A_81 = tpu.memref_slice %arg17[%dma_start3A_79, %dma_start3A_80] : memref<128x128xf32, #tpu.memory_space<vmem>> -> memref<128x128xf32, #tpu.memory_space<vmem>>
      %dma_start3A_82 = arith.constant 0 : i32
      %dma_start3A_83 = tpu.memref_slice %arg11[%add3A_34, %dma_start3A_82] : memref<10000x128xf32, #tpu.memory_space<vmem_shared>> -> memref<128x128xf32, #tpu.memory_space<vmem_shared>>
      %dma_start3A_84 = arith.constant 0 : i32
      %dma_start3A_85 = tpu.memref_slice %arg11[%add3A_34, %dma_start3A_84] : memref<10000x128xf32, #tpu.memory_space<vmem_shared>> -> memref<128x128xf32, #tpu.memory_space<vmem_shared>>
      %dma_start3A_86 = arith.constant 0 : i32
      %dma_start3A_87 = arith.constant 0 : i32
      %dma_start3A_88 = tpu.memref_slice %arg17[%dma_start3A_86, %dma_start3A_87] : memref<128x128xf32, #tpu.memory_space<vmem>> -> memref<128x128xf32, #tpu.memory_space<vmem>>
      tpu.enqueue_dma source(%dma_start3A_88 : memref<128x128xf32, #tpu.memory_space<vmem>>) target(%dma_start3A_85 : memref<128x128xf32, #tpu.memory_space<vmem_shared>>) target_semaphore(%run_scoped3A : memref<!tpu.dma_semaphore, #tpu.memory_space<semaphore_mem>>)
      %dma_wait3A_89 = arith.constant 0 : i32
      %dma_wait3A_90 = arith.constant 0 : i32
      %dma_wait3A_91 = tpu.memref_slice %arg17[%dma_wait3A_89, %dma_wait3A_90] : memref<128x128xf32, #tpu.memory_space<vmem>> -> memref<128x128xf32, #tpu.memory_space<vmem>>
      %dma_wait3A_92 = arith.constant 0 : i32
      %dma_wait3A_93 = tpu.memref_slice %arg11[%add3A_34, %dma_wait3A_92] : memref<10000x128xf32, #tpu.memory_space<vmem_shared>> -> memref<128x128xf32, #tpu.memory_space<vmem_shared>>
      %dma_wait3A_94 = arith.constant 0 : i32
      %dma_wait3A_95 = tpu.memref_slice %arg11[%add3A_34, %dma_wait3A_94] : memref<10000x128xf32, #tpu.memory_space<vmem_shared>> -> memref<128x128xf32, #tpu.memory_space<vmem_shared>>
      %dma_wait3A_96 = arith.constant 0 : i32
      %dma_wait3A_97 = arith.constant 0 : i32
      %dma_wait3A_98 = tpu.memref_slice %arg17[%dma_wait3A_96, %dma_wait3A_97] : memref<128x128xf32, #tpu.memory_space<vmem>> -> memref<128x128xf32, #tpu.memory_space<vmem>>
      tpu.wait_dma2 semaphore(%run_scoped3A : memref<!tpu.dma_semaphore, #tpu.memory_space<semaphore_mem>>) src(%dma_wait3A_98 : memref<128x128xf32, #tpu.memory_space<vmem>>) dst(%dma_wait3A_95 : memref<128x128xf32, #tpu.memory_space<vmem_shared>>)
      tpu.yield
    }) : () -> ()
    %add3A_35 = arith.constant 384 : i32
    %add3A_36 = arith.addi %mul3A_21, %add3A_35 : i32
    "tpu.region"() ({
      %run_scoped3A = tpu.sem_alloc : memref<!tpu.dma_semaphore, #tpu.memory_space<semaphore_mem>>
      %dma_start3A_79 = arith.constant 0 : i32
      %dma_start3A_80 = arith.constant 0 : i32
      %dma_start3A_81 = tpu.memref_slice %arg18[%dma_start3A_79, %dma_start3A_80] : memref<128x8xf32, #tpu.memory_space<vmem>> -> memref<128x8xf32, #tpu.memory_space<vmem>>
      %dma_start3A_82 = arith.constant 0 : i32
      %dma_start3A_83 = tpu.memref_slice %arg12[%add3A_36, %dma_start3A_82] : memref<10000x8xf32, #tpu.memory_space<vmem_shared>> -> memref<128x8xf32, #tpu.memory_space<vmem_shared>>
      %dma_start3A_84 = arith.constant 0 : i32
      %dma_start3A_85 = tpu.memref_slice %arg12[%add3A_36, %dma_start3A_84] : memref<10000x8xf32, #tpu.memory_space<vmem_shared>> -> memref<128x8xf32, #tpu.memory_space<vmem_shared>>
      %dma_start3A_86 = arith.constant 0 : i32
      %dma_start3A_87 = arith.constant 0 : i32
      %dma_start3A_88 = tpu.memref_slice %arg18[%dma_start3A_86, %dma_start3A_87] : memref<128x8xf32, #tpu.memory_space<vmem>> -> memref<128x8xf32, #tpu.memory_space<vmem>>
      tpu.enqueue_dma source(%dma_start3A_88 : memref<128x8xf32, #tpu.memory_space<vmem>>) target(%dma_start3A_85 : memref<128x8xf32, #tpu.memory_space<vmem_shared>>) target_semaphore(%run_scoped3A : memref<!tpu.dma_semaphore, #tpu.memory_space<semaphore_mem>>)
      %dma_wait3A_89 = arith.constant 0 : i32
      %dma_wait3A_90 = arith.constant 0 : i32
      %dma_wait3A_91 = tpu.memref_slice %arg18[%dma_wait3A_89, %dma_wait3A_90] : memref<128x8xf32, #tpu.memory_space<vmem>> -> memref<128x8xf32, #tpu.memory_space<vmem>>
      %dma_wait3A_92 = arith.constant 0 : i32
      %dma_wait3A_93 = tpu.memref_slice %arg12[%add3A_36, %dma_wait3A_92] : memref<10000x8xf32, #tpu.memory_space<vmem_shared>> -> memref<128x8xf32, #tpu.memory_space<vmem_shared>>
      %dma_wait3A_94 = arith.constant 0 : i32
      %dma_wait3A_95 = tpu.memref_slice %arg12[%add3A_36, %dma_wait3A_94] : memref<10000x8xf32, #tpu.memory_space<vmem_shared>> -> memref<128x8xf32, #tpu.memory_space<vmem_shared>>
      %dma_wait3A_96 = arith.constant 0 : i32
      %dma_wait3A_97 = arith.constant 0 : i32
      %dma_wait3A_98 = tpu.memref_slice %arg18[%dma_wait3A_96, %dma_wait3A_97] : memref<128x8xf32, #tpu.memory_space<vmem>> -> memref<128x8xf32, #tpu.memory_space<vmem>>
      tpu.wait_dma2 semaphore(%run_scoped3A : memref<!tpu.dma_semaphore, #tpu.memory_space<semaphore_mem>>) src(%dma_wait3A_98 : memref<128x8xf32, #tpu.memory_space<vmem>>) dst(%dma_wait3A_95 : memref<128x8xf32, #tpu.memory_space<vmem_shared>>)
      tpu.yield
    }) : () -> ()
    %add3A_37 = arith.constant 512 : i32
    %add3A_38 = arith.addi %mul3A_21, %add3A_37 : i32
    "tpu.region"() ({
      %run_scoped3A = tpu.sem_alloc : memref<!tpu.dma_semaphore, #tpu.memory_space<semaphore_mem>>
      %dma_start3A_79 = arith.constant 0 : i32
      %dma_start3A_80 = arith.constant 0 : i32
      %dma_start3A_81 = tpu.memref_slice %arg17[%dma_start3A_79, %dma_start3A_80] : memref<128x128xf32, #tpu.memory_space<vmem>> -> memref<113x128xf32, #tpu.memory_space<vmem>>
      %dma_start3A_82 = arith.constant 0 : i32
      %dma_start3A_83 = tpu.memref_slice %arg11[%add3A_38, %dma_start3A_82] : memref<10000x128xf32, #tpu.memory_space<vmem_shared>> -> memref<113x128xf32, #tpu.memory_space<vmem_shared>>
      %dma_start3A_84 = arith.constant 0 : i32
      %dma_start3A_85 = tpu.memref_slice %arg11[%add3A_38, %dma_start3A_84] : memref<10000x128xf32, #tpu.memory_space<vmem_shared>> -> memref<113x128xf32, #tpu.memory_space<vmem_shared>>
      %dma_start3A_86 = arith.constant 0 : i32
      %dma_start3A_87 = arith.constant 0 : i32
      %dma_start3A_88 = tpu.memref_slice %arg17[%dma_start3A_86, %dma_start3A_87] : memref<128x128xf32, #tpu.memory_space<vmem>> -> memref<113x128xf32, #tpu.memory_space<vmem>>
      tpu.enqueue_dma source(%dma_start3A_88 : memref<113x128xf32, #tpu.memory_space<vmem>>) target(%dma_start3A_85 : memref<113x128xf32, #tpu.memory_space<vmem_shared>>) target_semaphore(%run_scoped3A : memref<!tpu.dma_semaphore, #tpu.memory_space<semaphore_mem>>)
      %dma_wait3A_89 = arith.constant 0 : i32
      %dma_wait3A_90 = arith.constant 0 : i32
      %dma_wait3A_91 = tpu.memref_slice %arg17[%dma_wait3A_89, %dma_wait3A_90] : memref<128x128xf32, #tpu.memory_space<vmem>> -> memref<113x128xf32, #tpu.memory_space<vmem>>
      %dma_wait3A_92 = arith.constant 0 : i32
      %dma_wait3A_93 = tpu.memref_slice %arg11[%add3A_38, %dma_wait3A_92] : memref<10000x128xf32, #tpu.memory_space<vmem_shared>> -> memref<113x128xf32, #tpu.memory_space<vmem_shared>>
      %dma_wait3A_94 = arith.constant 0 : i32
      %dma_wait3A_95 = tpu.memref_slice %arg11[%add3A_38, %dma_wait3A_94] : memref<10000x128xf32, #tpu.memory_space<vmem_shared>> -> memref<113x128xf32, #tpu.memory_space<vmem_shared>>
      %dma_wait3A_96 = arith.constant 0 : i32
      %dma_wait3A_97 = arith.constant 0 : i32
      %dma_wait3A_98 = tpu.memref_slice %arg17[%dma_wait3A_96, %dma_wait3A_97] : memref<128x128xf32, #tpu.memory_space<vmem>> -> memref<113x128xf32, #tpu.memory_space<vmem>>
      tpu.wait_dma2 semaphore(%run_scoped3A : memref<!tpu.dma_semaphore, #tpu.memory_space<semaphore_mem>>) src(%dma_wait3A_98 : memref<113x128xf32, #tpu.memory_space<vmem>>) dst(%dma_wait3A_95 : memref<113x128xf32, #tpu.memory_space<vmem_shared>>)
      tpu.yield
    }) : () -> ()
    %add3A_39 = arith.constant 512 : i32
    %add3A_40 = arith.addi %mul3A_21, %add3A_39 : i32
    "tpu.region"() ({
      %run_scoped3A = tpu.sem_alloc : memref<!tpu.dma_semaphore, #tpu.memory_space<semaphore_mem>>
      %dma_start3A_79 = arith.constant 0 : i32
      %dma_start3A_80 = arith.constant 0 : i32
      %dma_start3A_81 = tpu.memref_slice %arg18[%dma_start3A_79, %dma_start3A_80] : memref<128x8xf32, #tpu.memory_space<vmem>> -> memref<113x8xf32, #tpu.memory_space<vmem>>
      %dma_start3A_82 = arith.constant 0 : i32
      %dma_start3A_83 = tpu.memref_slice %arg12[%add3A_40, %dma_start3A_82] : memref<10000x8xf32, #tpu.memory_space<vmem_shared>> -> memref<113x8xf32, #tpu.memory_space<vmem_shared>>
      %dma_start3A_84 = arith.constant 0 : i32
      %dma_start3A_85 = tpu.memref_slice %arg12[%add3A_40, %dma_start3A_84] : memref<10000x8xf32, #tpu.memory_space<vmem_shared>> -> memref<113x8xf32, #tpu.memory_space<vmem_shared>>
      %dma_start3A_86 = arith.constant 0 : i32
      %dma_start3A_87 = arith.constant 0 : i32
      %dma_start3A_88 = tpu.memref_slice %arg18[%dma_start3A_86, %dma_start3A_87] : memref<128x8xf32, #tpu.memory_space<vmem>> -> memref<113x8xf32, #tpu.memory_space<vmem>>
      tpu.enqueue_dma source(%dma_start3A_88 : memref<113x8xf32, #tpu.memory_space<vmem>>) target(%dma_start3A_85 : memref<113x8xf32, #tpu.memory_space<vmem_shared>>) target_semaphore(%run_scoped3A : memref<!tpu.dma_semaphore, #tpu.memory_space<semaphore_mem>>)
      %dma_wait3A_89 = arith.constant 0 : i32
      %dma_wait3A_90 = arith.constant 0 : i32
      %dma_wait3A_91 = tpu.memref_slice %arg18[%dma_wait3A_89, %dma_wait3A_90] : memref<128x8xf32, #tpu.memory_space<vmem>> -> memref<113x8xf32, #tpu.memory_space<vmem>>
      %dma_wait3A_92 = arith.constant 0 : i32
      %dma_wait3A_93 = tpu.memref_slice %arg12[%add3A_40, %dma_wait3A_92] : memref<10000x8xf32, #tpu.memory_space<vmem_shared>> -> memref<113x8xf32, #tpu.memory_space<vmem_shared>>
      %dma_wait3A_94 = arith.constant 0 : i32
      %dma_wait3A_95 = tpu.memref_slice %arg12[%add3A_40, %dma_wait3A_94] : memref<10000x8xf32, #tpu.memory_space<vmem_shared>> -> memref<113x8xf32, #tpu.memory_space<vmem_shared>>
      %dma_wait3A_96 = arith.constant 0 : i32
      %dma_wait3A_97 = arith.constant 0 : i32
      %dma_wait3A_98 = tpu.memref_slice %arg18[%dma_wait3A_96, %dma_wait3A_97] : memref<128x8xf32, #tpu.memory_space<vmem>> -> memref<113x8xf32, #tpu.memory_space<vmem>>
      tpu.wait_dma2 semaphore(%run_scoped3A : memref<!tpu.dma_semaphore, #tpu.memory_space<semaphore_mem>>) src(%dma_wait3A_98 : memref<113x8xf32, #tpu.memory_space<vmem>>) dst(%dma_wait3A_95 : memref<113x8xf32, #tpu.memory_space<vmem_shared>>)
      tpu.yield
    }) : () -> ()
    %barrier3A = arith.constant 0 : index
    tpu.barrier barrier_id(%barrier3A)
    %mul3A_41 = arith.constant 84 : i32
    %mul3A_42 = arith.muli %arg1, %mul3A_41 : i32
    %add3A_43 = arith.constant 0 : i32
    %add3A_44 = arith.addi %mul3A_42, %add3A_43 : i32
    %mul3A_45 = arith.constant 128 : i32
    %mul3A_46 = arith.muli %add3A_44, %mul3A_45 : i32
    "tpu.region"() ({
      %run_scoped3A = tpu.sem_alloc : memref<!tpu.dma_semaphore, #tpu.memory_space<semaphore_mem>>
      %dma_start3A_79 = tpu.memref_slice %arg2[%mul3A_46] : memref<172032xi32, #tpu.memory_space<hbm>> -> memref<128xi32, #tpu.memory_space<hbm>>
      %dma_start3A_80 = tpu.memref_slice %arg2[%mul3A_46] : memref<172032xi32, #tpu.memory_space<hbm>> -> memref<128xi32, #tpu.memory_space<hbm>>
      tpu.enqueue_dma source(%dma_start3A_80 : memref<128xi32, #tpu.memory_space<hbm>>) target(%arg13 : memref<128xi32, #tpu.memory_space<vmem>>) target_semaphore(%run_scoped3A : memref<!tpu.dma_semaphore, #tpu.memory_space<semaphore_mem>>)
      %dma_wait3A_81 = tpu.memref_slice %arg2[%mul3A_46] : memref<172032xi32, #tpu.memory_space<hbm>> -> memref<128xi32, #tpu.memory_space<hbm>>
      %dma_wait3A_82 = tpu.memref_slice %arg2[%mul3A_46] : memref<172032xi32, #tpu.memory_space<hbm>> -> memref<128xi32, #tpu.memory_space<hbm>>
      tpu.wait_dma2 semaphore(%run_scoped3A : memref<!tpu.dma_semaphore, #tpu.memory_space<semaphore_mem>>) src(%dma_wait3A_82 : memref<128xi32, #tpu.memory_space<hbm>>) dst(%arg13 : memref<128xi32, #tpu.memory_space<vmem>>)
      tpu.yield
    }) : () -> ()
    "tpu.region"() ({
      %run_scoped3A = tpu.sem_alloc : memref<!tpu.dma_semaphore, #tpu.memory_space<semaphore_mem>>
      %dma_start3A_79 = tpu.memref_slice %arg3[%mul3A_46] : memref<172032xi32, #tpu.memory_space<hbm>> -> memref<128xi32, #tpu.memory_space<hbm>>
      %dma_start3A_80 = tpu.memref_slice %arg3[%mul3A_46] : memref<172032xi32, #tpu.memory_space<hbm>> -> memref<128xi32, #tpu.memory_space<hbm>>
      tpu.enqueue_dma source(%dma_start3A_80 : memref<128xi32, #tpu.memory_space<hbm>>) target(%arg14 : memref<128xi32, #tpu.memory_space<vmem>>) target_semaphore(%run_scoped3A : memref<!tpu.dma_semaphore, #tpu.memory_space<semaphore_mem>>)
      %dma_wait3A_81 = tpu.memref_slice %arg3[%mul3A_46] : memref<172032xi32, #tpu.memory_space<hbm>> -> memref<128xi32, #tpu.memory_space<hbm>>
      %dma_wait3A_82 = tpu.memref_slice %arg3[%mul3A_46] : memref<172032xi32, #tpu.memory_space<hbm>> -> memref<128xi32, #tpu.memory_space<hbm>>
      tpu.wait_dma2 semaphore(%run_scoped3A : memref<!tpu.dma_semaphore, #tpu.memory_space<semaphore_mem>>) src(%dma_wait3A_82 : memref<128xi32, #tpu.memory_space<hbm>>) dst(%arg14 : memref<128xi32, #tpu.memory_space<vmem>>)
      tpu.yield
    }) : () -> ()
    %dma_start3A = arith.constant 0 : i32
    %dma_start3A_47 = arith.constant 0 : i32
    %dma_start3A_48 = tpu.memref_slice %arg4[%dma_start3A, %dma_start3A_47] : memref<10000x16xf32, #tpu.memory_space<hbm>> -> memref<10000x16xf32, #tpu.memory_space<hbm>>
    tpu.enqueue_indirect_dma source(%dma_start3A_48 : memref<10000x16xf32, #tpu.memory_space<hbm>>) target(%arg15 : memref<128x16xf32, #tpu.memory_space<vmem>>) offsets(%arg13 : memref<128xi32, #tpu.memory_space<vmem>>) semaphore(%arg26 : memref<!tpu.dma_semaphore, #tpu.memory_space<semaphore_mem>>)
    %dma_start3A_49 = arith.constant 0 : i32
    %dma_start3A_50 = arith.constant 0 : i32
    %dma_start3A_51 = tpu.memref_slice %arg5[%dma_start3A_49, %dma_start3A_50] : memref<10000x16xf32, #tpu.memory_space<hbm>> -> memref<10000x16xf32, #tpu.memory_space<hbm>>
    tpu.enqueue_indirect_dma source(%dma_start3A_51 : memref<10000x16xf32, #tpu.memory_space<hbm>>) target(%arg16 : memref<128x16xf32, #tpu.memory_space<vmem>>) offsets(%arg14 : memref<128xi32, #tpu.memory_space<vmem>>) semaphore(%arg26 : memref<!tpu.dma_semaphore, #tpu.memory_space<semaphore_mem>>)
    %eq3A = arith.constant 0 : i32
    %eq3A_52 = arith.cmpi eq, %arg0, %eq3A : i32
    %convert_element_type3A = arith.extui %eq3A_52 : i1 to i32
    %cond3A = arith.constant 0 : i32
    %cond3A_53 = arith.cmpi ne, %convert_element_type3A, %cond3A : i32
    scf.if %cond3A_53 {
      %dma_start3A_79 = arith.constant 0 : i32
      %dma_start3A_80 = arith.constant 0 : i32
      %dma_start3A_81 = tpu.memref_slice %arg6[%dma_start3A_79, %dma_start3A_80] : memref<10000x128xf32, #tpu.memory_space<hbm>> -> memref<10000x128xf32, #tpu.memory_space<hbm>>
      tpu.enqueue_indirect_dma source(%dma_start3A_81 : memref<10000x128xf32, #tpu.memory_space<hbm>>) target(%arg17 : memref<128x128xf32, #tpu.memory_space<vmem>>) offsets(%arg13 : memref<128xi32, #tpu.memory_space<vmem>>) semaphore(%arg26 : memref<!tpu.dma_semaphore, #tpu.memory_space<semaphore_mem>>)
    } else {
    }
    %eq3A_54 = arith.constant 1 : i32
    %eq3A_55 = arith.cmpi eq, %arg0, %eq3A_54 : i32
    %convert_element_type3A_56 = arith.extui %eq3A_55 : i1 to i32
    %cond3A_57 = arith.constant 0 : i32
    %cond3A_58 = arith.cmpi ne, %convert_element_type3A_56, %cond3A_57 : i32
    scf.if %cond3A_58 {
      %dma_start3A_79 = arith.constant 0 : i32
      %dma_start3A_80 = arith.constant 0 : i32
      %dma_start3A_81 = tpu.memref_slice %arg7[%dma_start3A_79, %dma_start3A_80] : memref<10000x128xf32, #tpu.memory_space<hbm>> -> memref<10000x128xf32, #tpu.memory_space<hbm>>
      tpu.enqueue_indirect_dma source(%dma_start3A_81 : memref<10000x128xf32, #tpu.memory_space<hbm>>) target(%arg17 : memref<128x128xf32, #tpu.memory_space<vmem>>) offsets(%arg13 : memref<128xi32, #tpu.memory_space<vmem>>) semaphore(%arg26 : memref<!tpu.dma_semaphore, #tpu.memory_space<semaphore_mem>>)
    } else {
    }
    %scan3A_59 = arith.constant 0 : i32
    %scan3A_60 = arith.constant 0 : i32
    %scan3A_61 = arith.constant 42 : i32
    %scan3A_62 = arith.addi %scan3A_60, %scan3A_61 : i32
    %scan3A_63 = arith.constant 1 : i32
    %scan3A_64 = scf.for %scan3A_79 = %scan3A_60 to %scan3A_62 step %scan3A_63 iter_args(%scan3A_80 = %scan3A_59) -> (i32)  : i32 {
      %mul3A_81 = arith.constant 2 : i32
      %mul3A_82 = arith.muli %mul3A_81, %scan3A_79 : i32
      %add3A_83 = arith.constant 0 : i32
      %add3A_84 = arith.addi %mul3A_82, %add3A_83 : i32
      %ge3A = arith.constant 1 : i32
      %ge3A_85 = arith.cmpi sge, %add3A_84, %ge3A : i32
      %convert_element_type3A_86 = arith.extui %ge3A_85 : i1 to i32
      %cond3A_87 = arith.constant 0 : i32
      %cond3A_88 = arith.cmpi ne, %convert_element_type3A_86, %cond3A_87 : i32
      scf.if %cond3A_88 {
        %dma_wait3A_190 = arith.constant 0 : i32
        %dma_wait3A_191 = arith.constant 0 : i32
        %dma_wait3A_192 = tpu.memref_slice %arg11[%dma_wait3A_190, %dma_wait3A_191] : memref<10000x128xf32, #tpu.memory_space<vmem_shared>> -> memref<10000x128xf32, #tpu.memory_space<vmem_shared>>
        tpu.wait_indirect_dma semaphore(%arg29 : memref<!tpu.dma_semaphore, #tpu.memory_space<semaphore_mem>>) src(%arg23 : memref<128x128xf32, #tpu.memory_space<vmem>>) dst(%dma_wait3A_192 : memref<10000x128xf32, #tpu.memory_space<vmem_shared>>)
      } else {
      }
      %add3A_89 = arith.constant 1 : i32
      %add3A_90 = arith.addi %add3A_84, %add3A_89 : i32
      %lt3A = arith.constant 84 : i32
      %lt3A_91 = arith.cmpi slt, %add3A_90, %lt3A : i32
      %convert_element_type3A_92 = arith.extui %lt3A_91 : i1 to i32
      %cond3A_93 = arith.constant 0 : i32
      %cond3A_94 = arith.cmpi ne, %convert_element_type3A_92, %cond3A_93 : i32
      scf.if %cond3A_94 {
        %add3A_190 = arith.constant 1 : i32
        %add3A_191 = arith.addi %add3A_84, %add3A_190 : i32
        %mul3A_192 = arith.constant 84 : i32
        %mul3A_193 = arith.muli %arg1, %mul3A_192 : i32
        %add3A_194 = arith.addi %mul3A_193, %add3A_191 : i32
        %mul3A_195 = arith.constant 128 : i32
        %mul3A_196 = arith.muli %add3A_194, %mul3A_195 : i32
        "tpu.region"() ({
          %run_scoped3A = tpu.sem_alloc : memref<!tpu.dma_semaphore, #tpu.memory_space<semaphore_mem>>
          %dma_start3A_213 = tpu.memref_slice %arg2[%mul3A_196] : memref<172032xi32, #tpu.memory_space<hbm>> -> memref<128xi32, #tpu.memory_space<hbm>>
          %dma_start3A_214 = tpu.memref_slice %arg2[%mul3A_196] : memref<172032xi32, #tpu.memory_space<hbm>> -> memref<128xi32, #tpu.memory_space<hbm>>
          tpu.enqueue_dma source(%dma_start3A_214 : memref<128xi32, #tpu.memory_space<hbm>>) target(%arg19 : memref<128xi32, #tpu.memory_space<vmem>>) target_semaphore(%run_scoped3A : memref<!tpu.dma_semaphore, #tpu.memory_space<semaphore_mem>>)
          %dma_wait3A_215 = tpu.memref_slice %arg2[%mul3A_196] : memref<172032xi32, #tpu.memory_space<hbm>> -> memref<128xi32, #tpu.memory_space<hbm>>
          %dma_wait3A_216 = tpu.memref_slice %arg2[%mul3A_196] : memref<172032xi32, #tpu.memory_space<hbm>> -> memref<128xi32, #tpu.memory_space<hbm>>
          tpu.wait_dma2 semaphore(%run_scoped3A : memref<!tpu.dma_semaphore, #tpu.memory_space<semaphore_mem>>) src(%dma_wait3A_216 : memref<128xi32, #tpu.memory_space<hbm>>) dst(%arg19 : memref<128xi32, #tpu.memory_space<vmem>>)
          tpu.yield
        }) : () -> ()
        "tpu.region"() ({
          %run_scoped3A = tpu.sem_alloc : memref<!tpu.dma_semaphore, #tpu.memory_space<semaphore_mem>>
          %dma_start3A_213 = tpu.memref_slice %arg3[%mul3A_196] : memref<172032xi32, #tpu.memory_space<hbm>> -> memref<128xi32, #tpu.memory_space<hbm>>
          %dma_start3A_214 = tpu.memref_slice %arg3[%mul3A_196] : memref<172032xi32, #tpu.memory_space<hbm>> -> memref<128xi32, #tpu.memory_space<hbm>>
          tpu.enqueue_dma source(%dma_start3A_214 : memref<128xi32, #tpu.memory_space<hbm>>) target(%arg20 : memref<128xi32, #tpu.memory_space<vmem>>) target_semaphore(%run_scoped3A : memref<!tpu.dma_semaphore, #tpu.memory_space<semaphore_mem>>)
          %dma_wait3A_215 = tpu.memref_slice %arg3[%mul3A_196] : memref<172032xi32, #tpu.memory_space<hbm>> -> memref<128xi32, #tpu.memory_space<hbm>>
          %dma_wait3A_216 = tpu.memref_slice %arg3[%mul3A_196] : memref<172032xi32, #tpu.memory_space<hbm>> -> memref<128xi32, #tpu.memory_space<hbm>>
          tpu.wait_dma2 semaphore(%run_scoped3A : memref<!tpu.dma_semaphore, #tpu.memory_space<semaphore_mem>>) src(%dma_wait3A_216 : memref<128xi32, #tpu.memory_space<hbm>>) dst(%arg20 : memref<128xi32, #tpu.memory_space<vmem>>)
          tpu.yield
        }) : () -> ()
        %dma_start3A_197 = arith.constant 0 : i32
        %dma_start3A_198 = arith.constant 0 : i32
        %dma_start3A_199 = tpu.memref_slice %arg4[%dma_start3A_197, %dma_start3A_198] : memref<10000x16xf32, #tpu.memory_space<hbm>> -> memref<10000x16xf32, #tpu.memory_space<hbm>>
        tpu.enqueue_indirect_dma source(%dma_start3A_199 : memref<10000x16xf32, #tpu.memory_space<hbm>>) target(%arg21 : memref<128x16xf32, #tpu.memory_space<vmem>>) offsets(%arg19 : memref<128xi32, #tpu.memory_space<vmem>>) semaphore(%arg27 : memref<!tpu.dma_semaphore, #tpu.memory_space<semaphore_mem>>)
        %dma_start3A_200 = arith.constant 0 : i32
        %dma_start3A_201 = arith.constant 0 : i32
        %dma_start3A_202 = tpu.memref_slice %arg5[%dma_start3A_200, %dma_start3A_201] : memref<10000x16xf32, #tpu.memory_space<hbm>> -> memref<10000x16xf32, #tpu.memory_space<hbm>>
        tpu.enqueue_indirect_dma source(%dma_start3A_202 : memref<10000x16xf32, #tpu.memory_space<hbm>>) target(%arg22 : memref<128x16xf32, #tpu.memory_space<vmem>>) offsets(%arg20 : memref<128xi32, #tpu.memory_space<vmem>>) semaphore(%arg27 : memref<!tpu.dma_semaphore, #tpu.memory_space<semaphore_mem>>)
        %eq3A_203 = arith.constant 0 : i32
        %eq3A_204 = arith.cmpi eq, %arg0, %eq3A_203 : i32
        %convert_element_type3A_205 = arith.extui %eq3A_204 : i1 to i32
        %cond3A_206 = arith.constant 0 : i32
        %cond3A_207 = arith.cmpi ne, %convert_element_type3A_205, %cond3A_206 : i32
        scf.if %cond3A_207 {
          %dma_start3A_213 = arith.constant 0 : i32
          %dma_start3A_214 = arith.constant 0 : i32
          %dma_start3A_215 = tpu.memref_slice %arg6[%dma_start3A_213, %dma_start3A_214] : memref<10000x128xf32, #tpu.memory_space<hbm>> -> memref<10000x128xf32, #tpu.memory_space<hbm>>
          tpu.enqueue_indirect_dma source(%dma_start3A_215 : memref<10000x128xf32, #tpu.memory_space<hbm>>) target(%arg23 : memref<128x128xf32, #tpu.memory_space<vmem>>) offsets(%arg19 : memref<128xi32, #tpu.memory_space<vmem>>) semaphore(%arg27 : memref<!tpu.dma_semaphore, #tpu.memory_space<semaphore_mem>>)
        } else {
        }
        %eq3A_208 = arith.constant 1 : i32
        %eq3A_209 = arith.cmpi eq, %arg0, %eq3A_208 : i32
        %convert_element_type3A_210 = arith.extui %eq3A_209 : i1 to i32
        %cond3A_211 = arith.constant 0 : i32
        %cond3A_212 = arith.cmpi ne, %convert_element_type3A_210, %cond3A_211 : i32
        scf.if %cond3A_212 {
          %dma_start3A_213 = arith.constant 0 : i32
          %dma_start3A_214 = arith.constant 0 : i32
          %dma_start3A_215 = tpu.memref_slice %arg7[%dma_start3A_213, %dma_start3A_214] : memref<10000x128xf32, #tpu.memory_space<hbm>> -> memref<10000x128xf32, #tpu.memory_space<hbm>>
          tpu.enqueue_indirect_dma source(%dma_start3A_215 : memref<10000x128xf32, #tpu.memory_space<hbm>>) target(%arg23 : memref<128x128xf32, #tpu.memory_space<vmem>>) offsets(%arg19 : memref<128xi32, #tpu.memory_space<vmem>>) semaphore(%arg27 : memref<!tpu.dma_semaphore, #tpu.memory_space<semaphore_mem>>)
        } else {
        }
      } else {
      }
      %dma_wait3A_95 = arith.constant 0 : i32
      %dma_wait3A_96 = arith.constant 0 : i32
      %dma_wait3A_97 = tpu.memref_slice %arg4[%dma_wait3A_95, %dma_wait3A_96] : memref<10000x16xf32, #tpu.memory_space<hbm>> -> memref<10000x16xf32, #tpu.memory_space<hbm>>
      tpu.wait_indirect_dma semaphore(%arg26 : memref<!tpu.dma_semaphore, #tpu.memory_space<semaphore_mem>>) src(%dma_wait3A_97 : memref<10000x16xf32, #tpu.memory_space<hbm>>) dst(%arg15 : memref<128x16xf32, #tpu.memory_space<vmem>>)
      %dma_wait3A_98 = arith.constant 0 : i32
      %dma_wait3A_99 = arith.constant 0 : i32
      %dma_wait3A_100 = tpu.memref_slice %arg5[%dma_wait3A_98, %dma_wait3A_99] : memref<10000x16xf32, #tpu.memory_space<hbm>> -> memref<10000x16xf32, #tpu.memory_space<hbm>>
      tpu.wait_indirect_dma semaphore(%arg26 : memref<!tpu.dma_semaphore, #tpu.memory_space<semaphore_mem>>) src(%dma_wait3A_100 : memref<10000x16xf32, #tpu.memory_space<hbm>>) dst(%arg16 : memref<128x16xf32, #tpu.memory_space<vmem>>)
      %dma_wait3A_101 = arith.constant 0 : i32
      %dma_wait3A_102 = arith.constant 0 : i32
      %dma_wait3A_103 = tpu.memref_slice %arg6[%dma_wait3A_101, %dma_wait3A_102] : memref<10000x128xf32, #tpu.memory_space<hbm>> -> memref<10000x128xf32, #tpu.memory_space<hbm>>
      tpu.wait_indirect_dma semaphore(%arg26 : memref<!tpu.dma_semaphore, #tpu.memory_space<semaphore_mem>>) src(%dma_wait3A_103 : memref<10000x128xf32, #tpu.memory_space<hbm>>) dst(%arg17 : memref<128x128xf32, #tpu.memory_space<vmem>>)
      %mul3A_104 = arith.constant 84 : i32
      %mul3A_105 = arith.muli %arg1, %mul3A_104 : i32
      %add3A_106 = arith.addi %mul3A_105, %add3A_84 : i32
      %mul3A_107 = arith.constant 128 : i32
      %mul3A_108 = arith.muli %add3A_106, %mul3A_107 : i32
      %scan3A_109 = arith.constant 0 : i32
      %scan3A_110 = arith.constant 0 : i32
      %scan3A_111 = arith.constant 8 : i32
      %scan3A_112 = arith.addi %scan3A_110, %scan3A_111 : i32
      %scan3A_113 = arith.constant 1 : i32
      %scan3A_114 = scf.for %scan3A_190 = %scan3A_110 to %scan3A_112 step %scan3A_113 iter_args(%scan3A_191 = %scan3A_109) -> (i32)  : i32 {
        %mul3A_192 = arith.constant 16 : i32
        %mul3A_193 = arith.muli %scan3A_190, %mul3A_192 : i32
        %add3A_194 = vector.broadcast %mul3A_193 : i32 to vector<16xi32>
        %add3A_195 = arith.addi %add3A_194, %iota3A : vector<16xi32>
        %add3A_196 = vector.broadcast %mul3A_108 : i32 to vector<16xi32>
        %add3A_197 = arith.addi %add3A_196, %add3A_195 : vector<16xi32>
        %lt3A_198 = arith.constant 170000 : i32
        %lt3A_199 = vector.broadcast %lt3A_198 : i32 to vector<16xi32>
        %lt3A_200 = arith.cmpi slt, %add3A_197, %lt3A_199 : vector<16xi32>
        %broadcast_in_dim3A_201 = arith.constant 0 : i32
        %broadcast_in_dim3A_202 = vector.broadcast %broadcast_in_dim3A_201 : i32 to vector<16xi32>
        %mul3A_203 = arith.constant 4 : i32
        %mul3A_204 = arith.muli %arg0, %mul3A_203 : i32
        %add3A_205 = vector.broadcast %mul3A_204 : i32 to vector<16xi32>
        %add3A_206 = arith.addi %broadcast_in_dim3A_202, %add3A_205 : vector<16xi32>
        %add3A_207 = arith.constant 8 : i32
        %add3A_208 = vector.broadcast %add3A_207 : i32 to vector<16xi32>
        %add3A_209 = arith.addi %add3A_206, %add3A_208 : vector<16xi32>
        %gather3A = tpu.vector_load_idx %arg15[%add3A_195, %add3A_206] : memref<128x16xf32, #tpu.memory_space<vmem>>[vector<16xi32>, vector<16xi32>], vector<16xf32>,
        %gather3A_210 = tpu.vector_load_idx %arg15[%add3A_195, %add3A_209] : memref<128x16xf32, #tpu.memory_space<vmem>>[vector<16xi32>, vector<16xi32>], vector<16xf32>,
        %gather3A_211 = tpu.vector_load_idx %arg16[%add3A_195, %add3A_206] : memref<128x16xf32, #tpu.memory_space<vmem>>[vector<16xi32>, vector<16xi32>], vector<16xf32>,
        %gather3A_212 = tpu.vector_load_idx %arg16[%add3A_195, %add3A_209] : memref<128x16xf32, #tpu.memory_space<vmem>>[vector<16xi32>, vector<16xi32>], vector<16xf32>,
        %gather3A_213 = tpu.vector_load_idx %arg25[%add3A_206] : memref<16xf32, #tpu.memory_space<vmem>>[vector<16xi32>], vector<16xf32>,
        %mul3A_214 = arith.mulf %gather3A, %gather3A_211 : vector<16xf32>
        %mul3A_215 = arith.mulf %gather3A_210, %gather3A_212 : vector<16xf32>
        %ge3A_216 = arith.cmpf oge, %mul3A_214, %gather3A_213 : vector<16xf32>
        %select_n3A = arith.select %ge3A_216, %mul3A_214, %mul3A_215 : vector<16xi1>, vector<16xf32>
        %jit3A = arith.constant 0.000000e+00 : f32
        %broadcast_in_dim3A_217 = vector.broadcast %jit3A : f32 to vector<16xf32>
        %select_n3A_218 = arith.select %lt3A_200, %select_n3A, %broadcast_in_dim3A_217 : vector<16xi1>, vector<16xf32>
        %broadcast_in_dim3A_219 = arith.constant 0 : i32
        %broadcast_in_dim3A_220 = vector.broadcast %broadcast_in_dim3A_219 : i32 to vector<16xi32>
        tpu.vector_store_idx %arg18[%add3A_195, %broadcast_in_dim3A_220], %select_n3A_218 : memref<128x8xf32, #tpu.memory_space<vmem>>[vector<16xi32>, vector<16xi32>], vector<16xf32>,
        %broadcast_in_dim3A_221 = arith.constant 1 : i32
        %broadcast_in_dim3A_222 = vector.broadcast %broadcast_in_dim3A_221 : i32 to vector<16xi32>
        %mul3A_223 = arith.constant 4 : i32
        %mul3A_224 = arith.muli %arg0, %mul3A_223 : i32
        %add3A_225 = vector.broadcast %mul3A_224 : i32 to vector<16xi32>
        %add3A_226 = arith.addi %broadcast_in_dim3A_222, %add3A_225 : vector<16xi32>
        %add3A_227 = arith.constant 8 : i32
        %add3A_228 = vector.broadcast %add3A_227 : i32 to vector<16xi32>
        %add3A_229 = arith.addi %add3A_226, %add3A_228 : vector<16xi32>
        %gather3A_230 = tpu.vector_load_idx %arg15[%add3A_195, %add3A_226] : memref<128x16xf32, #tpu.memory_space<vmem>>[vector<16xi32>, vector<16xi32>], vector<16xf32>,
        %gather3A_231 = tpu.vector_load_idx %arg15[%add3A_195, %add3A_229] : memref<128x16xf32, #tpu.memory_space<vmem>>[vector<16xi32>, vector<16xi32>], vector<16xf32>,
        %gather3A_232 = tpu.vector_load_idx %arg16[%add3A_195, %add3A_226] : memref<128x16xf32, #tpu.memory_space<vmem>>[vector<16xi32>, vector<16xi32>], vector<16xf32>,
        %gather3A_233 = tpu.vector_load_idx %arg16[%add3A_195, %add3A_229] : memref<128x16xf32, #tpu.memory_space<vmem>>[vector<16xi32>, vector<16xi32>], vector<16xf32>,
        %gather3A_234 = tpu.vector_load_idx %arg25[%add3A_226] : memref<16xf32, #tpu.memory_space<vmem>>[vector<16xi32>], vector<16xf32>,
        %mul3A_235 = arith.mulf %gather3A_230, %gather3A_232 : vector<16xf32>
        %mul3A_236 = arith.mulf %gather3A_231, %gather3A_233 : vector<16xf32>
        %ge3A_237 = arith.cmpf oge, %mul3A_235, %gather3A_234 : vector<16xf32>
        %select_n3A_238 = arith.select %ge3A_237, %mul3A_235, %mul3A_236 : vector<16xi1>, vector<16xf32>
        %jit3A_239 = arith.constant 0.000000e+00 : f32
        %broadcast_in_dim3A_240 = vector.broadcast %jit3A_239 : f32 to vector<16xf32>
        %select_n3A_241 = arith.select %lt3A_200, %select_n3A_238, %broadcast_in_dim3A_240 : vector<16xi1>, vector<16xf32>
        %broadcast_in_dim3A_242 = arith.constant 1 : i32
        %broadcast_in_dim3A_243 = vector.broadcast %broadcast_in_dim3A_242 : i32 to vector<16xi32>
        tpu.vector_store_idx %arg18[%add3A_195, %broadcast_in_dim3A_243], %select_n3A_241 : memref<128x8xf32, #tpu.memory_space<vmem>>[vector<16xi32>, vector<16xi32>], vector<16xf32>,
        %broadcast_in_dim3A_244 = arith.constant 2 : i32
        %broadcast_in_dim3A_245 = vector.broadcast %broadcast_in_dim3A_244 : i32 to vector<16xi32>
        %mul3A_246 = arith.constant 4 : i32
        %mul3A_247 = arith.muli %arg0, %mul3A_246 : i32
        %add3A_248 = vector.broadcast %mul3A_247 : i32 to vector<16xi32>
        %add3A_249 = arith.addi %broadcast_in_dim3A_245, %add3A_248 : vector<16xi32>
        %add3A_250 = arith.constant 8 : i32
        %add3A_251 = vector.broadcast %add3A_250 : i32 to vector<16xi32>
        %add3A_252 = arith.addi %add3A_249, %add3A_251 : vector<16xi32>
        %gather3A_253 = tpu.vector_load_idx %arg15[%add3A_195, %add3A_249] : memref<128x16xf32, #tpu.memory_space<vmem>>[vector<16xi32>, vector<16xi32>], vector<16xf32>,
        %gather3A_254 = tpu.vector_load_idx %arg15[%add3A_195, %add3A_252] : memref<128x16xf32, #tpu.memory_space<vmem>>[vector<16xi32>, vector<16xi32>], vector<16xf32>,
        %gather3A_255 = tpu.vector_load_idx %arg16[%add3A_195, %add3A_249] : memref<128x16xf32, #tpu.memory_space<vmem>>[vector<16xi32>, vector<16xi32>], vector<16xf32>,
        %gather3A_256 = tpu.vector_load_idx %arg16[%add3A_195, %add3A_252] : memref<128x16xf32, #tpu.memory_space<vmem>>[vector<16xi32>, vector<16xi32>], vector<16xf32>,
        %gather3A_257 = tpu.vector_load_idx %arg25[%add3A_249] : memref<16xf32, #tpu.memory_space<vmem>>[vector<16xi32>], vector<16xf32>,
        %mul3A_258 = arith.mulf %gather3A_253, %gather3A_255 : vector<16xf32>
        %mul3A_259 = arith.mulf %gather3A_254, %gather3A_256 : vector<16xf32>
        %ge3A_260 = arith.cmpf oge, %mul3A_258, %gather3A_257 : vector<16xf32>
        %select_n3A_261 = arith.select %ge3A_260, %mul3A_258, %mul3A_259 : vector<16xi1>, vector<16xf32>
        %jit3A_262 = arith.constant 0.000000e+00 : f32
        %broadcast_in_dim3A_263 = vector.broadcast %jit3A_262 : f32 to vector<16xf32>
        %select_n3A_264 = arith.select %lt3A_200, %select_n3A_261, %broadcast_in_dim3A_263 : vector<16xi1>, vector<16xf32>
        %broadcast_in_dim3A_265 = arith.constant 2 : i32
        %broadcast_in_dim3A_266 = vector.broadcast %broadcast_in_dim3A_265 : i32 to vector<16xi32>
        tpu.vector_store_idx %arg18[%add3A_195, %broadcast_in_dim3A_266], %select_n3A_264 : memref<128x8xf32, #tpu.memory_space<vmem>>[vector<16xi32>, vector<16xi32>], vector<16xf32>,
        %broadcast_in_dim3A_267 = arith.constant 3 : i32
        %broadcast_in_dim3A_268 = vector.broadcast %broadcast_in_dim3A_267 : i32 to vector<16xi32>
        %mul3A_269 = arith.constant 4 : i32
        %mul3A_270 = arith.muli %arg0, %mul3A_269 : i32
        %add3A_271 = vector.broadcast %mul3A_270 : i32 to vector<16xi32>
        %add3A_272 = arith.addi %broadcast_in_dim3A_268, %add3A_271 : vector<16xi32>
        %add3A_273 = arith.constant 8 : i32
        %add3A_274 = vector.broadcast %add3A_273 : i32 to vector<16xi32>
        %add3A_275 = arith.addi %add3A_272, %add3A_274 : vector<16xi32>
        %gather3A_276 = tpu.vector_load_idx %arg15[%add3A_195, %add3A_272] : memref<128x16xf32, #tpu.memory_space<vmem>>[vector<16xi32>, vector<16xi32>], vector<16xf32>,
        %gather3A_277 = tpu.vector_load_idx %arg15[%add3A_195, %add3A_275] : memref<128x16xf32, #tpu.memory_space<vmem>>[vector<16xi32>, vector<16xi32>], vector<16xf32>,
        %gather3A_278 = tpu.vector_load_idx %arg16[%add3A_195, %add3A_272] : memref<128x16xf32, #tpu.memory_space<vmem>>[vector<16xi32>, vector<16xi32>], vector<16xf32>,
        %gather3A_279 = tpu.vector_load_idx %arg16[%add3A_195, %add3A_275] : memref<128x16xf32, #tpu.memory_space<vmem>>[vector<16xi32>, vector<16xi32>], vector<16xf32>,
        %gather3A_280 = tpu.vector_load_idx %arg25[%add3A_272] : memref<16xf32, #tpu.memory_space<vmem>>[vector<16xi32>], vector<16xf32>,
        %mul3A_281 = arith.mulf %gather3A_276, %gather3A_278 : vector<16xf32>
        %mul3A_282 = arith.mulf %gather3A_277, %gather3A_279 : vector<16xf32>
        %ge3A_283 = arith.cmpf oge, %mul3A_281, %gather3A_280 : vector<16xf32>
        %select_n3A_284 = arith.select %ge3A_283, %mul3A_281, %mul3A_282 : vector<16xi1>, vector<16xf32>
        %jit3A_285 = arith.constant 0.000000e+00 : f32
        %broadcast_in_dim3A_286 = vector.broadcast %jit3A_285 : f32 to vector<16xf32>
        %select_n3A_287 = arith.select %lt3A_200, %select_n3A_284, %broadcast_in_dim3A_286 : vector<16xi1>, vector<16xf32>
        %broadcast_in_dim3A_288 = arith.constant 3 : i32
        %broadcast_in_dim3A_289 = vector.broadcast %broadcast_in_dim3A_288 : i32 to vector<16xi32>
        tpu.vector_store_idx %arg18[%add3A_195, %broadcast_in_dim3A_289], %select_n3A_287 : memref<128x8xf32, #tpu.memory_space<vmem>>[vector<16xi32>, vector<16xi32>], vector<16xf32>,
        %scan3A_290 = arith.constant 0 : i32
        scf.yield %scan3A_290 : i32
      }
      %scan3A_115 = arith.constant 8 : i32
      %dma_start3A_116 = arith.constant 0 : i32
      %dma_start3A_117 = arith.constant 0 : i32
      %dma_start3A_118 = tpu.memref_slice %arg12[%dma_start3A_116, %dma_start3A_117] : memref<10000x8xf32, #tpu.memory_space<vmem_shared>> -> memref<10000x8xf32, #tpu.memory_space<vmem_shared>>
      tpu.enqueue_indirect_dma source(%arg18 : memref<128x8xf32, #tpu.memory_space<vmem>>) target(%dma_start3A_118 : memref<10000x8xf32, #tpu.memory_space<vmem_shared>>) offsets(%arg14 : memref<128xi32, #tpu.memory_space<vmem>>) semaphore(%arg28 : memref<!tpu.dma_semaphore, #tpu.memory_space<semaphore_mem>>) {add = true}
      %dma_wait3A_119 = arith.constant 0 : i32
      %dma_wait3A_120 = arith.constant 0 : i32
      %dma_wait3A_121 = tpu.memref_slice %arg12[%dma_wait3A_119, %dma_wait3A_120] : memref<10000x8xf32, #tpu.memory_space<vmem_shared>> -> memref<10000x8xf32, #tpu.memory_space<vmem_shared>>
      tpu.wait_indirect_dma semaphore(%arg28 : memref<!tpu.dma_semaphore, #tpu.memory_space<semaphore_mem>>) src(%arg18 : memref<128x8xf32, #tpu.memory_space<vmem>>) dst(%dma_wait3A_121 : memref<10000x8xf32, #tpu.memory_space<vmem_shared>>)
      %broadcast_in_dim3A_122 = arith.constant 0 : i32
      %broadcast_in_dim3A_123 = vector.broadcast %broadcast_in_dim3A_122 : i32 to vector<16xi32>
      %scan3A_124 = arith.constant 0 : i32
      %scan3A_125 = arith.constant 0 : i32
      %scan3A_126 = arith.constant 128 : i32
      %scan3A_127 = arith.addi %scan3A_125, %scan3A_126 : i32
      %scan3A_128 = arith.constant 1 : i32
      %scan3A_129 = scf.for %scan3A_190 = %scan3A_125 to %scan3A_127 step %scan3A_128 iter_args(%scan3A_191 = %scan3A_124) -> (i32)  : i32 {
        %add3A_192 = vector.broadcast %scan3A_190 : i32 to vector<16xi32>
        %add3A_193 = arith.addi %broadcast_in_dim3A_123, %add3A_192 : vector<16xi32>
        %broadcast_in_dim3A_194 = arith.constant 0 : i32
        %broadcast_in_dim3A_195 = vector.broadcast %broadcast_in_dim3A_194 : i32 to vector<16xi32>
        %gather3A = tpu.vector_load_idx %arg18[%add3A_193, %broadcast_in_dim3A_195] : memref<128x8xf32, #tpu.memory_space<vmem>>[vector<16xi32>, vector<16xi32>], vector<16xf32>,
        %get3A = arith.index_cast %scan3A_190 : i32 to index
        %get3A_196 = arith.constant 0 : index
        %get3A_197 = tpu.vector_load %arg17[%get3A, %get3A_196] {strides = array<i32>} : memref<128x128xf32, #tpu.memory_space<vmem>>, vector<16xf32>,
        %mul3A_198 = arith.mulf %get3A_197, %gather3A : vector<16xf32>
        %swap3A = arith.index_cast %scan3A_190 : i32 to index
        %swap3A_199 = arith.constant 0 : index
        %swap3A_200 = tpu.vector_load %arg17[%swap3A, %swap3A_199] {strides = array<i32>} : memref<128x128xf32, #tpu.memory_space<vmem>>, vector<16xf32>,
        tpu.vector_store %arg17[%swap3A, %swap3A_199], %mul3A_198 {strides = array<i32>} : memref<128x128xf32, #tpu.memory_space<vmem>>, vector<16xf32>,
        %get3A_201 = arith.index_cast %scan3A_190 : i32 to index
        %get3A_202 = arith.constant 16 : index
        %get3A_203 = tpu.vector_load %arg17[%get3A_201, %get3A_202] {strides = array<i32>} : memref<128x128xf32, #tpu.memory_space<vmem>>, vector<16xf32>,
        %mul3A_204 = arith.mulf %get3A_203, %gather3A : vector<16xf32>
        %swap3A_205 = arith.index_cast %scan3A_190 : i32 to index
        %swap3A_206 = arith.constant 16 : index
        %swap3A_207 = tpu.vector_load %arg17[%swap3A_205, %swap3A_206] {strides = array<i32>} : memref<128x128xf32, #tpu.memory_space<vmem>>, vector<16xf32>,
        tpu.vector_store %arg17[%swap3A_205, %swap3A_206], %mul3A_204 {strides = array<i32>} : memref<128x128xf32, #tpu.memory_space<vmem>>, vector<16xf32>,
        %add3A_208 = vector.broadcast %scan3A_190 : i32 to vector<16xi32>
        %add3A_209 = arith.addi %broadcast_in_dim3A_123, %add3A_208 : vector<16xi32>
        %broadcast_in_dim3A_210 = arith.constant 1 : i32
        %broadcast_in_dim3A_211 = vector.broadcast %broadcast_in_dim3A_210 : i32 to vector<16xi32>
        %gather3A_212 = tpu.vector_load_idx %arg18[%add3A_209, %broadcast_in_dim3A_211] : memref<128x8xf32, #tpu.memory_space<vmem>>[vector<16xi32>, vector<16xi32>], vector<16xf32>,
        %get3A_213 = arith.index_cast %scan3A_190 : i32 to index
        %get3A_214 = arith.constant 32 : index
        %get3A_215 = tpu.vector_load %arg17[%get3A_213, %get3A_214] {strides = array<i32>} : memref<128x128xf32, #tpu.memory_space<vmem>>, vector<16xf32>,
        %mul3A_216 = arith.mulf %get3A_215, %gather3A_212 : vector<16xf32>
        %swap3A_217 = arith.index_cast %scan3A_190 : i32 to index
        %swap3A_218 = arith.constant 32 : index
        %swap3A_219 = tpu.vector_load %arg17[%swap3A_217, %swap3A_218] {strides = array<i32>} : memref<128x128xf32, #tpu.memory_space<vmem>>, vector<16xf32>,
        tpu.vector_store %arg17[%swap3A_217, %swap3A_218], %mul3A_216 {strides = array<i32>} : memref<128x128xf32, #tpu.memory_space<vmem>>, vector<16xf32>,
        %get3A_220 = arith.index_cast %scan3A_190 : i32 to index
        %get3A_221 = arith.constant 48 : index
        %get3A_222 = tpu.vector_load %arg17[%get3A_220, %get3A_221] {strides = array<i32>} : memref<128x128xf32, #tpu.memory_space<vmem>>, vector<16xf32>,
        %mul3A_223 = arith.mulf %get3A_222, %gather3A_212 : vector<16xf32>
        %swap3A_224 = arith.index_cast %scan3A_190 : i32 to index
        %swap3A_225 = arith.constant 48 : index
        %swap3A_226 = tpu.vector_load %arg17[%swap3A_224, %swap3A_225] {strides = array<i32>} : memref<128x128xf32, #tpu.memory_space<vmem>>, vector<16xf32>,
        tpu.vector_store %arg17[%swap3A_224, %swap3A_225], %mul3A_223 {strides = array<i32>} : memref<128x128xf32, #tpu.memory_space<vmem>>, vector<16xf32>,
        %add3A_227 = vector.broadcast %scan3A_190 : i32 to vector<16xi32>
        %add3A_228 = arith.addi %broadcast_in_dim3A_123, %add3A_227 : vector<16xi32>
        %broadcast_in_dim3A_229 = arith.constant 2 : i32
        %broadcast_in_dim3A_230 = vector.broadcast %broadcast_in_dim3A_229 : i32 to vector<16xi32>
        %gather3A_231 = tpu.vector_load_idx %arg18[%add3A_228, %broadcast_in_dim3A_230] : memref<128x8xf32, #tpu.memory_space<vmem>>[vector<16xi32>, vector<16xi32>], vector<16xf32>,
        %get3A_232 = arith.index_cast %scan3A_190 : i32 to index
        %get3A_233 = arith.constant 64 : index
        %get3A_234 = tpu.vector_load %arg17[%get3A_232, %get3A_233] {strides = array<i32>} : memref<128x128xf32, #tpu.memory_space<vmem>>, vector<16xf32>,
        %mul3A_235 = arith.mulf %get3A_234, %gather3A_231 : vector<16xf32>
        %swap3A_236 = arith.index_cast %scan3A_190 : i32 to index
        %swap3A_237 = arith.constant 64 : index
        %swap3A_238 = tpu.vector_load %arg17[%swap3A_236, %swap3A_237] {strides = array<i32>} : memref<128x128xf32, #tpu.memory_space<vmem>>, vector<16xf32>,
        tpu.vector_store %arg17[%swap3A_236, %swap3A_237], %mul3A_235 {strides = array<i32>} : memref<128x128xf32, #tpu.memory_space<vmem>>, vector<16xf32>,
        %get3A_239 = arith.index_cast %scan3A_190 : i32 to index
        %get3A_240 = arith.constant 80 : index
        %get3A_241 = tpu.vector_load %arg17[%get3A_239, %get3A_240] {strides = array<i32>} : memref<128x128xf32, #tpu.memory_space<vmem>>, vector<16xf32>,
        %mul3A_242 = arith.mulf %get3A_241, %gather3A_231 : vector<16xf32>
        %swap3A_243 = arith.index_cast %scan3A_190 : i32 to index
        %swap3A_244 = arith.constant 80 : index
        %swap3A_245 = tpu.vector_load %arg17[%swap3A_243, %swap3A_244] {strides = array<i32>} : memref<128x128xf32, #tpu.memory_space<vmem>>, vector<16xf32>,
        tpu.vector_store %arg17[%swap3A_243, %swap3A_244], %mul3A_242 {strides = array<i32>} : memref<128x128xf32, #tpu.memory_space<vmem>>, vector<16xf32>,
        %add3A_246 = vector.broadcast %scan3A_190 : i32 to vector<16xi32>
        %add3A_247 = arith.addi %broadcast_in_dim3A_123, %add3A_246 : vector<16xi32>
        %broadcast_in_dim3A_248 = arith.constant 3 : i32
        %broadcast_in_dim3A_249 = vector.broadcast %broadcast_in_dim3A_248 : i32 to vector<16xi32>
        %gather3A_250 = tpu.vector_load_idx %arg18[%add3A_247, %broadcast_in_dim3A_249] : memref<128x8xf32, #tpu.memory_space<vmem>>[vector<16xi32>, vector<16xi32>], vector<16xf32>,
        %get3A_251 = arith.index_cast %scan3A_190 : i32 to index
        %get3A_252 = arith.constant 96 : index
        %get3A_253 = tpu.vector_load %arg17[%get3A_251, %get3A_252] {strides = array<i32>} : memref<128x128xf32, #tpu.memory_space<vmem>>, vector<16xf32>,
        %mul3A_254 = arith.mulf %get3A_253, %gather3A_250 : vector<16xf32>
        %swap3A_255 = arith.index_cast %scan3A_190 : i32 to index
        %swap3A_256 = arith.constant 96 : index
        %swap3A_257 = tpu.vector_load %arg17[%swap3A_255, %swap3A_256] {strides = array<i32>} : memref<128x128xf32, #tpu.memory_space<vmem>>, vector<16xf32>,
        tpu.vector_store %arg17[%swap3A_255, %swap3A_256], %mul3A_254 {strides = array<i32>} : memref<128x128xf32, #tpu.memory_space<vmem>>, vector<16xf32>,
        %get3A_258 = arith.index_cast %scan3A_190 : i32 to index
        %get3A_259 = arith.constant 112 : index
        %get3A_260 = tpu.vector_load %arg17[%get3A_258, %get3A_259] {strides = array<i32>} : memref<128x128xf32, #tpu.memory_space<vmem>>, vector<16xf32>,
        %mul3A_261 = arith.mulf %get3A_260, %gather3A_250 : vector<16xf32>
        %swap3A_262 = arith.index_cast %scan3A_190 : i32 to index
        %swap3A_263 = arith.constant 112 : index
        %swap3A_264 = tpu.vector_load %arg17[%swap3A_262, %swap3A_263] {strides = array<i32>} : memref<128x128xf32, #tpu.memory_space<vmem>>, vector<16xf32>,
        tpu.vector_store %arg17[%swap3A_262, %swap3A_263], %mul3A_261 {strides = array<i32>} : memref<128x128xf32, #tpu.memory_space<vmem>>, vector<16xf32>,
        %scan3A_265 = arith.constant 0 : i32
        scf.yield %scan3A_265 : i32
      }
      %scan3A_130 = arith.constant 128 : i32
      %dma_start3A_131 = arith.constant 0 : i32
      %dma_start3A_132 = arith.constant 0 : i32
      %dma_start3A_133 = tpu.memref_slice %arg11[%dma_start3A_131, %dma_start3A_132] : memref<10000x128xf32, #tpu.memory_space<vmem_shared>> -> memref<10000x128xf32, #tpu.memory_space<vmem_shared>>
      tpu.enqueue_indirect_dma source(%arg17 : memref<128x128xf32, #tpu.memory_space<vmem>>) target(%dma_start3A_133 : memref<10000x128xf32, #tpu.memory_space<vmem_shared>>) offsets(%arg14 : memref<128xi32, #tpu.memory_space<vmem>>) semaphore(%arg28 : memref<!tpu.dma_semaphore, #tpu.memory_space<semaphore_mem>>) {add = true}
      %mul3A_134 = arith.constant 2 : i32
      %mul3A_135 = arith.muli %mul3A_134, %scan3A_79 : i32
      %add3A_136 = arith.constant 1 : i32
      %add3A_137 = arith.addi %mul3A_135, %add3A_136 : i32
      %ge3A_138 = arith.constant 1 : i32
      %ge3A_139 = arith.cmpi sge, %add3A_137, %ge3A_138 : i32
      %convert_element_type3A_140 = arith.extui %ge3A_139 : i1 to i32
      %cond3A_141 = arith.constant 0 : i32
      %cond3A_142 = arith.cmpi ne, %convert_element_type3A_140, %cond3A_141 : i32
      scf.if %cond3A_142 {
        %dma_wait3A_190 = arith.constant 0 : i32
        %dma_wait3A_191 = arith.constant 0 : i32
        %dma_wait3A_192 = tpu.memref_slice %arg11[%dma_wait3A_190, %dma_wait3A_191] : memref<10000x128xf32, #tpu.memory_space<vmem_shared>> -> memref<10000x128xf32, #tpu.memory_space<vmem_shared>>
        tpu.wait_indirect_dma semaphore(%arg28 : memref<!tpu.dma_semaphore, #tpu.memory_space<semaphore_mem>>) src(%arg17 : memref<128x128xf32, #tpu.memory_space<vmem>>) dst(%dma_wait3A_192 : memref<10000x128xf32, #tpu.memory_space<vmem_shared>>)
      } else {
      }
      %add3A_143 = arith.constant 1 : i32
      %add3A_144 = arith.addi %add3A_137, %add3A_143 : i32
      %lt3A_145 = arith.constant 84 : i32
      %lt3A_146 = arith.cmpi slt, %add3A_144, %lt3A_145 : i32
      %convert_element_type3A_147 = arith.extui %lt3A_146 : i1 to i32
      %cond3A_148 = arith.constant 0 : i32
      %cond3A_149 = arith.cmpi ne, %convert_element_type3A_147, %cond3A_148 : i32
      scf.if %cond3A_149 {
        %add3A_190 = arith.constant 1 : i32
        %add3A_191 = arith.addi %add3A_137, %add3A_190 : i32
        %mul3A_192 = arith.constant 84 : i32
        %mul3A_193 = arith.muli %arg1, %mul3A_192 : i32
        %add3A_194 = arith.addi %mul3A_193, %add3A_191 : i32
        %mul3A_195 = arith.constant 128 : i32
        %mul3A_196 = arith.muli %add3A_194, %mul3A_195 : i32
        "tpu.region"() ({
          %run_scoped3A = tpu.sem_alloc : memref<!tpu.dma_semaphore, #tpu.memory_space<semaphore_mem>>
          %dma_start3A_213 = tpu.memref_slice %arg2[%mul3A_196] : memref<172032xi32, #tpu.memory_space<hbm>> -> memref<128xi32, #tpu.memory_space<hbm>>
          %dma_start3A_214 = tpu.memref_slice %arg2[%mul3A_196] : memref<172032xi32, #tpu.memory_space<hbm>> -> memref<128xi32, #tpu.memory_space<hbm>>
          tpu.enqueue_dma source(%dma_start3A_214 : memref<128xi32, #tpu.memory_space<hbm>>) target(%arg13 : memref<128xi32, #tpu.memory_space<vmem>>) target_semaphore(%run_scoped3A : memref<!tpu.dma_semaphore, #tpu.memory_space<semaphore_mem>>)
          %dma_wait3A_215 = tpu.memref_slice %arg2[%mul3A_196] : memref<172032xi32, #tpu.memory_space<hbm>> -> memref<128xi32, #tpu.memory_space<hbm>>
          %dma_wait3A_216 = tpu.memref_slice %arg2[%mul3A_196] : memref<172032xi32, #tpu.memory_space<hbm>> -> memref<128xi32, #tpu.memory_space<hbm>>
          tpu.wait_dma2 semaphore(%run_scoped3A : memref<!tpu.dma_semaphore, #tpu.memory_space<semaphore_mem>>) src(%dma_wait3A_216 : memref<128xi32, #tpu.memory_space<hbm>>) dst(%arg13 : memref<128xi32, #tpu.memory_space<vmem>>)
          tpu.yield
        }) : () -> ()
        "tpu.region"() ({
          %run_scoped3A = tpu.sem_alloc : memref<!tpu.dma_semaphore, #tpu.memory_space<semaphore_mem>>
          %dma_start3A_213 = tpu.memref_slice %arg3[%mul3A_196] : memref<172032xi32, #tpu.memory_space<hbm>> -> memref<128xi32, #tpu.memory_space<hbm>>
          %dma_start3A_214 = tpu.memref_slice %arg3[%mul3A_196] : memref<172032xi32, #tpu.memory_space<hbm>> -> memref<128xi32, #tpu.memory_space<hbm>>
          tpu.enqueue_dma source(%dma_start3A_214 : memref<128xi32, #tpu.memory_space<hbm>>) target(%arg14 : memref<128xi32, #tpu.memory_space<vmem>>) target_semaphore(%run_scoped3A : memref<!tpu.dma_semaphore, #tpu.memory_space<semaphore_mem>>)
          %dma_wait3A_215 = tpu.memref_slice %arg3[%mul3A_196] : memref<172032xi32, #tpu.memory_space<hbm>> -> memref<128xi32, #tpu.memory_space<hbm>>
          %dma_wait3A_216 = tpu.memref_slice %arg3[%mul3A_196] : memref<172032xi32, #tpu.memory_space<hbm>> -> memref<128xi32, #tpu.memory_space<hbm>>
          tpu.wait_dma2 semaphore(%run_scoped3A : memref<!tpu.dma_semaphore, #tpu.memory_space<semaphore_mem>>) src(%dma_wait3A_216 : memref<128xi32, #tpu.memory_space<hbm>>) dst(%arg14 : memref<128xi32, #tpu.memory_space<vmem>>)
          tpu.yield
        }) : () -> ()
        %dma_start3A_197 = arith.constant 0 : i32
        %dma_start3A_198 = arith.constant 0 : i32
        %dma_start3A_199 = tpu.memref_slice %arg4[%dma_start3A_197, %dma_start3A_198] : memref<10000x16xf32, #tpu.memory_space<hbm>> -> memref<10000x16xf32, #tpu.memory_space<hbm>>
        tpu.enqueue_indirect_dma source(%dma_start3A_199 : memref<10000x16xf32, #tpu.memory_space<hbm>>) target(%arg15 : memref<128x16xf32, #tpu.memory_space<vmem>>) offsets(%arg13 : memref<128xi32, #tpu.memory_space<vmem>>) semaphore(%arg26 : memref<!tpu.dma_semaphore, #tpu.memory_space<semaphore_mem>>)
        %dma_start3A_200 = arith.constant 0 : i32
        %dma_start3A_201 = arith.constant 0 : i32
        %dma_start3A_202 = tpu.memref_slice %arg5[%dma_start3A_200, %dma_start3A_201] : memref<10000x16xf32, #tpu.memory_space<hbm>> -> memref<10000x16xf32, #tpu.memory_space<hbm>>
        tpu.enqueue_indirect_dma source(%dma_start3A_202 : memref<10000x16xf32, #tpu.memory_space<hbm>>) target(%arg16 : memref<128x16xf32, #tpu.memory_space<vmem>>) offsets(%arg14 : memref<128xi32, #tpu.memory_space<vmem>>) semaphore(%arg26 : memref<!tpu.dma_semaphore, #tpu.memory_space<semaphore_mem>>)
        %eq3A_203 = arith.constant 0 : i32
        %eq3A_204 = arith.cmpi eq, %arg0, %eq3A_203 : i32
        %convert_element_type3A_205 = arith.extui %eq3A_204 : i1 to i32
        %cond3A_206 = arith.constant 0 : i32
        %cond3A_207 = arith.cmpi ne, %convert_element_type3A_205, %cond3A_206 : i32
        scf.if %cond3A_207 {
          %dma_start3A_213 = arith.constant 0 : i32
          %dma_start3A_214 = arith.constant 0 : i32
          %dma_start3A_215 = tpu.memref_slice %arg6[%dma_start3A_213, %dma_start3A_214] : memref<10000x128xf32, #tpu.memory_space<hbm>> -> memref<10000x128xf32, #tpu.memory_space<hbm>>
          tpu.enqueue_indirect_dma source(%dma_start3A_215 : memref<10000x128xf32, #tpu.memory_space<hbm>>) target(%arg17 : memref<128x128xf32, #tpu.memory_space<vmem>>) offsets(%arg13 : memref<128xi32, #tpu.memory_space<vmem>>) semaphore(%arg26 : memref<!tpu.dma_semaphore, #tpu.memory_space<semaphore_mem>>)
        } else {
        }
        %eq3A_208 = arith.constant 1 : i32
        %eq3A_209 = arith.cmpi eq, %arg0, %eq3A_208 : i32
        %convert_element_type3A_210 = arith.extui %eq3A_209 : i1 to i32
        %cond3A_211 = arith.constant 0 : i32
        %cond3A_212 = arith.cmpi ne, %convert_element_type3A_210, %cond3A_211 : i32
        scf.if %cond3A_212 {
          %dma_start3A_213 = arith.constant 0 : i32
          %dma_start3A_214 = arith.constant 0 : i32
          %dma_start3A_215 = tpu.memref_slice %arg7[%dma_start3A_213, %dma_start3A_214] : memref<10000x128xf32, #tpu.memory_space<hbm>> -> memref<10000x128xf32, #tpu.memory_space<hbm>>
          tpu.enqueue_indirect_dma source(%dma_start3A_215 : memref<10000x128xf32, #tpu.memory_space<hbm>>) target(%arg17 : memref<128x128xf32, #tpu.memory_space<vmem>>) offsets(%arg13 : memref<128xi32, #tpu.memory_space<vmem>>) semaphore(%arg26 : memref<!tpu.dma_semaphore, #tpu.memory_space<semaphore_mem>>)
        } else {
        }
      } else {
      }
      %dma_wait3A_150 = arith.constant 0 : i32
      %dma_wait3A_151 = arith.constant 0 : i32
      %dma_wait3A_152 = tpu.memref_slice %arg4[%dma_wait3A_150, %dma_wait3A_151] : memref<10000x16xf32, #tpu.memory_space<hbm>> -> memref<10000x16xf32, #tpu.memory_space<hbm>>
      tpu.wait_indirect_dma semaphore(%arg27 : memref<!tpu.dma_semaphore, #tpu.memory_space<semaphore_mem>>) src(%dma_wait3A_152 : memref<10000x16xf32, #tpu.memory_space<hbm>>) dst(%arg21 : memref<128x16xf32, #tpu.memory_space<vmem>>)
      %dma_wait3A_153 = arith.constant 0 : i32
      %dma_wait3A_154 = arith.constant 0 : i32
      %dma_wait3A_155 = tpu.memref_slice %arg5[%dma_wait3A_153, %dma_wait3A_154] : memref<10000x16xf32, #tpu.memory_space<hbm>> -> memref<10000x16xf32, #tpu.memory_space<hbm>>
      tpu.wait_indirect_dma semaphore(%arg27 : memref<!tpu.dma_semaphore, #tpu.memory_space<semaphore_mem>>) src(%dma_wait3A_155 : memref<10000x16xf32, #tpu.memory_space<hbm>>) dst(%arg22 : memref<128x16xf32, #tpu.memory_space<vmem>>)
      %dma_wait3A_156 = arith.constant 0 : i32
      %dma_wait3A_157 = arith.constant 0 : i32
      %dma_wait3A_158 = tpu.memref_slice %arg6[%dma_wait3A_156, %dma_wait3A_157] : memref<10000x128xf32, #tpu.memory_space<hbm>> -> memref<10000x128xf32, #tpu.memory_space<hbm>>
      tpu.wait_indirect_dma semaphore(%arg27 : memref<!tpu.dma_semaphore, #tpu.memory_space<semaphore_mem>>) src(%dma_wait3A_158 : memref<10000x128xf32, #tpu.memory_space<hbm>>) dst(%arg23 : memref<128x128xf32, #tpu.memory_space<vmem>>)
      %mul3A_159 = arith.constant 84 : i32
      %mul3A_160 = arith.muli %arg1, %mul3A_159 : i32
      %add3A_161 = arith.addi %mul3A_160, %add3A_137 : i32
      %mul3A_162 = arith.constant 128 : i32
      %mul3A_163 = arith.muli %add3A_161, %mul3A_162 : i32
      %scan3A_164 = arith.constant 0 : i32
      %scan3A_165 = arith.constant 0 : i32
      %scan3A_166 = arith.constant 8 : i32
      %scan3A_167 = arith.addi %scan3A_165, %scan3A_166 : i32
      %scan3A_168 = arith.constant 1 : i32
      %scan3A_169 = scf.for %scan3A_190 = %scan3A_165 to %scan3A_167 step %scan3A_168 iter_args(%scan3A_191 = %scan3A_164) -> (i32)  : i32 {
        %mul3A_192 = arith.constant 16 : i32
        %mul3A_193 = arith.muli %scan3A_190, %mul3A_192 : i32
        %add3A_194 = vector.broadcast %mul3A_193 : i32 to vector<16xi32>
        %add3A_195 = arith.addi %add3A_194, %iota3A : vector<16xi32>
        %add3A_196 = vector.broadcast %mul3A_163 : i32 to vector<16xi32>
        %add3A_197 = arith.addi %add3A_196, %add3A_195 : vector<16xi32>
        %lt3A_198 = arith.constant 170000 : i32
        %lt3A_199 = vector.broadcast %lt3A_198 : i32 to vector<16xi32>
        %lt3A_200 = arith.cmpi slt, %add3A_197, %lt3A_199 : vector<16xi32>
        %broadcast_in_dim3A_201 = arith.constant 0 : i32
        %broadcast_in_dim3A_202 = vector.broadcast %broadcast_in_dim3A_201 : i32 to vector<16xi32>
        %mul3A_203 = arith.constant 4 : i32
        %mul3A_204 = arith.muli %arg0, %mul3A_203 : i32
        %add3A_205 = vector.broadcast %mul3A_204 : i32 to vector<16xi32>
        %add3A_206 = arith.addi %broadcast_in_dim3A_202, %add3A_205 : vector<16xi32>
        %add3A_207 = arith.constant 8 : i32
        %add3A_208 = vector.broadcast %add3A_207 : i32 to vector<16xi32>
        %add3A_209 = arith.addi %add3A_206, %add3A_208 : vector<16xi32>
        %gather3A = tpu.vector_load_idx %arg21[%add3A_195, %add3A_206] : memref<128x16xf32, #tpu.memory_space<vmem>>[vector<16xi32>, vector<16xi32>], vector<16xf32>,
        %gather3A_210 = tpu.vector_load_idx %arg21[%add3A_195, %add3A_209] : memref<128x16xf32, #tpu.memory_space<vmem>>[vector<16xi32>, vector<16xi32>], vector<16xf32>,
        %gather3A_211 = tpu.vector_load_idx %arg22[%add3A_195, %add3A_206] : memref<128x16xf32, #tpu.memory_space<vmem>>[vector<16xi32>, vector<16xi32>], vector<16xf32>,
        %gather3A_212 = tpu.vector_load_idx %arg22[%add3A_195, %add3A_209] : memref<128x16xf32, #tpu.memory_space<vmem>>[vector<16xi32>, vector<16xi32>], vector<16xf32>,
        %gather3A_213 = tpu.vector_load_idx %arg25[%add3A_206] : memref<16xf32, #tpu.memory_space<vmem>>[vector<16xi32>], vector<16xf32>,
        %mul3A_214 = arith.mulf %gather3A, %gather3A_211 : vector<16xf32>
        %mul3A_215 = arith.mulf %gather3A_210, %gather3A_212 : vector<16xf32>
        %ge3A_216 = arith.cmpf oge, %mul3A_214, %gather3A_213 : vector<16xf32>
        %select_n3A = arith.select %ge3A_216, %mul3A_214, %mul3A_215 : vector<16xi1>, vector<16xf32>
        %jit3A = arith.constant 0.000000e+00 : f32
        %broadcast_in_dim3A_217 = vector.broadcast %jit3A : f32 to vector<16xf32>
        %select_n3A_218 = arith.select %lt3A_200, %select_n3A, %broadcast_in_dim3A_217 : vector<16xi1>, vector<16xf32>
        %broadcast_in_dim3A_219 = arith.constant 0 : i32
        %broadcast_in_dim3A_220 = vector.broadcast %broadcast_in_dim3A_219 : i32 to vector<16xi32>
        tpu.vector_store_idx %arg24[%add3A_195, %broadcast_in_dim3A_220], %select_n3A_218 : memref<128x8xf32, #tpu.memory_space<vmem>>[vector<16xi32>, vector<16xi32>], vector<16xf32>,
        %broadcast_in_dim3A_221 = arith.constant 1 : i32
        %broadcast_in_dim3A_222 = vector.broadcast %broadcast_in_dim3A_221 : i32 to vector<16xi32>
        %mul3A_223 = arith.constant 4 : i32
        %mul3A_224 = arith.muli %arg0, %mul3A_223 : i32
        %add3A_225 = vector.broadcast %mul3A_224 : i32 to vector<16xi32>
        %add3A_226 = arith.addi %broadcast_in_dim3A_222, %add3A_225 : vector<16xi32>
        %add3A_227 = arith.constant 8 : i32
        %add3A_228 = vector.broadcast %add3A_227 : i32 to vector<16xi32>
        %add3A_229 = arith.addi %add3A_226, %add3A_228 : vector<16xi32>
        %gather3A_230 = tpu.vector_load_idx %arg21[%add3A_195, %add3A_226] : memref<128x16xf32, #tpu.memory_space<vmem>>[vector<16xi32>, vector<16xi32>], vector<16xf32>,
        %gather3A_231 = tpu.vector_load_idx %arg21[%add3A_195, %add3A_229] : memref<128x16xf32, #tpu.memory_space<vmem>>[vector<16xi32>, vector<16xi32>], vector<16xf32>,
        %gather3A_232 = tpu.vector_load_idx %arg22[%add3A_195, %add3A_226] : memref<128x16xf32, #tpu.memory_space<vmem>>[vector<16xi32>, vector<16xi32>], vector<16xf32>,
        %gather3A_233 = tpu.vector_load_idx %arg22[%add3A_195, %add3A_229] : memref<128x16xf32, #tpu.memory_space<vmem>>[vector<16xi32>, vector<16xi32>], vector<16xf32>,
        %gather3A_234 = tpu.vector_load_idx %arg25[%add3A_226] : memref<16xf32, #tpu.memory_space<vmem>>[vector<16xi32>], vector<16xf32>,
        %mul3A_235 = arith.mulf %gather3A_230, %gather3A_232 : vector<16xf32>
        %mul3A_236 = arith.mulf %gather3A_231, %gather3A_233 : vector<16xf32>
        %ge3A_237 = arith.cmpf oge, %mul3A_235, %gather3A_234 : vector<16xf32>
        %select_n3A_238 = arith.select %ge3A_237, %mul3A_235, %mul3A_236 : vector<16xi1>, vector<16xf32>
        %jit3A_239 = arith.constant 0.000000e+00 : f32
        %broadcast_in_dim3A_240 = vector.broadcast %jit3A_239 : f32 to vector<16xf32>
        %select_n3A_241 = arith.select %lt3A_200, %select_n3A_238, %broadcast_in_dim3A_240 : vector<16xi1>, vector<16xf32>
        %broadcast_in_dim3A_242 = arith.constant 1 : i32
        %broadcast_in_dim3A_243 = vector.broadcast %broadcast_in_dim3A_242 : i32 to vector<16xi32>
        tpu.vector_store_idx %arg24[%add3A_195, %broadcast_in_dim3A_243], %select_n3A_241 : memref<128x8xf32, #tpu.memory_space<vmem>>[vector<16xi32>, vector<16xi32>], vector<16xf32>,
        %broadcast_in_dim3A_244 = arith.constant 2 : i32
        %broadcast_in_dim3A_245 = vector.broadcast %broadcast_in_dim3A_244 : i32 to vector<16xi32>
        %mul3A_246 = arith.constant 4 : i32
        %mul3A_247 = arith.muli %arg0, %mul3A_246 : i32
        %add3A_248 = vector.broadcast %mul3A_247 : i32 to vector<16xi32>
        %add3A_249 = arith.addi %broadcast_in_dim3A_245, %add3A_248 : vector<16xi32>
        %add3A_250 = arith.constant 8 : i32
        %add3A_251 = vector.broadcast %add3A_250 : i32 to vector<16xi32>
        %add3A_252 = arith.addi %add3A_249, %add3A_251 : vector<16xi32>
        %gather3A_253 = tpu.vector_load_idx %arg21[%add3A_195, %add3A_249] : memref<128x16xf32, #tpu.memory_space<vmem>>[vector<16xi32>, vector<16xi32>], vector<16xf32>,
        %gather3A_254 = tpu.vector_load_idx %arg21[%add3A_195, %add3A_252] : memref<128x16xf32, #tpu.memory_space<vmem>>[vector<16xi32>, vector<16xi32>], vector<16xf32>,
        %gather3A_255 = tpu.vector_load_idx %arg22[%add3A_195, %add3A_249] : memref<128x16xf32, #tpu.memory_space<vmem>>[vector<16xi32>, vector<16xi32>], vector<16xf32>,
        %gather3A_256 = tpu.vector_load_idx %arg22[%add3A_195, %add3A_252] : memref<128x16xf32, #tpu.memory_space<vmem>>[vector<16xi32>, vector<16xi32>], vector<16xf32>,
        %gather3A_257 = tpu.vector_load_idx %arg25[%add3A_249] : memref<16xf32, #tpu.memory_space<vmem>>[vector<16xi32>], vector<16xf32>,
        %mul3A_258 = arith.mulf %gather3A_253, %gather3A_255 : vector<16xf32>
        %mul3A_259 = arith.mulf %gather3A_254, %gather3A_256 : vector<16xf32>
        %ge3A_260 = arith.cmpf oge, %mul3A_258, %gather3A_257 : vector<16xf32>
        %select_n3A_261 = arith.select %ge3A_260, %mul3A_258, %mul3A_259 : vector<16xi1>, vector<16xf32>
        %jit3A_262 = arith.constant 0.000000e+00 : f32
        %broadcast_in_dim3A_263 = vector.broadcast %jit3A_262 : f32 to vector<16xf32>
        %select_n3A_264 = arith.select %lt3A_200, %select_n3A_261, %broadcast_in_dim3A_263 : vector<16xi1>, vector<16xf32>
        %broadcast_in_dim3A_265 = arith.constant 2 : i32
        %broadcast_in_dim3A_266 = vector.broadcast %broadcast_in_dim3A_265 : i32 to vector<16xi32>
        tpu.vector_store_idx %arg24[%add3A_195, %broadcast_in_dim3A_266], %select_n3A_264 : memref<128x8xf32, #tpu.memory_space<vmem>>[vector<16xi32>, vector<16xi32>], vector<16xf32>,
        %broadcast_in_dim3A_267 = arith.constant 3 : i32
        %broadcast_in_dim3A_268 = vector.broadcast %broadcast_in_dim3A_267 : i32 to vector<16xi32>
        %mul3A_269 = arith.constant 4 : i32
        %mul3A_270 = arith.muli %arg0, %mul3A_269 : i32
        %add3A_271 = vector.broadcast %mul3A_270 : i32 to vector<16xi32>
        %add3A_272 = arith.addi %broadcast_in_dim3A_268, %add3A_271 : vector<16xi32>
        %add3A_273 = arith.constant 8 : i32
        %add3A_274 = vector.broadcast %add3A_273 : i32 to vector<16xi32>
        %add3A_275 = arith.addi %add3A_272, %add3A_274 : vector<16xi32>
        %gather3A_276 = tpu.vector_load_idx %arg21[%add3A_195, %add3A_272] : memref<128x16xf32, #tpu.memory_space<vmem>>[vector<16xi32>, vector<16xi32>], vector<16xf32>,
        %gather3A_277 = tpu.vector_load_idx %arg21[%add3A_195, %add3A_275] : memref<128x16xf32, #tpu.memory_space<vmem>>[vector<16xi32>, vector<16xi32>], vector<16xf32>,
        %gather3A_278 = tpu.vector_load_idx %arg22[%add3A_195, %add3A_272] : memref<128x16xf32, #tpu.memory_space<vmem>>[vector<16xi32>, vector<16xi32>], vector<16xf32>,
        %gather3A_279 = tpu.vector_load_idx %arg22[%add3A_195, %add3A_275] : memref<128x16xf32, #tpu.memory_space<vmem>>[vector<16xi32>, vector<16xi32>], vector<16xf32>,
        %gather3A_280 = tpu.vector_load_idx %arg25[%add3A_272] : memref<16xf32, #tpu.memory_space<vmem>>[vector<16xi32>], vector<16xf32>,
        %mul3A_281 = arith.mulf %gather3A_276, %gather3A_278 : vector<16xf32>
        %mul3A_282 = arith.mulf %gather3A_277, %gather3A_279 : vector<16xf32>
        %ge3A_283 = arith.cmpf oge, %mul3A_281, %gather3A_280 : vector<16xf32>
        %select_n3A_284 = arith.select %ge3A_283, %mul3A_281, %mul3A_282 : vector<16xi1>, vector<16xf32>
        %jit3A_285 = arith.constant 0.000000e+00 : f32
        %broadcast_in_dim3A_286 = vector.broadcast %jit3A_285 : f32 to vector<16xf32>
        %select_n3A_287 = arith.select %lt3A_200, %select_n3A_284, %broadcast_in_dim3A_286 : vector<16xi1>, vector<16xf32>
        %broadcast_in_dim3A_288 = arith.constant 3 : i32
        %broadcast_in_dim3A_289 = vector.broadcast %broadcast_in_dim3A_288 : i32 to vector<16xi32>
        tpu.vector_store_idx %arg24[%add3A_195, %broadcast_in_dim3A_289], %select_n3A_287 : memref<128x8xf32, #tpu.memory_space<vmem>>[vector<16xi32>, vector<16xi32>], vector<16xf32>,
        %scan3A_290 = arith.constant 0 : i32
        scf.yield %scan3A_290 : i32
      }
      %scan3A_170 = arith.constant 8 : i32
      %dma_start3A_171 = arith.constant 0 : i32
      %dma_start3A_172 = arith.constant 0 : i32
      %dma_start3A_173 = tpu.memref_slice %arg12[%dma_start3A_171, %dma_start3A_172] : memref<10000x8xf32, #tpu.memory_space<vmem_shared>> -> memref<10000x8xf32, #tpu.memory_space<vmem_shared>>
      tpu.enqueue_indirect_dma source(%arg24 : memref<128x8xf32, #tpu.memory_space<vmem>>) target(%dma_start3A_173 : memref<10000x8xf32, #tpu.memory_space<vmem_shared>>) offsets(%arg20 : memref<128xi32, #tpu.memory_space<vmem>>) semaphore(%arg29 : memref<!tpu.dma_semaphore, #tpu.memory_space<semaphore_mem>>) {add = true}
      %dma_wait3A_174 = arith.constant 0 : i32
      %dma_wait3A_175 = arith.constant 0 : i32
      %dma_wait3A_176 = tpu.memref_slice %arg12[%dma_wait3A_174, %dma_wait3A_175] : memref<10000x8xf32, #tpu.memory_space<vmem_shared>> -> memref<10000x8xf32, #tpu.memory_space<vmem_shared>>
      tpu.wait_indirect_dma semaphore(%arg29 : memref<!tpu.dma_semaphore, #tpu.memory_space<semaphore_mem>>) src(%arg24 : memref<128x8xf32, #tpu.memory_space<vmem>>) dst(%dma_wait3A_176 : memref<10000x8xf32, #tpu.memory_space<vmem_shared>>)
      %broadcast_in_dim3A_177 = arith.constant 0 : i32
      %broadcast_in_dim3A_178 = vector.broadcast %broadcast_in_dim3A_177 : i32 to vector<16xi32>
      %scan3A_179 = arith.constant 0 : i32
      %scan3A_180 = arith.constant 0 : i32
      %scan3A_181 = arith.constant 128 : i32
      %scan3A_182 = arith.addi %scan3A_180, %scan3A_181 : i32
      %scan3A_183 = arith.constant 1 : i32
      %scan3A_184 = scf.for %scan3A_190 = %scan3A_180 to %scan3A_182 step %scan3A_183 iter_args(%scan3A_191 = %scan3A_179) -> (i32)  : i32 {
        %add3A_192 = vector.broadcast %scan3A_190 : i32 to vector<16xi32>
        %add3A_193 = arith.addi %broadcast_in_dim3A_178, %add3A_192 : vector<16xi32>
        %broadcast_in_dim3A_194 = arith.constant 0 : i32
        %broadcast_in_dim3A_195 = vector.broadcast %broadcast_in_dim3A_194 : i32 to vector<16xi32>
        %gather3A = tpu.vector_load_idx %arg24[%add3A_193, %broadcast_in_dim3A_195] : memref<128x8xf32, #tpu.memory_space<vmem>>[vector<16xi32>, vector<16xi32>], vector<16xf32>,
        %get3A = arith.index_cast %scan3A_190 : i32 to index
        %get3A_196 = arith.constant 0 : index
        %get3A_197 = tpu.vector_load %arg23[%get3A, %get3A_196] {strides = array<i32>} : memref<128x128xf32, #tpu.memory_space<vmem>>, vector<16xf32>,
        %mul3A_198 = arith.mulf %get3A_197, %gather3A : vector<16xf32>
        %swap3A = arith.index_cast %scan3A_190 : i32 to index
        %swap3A_199 = arith.constant 0 : index
        %swap3A_200 = tpu.vector_load %arg23[%swap3A, %swap3A_199] {strides = array<i32>} : memref<128x128xf32, #tpu.memory_space<vmem>>, vector<16xf32>,
        tpu.vector_store %arg23[%swap3A, %swap3A_199], %mul3A_198 {strides = array<i32>} : memref<128x128xf32, #tpu.memory_space<vmem>>, vector<16xf32>,
        %get3A_201 = arith.index_cast %scan3A_190 : i32 to index
        %get3A_202 = arith.constant 16 : index
        %get3A_203 = tpu.vector_load %arg23[%get3A_201, %get3A_202] {strides = array<i32>} : memref<128x128xf32, #tpu.memory_space<vmem>>, vector<16xf32>,
        %mul3A_204 = arith.mulf %get3A_203, %gather3A : vector<16xf32>
        %swap3A_205 = arith.index_cast %scan3A_190 : i32 to index
        %swap3A_206 = arith.constant 16 : index
        %swap3A_207 = tpu.vector_load %arg23[%swap3A_205, %swap3A_206] {strides = array<i32>} : memref<128x128xf32, #tpu.memory_space<vmem>>, vector<16xf32>,
        tpu.vector_store %arg23[%swap3A_205, %swap3A_206], %mul3A_204 {strides = array<i32>} : memref<128x128xf32, #tpu.memory_space<vmem>>, vector<16xf32>,
        %add3A_208 = vector.broadcast %scan3A_190 : i32 to vector<16xi32>
        %add3A_209 = arith.addi %broadcast_in_dim3A_178, %add3A_208 : vector<16xi32>
        %broadcast_in_dim3A_210 = arith.constant 1 : i32
        %broadcast_in_dim3A_211 = vector.broadcast %broadcast_in_dim3A_210 : i32 to vector<16xi32>
        %gather3A_212 = tpu.vector_load_idx %arg24[%add3A_209, %broadcast_in_dim3A_211] : memref<128x8xf32, #tpu.memory_space<vmem>>[vector<16xi32>, vector<16xi32>], vector<16xf32>,
        %get3A_213 = arith.index_cast %scan3A_190 : i32 to index
        %get3A_214 = arith.constant 32 : index
        %get3A_215 = tpu.vector_load %arg23[%get3A_213, %get3A_214] {strides = array<i32>} : memref<128x128xf32, #tpu.memory_space<vmem>>, vector<16xf32>,
        %mul3A_216 = arith.mulf %get3A_215, %gather3A_212 : vector<16xf32>
        %swap3A_217 = arith.index_cast %scan3A_190 : i32 to index
        %swap3A_218 = arith.constant 32 : index
        %swap3A_219 = tpu.vector_load %arg23[%swap3A_217, %swap3A_218] {strides = array<i32>} : memref<128x128xf32, #tpu.memory_space<vmem>>, vector<16xf32>,
        tpu.vector_store %arg23[%swap3A_217, %swap3A_218], %mul3A_216 {strides = array<i32>} : memref<128x128xf32, #tpu.memory_space<vmem>>, vector<16xf32>,
        %get3A_220 = arith.index_cast %scan3A_190 : i32 to index
        %get3A_221 = arith.constant 48 : index
        %get3A_222 = tpu.vector_load %arg23[%get3A_220, %get3A_221] {strides = array<i32>} : memref<128x128xf32, #tpu.memory_space<vmem>>, vector<16xf32>,
        %mul3A_223 = arith.mulf %get3A_222, %gather3A_212 : vector<16xf32>
        %swap3A_224 = arith.index_cast %scan3A_190 : i32 to index
        %swap3A_225 = arith.constant 48 : index
        %swap3A_226 = tpu.vector_load %arg23[%swap3A_224, %swap3A_225] {strides = array<i32>} : memref<128x128xf32, #tpu.memory_space<vmem>>, vector<16xf32>,
        tpu.vector_store %arg23[%swap3A_224, %swap3A_225], %mul3A_223 {strides = array<i32>} : memref<128x128xf32, #tpu.memory_space<vmem>>, vector<16xf32>,
        %add3A_227 = vector.broadcast %scan3A_190 : i32 to vector<16xi32>
        %add3A_228 = arith.addi %broadcast_in_dim3A_178, %add3A_227 : vector<16xi32>
        %broadcast_in_dim3A_229 = arith.constant 2 : i32
        %broadcast_in_dim3A_230 = vector.broadcast %broadcast_in_dim3A_229 : i32 to vector<16xi32>
        %gather3A_231 = tpu.vector_load_idx %arg24[%add3A_228, %broadcast_in_dim3A_230] : memref<128x8xf32, #tpu.memory_space<vmem>>[vector<16xi32>, vector<16xi32>], vector<16xf32>,
        %get3A_232 = arith.index_cast %scan3A_190 : i32 to index
        %get3A_233 = arith.constant 64 : index
        %get3A_234 = tpu.vector_load %arg23[%get3A_232, %get3A_233] {strides = array<i32>} : memref<128x128xf32, #tpu.memory_space<vmem>>, vector<16xf32>,
        %mul3A_235 = arith.mulf %get3A_234, %gather3A_231 : vector<16xf32>
        %swap3A_236 = arith.index_cast %scan3A_190 : i32 to index
        %swap3A_237 = arith.constant 64 : index
        %swap3A_238 = tpu.vector_load %arg23[%swap3A_236, %swap3A_237] {strides = array<i32>} : memref<128x128xf32, #tpu.memory_space<vmem>>, vector<16xf32>,
        tpu.vector_store %arg23[%swap3A_236, %swap3A_237], %mul3A_235 {strides = array<i32>} : memref<128x128xf32, #tpu.memory_space<vmem>>, vector<16xf32>,
        %get3A_239 = arith.index_cast %scan3A_190 : i32 to index
        %get3A_240 = arith.constant 80 : index
        %get3A_241 = tpu.vector_load %arg23[%get3A_239, %get3A_240] {strides = array<i32>} : memref<128x128xf32, #tpu.memory_space<vmem>>, vector<16xf32>,
        %mul3A_242 = arith.mulf %get3A_241, %gather3A_231 : vector<16xf32>
        %swap3A_243 = arith.index_cast %scan3A_190 : i32 to index
        %swap3A_244 = arith.constant 80 : index
        %swap3A_245 = tpu.vector_load %arg23[%swap3A_243, %swap3A_244] {strides = array<i32>} : memref<128x128xf32, #tpu.memory_space<vmem>>, vector<16xf32>,
        tpu.vector_store %arg23[%swap3A_243, %swap3A_244], %mul3A_242 {strides = array<i32>} : memref<128x128xf32, #tpu.memory_space<vmem>>, vector<16xf32>,
        %add3A_246 = vector.broadcast %scan3A_190 : i32 to vector<16xi32>
        %add3A_247 = arith.addi %broadcast_in_dim3A_178, %add3A_246 : vector<16xi32>
        %broadcast_in_dim3A_248 = arith.constant 3 : i32
        %broadcast_in_dim3A_249 = vector.broadcast %broadcast_in_dim3A_248 : i32 to vector<16xi32>
        %gather3A_250 = tpu.vector_load_idx %arg24[%add3A_247, %broadcast_in_dim3A_249] : memref<128x8xf32, #tpu.memory_space<vmem>>[vector<16xi32>, vector<16xi32>], vector<16xf32>,
        %get3A_251 = arith.index_cast %scan3A_190 : i32 to index
        %get3A_252 = arith.constant 96 : index
        %get3A_253 = tpu.vector_load %arg23[%get3A_251, %get3A_252] {strides = array<i32>} : memref<128x128xf32, #tpu.memory_space<vmem>>, vector<16xf32>,
        %mul3A_254 = arith.mulf %get3A_253, %gather3A_250 : vector<16xf32>
        %swap3A_255 = arith.index_cast %scan3A_190 : i32 to index
        %swap3A_256 = arith.constant 96 : index
        %swap3A_257 = tpu.vector_load %arg23[%swap3A_255, %swap3A_256] {strides = array<i32>} : memref<128x128xf32, #tpu.memory_space<vmem>>, vector<16xf32>,
        tpu.vector_store %arg23[%swap3A_255, %swap3A_256], %mul3A_254 {strides = array<i32>} : memref<128x128xf32, #tpu.memory_space<vmem>>, vector<16xf32>,
        %get3A_258 = arith.index_cast %scan3A_190 : i32 to index
        %get3A_259 = arith.constant 112 : index
        %get3A_260 = tpu.vector_load %arg23[%get3A_258, %get3A_259] {strides = array<i32>} : memref<128x128xf32, #tpu.memory_space<vmem>>, vector<16xf32>,
        %mul3A_261 = arith.mulf %get3A_260, %gather3A_250 : vector<16xf32>
        %swap3A_262 = arith.index_cast %scan3A_190 : i32 to index
        %swap3A_263 = arith.constant 112 : index
        %swap3A_264 = tpu.vector_load %arg23[%swap3A_262, %swap3A_263] {strides = array<i32>} : memref<128x128xf32, #tpu.memory_space<vmem>>, vector<16xf32>,
        tpu.vector_store %arg23[%swap3A_262, %swap3A_263], %mul3A_261 {strides = array<i32>} : memref<128x128xf32, #tpu.memory_space<vmem>>, vector<16xf32>,
        %scan3A_265 = arith.constant 0 : i32
        scf.yield %scan3A_265 : i32
      }
      %scan3A_185 = arith.constant 128 : i32
      %dma_start3A_186 = arith.constant 0 : i32
      %dma_start3A_187 = arith.constant 0 : i32
      %dma_start3A_188 = tpu.memref_slice %arg11[%dma_start3A_186, %dma_start3A_187] : memref<10000x128xf32, #tpu.memory_space<vmem_shared>> -> memref<10000x128xf32, #tpu.memory_space<vmem_shared>>
      tpu.enqueue_indirect_dma source(%arg23 : memref<128x128xf32, #tpu.memory_space<vmem>>) target(%dma_start3A_188 : memref<10000x128xf32, #tpu.memory_space<vmem_shared>>) offsets(%arg20 : memref<128xi32, #tpu.memory_space<vmem>>) semaphore(%arg29 : memref<!tpu.dma_semaphore, #tpu.memory_space<semaphore_mem>>) {add = true}
      %scan3A_189 = arith.constant 0 : i32
      scf.yield %scan3A_189 : i32
    }
    %scan3A_65 = arith.constant 42 : i32
    %dma_wait3A = arith.constant 0 : i32
    %dma_wait3A_66 = arith.constant 0 : i32
    %dma_wait3A_67 = tpu.memref_slice %arg11[%dma_wait3A, %dma_wait3A_66] : memref<10000x128xf32, #tpu.memory_space<vmem_shared>> -> memref<10000x128xf32, #tpu.memory_space<vmem_shared>>
    tpu.wait_indirect_dma semaphore(%arg29 : memref<!tpu.dma_semaphore, #tpu.memory_space<semaphore_mem>>) src(%arg23 : memref<128x128xf32, #tpu.memory_space<vmem>>) dst(%dma_wait3A_67 : memref<10000x128xf32, #tpu.memory_space<vmem_shared>>)
    %barrier3A_68 = arith.constant 0 : index
    tpu.barrier barrier_id(%barrier3A_68)
    %add3A_69 = arith.constant 0 : i32
    %add3A_70 = arith.addi %mul3A_21, %add3A_69 : i32
    "tpu.region"() ({
      %run_scoped3A = tpu.sem_alloc : memref<!tpu.dma_semaphore, #tpu.memory_space<semaphore_mem>>
      %dma_start3A_79 = arith.constant 0 : i32
      %dma_start3A_80 = tpu.memref_slice %arg9[%arg0, %add3A_70, %dma_start3A_79] : memref<2x10000x128xf32, #tpu.memory_space<hbm>> -> memref<1x128x128xf32, #tpu.memory_space<hbm>>
      %dma_start3A_81 = tpu.memref_squeeze %dma_start3A_80 : memref<1x128x128xf32, #tpu.memory_space<hbm>> -> memref<128x128xf32, #tpu.memory_space<hbm>>
      %dma_start3A_82 = arith.constant 0 : i32
      %dma_start3A_83 = tpu.memref_slice %arg11[%add3A_70, %dma_start3A_82] : memref<10000x128xf32, #tpu.memory_space<vmem_shared>> -> memref<128x128xf32, #tpu.memory_space<vmem_shared>>
      tpu.enqueue_dma source(%dma_start3A_83 : memref<128x128xf32, #tpu.memory_space<vmem_shared>>) target(%dma_start3A_81 : memref<128x128xf32, #tpu.memory_space<hbm>>) target_semaphore(%run_scoped3A : memref<!tpu.dma_semaphore, #tpu.memory_space<semaphore_mem>>)
      %dma_wait3A_84 = arith.constant 0 : i32
      %dma_wait3A_85 = tpu.memref_slice %arg9[%arg0, %add3A_70, %dma_wait3A_84] : memref<2x10000x128xf32, #tpu.memory_space<hbm>> -> memref<1x128x128xf32, #tpu.memory_space<hbm>>
      %dma_wait3A_86 = tpu.memref_squeeze %dma_wait3A_85 : memref<1x128x128xf32, #tpu.memory_space<hbm>> -> memref<128x128xf32, #tpu.memory_space<hbm>>
      %dma_wait3A_87 = arith.constant 0 : i32
      %dma_wait3A_88 = tpu.memref_slice %arg11[%add3A_70, %dma_wait3A_87] : memref<10000x128xf32, #tpu.memory_space<vmem_shared>> -> memref<128x128xf32, #tpu.memory_space<vmem_shared>>
      tpu.wait_dma2 semaphore(%run_scoped3A : memref<!tpu.dma_semaphore, #tpu.memory_space<semaphore_mem>>) src(%dma_wait3A_88 : memref<128x128xf32, #tpu.memory_space<vmem_shared>>) dst(%dma_wait3A_86 : memref<128x128xf32, #tpu.memory_space<hbm>>)
      tpu.yield
    }) : () -> ()
    "tpu.region"() ({
      %run_scoped3A = tpu.sem_alloc : memref<!tpu.dma_semaphore, #tpu.memory_space<semaphore_mem>>
      %dma_start3A_79 = arith.constant 0 : i32
      %dma_start3A_80 = tpu.memref_slice %arg10[%arg0, %add3A_70, %dma_start3A_79] : memref<2x10000x8xf32, #tpu.memory_space<hbm>> -> memref<1x128x8xf32, #tpu.memory_space<hbm>>
      %dma_start3A_81 = tpu.memref_squeeze %dma_start3A_80 : memref<1x128x8xf32, #tpu.memory_space<hbm>> -> memref<128x8xf32, #tpu.memory_space<hbm>>
      %dma_start3A_82 = arith.constant 0 : i32
      %dma_start3A_83 = tpu.memref_slice %arg12[%add3A_70, %dma_start3A_82] : memref<10000x8xf32, #tpu.memory_space<vmem_shared>> -> memref<128x8xf32, #tpu.memory_space<vmem_shared>>
      tpu.enqueue_dma source(%dma_start3A_83 : memref<128x8xf32, #tpu.memory_space<vmem_shared>>) target(%dma_start3A_81 : memref<128x8xf32, #tpu.memory_space<hbm>>) target_semaphore(%run_scoped3A : memref<!tpu.dma_semaphore, #tpu.memory_space<semaphore_mem>>)
      %dma_wait3A_84 = arith.constant 0 : i32
      %dma_wait3A_85 = tpu.memref_slice %arg10[%arg0, %add3A_70, %dma_wait3A_84] : memref<2x10000x8xf32, #tpu.memory_space<hbm>> -> memref<1x128x8xf32, #tpu.memory_space<hbm>>
      %dma_wait3A_86 = tpu.memref_squeeze %dma_wait3A_85 : memref<1x128x8xf32, #tpu.memory_space<hbm>> -> memref<128x8xf32, #tpu.memory_space<hbm>>
      %dma_wait3A_87 = arith.constant 0 : i32
      %dma_wait3A_88 = tpu.memref_slice %arg12[%add3A_70, %dma_wait3A_87] : memref<10000x8xf32, #tpu.memory_space<vmem_shared>> -> memref<128x8xf32, #tpu.memory_space<vmem_shared>>
      tpu.wait_dma2 semaphore(%run_scoped3A : memref<!tpu.dma_semaphore, #tpu.memory_space<semaphore_mem>>) src(%dma_wait3A_88 : memref<128x8xf32, #tpu.memory_space<vmem_shared>>) dst(%dma_wait3A_86 : memref<128x8xf32, #tpu.memory_space<hbm>>)
      tpu.yield
    }) : () -> ()
    %add3A_71 = arith.constant 128 : i32
    %add3A_72 = arith.addi %mul3A_21, %add3A_71 : i32
    "tpu.region"() ({
      %run_scoped3A = tpu.sem_alloc : memref<!tpu.dma_semaphore, #tpu.memory_space<semaphore_mem>>
      %dma_start3A_79 = arith.constant 0 : i32
      %dma_start3A_80 = tpu.memref_slice %arg9[%arg0, %add3A_72, %dma_start3A_79] : memref<2x10000x128xf32, #tpu.memory_space<hbm>> -> memref<1x128x128xf32, #tpu.memory_space<hbm>>
      %dma_start3A_81 = tpu.memref_squeeze %dma_start3A_80 : memref<1x128x128xf32, #tpu.memory_space<hbm>> -> memref<128x128xf32, #tpu.memory_space<hbm>>
      %dma_start3A_82 = arith.constant 0 : i32
      %dma_start3A_83 = tpu.memref_slice %arg11[%add3A_72, %dma_start3A_82] : memref<10000x128xf32, #tpu.memory_space<vmem_shared>> -> memref<128x128xf32, #tpu.memory_space<vmem_shared>>
      tpu.enqueue_dma source(%dma_start3A_83 : memref<128x128xf32, #tpu.memory_space<vmem_shared>>) target(%dma_start3A_81 : memref<128x128xf32, #tpu.memory_space<hbm>>) target_semaphore(%run_scoped3A : memref<!tpu.dma_semaphore, #tpu.memory_space<semaphore_mem>>)
      %dma_wait3A_84 = arith.constant 0 : i32
      %dma_wait3A_85 = tpu.memref_slice %arg9[%arg0, %add3A_72, %dma_wait3A_84] : memref<2x10000x128xf32, #tpu.memory_space<hbm>> -> memref<1x128x128xf32, #tpu.memory_space<hbm>>
      %dma_wait3A_86 = tpu.memref_squeeze %dma_wait3A_85 : memref<1x128x128xf32, #tpu.memory_space<hbm>> -> memref<128x128xf32, #tpu.memory_space<hbm>>
      %dma_wait3A_87 = arith.constant 0 : i32
      %dma_wait3A_88 = tpu.memref_slice %arg11[%add3A_72, %dma_wait3A_87] : memref<10000x128xf32, #tpu.memory_space<vmem_shared>> -> memref<128x128xf32, #tpu.memory_space<vmem_shared>>
      tpu.wait_dma2 semaphore(%run_scoped3A : memref<!tpu.dma_semaphore, #tpu.memory_space<semaphore_mem>>) src(%dma_wait3A_88 : memref<128x128xf32, #tpu.memory_space<vmem_shared>>) dst(%dma_wait3A_86 : memref<128x128xf32, #tpu.memory_space<hbm>>)
      tpu.yield
    }) : () -> ()
    "tpu.region"() ({
      %run_scoped3A = tpu.sem_alloc : memref<!tpu.dma_semaphore, #tpu.memory_space<semaphore_mem>>
      %dma_start3A_79 = arith.constant 0 : i32
      %dma_start3A_80 = tpu.memref_slice %arg10[%arg0, %add3A_72, %dma_start3A_79] : memref<2x10000x8xf32, #tpu.memory_space<hbm>> -> memref<1x128x8xf32, #tpu.memory_space<hbm>>
      %dma_start3A_81 = tpu.memref_squeeze %dma_start3A_80 : memref<1x128x8xf32, #tpu.memory_space<hbm>> -> memref<128x8xf32, #tpu.memory_space<hbm>>
      %dma_start3A_82 = arith.constant 0 : i32
      %dma_start3A_83 = tpu.memref_slice %arg12[%add3A_72, %dma_start3A_82] : memref<10000x8xf32, #tpu.memory_space<vmem_shared>> -> memref<128x8xf32, #tpu.memory_space<vmem_shared>>
      tpu.enqueue_dma source(%dma_start3A_83 : memref<128x8xf32, #tpu.memory_space<vmem_shared>>) target(%dma_start3A_81 : memref<128x8xf32, #tpu.memory_space<hbm>>) target_semaphore(%run_scoped3A : memref<!tpu.dma_semaphore, #tpu.memory_space<semaphore_mem>>)
      %dma_wait3A_84 = arith.constant 0 : i32
      %dma_wait3A_85 = tpu.memref_slice %arg10[%arg0, %add3A_72, %dma_wait3A_84] : memref<2x10000x8xf32, #tpu.memory_space<hbm>> -> memref<1x128x8xf32, #tpu.memory_space<hbm>>
      %dma_wait3A_86 = tpu.memref_squeeze %dma_wait3A_85 : memref<1x128x8xf32, #tpu.memory_space<hbm>> -> memref<128x8xf32, #tpu.memory_space<hbm>>
      %dma_wait3A_87 = arith.constant 0 : i32
      %dma_wait3A_88 = tpu.memref_slice %arg12[%add3A_72, %dma_wait3A_87] : memref<10000x8xf32, #tpu.memory_space<vmem_shared>> -> memref<128x8xf32, #tpu.memory_space<vmem_shared>>
      tpu.wait_dma2 semaphore(%run_scoped3A : memref<!tpu.dma_semaphore, #tpu.memory_space<semaphore_mem>>) src(%dma_wait3A_88 : memref<128x8xf32, #tpu.memory_space<vmem_shared>>) dst(%dma_wait3A_86 : memref<128x8xf32, #tpu.memory_space<hbm>>)
      tpu.yield
    }) : () -> ()
    %add3A_73 = arith.constant 256 : i32
    %add3A_74 = arith.addi %mul3A_21, %add3A_73 : i32
    "tpu.region"() ({
      %run_scoped3A = tpu.sem_alloc : memref<!tpu.dma_semaphore, #tpu.memory_space<semaphore_mem>>
      %dma_start3A_79 = arith.constant 0 : i32
      %dma_start3A_80 = tpu.memref_slice %arg9[%arg0, %add3A_74, %dma_start3A_79] : memref<2x10000x128xf32, #tpu.memory_space<hbm>> -> memref<1x128x128xf32, #tpu.memory_space<hbm>>
      %dma_start3A_81 = tpu.memref_squeeze %dma_start3A_80 : memref<1x128x128xf32, #tpu.memory_space<hbm>> -> memref<128x128xf32, #tpu.memory_space<hbm>>
      %dma_start3A_82 = arith.constant 0 : i32
      %dma_start3A_83 = tpu.memref_slice %arg11[%add3A_74, %dma_start3A_82] : memref<10000x128xf32, #tpu.memory_space<vmem_shared>> -> memref<128x128xf32, #tpu.memory_space<vmem_shared>>
      tpu.enqueue_dma source(%dma_start3A_83 : memref<128x128xf32, #tpu.memory_space<vmem_shared>>) target(%dma_start3A_81 : memref<128x128xf32, #tpu.memory_space<hbm>>) target_semaphore(%run_scoped3A : memref<!tpu.dma_semaphore, #tpu.memory_space<semaphore_mem>>)
      %dma_wait3A_84 = arith.constant 0 : i32
      %dma_wait3A_85 = tpu.memref_slice %arg9[%arg0, %add3A_74, %dma_wait3A_84] : memref<2x10000x128xf32, #tpu.memory_space<hbm>> -> memref<1x128x128xf32, #tpu.memory_space<hbm>>
      %dma_wait3A_86 = tpu.memref_squeeze %dma_wait3A_85 : memref<1x128x128xf32, #tpu.memory_space<hbm>> -> memref<128x128xf32, #tpu.memory_space<hbm>>
      %dma_wait3A_87 = arith.constant 0 : i32
      %dma_wait3A_88 = tpu.memref_slice %arg11[%add3A_74, %dma_wait3A_87] : memref<10000x128xf32, #tpu.memory_space<vmem_shared>> -> memref<128x128xf32, #tpu.memory_space<vmem_shared>>
      tpu.wait_dma2 semaphore(%run_scoped3A : memref<!tpu.dma_semaphore, #tpu.memory_space<semaphore_mem>>) src(%dma_wait3A_88 : memref<128x128xf32, #tpu.memory_space<vmem_shared>>) dst(%dma_wait3A_86 : memref<128x128xf32, #tpu.memory_space<hbm>>)
      tpu.yield
    }) : () -> ()
    "tpu.region"() ({
      %run_scoped3A = tpu.sem_alloc : memref<!tpu.dma_semaphore, #tpu.memory_space<semaphore_mem>>
      %dma_start3A_79 = arith.constant 0 : i32
      %dma_start3A_80 = tpu.memref_slice %arg10[%arg0, %add3A_74, %dma_start3A_79] : memref<2x10000x8xf32, #tpu.memory_space<hbm>> -> memref<1x128x8xf32, #tpu.memory_space<hbm>>
      %dma_start3A_81 = tpu.memref_squeeze %dma_start3A_80 : memref<1x128x8xf32, #tpu.memory_space<hbm>> -> memref<128x8xf32, #tpu.memory_space<hbm>>
      %dma_start3A_82 = arith.constant 0 : i32
      %dma_start3A_83 = tpu.memref_slice %arg12[%add3A_74, %dma_start3A_82] : memref<10000x8xf32, #tpu.memory_space<vmem_shared>> -> memref<128x8xf32, #tpu.memory_space<vmem_shared>>
      tpu.enqueue_dma source(%dma_start3A_83 : memref<128x8xf32, #tpu.memory_space<vmem_shared>>) target(%dma_start3A_81 : memref<128x8xf32, #tpu.memory_space<hbm>>) target_semaphore(%run_scoped3A : memref<!tpu.dma_semaphore, #tpu.memory_space<semaphore_mem>>)
      %dma_wait3A_84 = arith.constant 0 : i32
      %dma_wait3A_85 = tpu.memref_slice %arg10[%arg0, %add3A_74, %dma_wait3A_84] : memref<2x10000x8xf32, #tpu.memory_space<hbm>> -> memref<1x128x8xf32, #tpu.memory_space<hbm>>
      %dma_wait3A_86 = tpu.memref_squeeze %dma_wait3A_85 : memref<1x128x8xf32, #tpu.memory_space<hbm>> -> memref<128x8xf32, #tpu.memory_space<hbm>>
      %dma_wait3A_87 = arith.constant 0 : i32
      %dma_wait3A_88 = tpu.memref_slice %arg12[%add3A_74, %dma_wait3A_87] : memref<10000x8xf32, #tpu.memory_space<vmem_shared>> -> memref<128x8xf32, #tpu.memory_space<vmem_shared>>
      tpu.wait_dma2 semaphore(%run_scoped3A : memref<!tpu.dma_semaphore, #tpu.memory_space<semaphore_mem>>) src(%dma_wait3A_88 : memref<128x8xf32, #tpu.memory_space<vmem_shared>>) dst(%dma_wait3A_86 : memref<128x8xf32, #tpu.memory_space<hbm>>)
      tpu.yield
    }) : () -> ()
    %add3A_75 = arith.constant 384 : i32
    %add3A_76 = arith.addi %mul3A_21, %add3A_75 : i32
    "tpu.region"() ({
      %run_scoped3A = tpu.sem_alloc : memref<!tpu.dma_semaphore, #tpu.memory_space<semaphore_mem>>
      %dma_start3A_79 = arith.constant 0 : i32
      %dma_start3A_80 = tpu.memref_slice %arg9[%arg0, %add3A_76, %dma_start3A_79] : memref<2x10000x128xf32, #tpu.memory_space<hbm>> -> memref<1x128x128xf32, #tpu.memory_space<hbm>>
      %dma_start3A_81 = tpu.memref_squeeze %dma_start3A_80 : memref<1x128x128xf32, #tpu.memory_space<hbm>> -> memref<128x128xf32, #tpu.memory_space<hbm>>
      %dma_start3A_82 = arith.constant 0 : i32
      %dma_start3A_83 = tpu.memref_slice %arg11[%add3A_76, %dma_start3A_82] : memref<10000x128xf32, #tpu.memory_space<vmem_shared>> -> memref<128x128xf32, #tpu.memory_space<vmem_shared>>
      tpu.enqueue_dma source(%dma_start3A_83 : memref<128x128xf32, #tpu.memory_space<vmem_shared>>) target(%dma_start3A_81 : memref<128x128xf32, #tpu.memory_space<hbm>>) target_semaphore(%run_scoped3A : memref<!tpu.dma_semaphore, #tpu.memory_space<semaphore_mem>>)
      %dma_wait3A_84 = arith.constant 0 : i32
      %dma_wait3A_85 = tpu.memref_slice %arg9[%arg0, %add3A_76, %dma_wait3A_84] : memref<2x10000x128xf32, #tpu.memory_space<hbm>> -> memref<1x128x128xf32, #tpu.memory_space<hbm>>
      %dma_wait3A_86 = tpu.memref_squeeze %dma_wait3A_85 : memref<1x128x128xf32, #tpu.memory_space<hbm>> -> memref<128x128xf32, #tpu.memory_space<hbm>>
      %dma_wait3A_87 = arith.constant 0 : i32
      %dma_wait3A_88 = tpu.memref_slice %arg11[%add3A_76, %dma_wait3A_87] : memref<10000x128xf32, #tpu.memory_space<vmem_shared>> -> memref<128x128xf32, #tpu.memory_space<vmem_shared>>
      tpu.wait_dma2 semaphore(%run_scoped3A : memref<!tpu.dma_semaphore, #tpu.memory_space<semaphore_mem>>) src(%dma_wait3A_88 : memref<128x128xf32, #tpu.memory_space<vmem_shared>>) dst(%dma_wait3A_86 : memref<128x128xf32, #tpu.memory_space<hbm>>)
      tpu.yield
    }) : () -> ()
    "tpu.region"() ({
      %run_scoped3A = tpu.sem_alloc : memref<!tpu.dma_semaphore, #tpu.memory_space<semaphore_mem>>
      %dma_start3A_79 = arith.constant 0 : i32
      %dma_start3A_80 = tpu.memref_slice %arg10[%arg0, %add3A_76, %dma_start3A_79] : memref<2x10000x8xf32, #tpu.memory_space<hbm>> -> memref<1x128x8xf32, #tpu.memory_space<hbm>>
      %dma_start3A_81 = tpu.memref_squeeze %dma_start3A_80 : memref<1x128x8xf32, #tpu.memory_space<hbm>> -> memref<128x8xf32, #tpu.memory_space<hbm>>
      %dma_start3A_82 = arith.constant 0 : i32
      %dma_start3A_83 = tpu.memref_slice %arg12[%add3A_76, %dma_start3A_82] : memref<10000x8xf32, #tpu.memory_space<vmem_shared>> -> memref<128x8xf32, #tpu.memory_space<vmem_shared>>
      tpu.enqueue_dma source(%dma_start3A_83 : memref<128x8xf32, #tpu.memory_space<vmem_shared>>) target(%dma_start3A_81 : memref<128x8xf32, #tpu.memory_space<hbm>>) target_semaphore(%run_scoped3A : memref<!tpu.dma_semaphore, #tpu.memory_space<semaphore_mem>>)
      %dma_wait3A_84 = arith.constant 0 : i32
      %dma_wait3A_85 = tpu.memref_slice %arg10[%arg0, %add3A_76, %dma_wait3A_84] : memref<2x10000x8xf32, #tpu.memory_space<hbm>> -> memref<1x128x8xf32, #tpu.memory_space<hbm>>
      %dma_wait3A_86 = tpu.memref_squeeze %dma_wait3A_85 : memref<1x128x8xf32, #tpu.memory_space<hbm>> -> memref<128x8xf32, #tpu.memory_space<hbm>>
      %dma_wait3A_87 = arith.constant 0 : i32
      %dma_wait3A_88 = tpu.memref_slice %arg12[%add3A_76, %dma_wait3A_87] : memref<10000x8xf32, #tpu.memory_space<vmem_shared>> -> memref<128x8xf32, #tpu.memory_space<vmem_shared>>
      tpu.wait_dma2 semaphore(%run_scoped3A : memref<!tpu.dma_semaphore, #tpu.memory_space<semaphore_mem>>) src(%dma_wait3A_88 : memref<128x8xf32, #tpu.memory_space<vmem_shared>>) dst(%dma_wait3A_86 : memref<128x8xf32, #tpu.memory_space<hbm>>)
      tpu.yield
    }) : () -> ()
    %add3A_77 = arith.constant 512 : i32
    %add3A_78 = arith.addi %mul3A_21, %add3A_77 : i32
    "tpu.region"() ({
      %run_scoped3A = tpu.sem_alloc : memref<!tpu.dma_semaphore, #tpu.memory_space<semaphore_mem>>
      %dma_start3A_79 = arith.constant 0 : i32
      %dma_start3A_80 = tpu.memref_slice %arg9[%arg0, %add3A_78, %dma_start3A_79] : memref<2x10000x128xf32, #tpu.memory_space<hbm>> -> memref<1x113x128xf32, #tpu.memory_space<hbm>>
      %dma_start3A_81 = tpu.memref_squeeze %dma_start3A_80 : memref<1x113x128xf32, #tpu.memory_space<hbm>> -> memref<113x128xf32, #tpu.memory_space<hbm>>
      %dma_start3A_82 = arith.constant 0 : i32
      %dma_start3A_83 = tpu.memref_slice %arg11[%add3A_78, %dma_start3A_82] : memref<10000x128xf32, #tpu.memory_space<vmem_shared>> -> memref<113x128xf32, #tpu.memory_space<vmem_shared>>
      tpu.enqueue_dma source(%dma_start3A_83 : memref<113x128xf32, #tpu.memory_space<vmem_shared>>) target(%dma_start3A_81 : memref<113x128xf32, #tpu.memory_space<hbm>>) target_semaphore(%run_scoped3A : memref<!tpu.dma_semaphore, #tpu.memory_space<semaphore_mem>>)
      %dma_wait3A_84 = arith.constant 0 : i32
      %dma_wait3A_85 = tpu.memref_slice %arg9[%arg0, %add3A_78, %dma_wait3A_84] : memref<2x10000x128xf32, #tpu.memory_space<hbm>> -> memref<1x113x128xf32, #tpu.memory_space<hbm>>
      %dma_wait3A_86 = tpu.memref_squeeze %dma_wait3A_85 : memref<1x113x128xf32, #tpu.memory_space<hbm>> -> memref<113x128xf32, #tpu.memory_space<hbm>>
      %dma_wait3A_87 = arith.constant 0 : i32
      %dma_wait3A_88 = tpu.memref_slice %arg11[%add3A_78, %dma_wait3A_87] : memref<10000x128xf32, #tpu.memory_space<vmem_shared>> -> memref<113x128xf32, #tpu.memory_space<vmem_shared>>
      tpu.wait_dma2 semaphore(%run_scoped3A : memref<!tpu.dma_semaphore, #tpu.memory_space<semaphore_mem>>) src(%dma_wait3A_88 : memref<113x128xf32, #tpu.memory_space<vmem_shared>>) dst(%dma_wait3A_86 : memref<113x128xf32, #tpu.memory_space<hbm>>)
      tpu.yield
    }) : () -> ()
    "tpu.region"() ({
      %run_scoped3A = tpu.sem_alloc : memref<!tpu.dma_semaphore, #tpu.memory_space<semaphore_mem>>
      %dma_start3A_79 = arith.constant 0 : i32
      %dma_start3A_80 = tpu.memref_slice %arg10[%arg0, %add3A_78, %dma_start3A_79] : memref<2x10000x8xf32, #tpu.memory_space<hbm>> -> memref<1x113x8xf32, #tpu.memory_space<hbm>>
      %dma_start3A_81 = tpu.memref_squeeze %dma_start3A_80 : memref<1x113x8xf32, #tpu.memory_space<hbm>> -> memref<113x8xf32, #tpu.memory_space<hbm>>
      %dma_start3A_82 = arith.constant 0 : i32
      %dma_start3A_83 = tpu.memref_slice %arg12[%add3A_78, %dma_start3A_82] : memref<10000x8xf32, #tpu.memory_space<vmem_shared>> -> memref<113x8xf32, #tpu.memory_space<vmem_shared>>
      tpu.enqueue_dma source(%dma_start3A_83 : memref<113x8xf32, #tpu.memory_space<vmem_shared>>) target(%dma_start3A_81 : memref<113x8xf32, #tpu.memory_space<hbm>>) target_semaphore(%run_scoped3A : memref<!tpu.dma_semaphore, #tpu.memory_space<semaphore_mem>>)
      %dma_wait3A_84 = arith.constant 0 : i32
      %dma_wait3A_85 = tpu.memref_slice %arg10[%arg0, %add3A_78, %dma_wait3A_84] : memref<2x10000x8xf32, #tpu.memory_space<hbm>> -> memref<1x113x8xf32, #tpu.memory_space<hbm>>
      %dma_wait3A_86 = tpu.memref_squeeze %dma_wait3A_85 : memref<1x113x8xf32, #tpu.memory_space<hbm>> -> memref<113x8xf32, #tpu.memory_space<hbm>>
      %dma_wait3A_87 = arith.constant 0 : i32
      %dma_wait3A_88 = tpu.memref_slice %arg12[%add3A_78, %dma_wait3A_87] : memref<10000x8xf32, #tpu.memory_space<vmem_shared>> -> memref<113x8xf32, #tpu.memory_space<vmem_shared>>
      tpu.wait_dma2 semaphore(%run_scoped3A : memref<!tpu.dma_semaphore, #tpu.memory_space<semaphore_mem>>) src(%dma_wait3A_88 : memref<113x8xf32, #tpu.memory_space<vmem_shared>>) dst(%dma_wait3A_86 : memref<113x8xf32, #tpu.memory_space<hbm>>)
      tpu.yield
    }) : () -> ()
    return
  }
}

#map = affine_map<(d0, d1) -> (0)>
#map1 = affine_map<(d0, d1) -> (0, 0)>
#map2 = affine_map<(d0, d1) -> (0, 0, 0)>
module attributes {stable_mosaic.version = 14 : i64} {
  func.func @_hist_kernel(%arg0: i32, %arg1: i32, %arg2: memref<172032xi32, #tpu.memory_space<hbm>>, %arg3: memref<172032xi32, #tpu.memory_space<hbm>>, %arg4: memref<10000x16xi32, #tpu.memory_space<hbm>>, %arg5: memref<2x10000x64xf32, #tpu.memory_space<hbm>>, %arg6: memref<10000x64xf32, #tpu.memory_space<vmem_shared>>, %arg7: memref<128xi32, #tpu.memory_space<vmem>>, %arg8: memref<128xi32, #tpu.memory_space<vmem>>, %arg9: memref<128x16xi32, #tpu.memory_space<vmem>>, %arg10: memref<128x64xf32, #tpu.memory_space<vmem>>, %arg11: memref<!tpu.dma_semaphore, #tpu.memory_space<semaphore_mem>>) attributes {dimension_semantics = [#tpu.dimension_semantics<core_parallel>, #tpu.dimension_semantics<subcore_parallel>], iteration_bounds = array<i64: 2, 16>, scalar_prefetch = 0 : i64, scratch_operands = 6 : i64, tpu.core_type = #tpu.core_type<sc_vector_subcore>, window_params = [{transform_indices = #map}, {transform_indices = #map}, {transform_indices = #map1}, {transform_indices = #map2}]} {
    %iota3A = tpu.iota {dimensions = array<i32: 0>} : vector<16xi32>
    %broadcast_in_dim3A = arith.constant 0.000000e+00 : f32
    %broadcast_in_dim3A_0 = vector.broadcast %broadcast_in_dim3A : f32 to vector<16xf32>
    %scan3A = arith.constant 0 : i32
    %scan3A_1 = arith.constant 0 : i32
    %scan3A_2 = arith.constant 128 : i32
    %scan3A_3 = arith.addi %scan3A_1, %scan3A_2 : i32
    %scan3A_4 = arith.constant 1 : i32
    %scan3A_5 = scf.for %scan3A_35 = %scan3A_1 to %scan3A_3 step %scan3A_4 iter_args(%scan3A_36 = %scan3A) -> (i32)  : i32 {
      %swap3A = arith.index_cast %scan3A_35 : i32 to index
      %swap3A_37 = arith.constant 0 : index
      %swap3A_38 = tpu.vector_load %arg10[%swap3A, %swap3A_37] {strides = array<i32>} : memref<128x64xf32, #tpu.memory_space<vmem>>, vector<16xf32>,
      tpu.vector_store %arg10[%swap3A, %swap3A_37], %broadcast_in_dim3A_0 {strides = array<i32>} : memref<128x64xf32, #tpu.memory_space<vmem>>, vector<16xf32>,
      %swap3A_39 = arith.index_cast %scan3A_35 : i32 to index
      %swap3A_40 = arith.constant 16 : index
      %swap3A_41 = tpu.vector_load %arg10[%swap3A_39, %swap3A_40] {strides = array<i32>} : memref<128x64xf32, #tpu.memory_space<vmem>>, vector<16xf32>,
      tpu.vector_store %arg10[%swap3A_39, %swap3A_40], %broadcast_in_dim3A_0 {strides = array<i32>} : memref<128x64xf32, #tpu.memory_space<vmem>>, vector<16xf32>,
      %swap3A_42 = arith.index_cast %scan3A_35 : i32 to index
      %swap3A_43 = arith.constant 32 : index
      %swap3A_44 = tpu.vector_load %arg10[%swap3A_42, %swap3A_43] {strides = array<i32>} : memref<128x64xf32, #tpu.memory_space<vmem>>, vector<16xf32>,
      tpu.vector_store %arg10[%swap3A_42, %swap3A_43], %broadcast_in_dim3A_0 {strides = array<i32>} : memref<128x64xf32, #tpu.memory_space<vmem>>, vector<16xf32>,
      %swap3A_45 = arith.index_cast %scan3A_35 : i32 to index
      %swap3A_46 = arith.constant 48 : index
      %swap3A_47 = tpu.vector_load %arg10[%swap3A_45, %swap3A_46] {strides = array<i32>} : memref<128x64xf32, #tpu.memory_space<vmem>>, vector<16xf32>,
      tpu.vector_store %arg10[%swap3A_45, %swap3A_46], %broadcast_in_dim3A_0 {strides = array<i32>} : memref<128x64xf32, #tpu.memory_space<vmem>>, vector<16xf32>,
      %scan3A_48 = arith.constant 0 : i32
      scf.yield %scan3A_48 : i32
    }
    %scan3A_6 = arith.constant 128 : i32
    %mul3A = arith.constant 625 : i32
    %mul3A_7 = arith.muli %arg1, %mul3A : i32
    %add3A = arith.constant 0 : i32
    %add3A_8 = arith.addi %mul3A_7, %add3A : i32
    "tpu.region"() ({
      %run_scoped3A = tpu.sem_alloc : memref<!tpu.dma_semaphore, #tpu.memory_space<semaphore_mem>>
      %dma_start3A = arith.constant 0 : i32
      %dma_start3A_35 = arith.constant 0 : i32
      %dma_start3A_36 = tpu.memref_slice %arg10[%dma_start3A, %dma_start3A_35] : memref<128x64xf32, #tpu.memory_space<vmem>> -> memref<128x64xf32, #tpu.memory_space<vmem>>
      %dma_start3A_37 = arith.constant 0 : i32
      %dma_start3A_38 = tpu.memref_slice %arg6[%add3A_8, %dma_start3A_37] : memref<10000x64xf32, #tpu.memory_space<vmem_shared>> -> memref<128x64xf32, #tpu.memory_space<vmem_shared>>
      %dma_start3A_39 = arith.constant 0 : i32
      %dma_start3A_40 = tpu.memref_slice %arg6[%add3A_8, %dma_start3A_39] : memref<10000x64xf32, #tpu.memory_space<vmem_shared>> -> memref<128x64xf32, #tpu.memory_space<vmem_shared>>
      %dma_start3A_41 = arith.constant 0 : i32
      %dma_start3A_42 = arith.constant 0 : i32
      %dma_start3A_43 = tpu.memref_slice %arg10[%dma_start3A_41, %dma_start3A_42] : memref<128x64xf32, #tpu.memory_space<vmem>> -> memref<128x64xf32, #tpu.memory_space<vmem>>
      tpu.enqueue_dma source(%dma_start3A_43 : memref<128x64xf32, #tpu.memory_space<vmem>>) target(%dma_start3A_40 : memref<128x64xf32, #tpu.memory_space<vmem_shared>>) target_semaphore(%run_scoped3A : memref<!tpu.dma_semaphore, #tpu.memory_space<semaphore_mem>>)
      %dma_wait3A = arith.constant 0 : i32
      %dma_wait3A_44 = arith.constant 0 : i32
      %dma_wait3A_45 = tpu.memref_slice %arg10[%dma_wait3A, %dma_wait3A_44] : memref<128x64xf32, #tpu.memory_space<vmem>> -> memref<128x64xf32, #tpu.memory_space<vmem>>
      %dma_wait3A_46 = arith.constant 0 : i32
      %dma_wait3A_47 = tpu.memref_slice %arg6[%add3A_8, %dma_wait3A_46] : memref<10000x64xf32, #tpu.memory_space<vmem_shared>> -> memref<128x64xf32, #tpu.memory_space<vmem_shared>>
      %dma_wait3A_48 = arith.constant 0 : i32
      %dma_wait3A_49 = tpu.memref_slice %arg6[%add3A_8, %dma_wait3A_48] : memref<10000x64xf32, #tpu.memory_space<vmem_shared>> -> memref<128x64xf32, #tpu.memory_space<vmem_shared>>
      %dma_wait3A_50 = arith.constant 0 : i32
      %dma_wait3A_51 = arith.constant 0 : i32
      %dma_wait3A_52 = tpu.memref_slice %arg10[%dma_wait3A_50, %dma_wait3A_51] : memref<128x64xf32, #tpu.memory_space<vmem>> -> memref<128x64xf32, #tpu.memory_space<vmem>>
      tpu.wait_dma2 semaphore(%run_scoped3A : memref<!tpu.dma_semaphore, #tpu.memory_space<semaphore_mem>>) src(%dma_wait3A_52 : memref<128x64xf32, #tpu.memory_space<vmem>>) dst(%dma_wait3A_49 : memref<128x64xf32, #tpu.memory_space<vmem_shared>>)
      tpu.yield
    }) : () -> ()
    %add3A_9 = arith.constant 128 : i32
    %add3A_10 = arith.addi %mul3A_7, %add3A_9 : i32
    "tpu.region"() ({
      %run_scoped3A = tpu.sem_alloc : memref<!tpu.dma_semaphore, #tpu.memory_space<semaphore_mem>>
      %dma_start3A = arith.constant 0 : i32
      %dma_start3A_35 = arith.constant 0 : i32
      %dma_start3A_36 = tpu.memref_slice %arg10[%dma_start3A, %dma_start3A_35] : memref<128x64xf32, #tpu.memory_space<vmem>> -> memref<128x64xf32, #tpu.memory_space<vmem>>
      %dma_start3A_37 = arith.constant 0 : i32
      %dma_start3A_38 = tpu.memref_slice %arg6[%add3A_10, %dma_start3A_37] : memref<10000x64xf32, #tpu.memory_space<vmem_shared>> -> memref<128x64xf32, #tpu.memory_space<vmem_shared>>
      %dma_start3A_39 = arith.constant 0 : i32
      %dma_start3A_40 = tpu.memref_slice %arg6[%add3A_10, %dma_start3A_39] : memref<10000x64xf32, #tpu.memory_space<vmem_shared>> -> memref<128x64xf32, #tpu.memory_space<vmem_shared>>
      %dma_start3A_41 = arith.constant 0 : i32
      %dma_start3A_42 = arith.constant 0 : i32
      %dma_start3A_43 = tpu.memref_slice %arg10[%dma_start3A_41, %dma_start3A_42] : memref<128x64xf32, #tpu.memory_space<vmem>> -> memref<128x64xf32, #tpu.memory_space<vmem>>
      tpu.enqueue_dma source(%dma_start3A_43 : memref<128x64xf32, #tpu.memory_space<vmem>>) target(%dma_start3A_40 : memref<128x64xf32, #tpu.memory_space<vmem_shared>>) target_semaphore(%run_scoped3A : memref<!tpu.dma_semaphore, #tpu.memory_space<semaphore_mem>>)
      %dma_wait3A = arith.constant 0 : i32
      %dma_wait3A_44 = arith.constant 0 : i32
      %dma_wait3A_45 = tpu.memref_slice %arg10[%dma_wait3A, %dma_wait3A_44] : memref<128x64xf32, #tpu.memory_space<vmem>> -> memref<128x64xf32, #tpu.memory_space<vmem>>
      %dma_wait3A_46 = arith.constant 0 : i32
      %dma_wait3A_47 = tpu.memref_slice %arg6[%add3A_10, %dma_wait3A_46] : memref<10000x64xf32, #tpu.memory_space<vmem_shared>> -> memref<128x64xf32, #tpu.memory_space<vmem_shared>>
      %dma_wait3A_48 = arith.constant 0 : i32
      %dma_wait3A_49 = tpu.memref_slice %arg6[%add3A_10, %dma_wait3A_48] : memref<10000x64xf32, #tpu.memory_space<vmem_shared>> -> memref<128x64xf32, #tpu.memory_space<vmem_shared>>
      %dma_wait3A_50 = arith.constant 0 : i32
      %dma_wait3A_51 = arith.constant 0 : i32
      %dma_wait3A_52 = tpu.memref_slice %arg10[%dma_wait3A_50, %dma_wait3A_51] : memref<128x64xf32, #tpu.memory_space<vmem>> -> memref<128x64xf32, #tpu.memory_space<vmem>>
      tpu.wait_dma2 semaphore(%run_scoped3A : memref<!tpu.dma_semaphore, #tpu.memory_space<semaphore_mem>>) src(%dma_wait3A_52 : memref<128x64xf32, #tpu.memory_space<vmem>>) dst(%dma_wait3A_49 : memref<128x64xf32, #tpu.memory_space<vmem_shared>>)
      tpu.yield
    }) : () -> ()
    %add3A_11 = arith.constant 256 : i32
    %add3A_12 = arith.addi %mul3A_7, %add3A_11 : i32
    "tpu.region"() ({
      %run_scoped3A = tpu.sem_alloc : memref<!tpu.dma_semaphore, #tpu.memory_space<semaphore_mem>>
      %dma_start3A = arith.constant 0 : i32
      %dma_start3A_35 = arith.constant 0 : i32
      %dma_start3A_36 = tpu.memref_slice %arg10[%dma_start3A, %dma_start3A_35] : memref<128x64xf32, #tpu.memory_space<vmem>> -> memref<128x64xf32, #tpu.memory_space<vmem>>
      %dma_start3A_37 = arith.constant 0 : i32
      %dma_start3A_38 = tpu.memref_slice %arg6[%add3A_12, %dma_start3A_37] : memref<10000x64xf32, #tpu.memory_space<vmem_shared>> -> memref<128x64xf32, #tpu.memory_space<vmem_shared>>
      %dma_start3A_39 = arith.constant 0 : i32
      %dma_start3A_40 = tpu.memref_slice %arg6[%add3A_12, %dma_start3A_39] : memref<10000x64xf32, #tpu.memory_space<vmem_shared>> -> memref<128x64xf32, #tpu.memory_space<vmem_shared>>
      %dma_start3A_41 = arith.constant 0 : i32
      %dma_start3A_42 = arith.constant 0 : i32
      %dma_start3A_43 = tpu.memref_slice %arg10[%dma_start3A_41, %dma_start3A_42] : memref<128x64xf32, #tpu.memory_space<vmem>> -> memref<128x64xf32, #tpu.memory_space<vmem>>
      tpu.enqueue_dma source(%dma_start3A_43 : memref<128x64xf32, #tpu.memory_space<vmem>>) target(%dma_start3A_40 : memref<128x64xf32, #tpu.memory_space<vmem_shared>>) target_semaphore(%run_scoped3A : memref<!tpu.dma_semaphore, #tpu.memory_space<semaphore_mem>>)
      %dma_wait3A = arith.constant 0 : i32
      %dma_wait3A_44 = arith.constant 0 : i32
      %dma_wait3A_45 = tpu.memref_slice %arg10[%dma_wait3A, %dma_wait3A_44] : memref<128x64xf32, #tpu.memory_space<vmem>> -> memref<128x64xf32, #tpu.memory_space<vmem>>
      %dma_wait3A_46 = arith.constant 0 : i32
      %dma_wait3A_47 = tpu.memref_slice %arg6[%add3A_12, %dma_wait3A_46] : memref<10000x64xf32, #tpu.memory_space<vmem_shared>> -> memref<128x64xf32, #tpu.memory_space<vmem_shared>>
      %dma_wait3A_48 = arith.constant 0 : i32
      %dma_wait3A_49 = tpu.memref_slice %arg6[%add3A_12, %dma_wait3A_48] : memref<10000x64xf32, #tpu.memory_space<vmem_shared>> -> memref<128x64xf32, #tpu.memory_space<vmem_shared>>
      %dma_wait3A_50 = arith.constant 0 : i32
      %dma_wait3A_51 = arith.constant 0 : i32
      %dma_wait3A_52 = tpu.memref_slice %arg10[%dma_wait3A_50, %dma_wait3A_51] : memref<128x64xf32, #tpu.memory_space<vmem>> -> memref<128x64xf32, #tpu.memory_space<vmem>>
      tpu.wait_dma2 semaphore(%run_scoped3A : memref<!tpu.dma_semaphore, #tpu.memory_space<semaphore_mem>>) src(%dma_wait3A_52 : memref<128x64xf32, #tpu.memory_space<vmem>>) dst(%dma_wait3A_49 : memref<128x64xf32, #tpu.memory_space<vmem_shared>>)
      tpu.yield
    }) : () -> ()
    %add3A_13 = arith.constant 384 : i32
    %add3A_14 = arith.addi %mul3A_7, %add3A_13 : i32
    "tpu.region"() ({
      %run_scoped3A = tpu.sem_alloc : memref<!tpu.dma_semaphore, #tpu.memory_space<semaphore_mem>>
      %dma_start3A = arith.constant 0 : i32
      %dma_start3A_35 = arith.constant 0 : i32
      %dma_start3A_36 = tpu.memref_slice %arg10[%dma_start3A, %dma_start3A_35] : memref<128x64xf32, #tpu.memory_space<vmem>> -> memref<128x64xf32, #tpu.memory_space<vmem>>
      %dma_start3A_37 = arith.constant 0 : i32
      %dma_start3A_38 = tpu.memref_slice %arg6[%add3A_14, %dma_start3A_37] : memref<10000x64xf32, #tpu.memory_space<vmem_shared>> -> memref<128x64xf32, #tpu.memory_space<vmem_shared>>
      %dma_start3A_39 = arith.constant 0 : i32
      %dma_start3A_40 = tpu.memref_slice %arg6[%add3A_14, %dma_start3A_39] : memref<10000x64xf32, #tpu.memory_space<vmem_shared>> -> memref<128x64xf32, #tpu.memory_space<vmem_shared>>
      %dma_start3A_41 = arith.constant 0 : i32
      %dma_start3A_42 = arith.constant 0 : i32
      %dma_start3A_43 = tpu.memref_slice %arg10[%dma_start3A_41, %dma_start3A_42] : memref<128x64xf32, #tpu.memory_space<vmem>> -> memref<128x64xf32, #tpu.memory_space<vmem>>
      tpu.enqueue_dma source(%dma_start3A_43 : memref<128x64xf32, #tpu.memory_space<vmem>>) target(%dma_start3A_40 : memref<128x64xf32, #tpu.memory_space<vmem_shared>>) target_semaphore(%run_scoped3A : memref<!tpu.dma_semaphore, #tpu.memory_space<semaphore_mem>>)
      %dma_wait3A = arith.constant 0 : i32
      %dma_wait3A_44 = arith.constant 0 : i32
      %dma_wait3A_45 = tpu.memref_slice %arg10[%dma_wait3A, %dma_wait3A_44] : memref<128x64xf32, #tpu.memory_space<vmem>> -> memref<128x64xf32, #tpu.memory_space<vmem>>
      %dma_wait3A_46 = arith.constant 0 : i32
      %dma_wait3A_47 = tpu.memref_slice %arg6[%add3A_14, %dma_wait3A_46] : memref<10000x64xf32, #tpu.memory_space<vmem_shared>> -> memref<128x64xf32, #tpu.memory_space<vmem_shared>>
      %dma_wait3A_48 = arith.constant 0 : i32
      %dma_wait3A_49 = tpu.memref_slice %arg6[%add3A_14, %dma_wait3A_48] : memref<10000x64xf32, #tpu.memory_space<vmem_shared>> -> memref<128x64xf32, #tpu.memory_space<vmem_shared>>
      %dma_wait3A_50 = arith.constant 0 : i32
      %dma_wait3A_51 = arith.constant 0 : i32
      %dma_wait3A_52 = tpu.memref_slice %arg10[%dma_wait3A_50, %dma_wait3A_51] : memref<128x64xf32, #tpu.memory_space<vmem>> -> memref<128x64xf32, #tpu.memory_space<vmem>>
      tpu.wait_dma2 semaphore(%run_scoped3A : memref<!tpu.dma_semaphore, #tpu.memory_space<semaphore_mem>>) src(%dma_wait3A_52 : memref<128x64xf32, #tpu.memory_space<vmem>>) dst(%dma_wait3A_49 : memref<128x64xf32, #tpu.memory_space<vmem_shared>>)
      tpu.yield
    }) : () -> ()
    %add3A_15 = arith.constant 512 : i32
    %add3A_16 = arith.addi %mul3A_7, %add3A_15 : i32
    "tpu.region"() ({
      %run_scoped3A = tpu.sem_alloc : memref<!tpu.dma_semaphore, #tpu.memory_space<semaphore_mem>>
      %dma_start3A = arith.constant 0 : i32
      %dma_start3A_35 = arith.constant 0 : i32
      %dma_start3A_36 = tpu.memref_slice %arg10[%dma_start3A, %dma_start3A_35] : memref<128x64xf32, #tpu.memory_space<vmem>> -> memref<113x64xf32, #tpu.memory_space<vmem>>
      %dma_start3A_37 = arith.constant 0 : i32
      %dma_start3A_38 = tpu.memref_slice %arg6[%add3A_16, %dma_start3A_37] : memref<10000x64xf32, #tpu.memory_space<vmem_shared>> -> memref<113x64xf32, #tpu.memory_space<vmem_shared>>
      %dma_start3A_39 = arith.constant 0 : i32
      %dma_start3A_40 = tpu.memref_slice %arg6[%add3A_16, %dma_start3A_39] : memref<10000x64xf32, #tpu.memory_space<vmem_shared>> -> memref<113x64xf32, #tpu.memory_space<vmem_shared>>
      %dma_start3A_41 = arith.constant 0 : i32
      %dma_start3A_42 = arith.constant 0 : i32
      %dma_start3A_43 = tpu.memref_slice %arg10[%dma_start3A_41, %dma_start3A_42] : memref<128x64xf32, #tpu.memory_space<vmem>> -> memref<113x64xf32, #tpu.memory_space<vmem>>
      tpu.enqueue_dma source(%dma_start3A_43 : memref<113x64xf32, #tpu.memory_space<vmem>>) target(%dma_start3A_40 : memref<113x64xf32, #tpu.memory_space<vmem_shared>>) target_semaphore(%run_scoped3A : memref<!tpu.dma_semaphore, #tpu.memory_space<semaphore_mem>>)
      %dma_wait3A = arith.constant 0 : i32
      %dma_wait3A_44 = arith.constant 0 : i32
      %dma_wait3A_45 = tpu.memref_slice %arg10[%dma_wait3A, %dma_wait3A_44] : memref<128x64xf32, #tpu.memory_space<vmem>> -> memref<113x64xf32, #tpu.memory_space<vmem>>
      %dma_wait3A_46 = arith.constant 0 : i32
      %dma_wait3A_47 = tpu.memref_slice %arg6[%add3A_16, %dma_wait3A_46] : memref<10000x64xf32, #tpu.memory_space<vmem_shared>> -> memref<113x64xf32, #tpu.memory_space<vmem_shared>>
      %dma_wait3A_48 = arith.constant 0 : i32
      %dma_wait3A_49 = tpu.memref_slice %arg6[%add3A_16, %dma_wait3A_48] : memref<10000x64xf32, #tpu.memory_space<vmem_shared>> -> memref<113x64xf32, #tpu.memory_space<vmem_shared>>
      %dma_wait3A_50 = arith.constant 0 : i32
      %dma_wait3A_51 = arith.constant 0 : i32
      %dma_wait3A_52 = tpu.memref_slice %arg10[%dma_wait3A_50, %dma_wait3A_51] : memref<128x64xf32, #tpu.memory_space<vmem>> -> memref<113x64xf32, #tpu.memory_space<vmem>>
      tpu.wait_dma2 semaphore(%run_scoped3A : memref<!tpu.dma_semaphore, #tpu.memory_space<semaphore_mem>>) src(%dma_wait3A_52 : memref<113x64xf32, #tpu.memory_space<vmem>>) dst(%dma_wait3A_49 : memref<113x64xf32, #tpu.memory_space<vmem_shared>>)
      tpu.yield
    }) : () -> ()
    %barrier3A = arith.constant 0 : index
    tpu.barrier barrier_id(%barrier3A)
    %scan3A_17 = arith.constant 0 : i32
    %scan3A_18 = arith.constant 0 : i32
    %scan3A_19 = arith.constant 84 : i32
    %scan3A_20 = arith.addi %scan3A_18, %scan3A_19 : i32
    %scan3A_21 = arith.constant 1 : i32
    %scan3A_22 = scf.for %scan3A_35 = %scan3A_18 to %scan3A_20 step %scan3A_21 iter_args(%scan3A_36 = %scan3A_17) -> (i32)  : i32 {
      %rem3A = arith.constant 2 : i32
      %rem3A_37 = arith.remsi %scan3A_35, %rem3A : i32
      %eq3A = arith.cmpi eq, %rem3A_37, %arg0 : i32
      %convert_element_type3A = arith.extui %eq3A : i1 to i32
      %cond3A = arith.constant 0 : i32
      %cond3A_38 = arith.cmpi ne, %convert_element_type3A, %cond3A : i32
      scf.if %cond3A_38 {
        %mul3A_40 = arith.constant 84 : i32
        %mul3A_41 = arith.muli %arg1, %mul3A_40 : i32
        %add3A_42 = arith.addi %mul3A_41, %scan3A_35 : i32
        %mul3A_43 = arith.constant 128 : i32
        %mul3A_44 = arith.muli %add3A_42, %mul3A_43 : i32
        "tpu.region"() ({
          %run_scoped3A = tpu.sem_alloc : memref<!tpu.dma_semaphore, #tpu.memory_space<semaphore_mem>>
          %dma_start3A_63 = tpu.memref_slice %arg2[%mul3A_44] : memref<172032xi32, #tpu.memory_space<hbm>> -> memref<128xi32, #tpu.memory_space<hbm>>
          %dma_start3A_64 = tpu.memref_slice %arg2[%mul3A_44] : memref<172032xi32, #tpu.memory_space<hbm>> -> memref<128xi32, #tpu.memory_space<hbm>>
          tpu.enqueue_dma source(%dma_start3A_64 : memref<128xi32, #tpu.memory_space<hbm>>) target(%arg7 : memref<128xi32, #tpu.memory_space<vmem>>) target_semaphore(%run_scoped3A : memref<!tpu.dma_semaphore, #tpu.memory_space<semaphore_mem>>)
          %dma_wait3A_65 = tpu.memref_slice %arg2[%mul3A_44] : memref<172032xi32, #tpu.memory_space<hbm>> -> memref<128xi32, #tpu.memory_space<hbm>>
          %dma_wait3A_66 = tpu.memref_slice %arg2[%mul3A_44] : memref<172032xi32, #tpu.memory_space<hbm>> -> memref<128xi32, #tpu.memory_space<hbm>>
          tpu.wait_dma2 semaphore(%run_scoped3A : memref<!tpu.dma_semaphore, #tpu.memory_space<semaphore_mem>>) src(%dma_wait3A_66 : memref<128xi32, #tpu.memory_space<hbm>>) dst(%arg7 : memref<128xi32, #tpu.memory_space<vmem>>)
          tpu.yield
        }) : () -> ()
        "tpu.region"() ({
          %run_scoped3A = tpu.sem_alloc : memref<!tpu.dma_semaphore, #tpu.memory_space<semaphore_mem>>
          %dma_start3A_63 = tpu.memref_slice %arg3[%mul3A_44] : memref<172032xi32, #tpu.memory_space<hbm>> -> memref<128xi32, #tpu.memory_space<hbm>>
          %dma_start3A_64 = tpu.memref_slice %arg3[%mul3A_44] : memref<172032xi32, #tpu.memory_space<hbm>> -> memref<128xi32, #tpu.memory_space<hbm>>
          tpu.enqueue_dma source(%dma_start3A_64 : memref<128xi32, #tpu.memory_space<hbm>>) target(%arg8 : memref<128xi32, #tpu.memory_space<vmem>>) target_semaphore(%run_scoped3A : memref<!tpu.dma_semaphore, #tpu.memory_space<semaphore_mem>>)
          %dma_wait3A_65 = tpu.memref_slice %arg3[%mul3A_44] : memref<172032xi32, #tpu.memory_space<hbm>> -> memref<128xi32, #tpu.memory_space<hbm>>
          %dma_wait3A_66 = tpu.memref_slice %arg3[%mul3A_44] : memref<172032xi32, #tpu.memory_space<hbm>> -> memref<128xi32, #tpu.memory_space<hbm>>
          tpu.wait_dma2 semaphore(%run_scoped3A : memref<!tpu.dma_semaphore, #tpu.memory_space<semaphore_mem>>) src(%dma_wait3A_66 : memref<128xi32, #tpu.memory_space<hbm>>) dst(%arg8 : memref<128xi32, #tpu.memory_space<vmem>>)
          tpu.yield
        }) : () -> ()
        %dma_start3A = arith.constant 0 : i32
        %dma_start3A_45 = arith.constant 0 : i32
        %dma_start3A_46 = tpu.memref_slice %arg4[%dma_start3A, %dma_start3A_45] : memref<10000x16xi32, #tpu.memory_space<hbm>> -> memref<10000x16xi32, #tpu.memory_space<hbm>>
        tpu.enqueue_indirect_dma source(%dma_start3A_46 : memref<10000x16xi32, #tpu.memory_space<hbm>>) target(%arg9 : memref<128x16xi32, #tpu.memory_space<vmem>>) offsets(%arg7 : memref<128xi32, #tpu.memory_space<vmem>>) semaphore(%arg11 : memref<!tpu.dma_semaphore, #tpu.memory_space<semaphore_mem>>)
        %dma_wait3A = arith.constant 0 : i32
        %dma_wait3A_47 = arith.constant 0 : i32
        %dma_wait3A_48 = tpu.memref_slice %arg4[%dma_wait3A, %dma_wait3A_47] : memref<10000x16xi32, #tpu.memory_space<hbm>> -> memref<10000x16xi32, #tpu.memory_space<hbm>>
        tpu.wait_indirect_dma semaphore(%arg11 : memref<!tpu.dma_semaphore, #tpu.memory_space<semaphore_mem>>) src(%dma_wait3A_48 : memref<10000x16xi32, #tpu.memory_space<hbm>>) dst(%arg9 : memref<128x16xi32, #tpu.memory_space<vmem>>)
        %scan3A_49 = arith.constant 0 : i32
        %scan3A_50 = arith.constant 0 : i32
        %scan3A_51 = arith.constant 8 : i32
        %scan3A_52 = arith.addi %scan3A_50, %scan3A_51 : i32
        %scan3A_53 = arith.constant 1 : i32
        %scan3A_54 = scf.for %scan3A_63 = %scan3A_50 to %scan3A_52 step %scan3A_53 iter_args(%scan3A_64 = %scan3A_49) -> (i32)  : i32 {
          %mul3A_65 = arith.constant 16 : i32
          %mul3A_66 = arith.muli %scan3A_63, %mul3A_65 : i32
          %add3A_67 = vector.broadcast %mul3A_66 : i32 to vector<16xi32>
          %add3A_68 = arith.addi %add3A_67, %iota3A : vector<16xi32>
          %add3A_69 = vector.broadcast %mul3A_44 : i32 to vector<16xi32>
          %add3A_70 = arith.addi %add3A_69, %add3A_68 : vector<16xi32>
          %lt3A = arith.constant 170000 : i32
          %lt3A_71 = vector.broadcast %lt3A : i32 to vector<16xi32>
          %lt3A_72 = arith.cmpi slt, %add3A_70, %lt3A_71 : vector<16xi32>
          %broadcast_in_dim3A_73 = arith.constant 0 : i32
          %broadcast_in_dim3A_74 = vector.broadcast %broadcast_in_dim3A_73 : i32 to vector<16xi32>
          %gather3A = tpu.vector_load_idx %arg9[%add3A_68, %broadcast_in_dim3A_74] : memref<128x16xi32, #tpu.memory_space<vmem>>[vector<16xi32>, vector<16xi32>], vector<16xi32>,
          %jit3A = arith.constant 1.000000e+00 : f32
          %jit3A_75 = arith.constant 0.000000e+00 : f32
          %broadcast_in_dim3A_76 = vector.broadcast %jit3A : f32 to vector<16xf32>
          %broadcast_in_dim3A_77 = vector.broadcast %jit3A_75 : f32 to vector<16xf32>
          %select_n3A = arith.select %lt3A_72, %broadcast_in_dim3A_76, %broadcast_in_dim3A_77 : vector<16xi1>, vector<16xf32>
          tpu.vector_store_idx %arg10[%add3A_68, %gather3A], %select_n3A : memref<128x64xf32, #tpu.memory_space<vmem>>[vector<16xi32>, vector<16xi32>], vector<16xf32>,
          %scan3A_78 = arith.constant 0 : i32
          scf.yield %scan3A_78 : i32
        }
        %scan3A_55 = arith.constant 8 : i32
        "tpu.region"() ({
          %run_scoped3A = tpu.sem_alloc : memref<!tpu.dma_semaphore, #tpu.memory_space<semaphore_mem>>
          %dma_start3A_63 = arith.constant 0 : i32
          %dma_start3A_64 = arith.constant 0 : i32
          %dma_start3A_65 = tpu.memref_slice %arg6[%dma_start3A_63, %dma_start3A_64] : memref<10000x64xf32, #tpu.memory_space<vmem_shared>> -> memref<10000x64xf32, #tpu.memory_space<vmem_shared>>
          tpu.enqueue_indirect_dma source(%arg10 : memref<128x64xf32, #tpu.memory_space<vmem>>) target(%dma_start3A_65 : memref<10000x64xf32, #tpu.memory_space<vmem_shared>>) offsets(%arg8 : memref<128xi32, #tpu.memory_space<vmem>>) semaphore(%run_scoped3A : memref<!tpu.dma_semaphore, #tpu.memory_space<semaphore_mem>>) {add = true}
          %dma_wait3A_66 = arith.constant 0 : i32
          %dma_wait3A_67 = arith.constant 0 : i32
          %dma_wait3A_68 = tpu.memref_slice %arg6[%dma_wait3A_66, %dma_wait3A_67] : memref<10000x64xf32, #tpu.memory_space<vmem_shared>> -> memref<10000x64xf32, #tpu.memory_space<vmem_shared>>
          tpu.wait_indirect_dma semaphore(%run_scoped3A : memref<!tpu.dma_semaphore, #tpu.memory_space<semaphore_mem>>) src(%arg10 : memref<128x64xf32, #tpu.memory_space<vmem>>) dst(%dma_wait3A_68 : memref<10000x64xf32, #tpu.memory_space<vmem_shared>>)
          tpu.yield
        }) : () -> ()
        %scan3A_56 = arith.constant 0 : i32
        %scan3A_57 = arith.constant 0 : i32
        %scan3A_58 = arith.constant 8 : i32
        %scan3A_59 = arith.addi %scan3A_57, %scan3A_58 : i32
        %scan3A_60 = arith.constant 1 : i32
        %scan3A_61 = scf.for %scan3A_63 = %scan3A_57 to %scan3A_59 step %scan3A_60 iter_args(%scan3A_64 = %scan3A_56) -> (i32)  : i32 {
          %mul3A_65 = arith.constant 16 : i32
          %mul3A_66 = arith.muli %scan3A_63, %mul3A_65 : i32
          %add3A_67 = vector.broadcast %mul3A_66 : i32 to vector<16xi32>
          %add3A_68 = arith.addi %add3A_67, %iota3A : vector<16xi32>
          %broadcast_in_dim3A_69 = arith.constant 0 : i32
          %broadcast_in_dim3A_70 = vector.broadcast %broadcast_in_dim3A_69 : i32 to vector<16xi32>
          %gather3A = tpu.vector_load_idx %arg9[%add3A_68, %broadcast_in_dim3A_70] : memref<128x16xi32, #tpu.memory_space<vmem>>[vector<16xi32>, vector<16xi32>], vector<16xi32>,
          %broadcast_in_dim3A_71 = arith.constant 0.000000e+00 : f32
          %broadcast_in_dim3A_72 = vector.broadcast %broadcast_in_dim3A_71 : f32 to vector<16xf32>
          tpu.vector_store_idx %arg10[%add3A_68, %gather3A], %broadcast_in_dim3A_72 : memref<128x64xf32, #tpu.memory_space<vmem>>[vector<16xi32>, vector<16xi32>], vector<16xf32>,
          %scan3A_73 = arith.constant 0 : i32
          scf.yield %scan3A_73 : i32
        }
        %scan3A_62 = arith.constant 8 : i32
      } else {
      }
      %scan3A_39 = arith.constant 0 : i32
      scf.yield %scan3A_39 : i32
    }
    %scan3A_23 = arith.constant 84 : i32
    %barrier3A_24 = arith.constant 0 : index
    tpu.barrier barrier_id(%barrier3A_24)
    %add3A_25 = arith.constant 0 : i32
    %add3A_26 = arith.addi %mul3A_7, %add3A_25 : i32
    "tpu.region"() ({
      %run_scoped3A = tpu.sem_alloc : memref<!tpu.dma_semaphore, #tpu.memory_space<semaphore_mem>>
      %dma_start3A = arith.constant 0 : i32
      %dma_start3A_35 = tpu.memref_slice %arg5[%arg0, %add3A_26, %dma_start3A] : memref<2x10000x64xf32, #tpu.memory_space<hbm>> -> memref<1x128x64xf32, #tpu.memory_space<hbm>>
      %dma_start3A_36 = tpu.memref_squeeze %dma_start3A_35 : memref<1x128x64xf32, #tpu.memory_space<hbm>> -> memref<128x64xf32, #tpu.memory_space<hbm>>
      %dma_start3A_37 = arith.constant 0 : i32
      %dma_start3A_38 = tpu.memref_slice %arg6[%add3A_26, %dma_start3A_37] : memref<10000x64xf32, #tpu.memory_space<vmem_shared>> -> memref<128x64xf32, #tpu.memory_space<vmem_shared>>
      tpu.enqueue_dma source(%dma_start3A_38 : memref<128x64xf32, #tpu.memory_space<vmem_shared>>) target(%dma_start3A_36 : memref<128x64xf32, #tpu.memory_space<hbm>>) target_semaphore(%run_scoped3A : memref<!tpu.dma_semaphore, #tpu.memory_space<semaphore_mem>>)
      %dma_wait3A = arith.constant 0 : i32
      %dma_wait3A_39 = tpu.memref_slice %arg5[%arg0, %add3A_26, %dma_wait3A] : memref<2x10000x64xf32, #tpu.memory_space<hbm>> -> memref<1x128x64xf32, #tpu.memory_space<hbm>>
      %dma_wait3A_40 = tpu.memref_squeeze %dma_wait3A_39 : memref<1x128x64xf32, #tpu.memory_space<hbm>> -> memref<128x64xf32, #tpu.memory_space<hbm>>
      %dma_wait3A_41 = arith.constant 0 : i32
      %dma_wait3A_42 = tpu.memref_slice %arg6[%add3A_26, %dma_wait3A_41] : memref<10000x64xf32, #tpu.memory_space<vmem_shared>> -> memref<128x64xf32, #tpu.memory_space<vmem_shared>>
      tpu.wait_dma2 semaphore(%run_scoped3A : memref<!tpu.dma_semaphore, #tpu.memory_space<semaphore_mem>>) src(%dma_wait3A_42 : memref<128x64xf32, #tpu.memory_space<vmem_shared>>) dst(%dma_wait3A_40 : memref<128x64xf32, #tpu.memory_space<hbm>>)
      tpu.yield
    }) : () -> ()
    %add3A_27 = arith.constant 128 : i32
    %add3A_28 = arith.addi %mul3A_7, %add3A_27 : i32
    "tpu.region"() ({
      %run_scoped3A = tpu.sem_alloc : memref<!tpu.dma_semaphore, #tpu.memory_space<semaphore_mem>>
      %dma_start3A = arith.constant 0 : i32
      %dma_start3A_35 = tpu.memref_slice %arg5[%arg0, %add3A_28, %dma_start3A] : memref<2x10000x64xf32, #tpu.memory_space<hbm>> -> memref<1x128x64xf32, #tpu.memory_space<hbm>>
      %dma_start3A_36 = tpu.memref_squeeze %dma_start3A_35 : memref<1x128x64xf32, #tpu.memory_space<hbm>> -> memref<128x64xf32, #tpu.memory_space<hbm>>
      %dma_start3A_37 = arith.constant 0 : i32
      %dma_start3A_38 = tpu.memref_slice %arg6[%add3A_28, %dma_start3A_37] : memref<10000x64xf32, #tpu.memory_space<vmem_shared>> -> memref<128x64xf32, #tpu.memory_space<vmem_shared>>
      tpu.enqueue_dma source(%dma_start3A_38 : memref<128x64xf32, #tpu.memory_space<vmem_shared>>) target(%dma_start3A_36 : memref<128x64xf32, #tpu.memory_space<hbm>>) target_semaphore(%run_scoped3A : memref<!tpu.dma_semaphore, #tpu.memory_space<semaphore_mem>>)
      %dma_wait3A = arith.constant 0 : i32
      %dma_wait3A_39 = tpu.memref_slice %arg5[%arg0, %add3A_28, %dma_wait3A] : memref<2x10000x64xf32, #tpu.memory_space<hbm>> -> memref<1x128x64xf32, #tpu.memory_space<hbm>>
      %dma_wait3A_40 = tpu.memref_squeeze %dma_wait3A_39 : memref<1x128x64xf32, #tpu.memory_space<hbm>> -> memref<128x64xf32, #tpu.memory_space<hbm>>
      %dma_wait3A_41 = arith.constant 0 : i32
      %dma_wait3A_42 = tpu.memref_slice %arg6[%add3A_28, %dma_wait3A_41] : memref<10000x64xf32, #tpu.memory_space<vmem_shared>> -> memref<128x64xf32, #tpu.memory_space<vmem_shared>>
      tpu.wait_dma2 semaphore(%run_scoped3A : memref<!tpu.dma_semaphore, #tpu.memory_space<semaphore_mem>>) src(%dma_wait3A_42 : memref<128x64xf32, #tpu.memory_space<vmem_shared>>) dst(%dma_wait3A_40 : memref<128x64xf32, #tpu.memory_space<hbm>>)
      tpu.yield
    }) : () -> ()
    %add3A_29 = arith.constant 256 : i32
    %add3A_30 = arith.addi %mul3A_7, %add3A_29 : i32
    "tpu.region"() ({
      %run_scoped3A = tpu.sem_alloc : memref<!tpu.dma_semaphore, #tpu.memory_space<semaphore_mem>>
      %dma_start3A = arith.constant 0 : i32
      %dma_start3A_35 = tpu.memref_slice %arg5[%arg0, %add3A_30, %dma_start3A] : memref<2x10000x64xf32, #tpu.memory_space<hbm>> -> memref<1x128x64xf32, #tpu.memory_space<hbm>>
      %dma_start3A_36 = tpu.memref_squeeze %dma_start3A_35 : memref<1x128x64xf32, #tpu.memory_space<hbm>> -> memref<128x64xf32, #tpu.memory_space<hbm>>
      %dma_start3A_37 = arith.constant 0 : i32
      %dma_start3A_38 = tpu.memref_slice %arg6[%add3A_30, %dma_start3A_37] : memref<10000x64xf32, #tpu.memory_space<vmem_shared>> -> memref<128x64xf32, #tpu.memory_space<vmem_shared>>
      tpu.enqueue_dma source(%dma_start3A_38 : memref<128x64xf32, #tpu.memory_space<vmem_shared>>) target(%dma_start3A_36 : memref<128x64xf32, #tpu.memory_space<hbm>>) target_semaphore(%run_scoped3A : memref<!tpu.dma_semaphore, #tpu.memory_space<semaphore_mem>>)
      %dma_wait3A = arith.constant 0 : i32
      %dma_wait3A_39 = tpu.memref_slice %arg5[%arg0, %add3A_30, %dma_wait3A] : memref<2x10000x64xf32, #tpu.memory_space<hbm>> -> memref<1x128x64xf32, #tpu.memory_space<hbm>>
      %dma_wait3A_40 = tpu.memref_squeeze %dma_wait3A_39 : memref<1x128x64xf32, #tpu.memory_space<hbm>> -> memref<128x64xf32, #tpu.memory_space<hbm>>
      %dma_wait3A_41 = arith.constant 0 : i32
      %dma_wait3A_42 = tpu.memref_slice %arg6[%add3A_30, %dma_wait3A_41] : memref<10000x64xf32, #tpu.memory_space<vmem_shared>> -> memref<128x64xf32, #tpu.memory_space<vmem_shared>>
      tpu.wait_dma2 semaphore(%run_scoped3A : memref<!tpu.dma_semaphore, #tpu.memory_space<semaphore_mem>>) src(%dma_wait3A_42 : memref<128x64xf32, #tpu.memory_space<vmem_shared>>) dst(%dma_wait3A_40 : memref<128x64xf32, #tpu.memory_space<hbm>>)
      tpu.yield
    }) : () -> ()
    %add3A_31 = arith.constant 384 : i32
    %add3A_32 = arith.addi %mul3A_7, %add3A_31 : i32
    "tpu.region"() ({
      %run_scoped3A = tpu.sem_alloc : memref<!tpu.dma_semaphore, #tpu.memory_space<semaphore_mem>>
      %dma_start3A = arith.constant 0 : i32
      %dma_start3A_35 = tpu.memref_slice %arg5[%arg0, %add3A_32, %dma_start3A] : memref<2x10000x64xf32, #tpu.memory_space<hbm>> -> memref<1x128x64xf32, #tpu.memory_space<hbm>>
      %dma_start3A_36 = tpu.memref_squeeze %dma_start3A_35 : memref<1x128x64xf32, #tpu.memory_space<hbm>> -> memref<128x64xf32, #tpu.memory_space<hbm>>
      %dma_start3A_37 = arith.constant 0 : i32
      %dma_start3A_38 = tpu.memref_slice %arg6[%add3A_32, %dma_start3A_37] : memref<10000x64xf32, #tpu.memory_space<vmem_shared>> -> memref<128x64xf32, #tpu.memory_space<vmem_shared>>
      tpu.enqueue_dma source(%dma_start3A_38 : memref<128x64xf32, #tpu.memory_space<vmem_shared>>) target(%dma_start3A_36 : memref<128x64xf32, #tpu.memory_space<hbm>>) target_semaphore(%run_scoped3A : memref<!tpu.dma_semaphore, #tpu.memory_space<semaphore_mem>>)
      %dma_wait3A = arith.constant 0 : i32
      %dma_wait3A_39 = tpu.memref_slice %arg5[%arg0, %add3A_32, %dma_wait3A] : memref<2x10000x64xf32, #tpu.memory_space<hbm>> -> memref<1x128x64xf32, #tpu.memory_space<hbm>>
      %dma_wait3A_40 = tpu.memref_squeeze %dma_wait3A_39 : memref<1x128x64xf32, #tpu.memory_space<hbm>> -> memref<128x64xf32, #tpu.memory_space<hbm>>
      %dma_wait3A_41 = arith.constant 0 : i32
      %dma_wait3A_42 = tpu.memref_slice %arg6[%add3A_32, %dma_wait3A_41] : memref<10000x64xf32, #tpu.memory_space<vmem_shared>> -> memref<128x64xf32, #tpu.memory_space<vmem_shared>>
      tpu.wait_dma2 semaphore(%run_scoped3A : memref<!tpu.dma_semaphore, #tpu.memory_space<semaphore_mem>>) src(%dma_wait3A_42 : memref<128x64xf32, #tpu.memory_space<vmem_shared>>) dst(%dma_wait3A_40 : memref<128x64xf32, #tpu.memory_space<hbm>>)
      tpu.yield
    }) : () -> ()
    %add3A_33 = arith.constant 512 : i32
    %add3A_34 = arith.addi %mul3A_7, %add3A_33 : i32
    "tpu.region"() ({
      %run_scoped3A = tpu.sem_alloc : memref<!tpu.dma_semaphore, #tpu.memory_space<semaphore_mem>>
      %dma_start3A = arith.constant 0 : i32
      %dma_start3A_35 = tpu.memref_slice %arg5[%arg0, %add3A_34, %dma_start3A] : memref<2x10000x64xf32, #tpu.memory_space<hbm>> -> memref<1x113x64xf32, #tpu.memory_space<hbm>>
      %dma_start3A_36 = tpu.memref_squeeze %dma_start3A_35 : memref<1x113x64xf32, #tpu.memory_space<hbm>> -> memref<113x64xf32, #tpu.memory_space<hbm>>
      %dma_start3A_37 = arith.constant 0 : i32
      %dma_start3A_38 = tpu.memref_slice %arg6[%add3A_34, %dma_start3A_37] : memref<10000x64xf32, #tpu.memory_space<vmem_shared>> -> memref<113x64xf32, #tpu.memory_space<vmem_shared>>
      tpu.enqueue_dma source(%dma_start3A_38 : memref<113x64xf32, #tpu.memory_space<vmem_shared>>) target(%dma_start3A_36 : memref<113x64xf32, #tpu.memory_space<hbm>>) target_semaphore(%run_scoped3A : memref<!tpu.dma_semaphore, #tpu.memory_space<semaphore_mem>>)
      %dma_wait3A = arith.constant 0 : i32
      %dma_wait3A_39 = tpu.memref_slice %arg5[%arg0, %add3A_34, %dma_wait3A] : memref<2x10000x64xf32, #tpu.memory_space<hbm>> -> memref<1x113x64xf32, #tpu.memory_space<hbm>>
      %dma_wait3A_40 = tpu.memref_squeeze %dma_wait3A_39 : memref<1x113x64xf32, #tpu.memory_space<hbm>> -> memref<113x64xf32, #tpu.memory_space<hbm>>
      %dma_wait3A_41 = arith.constant 0 : i32
      %dma_wait3A_42 = tpu.memref_slice %arg6[%add3A_34, %dma_wait3A_41] : memref<10000x64xf32, #tpu.memory_space<vmem_shared>> -> memref<113x64xf32, #tpu.memory_space<vmem_shared>>
      tpu.wait_dma2 semaphore(%run_scoped3A : memref<!tpu.dma_semaphore, #tpu.memory_space<semaphore_mem>>) src(%dma_wait3A_42 : memref<113x64xf32, #tpu.memory_space<vmem_shared>>) dst(%dma_wait3A_40 : memref<113x64xf32, #tpu.memory_space<hbm>>)
      tpu.yield
    }) : () -> ()
    return
  }
}

module attributes {stable_mosaic.version = 14 : i64} {
  func.func @_pre_body(%arg0: i32, %arg1: memref<2000x256xf32, #tpu.memory_space<vmem>>, %arg2: memref<2000x1xi32, #tpu.memory_space<vmem>>, %arg3: memref<256x256xf32, #tpu.memory_space<vmem>>, %arg4: memref<1x256xf32, #tpu.memory_space<vmem>>, %arg5: memref<256x256xf32, #tpu.memory_space<vmem>>, %arg6: memref<1x256xf32, #tpu.memory_space<vmem>>, %arg7: memref<1x256xf32, #tpu.memory_space<vmem>>, %arg8: memref<2000x256xf32, #tpu.memory_space<vmem>>, %arg9: memref<2000x8xf32, #tpu.memory_space<vmem>>, %arg10: memref<2000x8xf32, #tpu.memory_space<vmem>>, %arg11: memref<64x256xf32, #tpu.memory_space<vmem>>, %arg12: memref<64x1xf32, #tpu.memory_space<vmem>>, %arg13: memref<1x8xf32, #tpu.memory_space<vmem>>, %arg14: memref<1x8xf32, #tpu.memory_space<vmem>>) attributes {dimension_semantics = [#tpu.dimension_semantics<arbitrary>], iteration_bounds = array<i64: 5>, scalar_prefetch = 0 : i64, scratch_operands = 0 : i64, tpu.core_type = #tpu.core_type<tc>, window_params = [{transform_indices = @transform_0, window_bounds = array<i64: 2000, 256>}, {transform_indices = @transform_1, window_bounds = array<i64: 2000, 1>}, {pipeline_mode = #tpu.pipeline_mode<synchronous>, transform_indices = @transform_2, window_bounds = array<i64: 256, 256>}, {pipeline_mode = #tpu.pipeline_mode<synchronous>, transform_indices = @transform_3, window_bounds = array<i64: 1, 256>}, {pipeline_mode = #tpu.pipeline_mode<synchronous>, transform_indices = @transform_4, window_bounds = array<i64: 256, 256>}, {pipeline_mode = #tpu.pipeline_mode<synchronous>, transform_indices = @transform_5, window_bounds = array<i64: 1, 256>}, {pipeline_mode = #tpu.pipeline_mode<synchronous>, transform_indices = @transform_6, window_bounds = array<i64: 1, 256>}, {transform_indices = @transform_7, window_bounds = array<i64: 2000, 256>}, {transform_indices = @transform_8, window_bounds = array<i64: 2000, 8>}, {transform_indices = @transform_9, window_bounds = array<i64: 2000, 8>}, {pipeline_mode = #tpu.pipeline_mode<synchronous>, transform_indices = @transform_10, window_bounds = array<i64: 64, 256>}, {pipeline_mode = #tpu.pipeline_mode<synchronous>, transform_indices = @transform_11, window_bounds = array<i64: 64, 1>}, {pipeline_mode = #tpu.pipeline_mode<synchronous>, transform_indices = @transform_12, window_bounds = array<i64: 1, 8>}, {pipeline_mode = #tpu.pipeline_mode<synchronous>, transform_indices = @transform_13, window_bounds = array<i64: 1, 8>}]} {
    %get3A = arith.constant 0 : index
    %get3A_0 = arith.constant 0 : index
    %get3A_1 = vector.load %arg1[%get3A, %get3A_0] : memref<2000x256xf32, #tpu.memory_space<vmem>>, vector<2000x256xf32>
    %get3A_2 = arith.constant 0 : index
    %get3A_3 = arith.constant 0 : index
    %get3A_4 = vector.load %arg3[%get3A_2, %get3A_3] : memref<256x256xf32, #tpu.memory_space<vmem>>, vector<256x256xf32>
    %dot_general3A = arith.constant dense<0.000000e+00> : vector<2000x256xf32>
    %dot_general3A_5 = tpu.matmul %get3A_1, %get3A_4, %dot_general3A {dimension_numbers = #tpu.dot_dimension_numbers<[1], [0], [0], [1], [0, 0, 1, 1], [], []>, transpose_lhs_hint = false} : vector<2000x256xf32>, vector<256x256xf32>, vector<2000x256xf32> -> vector<2000x256xf32>
    %get3A_6 = arith.constant 0 : index
    %get3A_7 = arith.constant 0 : index
    %get3A_8 = vector.load %arg4[%get3A_6, %get3A_7] : memref<1x256xf32, #tpu.memory_space<vmem>>, vector<1x256xf32>
    %add3A = vector.broadcast %get3A_8 : vector<1x256xf32> to vector<2000x256xf32>
    %add3A_9 = arith.addf %dot_general3A_5, %add3A : vector<2000x256xf32>
    %get3A_10 = arith.constant 0 : index
    %get3A_11 = arith.constant 0 : index
    %get3A_12 = vector.load %arg5[%get3A_10, %get3A_11] : memref<256x256xf32, #tpu.memory_space<vmem>>, vector<256x256xf32>
    %dot_general3A_13 = arith.constant dense<0.000000e+00> : vector<2000x256xf32>
    %dot_general3A_14 = tpu.matmul %add3A_9, %get3A_12, %dot_general3A_13 {dimension_numbers = #tpu.dot_dimension_numbers<[1], [0], [0], [1], [0, 0, 1, 1], [], []>, transpose_lhs_hint = false} : vector<2000x256xf32>, vector<256x256xf32>, vector<2000x256xf32> -> vector<2000x256xf32>
    %swap3A = arith.constant 0 : index
    %swap3A_15 = arith.constant 0 : index
    %swap3A_16 = vector.load %arg8[%swap3A, %swap3A_15] : memref<2000x256xf32, #tpu.memory_space<vmem>>, vector<2000x256xf32>
    tpu.vector_store %arg8[%swap3A, %swap3A_15], %dot_general3A_14 {strides = array<i32>} : memref<2000x256xf32, #tpu.memory_space<vmem>>, vector<2000x256xf32>,
    %iota3A = tpu.iota {dimensions = array<i32: 0>} : vector<256x8xi32>
    %jit3A = arith.constant 32 : i32
    %div3A = vector.broadcast %jit3A : i32 to vector<256x8xi32>
    %div3A_17 = arith.divsi %iota3A, %div3A : vector<256x8xi32>
    %sign3A = arith.constant 0 : i32
    %sign3A_18 = vector.broadcast %sign3A : i32 to vector<256x8xi32>
    %sign3A_19 = arith.cmpi sgt, %iota3A, %sign3A_18 : vector<256x8xi32>
    %sign3A_20 = arith.extui %sign3A_19 : vector<256x8xi1> to vector<256x8xi32>
    %sign3A_21 = arith.constant 0 : i32
    %sign3A_22 = vector.broadcast %sign3A_21 : i32 to vector<256x8xi32>
    %sign3A_23 = arith.cmpi slt, %iota3A, %sign3A_22 : vector<256x8xi32>
    %sign3A_24 = arith.extui %sign3A_23 : vector<256x8xi1> to vector<256x8xi32>
    %sign3A_25 = arith.subi %sign3A_20, %sign3A_24 : vector<256x8xi32>
    %sign3A_26 = arith.constant 0 : i32
    %sign3A_27 = arith.cmpi sgt, %jit3A, %sign3A_26 : i32
    %sign3A_28 = arith.extui %sign3A_27 : i1 to i32
    %sign3A_29 = arith.constant 0 : i32
    %sign3A_30 = arith.cmpi slt, %jit3A, %sign3A_29 : i32
    %sign3A_31 = arith.extui %sign3A_30 : i1 to i32
    %sign3A_32 = arith.subi %sign3A_28, %sign3A_31 : i32
    %ne3A = vector.broadcast %sign3A_32 : i32 to vector<256x8xi32>
    %ne3A_33 = arith.cmpi ne, %sign3A_25, %ne3A : vector<256x8xi32>
    %rem3A = vector.broadcast %jit3A : i32 to vector<256x8xi32>
    %rem3A_34 = arith.remsi %iota3A, %rem3A : vector<256x8xi32>
    %ne3A_35 = arith.constant 0 : i32
    %ne3A_36 = vector.broadcast %ne3A_35 : i32 to vector<256x8xi32>
    %ne3A_37 = arith.cmpi ne, %rem3A_34, %ne3A_36 : vector<256x8xi32>
    %and3A = arith.andi %ne3A_33, %ne3A_37 : vector<256x8xi1>
    %sub3A = arith.constant 1 : i32
    %sub3A_38 = vector.broadcast %sub3A : i32 to vector<256x8xi32>
    %sub3A_39 = arith.subi %div3A_17, %sub3A_38 : vector<256x8xi32>
    %select_n3A = arith.select %and3A, %sub3A_39, %div3A_17 : vector<256x8xi1>, vector<256x8xi32>
    %iota3A_40 = tpu.iota {dimensions = array<i32: 1>} : vector<256x8xi32>
    %eq3A = arith.cmpi eq, %select_n3A, %iota3A_40 : vector<256x8xi32>
    %convert_element_type3A = arith.extui %eq3A : vector<256x8xi1> to vector<256x8xi32>
    %convert_element_type3A_41 = arith.sitofp %convert_element_type3A : vector<256x8xi32> to vector<256x8xf32>
    %get3A_42 = arith.constant 0 : index
    %get3A_43 = arith.constant 0 : index
    %get3A_44 = vector.load %arg6[%get3A_42, %get3A_43] : memref<1x256xf32, #tpu.memory_space<vmem>>, vector<1x256xf32>
    %mul3A = vector.broadcast %get3A_44 : vector<1x256xf32> to vector<2000x256xf32>
    %mul3A_45 = arith.mulf %dot_general3A_14, %mul3A : vector<2000x256xf32>
    %dot_general3A_46 = arith.constant dense<0.000000e+00> : vector<2000x8xf32>
    %dot_general3A_47 = tpu.matmul %mul3A_45, %convert_element_type3A_41, %dot_general3A_46 {dimension_numbers = #tpu.dot_dimension_numbers<[1], [0], [0], [1], [0, 0, 1, 1], [], []>, transpose_lhs_hint = false} : vector<2000x256xf32>, vector<256x8xf32>, vector<2000x8xf32> -> vector<2000x8xf32>
    %get3A_48 = arith.constant 0 : index
    %get3A_49 = arith.constant 0 : index
    %get3A_50 = vector.load %arg7[%get3A_48, %get3A_49] : memref<1x256xf32, #tpu.memory_space<vmem>>, vector<1x256xf32>
    %mul3A_51 = vector.broadcast %get3A_50 : vector<1x256xf32> to vector<2000x256xf32>
    %mul3A_52 = arith.mulf %dot_general3A_14, %mul3A_51 : vector<2000x256xf32>
    %dot_general3A_53 = arith.constant dense<0.000000e+00> : vector<2000x8xf32>
    %dot_general3A_54 = tpu.matmul %mul3A_52, %convert_element_type3A_41, %dot_general3A_53 {dimension_numbers = #tpu.dot_dimension_numbers<[1], [0], [0], [1], [0, 0, 1, 1], [], []>, transpose_lhs_hint = false} : vector<2000x256xf32>, vector<256x8xf32>, vector<2000x8xf32> -> vector<2000x8xf32>
    %swap3A_55 = arith.constant 0 : index
    %swap3A_56 = arith.constant 0 : index
    %swap3A_57 = vector.load %arg9[%swap3A_55, %swap3A_56] : memref<2000x8xf32, #tpu.memory_space<vmem>>, vector<2000x8xf32>
    tpu.vector_store %arg9[%swap3A_55, %swap3A_56], %dot_general3A_47 {strides = array<i32>} : memref<2000x8xf32, #tpu.memory_space<vmem>>, vector<2000x8xf32>,
    %swap3A_58 = arith.constant 0 : index
    %swap3A_59 = arith.constant 0 : index
    %swap3A_60 = vector.load %arg10[%swap3A_58, %swap3A_59] : memref<2000x8xf32, #tpu.memory_space<vmem>>, vector<2000x8xf32>
    tpu.vector_store %arg10[%swap3A_58, %swap3A_59], %dot_general3A_54 {strides = array<i32>} : memref<2000x8xf32, #tpu.memory_space<vmem>>, vector<2000x8xf32>,
    %get3A_61 = arith.constant 0 : index
    %get3A_62 = arith.constant 0 : index
    %get3A_63 = vector.load %arg2[%get3A_61, %get3A_62] : memref<2000x1xi32, #tpu.memory_space<vmem>>, vector<2000x1xi32>
    %iota3A_64 = tpu.iota {dimensions = array<i32: 1>} : vector<2000x64xi32>
    %eq3A_65 = vector.broadcast %get3A_63 : vector<2000x1xi32> to vector<2000x64xi32>
    %eq3A_66 = arith.cmpi eq, %eq3A_65, %iota3A_64 : vector<2000x64xi32>
    %convert_element_type3A_67 = arith.extui %eq3A_66 : vector<2000x64xi1> to vector<2000x64xi32>
    %convert_element_type3A_68 = arith.sitofp %convert_element_type3A_67 : vector<2000x64xi32> to vector<2000x64xf32>
    %dot_general3A_69 = arith.constant dense<0.000000e+00> : vector<64x256xf32>
    %dot_general3A_70 = tpu.matmul %convert_element_type3A_68, %get3A_1, %dot_general3A_69 {dimension_numbers = #tpu.dot_dimension_numbers<[0], [0], [1], [1], [0, 1, 1, 1], [], []>, transpose_lhs_hint = false} : vector<2000x64xf32>, vector<2000x256xf32>, vector<64x256xf32> -> vector<64x256xf32>
    %broadcast_in_dim3A = arith.constant 1.000000e+00 : f32
    %broadcast_in_dim3A_71 = vector.broadcast %broadcast_in_dim3A : f32 to vector<2000x1xf32>
    %dot_general3A_72 = arith.constant dense<0.000000e+00> : vector<64x1xf32>
    %dot_general3A_73 = tpu.matmul %convert_element_type3A_68, %broadcast_in_dim3A_71, %dot_general3A_72 {dimension_numbers = #tpu.dot_dimension_numbers<[0], [0], [1], [1], [0, 1, 1, 1], [], []>, transpose_lhs_hint = false} : vector<2000x64xf32>, vector<2000x1xf32>, vector<64x1xf32> -> vector<64x1xf32>
    %reduce_max3A = arith.constant dense<0xFF800000> : vector<8xf32>
    %reduce_max3A_74 = vector.multi_reduction <maximumf>, %dot_general3A_47, %reduce_max3A [0] : vector<2000x8xf32> to vector<8xf32>
    %broadcast_in_dim3A_75 = vector.shape_cast %reduce_max3A_74 : vector<8xf32> to vector<1x8xf32>
    %reduce_max3A_76 = arith.constant dense<0xFF800000> : vector<8xf32>
    %reduce_max3A_77 = vector.multi_reduction <maximumf>, %dot_general3A_54, %reduce_max3A_76 [0] : vector<2000x8xf32> to vector<8xf32>
    %broadcast_in_dim3A_78 = vector.shape_cast %reduce_max3A_77 : vector<8xf32> to vector<1x8xf32>
    %eq3A_79 = arith.constant 0 : i32
    %eq3A_80 = arith.cmpi eq, %arg0, %eq3A_79 : i32
    %convert_element_type3A_81 = arith.extui %eq3A_80 : i1 to i32
    %cond3A = arith.constant 0 : i32
    %cond3A_82 = arith.cmpi ne, %convert_element_type3A_81, %cond3A : i32
    scf.if %cond3A_82 {
      %swap3A_87 = arith.constant 0 : index
      %swap3A_88 = arith.constant 0 : index
      %swap3A_89 = vector.load %arg11[%swap3A_87, %swap3A_88] : memref<64x256xf32, #tpu.memory_space<vmem>>, vector<64x256xf32>
      tpu.vector_store %arg11[%swap3A_87, %swap3A_88], %dot_general3A_70 {strides = array<i32>} : memref<64x256xf32, #tpu.memory_space<vmem>>, vector<64x256xf32>,
      %swap3A_90 = arith.constant 0 : index
      %swap3A_91 = arith.constant 0 : index
      %swap3A_92 = vector.load %arg12[%swap3A_90, %swap3A_91] : memref<64x1xf32, #tpu.memory_space<vmem>>, vector<64x1xf32>
      tpu.vector_store %arg12[%swap3A_90, %swap3A_91], %dot_general3A_73 {strides = array<i32>} : memref<64x1xf32, #tpu.memory_space<vmem>>, vector<64x1xf32>,
      %swap3A_93 = arith.constant 0 : index
      %swap3A_94 = arith.constant 0 : index
      %swap3A_95 = vector.load %arg13[%swap3A_93, %swap3A_94] : memref<1x8xf32, #tpu.memory_space<vmem>>, vector<1x8xf32>
      tpu.vector_store %arg13[%swap3A_93, %swap3A_94], %broadcast_in_dim3A_75 {strides = array<i32>} : memref<1x8xf32, #tpu.memory_space<vmem>>, vector<1x8xf32>,
      %swap3A_96 = arith.constant 0 : index
      %swap3A_97 = arith.constant 0 : index
      %swap3A_98 = vector.load %arg14[%swap3A_96, %swap3A_97] : memref<1x8xf32, #tpu.memory_space<vmem>>, vector<1x8xf32>
      tpu.vector_store %arg14[%swap3A_96, %swap3A_97], %broadcast_in_dim3A_78 {strides = array<i32>} : memref<1x8xf32, #tpu.memory_space<vmem>>, vector<1x8xf32>,
    } else {
    }
    %gt3A = arith.constant 0 : i32
    %gt3A_83 = arith.cmpi sgt, %arg0, %gt3A : i32
    %convert_element_type3A_84 = arith.extui %gt3A_83 : i1 to i32
    %cond3A_85 = arith.constant 0 : i32
    %cond3A_86 = arith.cmpi ne, %convert_element_type3A_84, %cond3A_85 : i32
    scf.if %cond3A_86 {
      %get3A_87 = arith.constant 0 : index
      %get3A_88 = arith.constant 0 : index
      %get3A_89 = vector.load %arg11[%get3A_87, %get3A_88] : memref<64x256xf32, #tpu.memory_space<vmem>>, vector<64x256xf32>
      %add3A_90 = arith.addf %get3A_89, %dot_general3A_70 : vector<64x256xf32>
      %swap3A_91 = arith.constant 0 : index
      %swap3A_92 = arith.constant 0 : index
      %swap3A_93 = vector.load %arg11[%swap3A_91, %swap3A_92] : memref<64x256xf32, #tpu.memory_space<vmem>>, vector<64x256xf32>
      tpu.vector_store %arg11[%swap3A_91, %swap3A_92], %add3A_90 {strides = array<i32>} : memref<64x256xf32, #tpu.memory_space<vmem>>, vector<64x256xf32>,
      %get3A_94 = arith.constant 0 : index
      %get3A_95 = arith.constant 0 : index
      %get3A_96 = vector.load %arg12[%get3A_94, %get3A_95] : memref<64x1xf32, #tpu.memory_space<vmem>>, vector<64x1xf32>
      %add3A_97 = arith.addf %get3A_96, %dot_general3A_73 : vector<64x1xf32>
      %swap3A_98 = arith.constant 0 : index
      %swap3A_99 = arith.constant 0 : index
      %swap3A_100 = vector.load %arg12[%swap3A_98, %swap3A_99] : memref<64x1xf32, #tpu.memory_space<vmem>>, vector<64x1xf32>
      tpu.vector_store %arg12[%swap3A_98, %swap3A_99], %add3A_97 {strides = array<i32>} : memref<64x1xf32, #tpu.memory_space<vmem>>, vector<64x1xf32>,
      %get3A_101 = arith.constant 0 : index
      %get3A_102 = arith.constant 0 : index
      %get3A_103 = vector.load %arg13[%get3A_101, %get3A_102] : memref<1x8xf32, #tpu.memory_space<vmem>>, vector<1x8xf32>
      %max3A = arith.maximumf %get3A_103, %broadcast_in_dim3A_75 : vector<1x8xf32>
      %swap3A_104 = arith.constant 0 : index
      %swap3A_105 = arith.constant 0 : index
      %swap3A_106 = vector.load %arg13[%swap3A_104, %swap3A_105] : memref<1x8xf32, #tpu.memory_space<vmem>>, vector<1x8xf32>
      tpu.vector_store %arg13[%swap3A_104, %swap3A_105], %max3A {strides = array<i32>} : memref<1x8xf32, #tpu.memory_space<vmem>>, vector<1x8xf32>,
      %get3A_107 = arith.constant 0 : index
      %get3A_108 = arith.constant 0 : index
      %get3A_109 = vector.load %arg14[%get3A_107, %get3A_108] : memref<1x8xf32, #tpu.memory_space<vmem>>, vector<1x8xf32>
      %max3A_110 = arith.maximumf %get3A_109, %broadcast_in_dim3A_78 : vector<1x8xf32>
      %swap3A_111 = arith.constant 0 : index
      %swap3A_112 = arith.constant 0 : index
      %swap3A_113 = vector.load %arg14[%swap3A_111, %swap3A_112] : memref<1x8xf32, #tpu.memory_space<vmem>>, vector<1x8xf32>
      tpu.vector_store %arg14[%swap3A_111, %swap3A_112], %max3A_110 {strides = array<i32>} : memref<1x8xf32, #tpu.memory_space<vmem>>, vector<1x8xf32>,
    } else {
    }
    return
  }
  func.func @transform_0(%arg0: i32) -> (i32, i32) {
    %c0_i32 = arith.constant 0 : i32
    %c0_i32_0 = arith.constant 0 : i32
    return %arg0, %c0_i32 : i32, i32
  }
  func.func @transform_1(%arg0: i32) -> (i32, i32) {
    %c0_i32 = arith.constant 0 : i32
    %c0_i32_0 = arith.constant 0 : i32
    return %arg0, %c0_i32 : i32, i32
  }
  func.func @transform_2(%arg0: i32) -> (i32, i32) {
    %c0_i32 = arith.constant 0 : i32
    %c0_i32_0 = arith.constant 0 : i32
    %c0_i32_1 = arith.constant 0 : i32
    return %c0_i32, %c0_i32_0 : i32, i32
  }
  func.func @transform_3(%arg0: i32) -> (i32, i32) {
    %c0_i32 = arith.constant 0 : i32
    %c0_i32_0 = arith.constant 0 : i32
    %c0_i32_1 = arith.constant 0 : i32
    return %c0_i32, %c0_i32_0 : i32, i32
  }
  func.func @transform_4(%arg0: i32) -> (i32, i32) {
    %c0_i32 = arith.constant 0 : i32
    %c0_i32_0 = arith.constant 0 : i32
    %c0_i32_1 = arith.constant 0 : i32
    return %c0_i32, %c0_i32_0 : i32, i32
  }
  func.func @transform_5(%arg0: i32) -> (i32, i32) {
    %c0_i32 = arith.constant 0 : i32
    %c0_i32_0 = arith.constant 0 : i32
    %c0_i32_1 = arith.constant 0 : i32
    return %c0_i32, %c0_i32_0 : i32, i32
  }
  func.func @transform_6(%arg0: i32) -> (i32, i32) {
    %c0_i32 = arith.constant 0 : i32
    %c0_i32_0 = arith.constant 0 : i32
    %c0_i32_1 = arith.constant 0 : i32
    return %c0_i32, %c0_i32_0 : i32, i32
  }
  func.func @transform_7(%arg0: i32) -> (i32, i32) {
    %c0_i32 = arith.constant 0 : i32
    %c0_i32_0 = arith.constant 0 : i32
    return %arg0, %c0_i32 : i32, i32
  }
  func.func @transform_8(%arg0: i32) -> (i32, i32) {
    %c0_i32 = arith.constant 0 : i32
    %c0_i32_0 = arith.constant 0 : i32
    return %arg0, %c0_i32 : i32, i32
  }
  func.func @transform_9(%arg0: i32) -> (i32, i32) {
    %c0_i32 = arith.constant 0 : i32
    %c0_i32_0 = arith.constant 0 : i32
    return %arg0, %c0_i32 : i32, i32
  }
  func.func @transform_10(%arg0: i32) -> (i32, i32) {
    %c0_i32 = arith.constant 0 : i32
    %c0_i32_0 = arith.constant 0 : i32
    %c0_i32_1 = arith.constant 0 : i32
    return %c0_i32, %c0_i32_0 : i32, i32
  }
  func.func @transform_11(%arg0: i32) -> (i32, i32) {
    %c0_i32 = arith.constant 0 : i32
    %c0_i32_0 = arith.constant 0 : i32
    %c0_i32_1 = arith.constant 0 : i32
    return %c0_i32, %c0_i32_0 : i32, i32
  }
  func.func @transform_12(%arg0: i32) -> (i32, i32) {
    %c0_i32 = arith.constant 0 : i32
    %c0_i32_0 = arith.constant 0 : i32
    %c0_i32_1 = arith.constant 0 : i32
    return %c0_i32, %c0_i32_0 : i32, i32
  }
  func.func @transform_13(%arg0: i32) -> (i32, i32) {
    %c0_i32 = arith.constant 0 : i32
    %c0_i32_0 = arith.constant 0 : i32
    %c0_i32_1 = arith.constant 0 : i32
    return %c0_i32, %c0_i32_0 : i32, i32
  }
}

module attributes {stable_mosaic.version = 14 : i64} {
  func.func @_tables_body(%arg0: i32, %arg1: memref<2000x8xf32, #tpu.memory_space<vmem>>, %arg2: memref<2000x8xf32, #tpu.memory_space<vmem>>, %arg3: memref<1x8xf32, #tpu.memory_space<vmem>>, %arg4: memref<1x8xf32, #tpu.memory_space<vmem>>, %arg5: memref<2000x16xf32, #tpu.memory_space<vmem>>, %arg6: memref<2000x16xf32, #tpu.memory_space<vmem>>, %arg7: memref<1x16xf32, #tpu.memory_space<vmem>>) attributes {dimension_semantics = [#tpu.dimension_semantics<arbitrary>], iteration_bounds = array<i64: 5>, scalar_prefetch = 0 : i64, scratch_operands = 0 : i64, tpu.core_type = #tpu.core_type<tc>, window_params = [{transform_indices = @transform_0, window_bounds = array<i64: 2000, 8>}, {transform_indices = @transform_1, window_bounds = array<i64: 2000, 8>}, {pipeline_mode = #tpu.pipeline_mode<synchronous>, transform_indices = @transform_2, window_bounds = array<i64: 1, 8>}, {pipeline_mode = #tpu.pipeline_mode<synchronous>, transform_indices = @transform_3, window_bounds = array<i64: 1, 8>}, {transform_indices = @transform_4, window_bounds = array<i64: 2000, 16>}, {transform_indices = @transform_5, window_bounds = array<i64: 2000, 16>}, {pipeline_mode = #tpu.pipeline_mode<synchronous>, transform_indices = @transform_6, window_bounds = array<i64: 1, 16>}]} {
    %get3A = arith.constant 0 : index
    %get3A_0 = arith.constant 0 : index
    %get3A_1 = vector.load %arg3[%get3A, %get3A_0] : memref<1x8xf32, #tpu.memory_space<vmem>>, vector<1x8xf32>
    %get3A_2 = arith.constant 0 : index
    %get3A_3 = arith.constant 0 : index
    %get3A_4 = vector.load %arg4[%get3A_2, %get3A_3] : memref<1x8xf32, #tpu.memory_space<vmem>>, vector<1x8xf32>
    %add3A = arith.addf %get3A_1, %get3A_4 : vector<1x8xf32>
    %ge3A = arith.constant 0.000000e+00 : f32
    %ge3A_5 = vector.broadcast %ge3A : f32 to vector<1x8xf32>
    %ge3A_6 = arith.cmpf oge, %add3A, %ge3A_5 : vector<1x8xf32>
    %mul3A = arith.constant 2.000000e-01 : f32
    %mul3A_7 = vector.broadcast %mul3A : f32 to vector<1x8xf32>
    %mul3A_8 = arith.mulf %mul3A_7, %add3A : vector<1x8xf32>
    %select_n3A = arith.select %ge3A_6, %add3A, %mul3A_8 : vector<1x8xi1>, vector<1x8xf32>
    %get3A_9 = arith.constant 0 : index
    %get3A_10 = arith.constant 0 : index
    %get3A_11 = vector.load %arg1[%get3A_9, %get3A_10] : memref<2000x8xf32, #tpu.memory_space<vmem>>, vector<2000x8xf32>
    %get3A_12 = arith.constant 0 : index
    %get3A_13 = arith.constant 0 : index
    %get3A_14 = vector.load %arg2[%get3A_12, %get3A_13] : memref<2000x8xf32, #tpu.memory_space<vmem>>, vector<2000x8xf32>
    %sub3A = vector.broadcast %get3A_1 : vector<1x8xf32> to vector<2000x8xf32>
    %sub3A_15 = arith.subf %get3A_11, %sub3A : vector<2000x8xf32>
    %exp3A = math.exp %sub3A_15 : vector<2000x8xf32>
    %swap3A = arith.constant 0 : index
    %swap3A_16 = arith.constant 0 : index
    %swap3A_17 = vector.load %arg5[%swap3A, %swap3A_16] : memref<2000x16xf32, #tpu.memory_space<vmem>>, vector<2000x8xf32>
    tpu.vector_store %arg5[%swap3A, %swap3A_16], %exp3A {strides = array<i32>} : memref<2000x16xf32, #tpu.memory_space<vmem>>, vector<2000x8xf32>,
    %sub3A_18 = vector.broadcast %get3A_1 : vector<1x8xf32> to vector<2000x8xf32>
    %sub3A_19 = arith.subf %get3A_11, %sub3A_18 : vector<2000x8xf32>
    %mul3A_20 = arith.constant 2.000000e-01 : f32
    %mul3A_21 = vector.broadcast %mul3A_20 : f32 to vector<2000x8xf32>
    %mul3A_22 = arith.mulf %mul3A_21, %sub3A_19 : vector<2000x8xf32>
    %exp3A_23 = math.exp %mul3A_22 : vector<2000x8xf32>
    %swap3A_24 = arith.constant 0 : index
    %swap3A_25 = arith.constant 8 : index
    %swap3A_26 = vector.load %arg5[%swap3A_24, %swap3A_25] : memref<2000x16xf32, #tpu.memory_space<vmem>>, vector<2000x8xf32>
    tpu.vector_store %arg5[%swap3A_24, %swap3A_25], %exp3A_23 {strides = array<i32>} : memref<2000x16xf32, #tpu.memory_space<vmem>>, vector<2000x8xf32>,
    %sub3A_27 = arith.subf %select_n3A, %get3A_1 : vector<1x8xf32>
    %sub3A_28 = vector.broadcast %sub3A_27 : vector<1x8xf32> to vector<2000x8xf32>
    %sub3A_29 = arith.subf %get3A_14, %sub3A_28 : vector<2000x8xf32>
    %exp3A_30 = math.exp %sub3A_29 : vector<2000x8xf32>
    %swap3A_31 = arith.constant 0 : index
    %swap3A_32 = arith.constant 0 : index
    %swap3A_33 = vector.load %arg6[%swap3A_31, %swap3A_32] : memref<2000x16xf32, #tpu.memory_space<vmem>>, vector<2000x8xf32>
    tpu.vector_store %arg6[%swap3A_31, %swap3A_32], %exp3A_30 {strides = array<i32>} : memref<2000x16xf32, #tpu.memory_space<vmem>>, vector<2000x8xf32>,
    %mul3A_34 = arith.constant 2.000000e-01 : f32
    %mul3A_35 = vector.broadcast %mul3A_34 : f32 to vector<2000x8xf32>
    %mul3A_36 = arith.mulf %mul3A_35, %get3A_14 : vector<2000x8xf32>
    %mul3A_37 = arith.constant 2.000000e-01 : f32
    %mul3A_38 = vector.broadcast %mul3A_37 : f32 to vector<1x8xf32>
    %mul3A_39 = arith.mulf %mul3A_38, %get3A_1 : vector<1x8xf32>
    %sub3A_40 = arith.subf %select_n3A, %mul3A_39 : vector<1x8xf32>
    %sub3A_41 = vector.broadcast %sub3A_40 : vector<1x8xf32> to vector<2000x8xf32>
    %sub3A_42 = arith.subf %mul3A_36, %sub3A_41 : vector<2000x8xf32>
    %exp3A_43 = math.exp %sub3A_42 : vector<2000x8xf32>
    %swap3A_44 = arith.constant 0 : index
    %swap3A_45 = arith.constant 8 : index
    %swap3A_46 = vector.load %arg6[%swap3A_44, %swap3A_45] : memref<2000x16xf32, #tpu.memory_space<vmem>>, vector<2000x8xf32>
    tpu.vector_store %arg6[%swap3A_44, %swap3A_45], %exp3A_43 {strides = array<i32>} : memref<2000x16xf32, #tpu.memory_space<vmem>>, vector<2000x8xf32>,
    %eq3A = arith.constant 0 : i32
    %eq3A_47 = arith.cmpi eq, %arg0, %eq3A : i32
    %convert_element_type3A = arith.extui %eq3A_47 : i1 to i32
    %cond3A = arith.constant 0 : i32
    %cond3A_48 = arith.cmpi ne, %convert_element_type3A, %cond3A : i32
    scf.if %cond3A_48 {
      %neg3A = arith.constant 0.000000e+00 : f32
      %neg3A_49 = vector.broadcast %neg3A : f32 to vector<1x8xf32>
      %neg3A_50 = arith.subf %neg3A_49, %select_n3A : vector<1x8xf32>
      %exp3A_51 = math.exp %neg3A_50 : vector<1x8xf32>
      %swap3A_52 = arith.constant 0 : index
      %swap3A_53 = arith.constant 0 : index
      %swap3A_54 = vector.load %arg7[%swap3A_52, %swap3A_53] : memref<1x16xf32, #tpu.memory_space<vmem>>, vector<1x8xf32>
      tpu.vector_store %arg7[%swap3A_52, %swap3A_53], %exp3A_51 {strides = array<i32>} : memref<1x16xf32, #tpu.memory_space<vmem>>, vector<1x8xf32>,
      %broadcast_in_dim3A = arith.constant 0.000000e+00 : f32
      %broadcast_in_dim3A_55 = vector.broadcast %broadcast_in_dim3A : f32 to vector<1x8xf32>
      %swap3A_56 = arith.constant 0 : index
      %swap3A_57 = arith.constant 8 : index
      %swap3A_58 = vector.load %arg7[%swap3A_56, %swap3A_57] : memref<1x16xf32, #tpu.memory_space<vmem>>, vector<1x8xf32>
      tpu.vector_store %arg7[%swap3A_56, %swap3A_57], %broadcast_in_dim3A_55 {strides = array<i32>} : memref<1x16xf32, #tpu.memory_space<vmem>>, vector<1x8xf32>,
    } else {
    }
    return
  }
  func.func @transform_0(%arg0: i32) -> (i32, i32) {
    %c0_i32 = arith.constant 0 : i32
    %c0_i32_0 = arith.constant 0 : i32
    return %arg0, %c0_i32 : i32, i32
  }
  func.func @transform_1(%arg0: i32) -> (i32, i32) {
    %c0_i32 = arith.constant 0 : i32
    %c0_i32_0 = arith.constant 0 : i32
    return %arg0, %c0_i32 : i32, i32
  }
  func.func @transform_2(%arg0: i32) -> (i32, i32) {
    %c0_i32 = arith.constant 0 : i32
    %c0_i32_0 = arith.constant 0 : i32
    %c0_i32_1 = arith.constant 0 : i32
    return %c0_i32, %c0_i32_0 : i32, i32
  }
  func.func @transform_3(%arg0: i32) -> (i32, i32) {
    %c0_i32 = arith.constant 0 : i32
    %c0_i32_0 = arith.constant 0 : i32
    %c0_i32_1 = arith.constant 0 : i32
    return %c0_i32, %c0_i32_0 : i32, i32
  }
  func.func @transform_4(%arg0: i32) -> (i32, i32) {
    %c0_i32 = arith.constant 0 : i32
    %c0_i32_0 = arith.constant 0 : i32
    return %arg0, %c0_i32 : i32, i32
  }
  func.func @transform_5(%arg0: i32) -> (i32, i32) {
    %c0_i32 = arith.constant 0 : i32
    %c0_i32_0 = arith.constant 0 : i32
    return %arg0, %c0_i32 : i32, i32
  }
  func.func @transform_6(%arg0: i32) -> (i32, i32) {
    %c0_i32 = arith.constant 0 : i32
    %c0_i32_0 = arith.constant 0 : i32
    %c0_i32_1 = arith.constant 0 : i32
    return %c0_i32, %c0_i32_0 : i32, i32
  }
}

module attributes {stable_mosaic.version = 14 : i64} {
  func.func @_cluster_pre_body(%arg0: memref<576x1xi32, #tpu.memory_space<vmem>>, %arg1: memref<576x1xi32, #tpu.memory_space<vmem>>, %arg2: memref<64x256xf32, #tpu.memory_space<vmem>>, %arg3: memref<64x1xf32, #tpu.memory_space<vmem>>, %arg4: memref<256x256xf32, #tpu.memory_space<vmem>>, %arg5: memref<1x256xf32, #tpu.memory_space<vmem>>, %arg6: memref<256x256xf32, #tpu.memory_space<vmem>>, %arg7: memref<1x256xf32, #tpu.memory_space<vmem>>, %arg8: memref<256x256xf32, #tpu.memory_space<vmem>>, %arg9: memref<1x256xf32, #tpu.memory_space<vmem>>, %arg10: memref<64x64xf32, #tpu.memory_space<vmem>>, %arg11: memref<64x256xf32, #tpu.memory_space<vmem>>) attributes {dimension_semantics = [], scalar_prefetch = 0 : i64, scratch_operands = 0 : i64, tpu.core_type = #tpu.core_type<tc>} {
    %get3A = arith.constant 0 : index
    %get3A_0 = arith.constant 0 : index
    %get3A_1 = vector.load %arg0[%get3A, %get3A_0] : memref<576x1xi32, #tpu.memory_space<vmem>>, vector<576x1xi32>
    %iota3A = tpu.iota {dimensions = array<i32: 1>} : vector<576x64xi32>
    %eq3A = vector.broadcast %get3A_1 : vector<576x1xi32> to vector<576x64xi32>
    %eq3A_2 = arith.cmpi eq, %eq3A, %iota3A : vector<576x64xi32>
    %convert_element_type3A = arith.extui %eq3A_2 : vector<576x64xi1> to vector<576x64xi32>
    %convert_element_type3A_3 = arith.sitofp %convert_element_type3A : vector<576x64xi32> to vector<576x64xf32>
    %get3A_4 = arith.constant 0 : index
    %get3A_5 = arith.constant 0 : index
    %get3A_6 = vector.load %arg1[%get3A_4, %get3A_5] : memref<576x1xi32, #tpu.memory_space<vmem>>, vector<576x1xi32>
    %iota3A_7 = tpu.iota {dimensions = array<i32: 1>} : vector<576x64xi32>
    %eq3A_8 = vector.broadcast %get3A_6 : vector<576x1xi32> to vector<576x64xi32>
    %eq3A_9 = arith.cmpi eq, %eq3A_8, %iota3A_7 : vector<576x64xi32>
    %convert_element_type3A_10 = arith.extui %eq3A_9 : vector<576x64xi1> to vector<576x64xi32>
    %convert_element_type3A_11 = arith.sitofp %convert_element_type3A_10 : vector<576x64xi32> to vector<576x64xf32>
    %broadcast_in_dim3A = arith.constant 1.000000e+00 : f32
    %broadcast_in_dim3A_12 = vector.broadcast %broadcast_in_dim3A : f32 to vector<576x1xf32>
    %dot_general3A = arith.constant dense<0.000000e+00> : vector<64x1xf32>
    %dot_general3A_13 = tpu.matmul %convert_element_type3A_11, %broadcast_in_dim3A_12, %dot_general3A {dimension_numbers = #tpu.dot_dimension_numbers<[0], [0], [1], [1], [0, 1, 1, 1], [], []>, transpose_lhs_hint = false} : vector<576x64xf32>, vector<576x1xf32>, vector<64x1xf32> -> vector<64x1xf32>
    %max3A = arith.constant 1.000000e+00 : f32
    %max3A_14 = vector.broadcast %max3A : f32 to vector<64x1xf32>
    %max3A_15 = arith.maximumf %dot_general3A_13, %max3A_14 : vector<64x1xf32>
    %rsqrt3A = math.rsqrt %max3A_15 : vector<64x1xf32>
    %dot_general3A_16 = arith.constant dense<0.000000e+00> : vector<576x1xf32>
    %dot_general3A_17 = tpu.matmul %convert_element_type3A_3, %rsqrt3A, %dot_general3A_16 {dimension_numbers = #tpu.dot_dimension_numbers<[1], [0], [0], [1], [0, 0, 1, 1], [], []>, transpose_lhs_hint = false} : vector<576x64xf32>, vector<64x1xf32>, vector<576x1xf32> -> vector<576x1xf32>
    %dot_general3A_18 = arith.constant dense<0.000000e+00> : vector<576x1xf32>
    %dot_general3A_19 = tpu.matmul %convert_element_type3A_11, %rsqrt3A, %dot_general3A_18 {dimension_numbers = #tpu.dot_dimension_numbers<[1], [0], [0], [1], [0, 0, 1, 1], [], []>, transpose_lhs_hint = false} : vector<576x64xf32>, vector<64x1xf32>, vector<576x1xf32> -> vector<576x1xf32>
    %mul3A = arith.mulf %dot_general3A_17, %dot_general3A_19 : vector<576x1xf32>
    %mul3A_20 = vector.broadcast %mul3A : vector<576x1xf32> to vector<576x64xf32>
    %mul3A_21 = arith.mulf %convert_element_type3A_11, %mul3A_20 : vector<576x64xf32>
    %dot_general3A_22 = arith.constant dense<0.000000e+00> : vector<64x64xf32>
    %dot_general3A_23 = tpu.matmul %mul3A_21, %convert_element_type3A_3, %dot_general3A_22 {dimension_numbers = #tpu.dot_dimension_numbers<[0], [0], [1], [1], [0, 1, 1, 1], [], []>, transpose_lhs_hint = false} : vector<576x64xf32>, vector<576x64xf32>, vector<64x64xf32> -> vector<64x64xf32>
    %swap3A = arith.constant 0 : index
    %swap3A_24 = arith.constant 0 : index
    %swap3A_25 = vector.load %arg10[%swap3A, %swap3A_24] : memref<64x64xf32, #tpu.memory_space<vmem>>, vector<64x64xf32>
    tpu.vector_store %arg10[%swap3A, %swap3A_24], %dot_general3A_23 {strides = array<i32>} : memref<64x64xf32, #tpu.memory_space<vmem>>, vector<64x64xf32>,
    %get3A_26 = arith.constant 0 : index
    %get3A_27 = arith.constant 0 : index
    %get3A_28 = vector.load %arg2[%get3A_26, %get3A_27] : memref<64x256xf32, #tpu.memory_space<vmem>>, vector<64x256xf32>
    %get3A_29 = arith.constant 0 : index
    %get3A_30 = arith.constant 0 : index
    %get3A_31 = vector.load %arg3[%get3A_29, %get3A_30] : memref<64x1xf32, #tpu.memory_space<vmem>>, vector<64x1xf32>
    %max3A_32 = arith.constant 1.000000e+00 : f32
    %max3A_33 = vector.broadcast %max3A_32 : f32 to vector<64x1xf32>
    %max3A_34 = arith.maximumf %get3A_31, %max3A_33 : vector<64x1xf32>
    %div3A = vector.broadcast %max3A_34 : vector<64x1xf32> to vector<64x256xf32>
    %div3A_35 = arith.divf %get3A_28, %div3A : vector<64x256xf32>
    %get3A_36 = arith.constant 0 : index
    %get3A_37 = arith.constant 0 : index
    %get3A_38 = vector.load %arg4[%get3A_36, %get3A_37] : memref<256x256xf32, #tpu.memory_space<vmem>>, vector<256x256xf32>
    %dot_general3A_39 = arith.constant dense<0.000000e+00> : vector<64x256xf32>
    %dot_general3A_40 = tpu.matmul %div3A_35, %get3A_38, %dot_general3A_39 {dimension_numbers = #tpu.dot_dimension_numbers<[1], [0], [0], [1], [0, 0, 1, 1], [], []>, transpose_lhs_hint = false} : vector<64x256xf32>, vector<256x256xf32>, vector<64x256xf32> -> vector<64x256xf32>
    %get3A_41 = arith.constant 0 : index
    %get3A_42 = arith.constant 0 : index
    %get3A_43 = vector.load %arg5[%get3A_41, %get3A_42] : memref<1x256xf32, #tpu.memory_space<vmem>>, vector<1x256xf32>
    %add3A = vector.broadcast %get3A_43 : vector<1x256xf32> to vector<64x256xf32>
    %add3A_44 = arith.addf %dot_general3A_40, %add3A : vector<64x256xf32>
    %get3A_45 = arith.constant 0 : index
    %get3A_46 = arith.constant 0 : index
    %get3A_47 = vector.load %arg6[%get3A_45, %get3A_46] : memref<256x256xf32, #tpu.memory_space<vmem>>, vector<256x256xf32>
    %dot_general3A_48 = arith.constant dense<0.000000e+00> : vector<64x256xf32>
    %dot_general3A_49 = tpu.matmul %add3A_44, %get3A_47, %dot_general3A_48 {dimension_numbers = #tpu.dot_dimension_numbers<[1], [0], [0], [1], [0, 0, 1, 1], [], []>, transpose_lhs_hint = false} : vector<64x256xf32>, vector<256x256xf32>, vector<64x256xf32> -> vector<64x256xf32>
    %dot_general3A_50 = arith.constant dense<0.000000e+00> : vector<64x256xf32>
    %dot_general3A_51 = tpu.matmul %dot_general3A_23, %dot_general3A_49, %dot_general3A_50 {dimension_numbers = #tpu.dot_dimension_numbers<[1], [0], [0], [1], [0, 0, 1, 1], [], []>, transpose_lhs_hint = false} : vector<64x64xf32>, vector<64x256xf32>, vector<64x256xf32> -> vector<64x256xf32>
    %get3A_52 = arith.constant 0 : index
    %get3A_53 = arith.constant 0 : index
    %get3A_54 = vector.load %arg7[%get3A_52, %get3A_53] : memref<1x256xf32, #tpu.memory_space<vmem>>, vector<1x256xf32>
    %add3A_55 = vector.broadcast %get3A_54 : vector<1x256xf32> to vector<64x256xf32>
    %add3A_56 = arith.addf %dot_general3A_51, %add3A_55 : vector<64x256xf32>
    %max3A_57 = arith.constant 0.000000e+00 : f32
    %max3A_58 = vector.broadcast %max3A_57 : f32 to vector<64x256xf32>
    %max3A_59 = arith.maximumf %add3A_56, %max3A_58 : vector<64x256xf32>
    %get3A_60 = arith.constant 0 : index
    %get3A_61 = arith.constant 0 : index
    %get3A_62 = vector.load %arg8[%get3A_60, %get3A_61] : memref<256x256xf32, #tpu.memory_space<vmem>>, vector<256x256xf32>
    %dot_general3A_63 = arith.constant dense<0.000000e+00> : vector<64x256xf32>
    %dot_general3A_64 = tpu.matmul %max3A_59, %get3A_62, %dot_general3A_63 {dimension_numbers = #tpu.dot_dimension_numbers<[1], [0], [0], [1], [0, 0, 1, 1], [], []>, transpose_lhs_hint = false} : vector<64x256xf32>, vector<256x256xf32>, vector<64x256xf32> -> vector<64x256xf32>
    %get3A_65 = arith.constant 0 : index
    %get3A_66 = arith.constant 0 : index
    %get3A_67 = vector.load %arg9[%get3A_65, %get3A_66] : memref<1x256xf32, #tpu.memory_space<vmem>>, vector<1x256xf32>
    %add3A_68 = vector.broadcast %get3A_67 : vector<1x256xf32> to vector<64x256xf32>
    %add3A_69 = arith.addf %dot_general3A_64, %add3A_68 : vector<64x256xf32>
    %swap3A_70 = arith.constant 0 : index
    %swap3A_71 = arith.constant 0 : index
    %swap3A_72 = vector.load %arg11[%swap3A_70, %swap3A_71] : memref<64x256xf32, #tpu.memory_space<vmem>>, vector<64x256xf32>
    tpu.vector_store %arg11[%swap3A_70, %swap3A_71], %add3A_69 {strides = array<i32>} : memref<64x256xf32, #tpu.memory_space<vmem>>, vector<64x256xf32>,
    return
  }
}

module attributes {stable_mosaic.version = 14 : i64} {
  func.func @_post0_body(%arg0: i32, %arg1: memref<2000x256xf32, #tpu.memory_space<vmem>>, %arg2: memref<2000x8xf32, #tpu.memory_space<vmem>>, %arg3: memref<1x256xf32, #tpu.memory_space<vmem>>, %arg4: memref<2000x1xi32, #tpu.memory_space<vmem>>, %arg5: memref<64x256xf32, #tpu.memory_space<vmem>>, %arg6: memref<256x256xf32, #tpu.memory_space<vmem>>, %arg7: memref<1x256xf32, #tpu.memory_space<vmem>>, %arg8: memref<256x256xf32, #tpu.memory_space<vmem>>, %arg9: memref<1x256xf32, #tpu.memory_space<vmem>>, %arg10: memref<2000x256xf32, #tpu.memory_space<vmem>>, %arg11: memref<2000x8xf32, #tpu.memory_space<vmem>>, %arg12: memref<1x8xf32, #tpu.memory_space<vmem>>) attributes {dimension_semantics = [#tpu.dimension_semantics<arbitrary>], iteration_bounds = array<i64: 5>, scalar_prefetch = 0 : i64, scratch_operands = 0 : i64, tpu.core_type = #tpu.core_type<tc>, window_params = [{transform_indices = @transform_0, window_bounds = array<i64: 2000, 256>}, {transform_indices = @transform_1, window_bounds = array<i64: 2000, 8>}, {pipeline_mode = #tpu.pipeline_mode<synchronous>, transform_indices = @transform_2, window_bounds = array<i64: 1, 256>}, {transform_indices = @transform_3, window_bounds = array<i64: 2000, 1>}, {pipeline_mode = #tpu.pipeline_mode<synchronous>, transform_indices = @transform_4, window_bounds = array<i64: 64, 256>}, {pipeline_mode = #tpu.pipeline_mode<synchronous>, transform_indices = @transform_5, window_bounds = array<i64: 256, 256>}, {pipeline_mode = #tpu.pipeline_mode<synchronous>, transform_indices = @transform_6, window_bounds = array<i64: 1, 256>}, {pipeline_mode = #tpu.pipeline_mode<synchronous>, transform_indices = @transform_7, window_bounds = array<i64: 256, 256>}, {pipeline_mode = #tpu.pipeline_mode<synchronous>, transform_indices = @transform_8, window_bounds = array<i64: 1, 256>}, {transform_indices = @transform_9, window_bounds = array<i64: 2000, 256>}, {transform_indices = @transform_10, window_bounds = array<i64: 2000, 8>}, {pipeline_mode = #tpu.pipeline_mode<synchronous>, transform_indices = @transform_11, window_bounds = array<i64: 1, 8>}]} {
    %get3A = arith.constant 0 : index
    %get3A_0 = arith.constant 0 : index
    %get3A_1 = vector.load %arg2[%get3A, %get3A_0] : memref<2000x8xf32, #tpu.memory_space<vmem>>, vector<2000x8xf32>
    %iota3A = tpu.iota {dimensions = array<i32: 0>} : vector<8x256xi32>
    %iota3A_2 = tpu.iota {dimensions = array<i32: 1>} : vector<8x256xi32>
    %jit3A = arith.constant 32 : i32
    %div3A = vector.broadcast %jit3A : i32 to vector<8x256xi32>
    %div3A_3 = arith.divsi %iota3A_2, %div3A : vector<8x256xi32>
    %sign3A = arith.constant 0 : i32
    %sign3A_4 = vector.broadcast %sign3A : i32 to vector<8x256xi32>
    %sign3A_5 = arith.cmpi sgt, %iota3A_2, %sign3A_4 : vector<8x256xi32>
    %sign3A_6 = arith.extui %sign3A_5 : vector<8x256xi1> to vector<8x256xi32>
    %sign3A_7 = arith.constant 0 : i32
    %sign3A_8 = vector.broadcast %sign3A_7 : i32 to vector<8x256xi32>
    %sign3A_9 = arith.cmpi slt, %iota3A_2, %sign3A_8 : vector<8x256xi32>
    %sign3A_10 = arith.extui %sign3A_9 : vector<8x256xi1> to vector<8x256xi32>
    %sign3A_11 = arith.subi %sign3A_6, %sign3A_10 : vector<8x256xi32>
    %sign3A_12 = arith.constant 0 : i32
    %sign3A_13 = arith.cmpi sgt, %jit3A, %sign3A_12 : i32
    %sign3A_14 = arith.extui %sign3A_13 : i1 to i32
    %sign3A_15 = arith.constant 0 : i32
    %sign3A_16 = arith.cmpi slt, %jit3A, %sign3A_15 : i32
    %sign3A_17 = arith.extui %sign3A_16 : i1 to i32
    %sign3A_18 = arith.subi %sign3A_14, %sign3A_17 : i32
    %ne3A = vector.broadcast %sign3A_18 : i32 to vector<8x256xi32>
    %ne3A_19 = arith.cmpi ne, %sign3A_11, %ne3A : vector<8x256xi32>
    %rem3A = vector.broadcast %jit3A : i32 to vector<8x256xi32>
    %rem3A_20 = arith.remsi %iota3A_2, %rem3A : vector<8x256xi32>
    %ne3A_21 = arith.constant 0 : i32
    %ne3A_22 = vector.broadcast %ne3A_21 : i32 to vector<8x256xi32>
    %ne3A_23 = arith.cmpi ne, %rem3A_20, %ne3A_22 : vector<8x256xi32>
    %and3A = arith.andi %ne3A_19, %ne3A_23 : vector<8x256xi1>
    %sub3A = arith.constant 1 : i32
    %sub3A_24 = vector.broadcast %sub3A : i32 to vector<8x256xi32>
    %sub3A_25 = arith.subi %div3A_3, %sub3A_24 : vector<8x256xi32>
    %select_n3A = arith.select %and3A, %sub3A_25, %div3A_3 : vector<8x256xi1>, vector<8x256xi32>
    %eq3A = arith.cmpi eq, %iota3A, %select_n3A : vector<8x256xi32>
    %convert_element_type3A = arith.extui %eq3A : vector<8x256xi1> to vector<8x256xi32>
    %convert_element_type3A_26 = arith.sitofp %convert_element_type3A : vector<8x256xi32> to vector<8x256xf32>
    %dot_general3A = arith.constant dense<0.000000e+00> : vector<2000x256xf32>
    %dot_general3A_27 = tpu.matmul %get3A_1, %convert_element_type3A_26, %dot_general3A {dimension_numbers = #tpu.dot_dimension_numbers<[1], [0], [0], [1], [0, 0, 1, 1], [], []>, transpose_lhs_hint = false} : vector<2000x8xf32>, vector<8x256xf32>, vector<2000x256xf32> -> vector<2000x256xf32>
    %get3A_28 = arith.constant 0 : index
    %get3A_29 = arith.constant 0 : index
    %get3A_30 = vector.load %arg1[%get3A_28, %get3A_29] : memref<2000x256xf32, #tpu.memory_space<vmem>>, vector<2000x256xf32>
    %add3A = arith.constant 1.000000e-16 : f32
    %add3A_31 = vector.broadcast %add3A : f32 to vector<2000x256xf32>
    %add3A_32 = arith.addf %dot_general3A_27, %add3A_31 : vector<2000x256xf32>
    %div3A_33 = arith.divf %get3A_30, %add3A_32 : vector<2000x256xf32>
    %get3A_34 = arith.constant 0 : index
    %get3A_35 = arith.constant 0 : index
    %get3A_36 = vector.load %arg3[%get3A_34, %get3A_35] : memref<1x256xf32, #tpu.memory_space<vmem>>, vector<1x256xf32>
    %add3A_37 = vector.broadcast %get3A_36 : vector<1x256xf32> to vector<2000x256xf32>
    %add3A_38 = arith.addf %div3A_33, %add3A_37 : vector<2000x256xf32>
    %gt3A = arith.constant 0.000000e+00 : f32
    %gt3A_39 = vector.broadcast %gt3A : f32 to vector<2000x256xf32>
    %gt3A_40 = arith.cmpf ogt, %add3A_38, %gt3A_39 : vector<2000x256xf32>
    %min3A = arith.constant 0.000000e+00 : f32
    %min3A_41 = vector.broadcast %min3A : f32 to vector<2000x256xf32>
    %min3A_42 = arith.minimumf %add3A_38, %min3A_41 : vector<2000x256xf32>
    %exp3A = math.exp %min3A_42 : vector<2000x256xf32>
    %sub3A_43 = arith.constant 1.000000e+00 : f32
    %sub3A_44 = vector.broadcast %sub3A_43 : f32 to vector<2000x256xf32>
    %sub3A_45 = arith.subf %exp3A, %sub3A_44 : vector<2000x256xf32>
    %select_n3A_46 = arith.select %gt3A_40, %add3A_38, %sub3A_45 : vector<2000x256xi1>, vector<2000x256xf32>
    %get3A_47 = arith.constant 0 : index
    %get3A_48 = arith.constant 0 : index
    %get3A_49 = vector.load %arg6[%get3A_47, %get3A_48] : memref<256x256xf32, #tpu.memory_space<vmem>>, vector<256x256xf32>
    %dot_general3A_50 = arith.constant dense<0.000000e+00> : vector<2000x256xf32>
    %dot_general3A_51 = tpu.matmul %select_n3A_46, %get3A_49, %dot_general3A_50 {dimension_numbers = #tpu.dot_dimension_numbers<[1], [0], [0], [1], [0, 0, 1, 1], [], []>, transpose_lhs_hint = false} : vector<2000x256xf32>, vector<256x256xf32>, vector<2000x256xf32> -> vector<2000x256xf32>
    %get3A_52 = arith.constant 0 : index
    %get3A_53 = arith.constant 0 : index
    %get3A_54 = vector.load %arg7[%get3A_52, %get3A_53] : memref<1x256xf32, #tpu.memory_space<vmem>>, vector<1x256xf32>
    %add3A_55 = vector.broadcast %get3A_54 : vector<1x256xf32> to vector<2000x256xf32>
    %add3A_56 = arith.addf %dot_general3A_51, %add3A_55 : vector<2000x256xf32>
    %get3A_57 = arith.constant 0 : index
    %get3A_58 = arith.constant 0 : index
    %get3A_59 = vector.load %arg8[%get3A_57, %get3A_58] : memref<256x256xf32, #tpu.memory_space<vmem>>, vector<256x256xf32>
    %dot_general3A_60 = arith.constant dense<0.000000e+00> : vector<2000x256xf32>
    %dot_general3A_61 = tpu.matmul %select_n3A_46, %get3A_59, %dot_general3A_60 {dimension_numbers = #tpu.dot_dimension_numbers<[1], [0], [0], [1], [0, 0, 1, 1], [], []>, transpose_lhs_hint = false} : vector<2000x256xf32>, vector<256x256xf32>, vector<2000x256xf32> -> vector<2000x256xf32>
    %get3A_62 = arith.constant 0 : index
    %get3A_63 = arith.constant 0 : index
    %get3A_64 = vector.load %arg9[%get3A_62, %get3A_63] : memref<1x256xf32, #tpu.memory_space<vmem>>, vector<1x256xf32>
    %add3A_65 = vector.broadcast %get3A_64 : vector<1x256xf32> to vector<2000x256xf32>
    %add3A_66 = arith.addf %dot_general3A_61, %add3A_65 : vector<2000x256xf32>
    %swap3A = arith.constant 0 : index
    %swap3A_67 = arith.constant 0 : index
    %swap3A_68 = vector.load %arg10[%swap3A, %swap3A_67] : memref<2000x256xf32, #tpu.memory_space<vmem>>, vector<2000x256xf32>
    tpu.vector_store %arg10[%swap3A, %swap3A_67], %add3A_66 {strides = array<i32>} : memref<2000x256xf32, #tpu.memory_space<vmem>>, vector<2000x256xf32>,
    %get3A_69 = arith.constant 0 : index
    %get3A_70 = arith.constant 0 : index
    %get3A_71 = vector.load %arg4[%get3A_69, %get3A_70] : memref<2000x1xi32, #tpu.memory_space<vmem>>, vector<2000x1xi32>
    %iota3A_72 = tpu.iota {dimensions = array<i32: 1>} : vector<2000x64xi32>
    %eq3A_73 = vector.broadcast %get3A_71 : vector<2000x1xi32> to vector<2000x64xi32>
    %eq3A_74 = arith.cmpi eq, %eq3A_73, %iota3A_72 : vector<2000x64xi32>
    %convert_element_type3A_75 = arith.extui %eq3A_74 : vector<2000x64xi1> to vector<2000x64xi32>
    %convert_element_type3A_76 = arith.sitofp %convert_element_type3A_75 : vector<2000x64xi32> to vector<2000x64xf32>
    %get3A_77 = arith.constant 0 : index
    %get3A_78 = arith.constant 0 : index
    %get3A_79 = vector.load %arg5[%get3A_77, %get3A_78] : memref<64x256xf32, #tpu.memory_space<vmem>>, vector<64x256xf32>
    %dot_general3A_80 = arith.constant dense<0.000000e+00> : vector<2000x256xf32>
    %dot_general3A_81 = tpu.matmul %convert_element_type3A_76, %get3A_79, %dot_general3A_80 {dimension_numbers = #tpu.dot_dimension_numbers<[1], [0], [0], [1], [0, 0, 1, 1], [], []>, transpose_lhs_hint = false} : vector<2000x64xf32>, vector<64x256xf32>, vector<2000x256xf32> -> vector<2000x256xf32>
    %mul3A = arith.mulf %dot_general3A_81, %add3A_56 : vector<2000x256xf32>
    %iota3A_82 = tpu.iota {dimensions = array<i32: 0>} : vector<256x8xi32>
    %jit3A_83 = arith.constant 32 : i32
    %div3A_84 = vector.broadcast %jit3A_83 : i32 to vector<256x8xi32>
    %div3A_85 = arith.divsi %iota3A_82, %div3A_84 : vector<256x8xi32>
    %sign3A_86 = arith.constant 0 : i32
    %sign3A_87 = vector.broadcast %sign3A_86 : i32 to vector<256x8xi32>
    %sign3A_88 = arith.cmpi sgt, %iota3A_82, %sign3A_87 : vector<256x8xi32>
    %sign3A_89 = arith.extui %sign3A_88 : vector<256x8xi1> to vector<256x8xi32>
    %sign3A_90 = arith.constant 0 : i32
    %sign3A_91 = vector.broadcast %sign3A_90 : i32 to vector<256x8xi32>
    %sign3A_92 = arith.cmpi slt, %iota3A_82, %sign3A_91 : vector<256x8xi32>
    %sign3A_93 = arith.extui %sign3A_92 : vector<256x8xi1> to vector<256x8xi32>
    %sign3A_94 = arith.subi %sign3A_89, %sign3A_93 : vector<256x8xi32>
    %sign3A_95 = arith.constant 0 : i32
    %sign3A_96 = arith.cmpi sgt, %jit3A_83, %sign3A_95 : i32
    %sign3A_97 = arith.extui %sign3A_96 : i1 to i32
    %sign3A_98 = arith.constant 0 : i32
    %sign3A_99 = arith.cmpi slt, %jit3A_83, %sign3A_98 : i32
    %sign3A_100 = arith.extui %sign3A_99 : i1 to i32
    %sign3A_101 = arith.subi %sign3A_97, %sign3A_100 : i32
    %ne3A_102 = vector.broadcast %sign3A_101 : i32 to vector<256x8xi32>
    %ne3A_103 = arith.cmpi ne, %sign3A_94, %ne3A_102 : vector<256x8xi32>
    %rem3A_104 = vector.broadcast %jit3A_83 : i32 to vector<256x8xi32>
    %rem3A_105 = arith.remsi %iota3A_82, %rem3A_104 : vector<256x8xi32>
    %ne3A_106 = arith.constant 0 : i32
    %ne3A_107 = vector.broadcast %ne3A_106 : i32 to vector<256x8xi32>
    %ne3A_108 = arith.cmpi ne, %rem3A_105, %ne3A_107 : vector<256x8xi32>
    %and3A_109 = arith.andi %ne3A_103, %ne3A_108 : vector<256x8xi1>
    %sub3A_110 = arith.constant 1 : i32
    %sub3A_111 = vector.broadcast %sub3A_110 : i32 to vector<256x8xi32>
    %sub3A_112 = arith.subi %div3A_85, %sub3A_111 : vector<256x8xi32>
    %select_n3A_113 = arith.select %and3A_109, %sub3A_112, %div3A_85 : vector<256x8xi1>, vector<256x8xi32>
    %iota3A_114 = tpu.iota {dimensions = array<i32: 1>} : vector<256x8xi32>
    %eq3A_115 = arith.cmpi eq, %select_n3A_113, %iota3A_114 : vector<256x8xi32>
    %convert_element_type3A_116 = arith.extui %eq3A_115 : vector<256x8xi1> to vector<256x8xi32>
    %convert_element_type3A_117 = arith.sitofp %convert_element_type3A_116 : vector<256x8xi32> to vector<256x8xf32>
    %dot_general3A_118 = arith.constant dense<0.000000e+00> : vector<2000x8xf32>
    %dot_general3A_119 = tpu.matmul %mul3A, %convert_element_type3A_117, %dot_general3A_118 {dimension_numbers = #tpu.dot_dimension_numbers<[1], [0], [0], [1], [0, 0, 1, 1], [], []>, transpose_lhs_hint = false} : vector<2000x256xf32>, vector<256x8xf32>, vector<2000x8xf32> -> vector<2000x8xf32>
    %sqrt3A = arith.constant 3.200000e+01 : f32
    %sqrt3A_120 = math.sqrt %sqrt3A : f32
    %div3A_121 = arith.constant 1.000000e+00 : f32
    %div3A_122 = arith.divf %div3A_121, %sqrt3A_120 : f32
    %mul3A_123 = vector.broadcast %div3A_122 : f32 to vector<2000x8xf32>
    %mul3A_124 = arith.mulf %dot_general3A_119, %mul3A_123 : vector<2000x8xf32>
    %swap3A_125 = arith.constant 0 : index
    %swap3A_126 = arith.constant 0 : index
    %swap3A_127 = vector.load %arg11[%swap3A_125, %swap3A_126] : memref<2000x8xf32, #tpu.memory_space<vmem>>, vector<2000x8xf32>
    tpu.vector_store %arg11[%swap3A_125, %swap3A_126], %mul3A_124 {strides = array<i32>} : memref<2000x8xf32, #tpu.memory_space<vmem>>, vector<2000x8xf32>,
    %reduce_max3A = arith.constant dense<0xFF800000> : vector<8xf32>
    %reduce_max3A_128 = vector.multi_reduction <maximumf>, %mul3A_124, %reduce_max3A [0] : vector<2000x8xf32> to vector<8xf32>
    %broadcast_in_dim3A = vector.shape_cast %reduce_max3A_128 : vector<8xf32> to vector<1x8xf32>
    %eq3A_129 = arith.constant 0 : i32
    %eq3A_130 = arith.cmpi eq, %arg0, %eq3A_129 : i32
    %convert_element_type3A_131 = arith.extui %eq3A_130 : i1 to i32
    %cond3A = arith.constant 0 : i32
    %cond3A_132 = arith.cmpi ne, %convert_element_type3A_131, %cond3A : i32
    scf.if %cond3A_132 {
      %swap3A_138 = arith.constant 0 : index
      %swap3A_139 = arith.constant 0 : index
      %swap3A_140 = vector.load %arg12[%swap3A_138, %swap3A_139] : memref<1x8xf32, #tpu.memory_space<vmem>>, vector<1x8xf32>
      tpu.vector_store %arg12[%swap3A_138, %swap3A_139], %broadcast_in_dim3A {strides = array<i32>} : memref<1x8xf32, #tpu.memory_space<vmem>>, vector<1x8xf32>,
    } else {
    }
    %gt3A_133 = arith.constant 0 : i32
    %gt3A_134 = arith.cmpi sgt, %arg0, %gt3A_133 : i32
    %convert_element_type3A_135 = arith.extui %gt3A_134 : i1 to i32
    %cond3A_136 = arith.constant 0 : i32
    %cond3A_137 = arith.cmpi ne, %convert_element_type3A_135, %cond3A_136 : i32
    scf.if %cond3A_137 {
      %get3A_138 = arith.constant 0 : index
      %get3A_139 = arith.constant 0 : index
      %get3A_140 = vector.load %arg12[%get3A_138, %get3A_139] : memref<1x8xf32, #tpu.memory_space<vmem>>, vector<1x8xf32>
      %max3A = arith.maximumf %get3A_140, %broadcast_in_dim3A : vector<1x8xf32>
      %swap3A_141 = arith.constant 0 : index
      %swap3A_142 = arith.constant 0 : index
      %swap3A_143 = vector.load %arg12[%swap3A_141, %swap3A_142] : memref<1x8xf32, #tpu.memory_space<vmem>>, vector<1x8xf32>
      tpu.vector_store %arg12[%swap3A_141, %swap3A_142], %max3A {strides = array<i32>} : memref<1x8xf32, #tpu.memory_space<vmem>>, vector<1x8xf32>,
    } else {
    }
    return
  }
  func.func @transform_0(%arg0: i32) -> (i32, i32) {
    %c0_i32 = arith.constant 0 : i32
    %c0_i32_0 = arith.constant 0 : i32
    return %arg0, %c0_i32 : i32, i32
  }
  func.func @transform_1(%arg0: i32) -> (i32, i32) {
    %c0_i32 = arith.constant 0 : i32
    %c0_i32_0 = arith.constant 0 : i32
    return %arg0, %c0_i32 : i32, i32
  }
  func.func @transform_2(%arg0: i32) -> (i32, i32) {
    %c0_i32 = arith.constant 0 : i32
    %c0_i32_0 = arith.constant 0 : i32
    %c0_i32_1 = arith.constant 0 : i32
    return %c0_i32, %c0_i32_0 : i32, i32
  }
  func.func @transform_3(%arg0: i32) -> (i32, i32) {
    %c0_i32 = arith.constant 0 : i32
    %c0_i32_0 = arith.constant 0 : i32
    return %arg0, %c0_i32 : i32, i32
  }
  func.func @transform_4(%arg0: i32) -> (i32, i32) {
    %c0_i32 = arith.constant 0 : i32
    %c0_i32_0 = arith.constant 0 : i32
    %c0_i32_1 = arith.constant 0 : i32
    return %c0_i32, %c0_i32_0 : i32, i32
  }
  func.func @transform_5(%arg0: i32) -> (i32, i32) {
    %c0_i32 = arith.constant 0 : i32
    %c0_i32_0 = arith.constant 0 : i32
    %c0_i32_1 = arith.constant 0 : i32
    return %c0_i32, %c0_i32_0 : i32, i32
  }
  func.func @transform_6(%arg0: i32) -> (i32, i32) {
    %c0_i32 = arith.constant 0 : i32
    %c0_i32_0 = arith.constant 0 : i32
    %c0_i32_1 = arith.constant 0 : i32
    return %c0_i32, %c0_i32_0 : i32, i32
  }
  func.func @transform_7(%arg0: i32) -> (i32, i32) {
    %c0_i32 = arith.constant 0 : i32
    %c0_i32_0 = arith.constant 0 : i32
    %c0_i32_1 = arith.constant 0 : i32
    return %c0_i32, %c0_i32_0 : i32, i32
  }
  func.func @transform_8(%arg0: i32) -> (i32, i32) {
    %c0_i32 = arith.constant 0 : i32
    %c0_i32_0 = arith.constant 0 : i32
    %c0_i32_1 = arith.constant 0 : i32
    return %c0_i32, %c0_i32_0 : i32, i32
  }
  func.func @transform_9(%arg0: i32) -> (i32, i32) {
    %c0_i32 = arith.constant 0 : i32
    %c0_i32_0 = arith.constant 0 : i32
    return %arg0, %c0_i32 : i32, i32
  }
  func.func @transform_10(%arg0: i32) -> (i32, i32) {
    %c0_i32 = arith.constant 0 : i32
    %c0_i32_0 = arith.constant 0 : i32
    return %arg0, %c0_i32 : i32, i32
  }
  func.func @transform_11(%arg0: i32) -> (i32, i32) {
    %c0_i32 = arith.constant 0 : i32
    %c0_i32_0 = arith.constant 0 : i32
    %c0_i32_1 = arith.constant 0 : i32
    return %c0_i32, %c0_i32_0 : i32, i32
  }
}

module attributes {stable_mosaic.version = 14 : i64} {
  func.func @_buacc_body(%arg0: i32, %arg1: memref<2000x8xf32, #tpu.memory_space<vmem>>, %arg2: memref<1x8xf32, #tpu.memory_space<vmem>>, %arg3: memref<2000x256xf32, #tpu.memory_space<vmem>>, %arg4: memref<2000x1xi32, #tpu.memory_space<vmem>>, %arg5: memref<64x8xf32, #tpu.memory_space<vmem>>, %arg6: memref<64x256xf32, #tpu.memory_space<vmem>>) attributes {dimension_semantics = [#tpu.dimension_semantics<arbitrary>], iteration_bounds = array<i64: 5>, scalar_prefetch = 0 : i64, scratch_operands = 0 : i64, tpu.core_type = #tpu.core_type<tc>, window_params = [{transform_indices = @transform_0, window_bounds = array<i64: 2000, 8>}, {pipeline_mode = #tpu.pipeline_mode<synchronous>, transform_indices = @transform_1, window_bounds = array<i64: 1, 8>}, {transform_indices = @transform_2, window_bounds = array<i64: 2000, 256>}, {transform_indices = @transform_3, window_bounds = array<i64: 2000, 1>}, {pipeline_mode = #tpu.pipeline_mode<synchronous>, transform_indices = @transform_4, window_bounds = array<i64: 64, 8>}, {pipeline_mode = #tpu.pipeline_mode<synchronous>, transform_indices = @transform_5, window_bounds = array<i64: 64, 256>}]} {
    %get3A = arith.constant 0 : index
    %get3A_0 = arith.constant 0 : index
    %get3A_1 = vector.load %arg1[%get3A, %get3A_0] : memref<2000x8xf32, #tpu.memory_space<vmem>>, vector<2000x8xf32>
    %get3A_2 = arith.constant 0 : index
    %get3A_3 = arith.constant 0 : index
    %get3A_4 = vector.load %arg2[%get3A_2, %get3A_3] : memref<1x8xf32, #tpu.memory_space<vmem>>, vector<1x8xf32>
    %sub3A = vector.broadcast %get3A_4 : vector<1x8xf32> to vector<2000x8xf32>
    %sub3A_5 = arith.subf %get3A_1, %sub3A : vector<2000x8xf32>
    %exp3A = math.exp %sub3A_5 : vector<2000x8xf32>
    %get3A_6 = arith.constant 0 : index
    %get3A_7 = arith.constant 0 : index
    %get3A_8 = vector.load %arg3[%get3A_6, %get3A_7] : memref<2000x256xf32, #tpu.memory_space<vmem>>, vector<2000x256xf32>
    %iota3A = tpu.iota {dimensions = array<i32: 0>} : vector<8x256xi32>
    %iota3A_9 = tpu.iota {dimensions = array<i32: 1>} : vector<8x256xi32>
    %jit3A = arith.constant 32 : i32
    %div3A = vector.broadcast %jit3A : i32 to vector<8x256xi32>
    %div3A_10 = arith.divsi %iota3A_9, %div3A : vector<8x256xi32>
    %sign3A = arith.constant 0 : i32
    %sign3A_11 = vector.broadcast %sign3A : i32 to vector<8x256xi32>
    %sign3A_12 = arith.cmpi sgt, %iota3A_9, %sign3A_11 : vector<8x256xi32>
    %sign3A_13 = arith.extui %sign3A_12 : vector<8x256xi1> to vector<8x256xi32>
    %sign3A_14 = arith.constant 0 : i32
    %sign3A_15 = vector.broadcast %sign3A_14 : i32 to vector<8x256xi32>
    %sign3A_16 = arith.cmpi slt, %iota3A_9, %sign3A_15 : vector<8x256xi32>
    %sign3A_17 = arith.extui %sign3A_16 : vector<8x256xi1> to vector<8x256xi32>
    %sign3A_18 = arith.subi %sign3A_13, %sign3A_17 : vector<8x256xi32>
    %sign3A_19 = arith.constant 0 : i32
    %sign3A_20 = arith.cmpi sgt, %jit3A, %sign3A_19 : i32
    %sign3A_21 = arith.extui %sign3A_20 : i1 to i32
    %sign3A_22 = arith.constant 0 : i32
    %sign3A_23 = arith.cmpi slt, %jit3A, %sign3A_22 : i32
    %sign3A_24 = arith.extui %sign3A_23 : i1 to i32
    %sign3A_25 = arith.subi %sign3A_21, %sign3A_24 : i32
    %ne3A = vector.broadcast %sign3A_25 : i32 to vector<8x256xi32>
    %ne3A_26 = arith.cmpi ne, %sign3A_18, %ne3A : vector<8x256xi32>
    %rem3A = vector.broadcast %jit3A : i32 to vector<8x256xi32>
    %rem3A_27 = arith.remsi %iota3A_9, %rem3A : vector<8x256xi32>
    %ne3A_28 = arith.constant 0 : i32
    %ne3A_29 = vector.broadcast %ne3A_28 : i32 to vector<8x256xi32>
    %ne3A_30 = arith.cmpi ne, %rem3A_27, %ne3A_29 : vector<8x256xi32>
    %and3A = arith.andi %ne3A_26, %ne3A_30 : vector<8x256xi1>
    %sub3A_31 = arith.constant 1 : i32
    %sub3A_32 = vector.broadcast %sub3A_31 : i32 to vector<8x256xi32>
    %sub3A_33 = arith.subi %div3A_10, %sub3A_32 : vector<8x256xi32>
    %select_n3A = arith.select %and3A, %sub3A_33, %div3A_10 : vector<8x256xi1>, vector<8x256xi32>
    %eq3A = arith.cmpi eq, %iota3A, %select_n3A : vector<8x256xi32>
    %convert_element_type3A = arith.extui %eq3A : vector<8x256xi1> to vector<8x256xi32>
    %convert_element_type3A_34 = arith.sitofp %convert_element_type3A : vector<8x256xi32> to vector<8x256xf32>
    %dot_general3A = arith.constant dense<0.000000e+00> : vector<2000x256xf32>
    %dot_general3A_35 = tpu.matmul %exp3A, %convert_element_type3A_34, %dot_general3A {dimension_numbers = #tpu.dot_dimension_numbers<[1], [0], [0], [1], [0, 0, 1, 1], [], []>, transpose_lhs_hint = false} : vector<2000x8xf32>, vector<8x256xf32>, vector<2000x256xf32> -> vector<2000x256xf32>
    %mul3A = arith.mulf %get3A_8, %dot_general3A_35 : vector<2000x256xf32>
    %get3A_36 = arith.constant 0 : index
    %get3A_37 = arith.constant 0 : index
    %get3A_38 = vector.load %arg4[%get3A_36, %get3A_37] : memref<2000x1xi32, #tpu.memory_space<vmem>>, vector<2000x1xi32>
    %iota3A_39 = tpu.iota {dimensions = array<i32: 1>} : vector<2000x64xi32>
    %eq3A_40 = vector.broadcast %get3A_38 : vector<2000x1xi32> to vector<2000x64xi32>
    %eq3A_41 = arith.cmpi eq, %eq3A_40, %iota3A_39 : vector<2000x64xi32>
    %convert_element_type3A_42 = arith.extui %eq3A_41 : vector<2000x64xi1> to vector<2000x64xi32>
    %convert_element_type3A_43 = arith.sitofp %convert_element_type3A_42 : vector<2000x64xi32> to vector<2000x64xf32>
    %dot_general3A_44 = arith.constant dense<0.000000e+00> : vector<64x8xf32>
    %dot_general3A_45 = tpu.matmul %convert_element_type3A_43, %exp3A, %dot_general3A_44 {dimension_numbers = #tpu.dot_dimension_numbers<[0], [0], [1], [1], [0, 1, 1, 1], [], []>, transpose_lhs_hint = false} : vector<2000x64xf32>, vector<2000x8xf32>, vector<64x8xf32> -> vector<64x8xf32>
    %dot_general3A_46 = arith.constant dense<0.000000e+00> : vector<64x256xf32>
    %dot_general3A_47 = tpu.matmul %convert_element_type3A_43, %mul3A, %dot_general3A_46 {dimension_numbers = #tpu.dot_dimension_numbers<[0], [0], [1], [1], [0, 1, 1, 1], [], []>, transpose_lhs_hint = false} : vector<2000x64xf32>, vector<2000x256xf32>, vector<64x256xf32> -> vector<64x256xf32>
    %eq3A_48 = arith.constant 0 : i32
    %eq3A_49 = arith.cmpi eq, %arg0, %eq3A_48 : i32
    %convert_element_type3A_50 = arith.extui %eq3A_49 : i1 to i32
    %cond3A = arith.constant 0 : i32
    %cond3A_51 = arith.cmpi ne, %convert_element_type3A_50, %cond3A : i32
    scf.if %cond3A_51 {
      %swap3A = arith.constant 0 : index
      %swap3A_56 = arith.constant 0 : index
      %swap3A_57 = vector.load %arg5[%swap3A, %swap3A_56] : memref<64x8xf32, #tpu.memory_space<vmem>>, vector<64x8xf32>
      tpu.vector_store %arg5[%swap3A, %swap3A_56], %dot_general3A_45 {strides = array<i32>} : memref<64x8xf32, #tpu.memory_space<vmem>>, vector<64x8xf32>,
      %swap3A_58 = arith.constant 0 : index
      %swap3A_59 = arith.constant 0 : index
      %swap3A_60 = vector.load %arg6[%swap3A_58, %swap3A_59] : memref<64x256xf32, #tpu.memory_space<vmem>>, vector<64x256xf32>
      tpu.vector_store %arg6[%swap3A_58, %swap3A_59], %dot_general3A_47 {strides = array<i32>} : memref<64x256xf32, #tpu.memory_space<vmem>>, vector<64x256xf32>,
    } else {
    }
    %gt3A = arith.constant 0 : i32
    %gt3A_52 = arith.cmpi sgt, %arg0, %gt3A : i32
    %convert_element_type3A_53 = arith.extui %gt3A_52 : i1 to i32
    %cond3A_54 = arith.constant 0 : i32
    %cond3A_55 = arith.cmpi ne, %convert_element_type3A_53, %cond3A_54 : i32
    scf.if %cond3A_55 {
      %get3A_56 = arith.constant 0 : index
      %get3A_57 = arith.constant 0 : index
      %get3A_58 = vector.load %arg5[%get3A_56, %get3A_57] : memref<64x8xf32, #tpu.memory_space<vmem>>, vector<64x8xf32>
      %add3A = arith.addf %get3A_58, %dot_general3A_45 : vector<64x8xf32>
      %swap3A = arith.constant 0 : index
      %swap3A_59 = arith.constant 0 : index
      %swap3A_60 = vector.load %arg5[%swap3A, %swap3A_59] : memref<64x8xf32, #tpu.memory_space<vmem>>, vector<64x8xf32>
      tpu.vector_store %arg5[%swap3A, %swap3A_59], %add3A {strides = array<i32>} : memref<64x8xf32, #tpu.memory_space<vmem>>, vector<64x8xf32>,
      %get3A_61 = arith.constant 0 : index
      %get3A_62 = arith.constant 0 : index
      %get3A_63 = vector.load %arg6[%get3A_61, %get3A_62] : memref<64x256xf32, #tpu.memory_space<vmem>>, vector<64x256xf32>
      %add3A_64 = arith.addf %get3A_63, %dot_general3A_47 : vector<64x256xf32>
      %swap3A_65 = arith.constant 0 : index
      %swap3A_66 = arith.constant 0 : index
      %swap3A_67 = vector.load %arg6[%swap3A_65, %swap3A_66] : memref<64x256xf32, #tpu.memory_space<vmem>>, vector<64x256xf32>
      tpu.vector_store %arg6[%swap3A_65, %swap3A_66], %add3A_64 {strides = array<i32>} : memref<64x256xf32, #tpu.memory_space<vmem>>, vector<64x256xf32>,
    } else {
    }
    return
  }
  func.func @transform_0(%arg0: i32) -> (i32, i32) {
    %c0_i32 = arith.constant 0 : i32
    %c0_i32_0 = arith.constant 0 : i32
    return %arg0, %c0_i32 : i32, i32
  }
  func.func @transform_1(%arg0: i32) -> (i32, i32) {
    %c0_i32 = arith.constant 0 : i32
    %c0_i32_0 = arith.constant 0 : i32
    %c0_i32_1 = arith.constant 0 : i32
    return %c0_i32, %c0_i32_0 : i32, i32
  }
  func.func @transform_2(%arg0: i32) -> (i32, i32) {
    %c0_i32 = arith.constant 0 : i32
    %c0_i32_0 = arith.constant 0 : i32
    return %arg0, %c0_i32 : i32, i32
  }
  func.func @transform_3(%arg0: i32) -> (i32, i32) {
    %c0_i32 = arith.constant 0 : i32
    %c0_i32_0 = arith.constant 0 : i32
    return %arg0, %c0_i32 : i32, i32
  }
  func.func @transform_4(%arg0: i32) -> (i32, i32) {
    %c0_i32 = arith.constant 0 : i32
    %c0_i32_0 = arith.constant 0 : i32
    %c0_i32_1 = arith.constant 0 : i32
    return %c0_i32, %c0_i32_0 : i32, i32
  }
  func.func @transform_5(%arg0: i32) -> (i32, i32) {
    %c0_i32 = arith.constant 0 : i32
    %c0_i32_0 = arith.constant 0 : i32
    %c0_i32_1 = arith.constant 0 : i32
    return %c0_i32, %c0_i32_0 : i32, i32
  }
}

module attributes {stable_mosaic.version = 14 : i64} {
  func.func @_cluster_mid_body(%arg0: memref<64x256xf32, #tpu.memory_space<vmem>>, %arg1: memref<64x8xf32, #tpu.memory_space<vmem>>, %arg2: memref<256x256xf32, #tpu.memory_space<vmem>>, %arg3: memref<1x256xf32, #tpu.memory_space<vmem>>, %arg4: memref<256x256xf32, #tpu.memory_space<vmem>>, %arg5: memref<1x256xf32, #tpu.memory_space<vmem>>, %arg6: memref<256x256xf32, #tpu.memory_space<vmem>>, %arg7: memref<1x256xf32, #tpu.memory_space<vmem>>, %arg8: memref<512x768xf32, #tpu.memory_space<vmem>>, %arg9: memref<1x768xf32, #tpu.memory_space<vmem>>, %arg10: memref<256x768xf32, #tpu.memory_space<vmem>>, %arg11: memref<1x768xf32, #tpu.memory_space<vmem>>, %arg12: memref<256x256xf32, #tpu.memory_space<vmem>>, %arg13: memref<1x256xf32, #tpu.memory_space<vmem>>, %arg14: memref<1x256xf32, #tpu.memory_space<vmem>>, %arg15: memref<64x64xf32, #tpu.memory_space<vmem>>, %arg16: memref<256x256xf32, #tpu.memory_space<vmem>>, %arg17: memref<1x256xf32, #tpu.memory_space<vmem>>, %arg18: memref<256x256xf32, #tpu.memory_space<vmem>>, %arg19: memref<1x256xf32, #tpu.memory_space<vmem>>, %arg20: memref<64x256xf32, #tpu.memory_space<vmem>>, %arg21: memref<64x512xf32, #tpu.memory_space<vmem>>, %arg22: memref<64x256xf32, #tpu.memory_space<vmem>>) attributes {dimension_semantics = [], scalar_prefetch = 0 : i64, scratch_operands = 0 : i64, tpu.core_type = #tpu.core_type<tc>} {
    %get3A = arith.constant 0 : index
    %get3A_0 = arith.constant 0 : index
    %get3A_1 = vector.load %arg0[%get3A, %get3A_0] : memref<64x256xf32, #tpu.memory_space<vmem>>, vector<64x256xf32>
    %get3A_2 = arith.constant 0 : index
    %get3A_3 = arith.constant 0 : index
    %get3A_4 = vector.load %arg1[%get3A_2, %get3A_3] : memref<64x8xf32, #tpu.memory_space<vmem>>, vector<64x8xf32>
    %iota3A = tpu.iota {dimensions = array<i32: 0>} : vector<8x256xi32>
    %iota3A_5 = tpu.iota {dimensions = array<i32: 1>} : vector<8x256xi32>
    %jit3A = arith.constant 32 : i32
    %div3A = vector.broadcast %jit3A : i32 to vector<8x256xi32>
    %div3A_6 = arith.divsi %iota3A_5, %div3A : vector<8x256xi32>
    %sign3A = arith.constant 0 : i32
    %sign3A_7 = vector.broadcast %sign3A : i32 to vector<8x256xi32>
    %sign3A_8 = arith.cmpi sgt, %iota3A_5, %sign3A_7 : vector<8x256xi32>
    %sign3A_9 = arith.extui %sign3A_8 : vector<8x256xi1> to vector<8x256xi32>
    %sign3A_10 = arith.constant 0 : i32
    %sign3A_11 = vector.broadcast %sign3A_10 : i32 to vector<8x256xi32>
    %sign3A_12 = arith.cmpi slt, %iota3A_5, %sign3A_11 : vector<8x256xi32>
    %sign3A_13 = arith.extui %sign3A_12 : vector<8x256xi1> to vector<8x256xi32>
    %sign3A_14 = arith.subi %sign3A_9, %sign3A_13 : vector<8x256xi32>
    %sign3A_15 = arith.constant 0 : i32
    %sign3A_16 = arith.cmpi sgt, %jit3A, %sign3A_15 : i32
    %sign3A_17 = arith.extui %sign3A_16 : i1 to i32
    %sign3A_18 = arith.constant 0 : i32
    %sign3A_19 = arith.cmpi slt, %jit3A, %sign3A_18 : i32
    %sign3A_20 = arith.extui %sign3A_19 : i1 to i32
    %sign3A_21 = arith.subi %sign3A_17, %sign3A_20 : i32
    %ne3A = vector.broadcast %sign3A_21 : i32 to vector<8x256xi32>
    %ne3A_22 = arith.cmpi ne, %sign3A_14, %ne3A : vector<8x256xi32>
    %rem3A = vector.broadcast %jit3A : i32 to vector<8x256xi32>
    %rem3A_23 = arith.remsi %iota3A_5, %rem3A : vector<8x256xi32>
    %ne3A_24 = arith.constant 0 : i32
    %ne3A_25 = vector.broadcast %ne3A_24 : i32 to vector<8x256xi32>
    %ne3A_26 = arith.cmpi ne, %rem3A_23, %ne3A_25 : vector<8x256xi32>
    %and3A = arith.andi %ne3A_22, %ne3A_26 : vector<8x256xi1>
    %sub3A = arith.constant 1 : i32
    %sub3A_27 = vector.broadcast %sub3A : i32 to vector<8x256xi32>
    %sub3A_28 = arith.subi %div3A_6, %sub3A_27 : vector<8x256xi32>
    %select_n3A = arith.select %and3A, %sub3A_28, %div3A_6 : vector<8x256xi1>, vector<8x256xi32>
    %eq3A = arith.cmpi eq, %iota3A, %select_n3A : vector<8x256xi32>
    %convert_element_type3A = arith.extui %eq3A : vector<8x256xi1> to vector<8x256xi32>
    %convert_element_type3A_29 = arith.sitofp %convert_element_type3A : vector<8x256xi32> to vector<8x256xf32>
    %dot_general3A = arith.constant dense<0.000000e+00> : vector<64x256xf32>
    %dot_general3A_30 = tpu.matmul %get3A_4, %convert_element_type3A_29, %dot_general3A {dimension_numbers = #tpu.dot_dimension_numbers<[1], [0], [0], [1], [0, 0, 1, 1], [], []>, transpose_lhs_hint = false} : vector<64x8xf32>, vector<8x256xf32>, vector<64x256xf32> -> vector<64x256xf32>
    %add3A = arith.constant 1.000000e-16 : f32
    %add3A_31 = vector.broadcast %add3A : f32 to vector<64x256xf32>
    %add3A_32 = arith.addf %dot_general3A_30, %add3A_31 : vector<64x256xf32>
    %div3A_33 = arith.divf %get3A_1, %add3A_32 : vector<64x256xf32>
    %get3A_34 = arith.constant 0 : index
    %get3A_35 = arith.constant 0 : index
    %get3A_36 = vector.load %arg2[%get3A_34, %get3A_35] : memref<256x256xf32, #tpu.memory_space<vmem>>, vector<256x256xf32>
    %dot_general3A_37 = arith.constant dense<0.000000e+00> : vector<64x256xf32>
    %dot_general3A_38 = tpu.matmul %div3A_33, %get3A_36, %dot_general3A_37 {dimension_numbers = #tpu.dot_dimension_numbers<[1], [0], [0], [1], [0, 0, 1, 1], [], []>, transpose_lhs_hint = false} : vector<64x256xf32>, vector<256x256xf32>, vector<64x256xf32> -> vector<64x256xf32>
    %get3A_39 = arith.constant 0 : index
    %get3A_40 = arith.constant 0 : index
    %get3A_41 = vector.load %arg3[%get3A_39, %get3A_40] : memref<1x256xf32, #tpu.memory_space<vmem>>, vector<1x256xf32>
    %add3A_42 = vector.broadcast %get3A_41 : vector<1x256xf32> to vector<64x256xf32>
    %add3A_43 = arith.addf %dot_general3A_38, %add3A_42 : vector<64x256xf32>
    %get3A_44 = arith.constant 0 : index
    %get3A_45 = arith.constant 0 : index
    %get3A_46 = vector.load %arg4[%get3A_44, %get3A_45] : memref<256x256xf32, #tpu.memory_space<vmem>>, vector<256x256xf32>
    %dot_general3A_47 = arith.constant dense<0.000000e+00> : vector<64x256xf32>
    %dot_general3A_48 = tpu.matmul %add3A_43, %get3A_46, %dot_general3A_47 {dimension_numbers = #tpu.dot_dimension_numbers<[1], [0], [0], [1], [0, 0, 1, 1], [], []>, transpose_lhs_hint = false} : vector<64x256xf32>, vector<256x256xf32>, vector<64x256xf32> -> vector<64x256xf32>
    %get3A_49 = arith.constant 0 : index
    %get3A_50 = arith.constant 0 : index
    %get3A_51 = vector.load %arg5[%get3A_49, %get3A_50] : memref<1x256xf32, #tpu.memory_space<vmem>>, vector<1x256xf32>
    %add3A_52 = vector.broadcast %get3A_51 : vector<1x256xf32> to vector<64x256xf32>
    %add3A_53 = arith.addf %dot_general3A_48, %add3A_52 : vector<64x256xf32>
    %get3A_54 = arith.constant 0 : index
    %get3A_55 = arith.constant 0 : index
    %get3A_56 = vector.load %arg6[%get3A_54, %get3A_55] : memref<256x256xf32, #tpu.memory_space<vmem>>, vector<256x256xf32>
    %dot_general3A_57 = arith.constant dense<0.000000e+00> : vector<64x256xf32>
    %dot_general3A_58 = tpu.matmul %add3A_53, %get3A_56, %dot_general3A_57 {dimension_numbers = #tpu.dot_dimension_numbers<[1], [0], [0], [1], [0, 0, 1, 1], [], []>, transpose_lhs_hint = false} : vector<64x256xf32>, vector<256x256xf32>, vector<64x256xf32> -> vector<64x256xf32>
    %get3A_59 = arith.constant 0 : index
    %get3A_60 = arith.constant 0 : index
    %get3A_61 = vector.load %arg7[%get3A_59, %get3A_60] : memref<1x256xf32, #tpu.memory_space<vmem>>, vector<1x256xf32>
    %add3A_62 = vector.broadcast %get3A_61 : vector<1x256xf32> to vector<64x256xf32>
    %add3A_63 = arith.addf %dot_general3A_58, %add3A_62 : vector<64x256xf32>
    %get3A_64 = arith.constant 0 : index
    %get3A_65 = arith.constant 0 : index
    %get3A_66 = vector.load %arg8[%get3A_64, %get3A_65] : memref<512x768xf32, #tpu.memory_space<vmem>>, vector<256x768xf32>
    %dot_general3A_67 = arith.constant dense<0.000000e+00> : vector<64x768xf32>
    %dot_general3A_68 = tpu.matmul %add3A_63, %get3A_66, %dot_general3A_67 {dimension_numbers = #tpu.dot_dimension_numbers<[1], [0], [0], [1], [0, 0, 1, 1], [], []>, transpose_lhs_hint = false} : vector<64x256xf32>, vector<256x768xf32>, vector<64x768xf32> -> vector<64x768xf32>
    %get3A_69 = arith.constant 256 : index
    %get3A_70 = arith.constant 0 : index
    %get3A_71 = vector.load %arg8[%get3A_69, %get3A_70] : memref<512x768xf32, #tpu.memory_space<vmem>>, vector<256x768xf32>
    %dot_general3A_72 = arith.constant dense<0.000000e+00> : vector<64x768xf32>
    %dot_general3A_73 = tpu.matmul %add3A_43, %get3A_71, %dot_general3A_72 {dimension_numbers = #tpu.dot_dimension_numbers<[1], [0], [0], [1], [0, 0, 1, 1], [], []>, transpose_lhs_hint = false} : vector<64x256xf32>, vector<256x768xf32>, vector<64x768xf32> -> vector<64x768xf32>
    %add3A_74 = arith.addf %dot_general3A_68, %dot_general3A_73 : vector<64x768xf32>
    %get3A_75 = arith.constant 0 : index
    %get3A_76 = arith.constant 0 : index
    %get3A_77 = vector.load %arg9[%get3A_75, %get3A_76] : memref<1x768xf32, #tpu.memory_space<vmem>>, vector<1x768xf32>
    %add3A_78 = vector.broadcast %get3A_77 : vector<1x768xf32> to vector<64x768xf32>
    %add3A_79 = arith.addf %add3A_74, %add3A_78 : vector<64x768xf32>
    %get3A_80 = arith.constant 0 : index
    %get3A_81 = arith.constant 0 : index
    %get3A_82 = vector.load %arg10[%get3A_80, %get3A_81] : memref<256x768xf32, #tpu.memory_space<vmem>>, vector<256x768xf32>
    %dot_general3A_83 = arith.constant dense<0.000000e+00> : vector<64x768xf32>
    %dot_general3A_84 = tpu.matmul %add3A_63, %get3A_82, %dot_general3A_83 {dimension_numbers = #tpu.dot_dimension_numbers<[1], [0], [0], [1], [0, 0, 1, 1], [], []>, transpose_lhs_hint = false} : vector<64x256xf32>, vector<256x768xf32>, vector<64x768xf32> -> vector<64x768xf32>
    %get3A_85 = arith.constant 0 : index
    %get3A_86 = arith.constant 0 : index
    %get3A_87 = vector.load %arg11[%get3A_85, %get3A_86] : memref<1x768xf32, #tpu.memory_space<vmem>>, vector<1x768xf32>
    %add3A_88 = vector.broadcast %get3A_87 : vector<1x768xf32> to vector<64x768xf32>
    %add3A_89 = arith.addf %dot_general3A_84, %add3A_88 : vector<64x768xf32>
    %slice3A = vector.extract_strided_slice %add3A_79 {offsets = [0, 0], sizes = [64, 256], strides = [1, 1]} : vector<64x768xf32> to vector<64x256xf32>
    %slice3A_90 = vector.extract_strided_slice %add3A_89 {offsets = [0, 0], sizes = [64, 256], strides = [1, 1]} : vector<64x768xf32> to vector<64x256xf32>
    %add3A_91 = arith.addf %slice3A, %slice3A_90 : vector<64x256xf32>
    %logistic3A = arith.negf %add3A_91 : vector<64x256xf32>
    %logistic3A_92 = math.exp %logistic3A : vector<64x256xf32>
    %logistic3A_93 = arith.constant 1.000000e+00 : f32
    %logistic3A_94 = vector.broadcast %logistic3A_93 : f32 to vector<64x256xf32>
    %logistic3A_95 = arith.addf %logistic3A_94, %logistic3A_92 : vector<64x256xf32>
    %logistic3A_96 = arith.divf %logistic3A_94, %logistic3A_95 : vector<64x256xf32>
    %slice3A_97 = vector.extract_strided_slice %add3A_79 {offsets = [0, 256], sizes = [64, 256], strides = [1, 1]} : vector<64x768xf32> to vector<64x256xf32>
    %slice3A_98 = vector.extract_strided_slice %add3A_89 {offsets = [0, 256], sizes = [64, 256], strides = [1, 1]} : vector<64x768xf32> to vector<64x256xf32>
    %add3A_99 = arith.addf %slice3A_97, %slice3A_98 : vector<64x256xf32>
    %logistic3A_100 = arith.negf %add3A_99 : vector<64x256xf32>
    %logistic3A_101 = math.exp %logistic3A_100 : vector<64x256xf32>
    %logistic3A_102 = arith.constant 1.000000e+00 : f32
    %logistic3A_103 = vector.broadcast %logistic3A_102 : f32 to vector<64x256xf32>
    %logistic3A_104 = arith.addf %logistic3A_103, %logistic3A_101 : vector<64x256xf32>
    %logistic3A_105 = arith.divf %logistic3A_103, %logistic3A_104 : vector<64x256xf32>
    %slice3A_106 = vector.extract_strided_slice %add3A_79 {offsets = [0, 512], sizes = [64, 256], strides = [1, 1]} : vector<64x768xf32> to vector<64x256xf32>
    %slice3A_107 = vector.extract_strided_slice %add3A_89 {offsets = [0, 512], sizes = [64, 256], strides = [1, 1]} : vector<64x768xf32> to vector<64x256xf32>
    %mul3A = arith.mulf %logistic3A_96, %slice3A_107 : vector<64x256xf32>
    %add3A_108 = arith.addf %slice3A_106, %mul3A : vector<64x256xf32>
    %tanh3A = math.tanh %add3A_108 : vector<64x256xf32>
    %sub3A_109 = arith.constant 1.000000e+00 : f32
    %sub3A_110 = vector.broadcast %sub3A_109 : f32 to vector<64x256xf32>
    %sub3A_111 = arith.subf %sub3A_110, %logistic3A_105 : vector<64x256xf32>
    %mul3A_112 = arith.mulf %sub3A_111, %tanh3A : vector<64x256xf32>
    %mul3A_113 = arith.mulf %logistic3A_105, %add3A_63 : vector<64x256xf32>
    %add3A_114 = arith.addf %mul3A_112, %mul3A_113 : vector<64x256xf32>
    %get3A_115 = arith.constant 0 : index
    %get3A_116 = arith.constant 0 : index
    %get3A_117 = vector.load %arg12[%get3A_115, %get3A_116] : memref<256x256xf32, #tpu.memory_space<vmem>>, vector<256x256xf32>
    %dot_general3A_118 = arith.constant dense<0.000000e+00> : vector<64x256xf32>
    %dot_general3A_119 = tpu.matmul %add3A_114, %get3A_117, %dot_general3A_118 {dimension_numbers = #tpu.dot_dimension_numbers<[1], [0], [0], [1], [0, 0, 1, 1], [], []>, transpose_lhs_hint = false} : vector<64x256xf32>, vector<256x256xf32>, vector<64x256xf32> -> vector<64x256xf32>
    %swap3A = arith.constant 0 : index
    %swap3A_120 = arith.constant 0 : index
    %swap3A_121 = vector.load %arg20[%swap3A, %swap3A_120] : memref<64x256xf32, #tpu.memory_space<vmem>>, vector<64x256xf32>
    tpu.vector_store %arg20[%swap3A, %swap3A_120], %dot_general3A_119 {strides = array<i32>} : memref<64x256xf32, #tpu.memory_space<vmem>>, vector<64x256xf32>,
    %iota3A_122 = tpu.iota {dimensions = array<i32: 0>} : vector<256x8xi32>
    %jit3A_123 = arith.constant 32 : i32
    %div3A_124 = vector.broadcast %jit3A_123 : i32 to vector<256x8xi32>
    %div3A_125 = arith.divsi %iota3A_122, %div3A_124 : vector<256x8xi32>
    %sign3A_126 = arith.constant 0 : i32
    %sign3A_127 = vector.broadcast %sign3A_126 : i32 to vector<256x8xi32>
    %sign3A_128 = arith.cmpi sgt, %iota3A_122, %sign3A_127 : vector<256x8xi32>
    %sign3A_129 = arith.extui %sign3A_128 : vector<256x8xi1> to vector<256x8xi32>
    %sign3A_130 = arith.constant 0 : i32
    %sign3A_131 = vector.broadcast %sign3A_130 : i32 to vector<256x8xi32>
    %sign3A_132 = arith.cmpi slt, %iota3A_122, %sign3A_131 : vector<256x8xi32>
    %sign3A_133 = arith.extui %sign3A_132 : vector<256x8xi1> to vector<256x8xi32>
    %sign3A_134 = arith.subi %sign3A_129, %sign3A_133 : vector<256x8xi32>
    %sign3A_135 = arith.constant 0 : i32
    %sign3A_136 = arith.cmpi sgt, %jit3A_123, %sign3A_135 : i32
    %sign3A_137 = arith.extui %sign3A_136 : i1 to i32
    %sign3A_138 = arith.constant 0 : i32
    %sign3A_139 = arith.cmpi slt, %jit3A_123, %sign3A_138 : i32
    %sign3A_140 = arith.extui %sign3A_139 : i1 to i32
    %sign3A_141 = arith.subi %sign3A_137, %sign3A_140 : i32
    %ne3A_142 = vector.broadcast %sign3A_141 : i32 to vector<256x8xi32>
    %ne3A_143 = arith.cmpi ne, %sign3A_134, %ne3A_142 : vector<256x8xi32>
    %rem3A_144 = vector.broadcast %jit3A_123 : i32 to vector<256x8xi32>
    %rem3A_145 = arith.remsi %iota3A_122, %rem3A_144 : vector<256x8xi32>
    %ne3A_146 = arith.constant 0 : i32
    %ne3A_147 = vector.broadcast %ne3A_146 : i32 to vector<256x8xi32>
    %ne3A_148 = arith.cmpi ne, %rem3A_145, %ne3A_147 : vector<256x8xi32>
    %and3A_149 = arith.andi %ne3A_143, %ne3A_148 : vector<256x8xi1>
    %sub3A_150 = arith.constant 1 : i32
    %sub3A_151 = vector.broadcast %sub3A_150 : i32 to vector<256x8xi32>
    %sub3A_152 = arith.subi %div3A_125, %sub3A_151 : vector<256x8xi32>
    %select_n3A_153 = arith.select %and3A_149, %sub3A_152, %div3A_125 : vector<256x8xi1>, vector<256x8xi32>
    %iota3A_154 = tpu.iota {dimensions = array<i32: 1>} : vector<256x8xi32>
    %eq3A_155 = arith.cmpi eq, %select_n3A_153, %iota3A_154 : vector<256x8xi32>
    %convert_element_type3A_156 = arith.extui %eq3A_155 : vector<256x8xi1> to vector<256x8xi32>
    %convert_element_type3A_157 = arith.sitofp %convert_element_type3A_156 : vector<256x8xi32> to vector<256x8xf32>
    %get3A_158 = arith.constant 0 : index
    %get3A_159 = arith.constant 0 : index
    %get3A_160 = vector.load %arg13[%get3A_158, %get3A_159] : memref<1x256xf32, #tpu.memory_space<vmem>>, vector<1x256xf32>
    %mul3A_161 = vector.broadcast %get3A_160 : vector<1x256xf32> to vector<64x256xf32>
    %mul3A_162 = arith.mulf %dot_general3A_119, %mul3A_161 : vector<64x256xf32>
    %dot_general3A_163 = arith.constant dense<0.000000e+00> : vector<64x8xf32>
    %dot_general3A_164 = tpu.matmul %mul3A_162, %convert_element_type3A_157, %dot_general3A_163 {dimension_numbers = #tpu.dot_dimension_numbers<[1], [0], [0], [1], [0, 0, 1, 1], [], []>, transpose_lhs_hint = false} : vector<64x256xf32>, vector<256x8xf32>, vector<64x8xf32> -> vector<64x8xf32>
    %get3A_165 = arith.constant 0 : index
    %get3A_166 = arith.constant 0 : index
    %get3A_167 = vector.load %arg14[%get3A_165, %get3A_166] : memref<1x256xf32, #tpu.memory_space<vmem>>, vector<1x256xf32>
    %mul3A_168 = vector.broadcast %get3A_167 : vector<1x256xf32> to vector<64x256xf32>
    %mul3A_169 = arith.mulf %dot_general3A_119, %mul3A_168 : vector<64x256xf32>
    %dot_general3A_170 = arith.constant dense<0.000000e+00> : vector<64x8xf32>
    %dot_general3A_171 = tpu.matmul %mul3A_169, %convert_element_type3A_157, %dot_general3A_170 {dimension_numbers = #tpu.dot_dimension_numbers<[1], [0], [0], [1], [0, 0, 1, 1], [], []>, transpose_lhs_hint = false} : vector<64x256xf32>, vector<256x8xf32>, vector<64x8xf32> -> vector<64x8xf32>
    %iota3A_172 = tpu.iota {dimensions = array<i32: 0>} : vector<64x64xi32>
    %iota3A_173 = tpu.iota {dimensions = array<i32: 1>} : vector<64x64xi32>
    %eq3A_174 = arith.cmpi eq, %iota3A_172, %iota3A_173 : vector<64x64xi32>
    %convert_element_type3A_175 = arith.extui %eq3A_174 : vector<64x64xi1> to vector<64x64xi32>
    %convert_element_type3A_176 = arith.sitofp %convert_element_type3A_175 : vector<64x64xi32> to vector<64x64xf32>
    %dot_general3A_177 = arith.constant dense<0.000000e+00> : vector<8x64xf32>
    %dot_general3A_178 = tpu.matmul %dot_general3A_164, %convert_element_type3A_176, %dot_general3A_177 {dimension_numbers = #tpu.dot_dimension_numbers<[0], [0], [1], [1], [0, 1, 1, 1], [], []>, transpose_lhs_hint = false} : vector<64x8xf32>, vector<64x64xf32>, vector<8x64xf32> -> vector<8x64xf32>
    %slice3A_179 = vector.extract_strided_slice %dot_general3A_171 {offsets = [0, 0], sizes = [64, 1], strides = [1, 1]} : vector<64x8xf32> to vector<64x1xf32>
    %slice3A_180 = vector.extract_strided_slice %dot_general3A_178 {offsets = [0, 0], sizes = [1, 64], strides = [1, 1]} : vector<8x64xf32> to vector<1x64xf32>
    %add3A_181 = vector.broadcast %slice3A_179 : vector<64x1xf32> to vector<64x64xf32>
    %add3A_182 = vector.broadcast %slice3A_180 : vector<1x64xf32> to vector<64x64xf32>
    %add3A_183 = arith.addf %add3A_181, %add3A_182 : vector<64x64xf32>
    %ge3A = arith.constant 0.000000e+00 : f32
    %ge3A_184 = vector.broadcast %ge3A : f32 to vector<64x64xf32>
    %ge3A_185 = arith.cmpf oge, %add3A_183, %ge3A_184 : vector<64x64xf32>
    %mul3A_186 = arith.constant 2.000000e-01 : f32
    %mul3A_187 = vector.broadcast %mul3A_186 : f32 to vector<64x64xf32>
    %mul3A_188 = arith.mulf %mul3A_187, %add3A_183 : vector<64x64xf32>
    %select_n3A_189 = arith.select %ge3A_185, %add3A_183, %mul3A_188 : vector<64x64xi1>, vector<64x64xf32>
    %reduce_max3A = arith.constant dense<0xFF800000> : vector<64xf32>
    %reduce_max3A_190 = vector.multi_reduction <maximumf>, %select_n3A_189, %reduce_max3A [1] : vector<64x64xf32> to vector<64xf32>
    %broadcast_in_dim3A = vector.shape_cast %reduce_max3A_190 : vector<64xf32> to vector<64x1xf32>
    %sub3A_191 = vector.broadcast %broadcast_in_dim3A : vector<64x1xf32> to vector<64x64xf32>
    %sub3A_192 = arith.subf %select_n3A_189, %sub3A_191 : vector<64x64xf32>
    %exp3A = math.exp %sub3A_192 : vector<64x64xf32>
    %swap3A_193 = arith.constant 0 : index
    %swap3A_194 = arith.constant 0 : index
    %swap3A_195 = vector.load %arg21[%swap3A_193, %swap3A_194] : memref<64x512xf32, #tpu.memory_space<vmem>>, vector<64x64xf32>
    tpu.vector_store %arg21[%swap3A_193, %swap3A_194], %exp3A {strides = array<i32>} : memref<64x512xf32, #tpu.memory_space<vmem>>, vector<64x64xf32>,
    %slice3A_196 = vector.extract_strided_slice %dot_general3A_171 {offsets = [0, 1], sizes = [64, 1], strides = [1, 1]} : vector<64x8xf32> to vector<64x1xf32>
    %slice3A_197 = vector.extract_strided_slice %dot_general3A_178 {offsets = [1, 0], sizes = [1, 64], strides = [1, 1]} : vector<8x64xf32> to vector<1x64xf32>
    %add3A_198 = vector.broadcast %slice3A_196 : vector<64x1xf32> to vector<64x64xf32>
    %add3A_199 = vector.broadcast %slice3A_197 : vector<1x64xf32> to vector<64x64xf32>
    %add3A_200 = arith.addf %add3A_198, %add3A_199 : vector<64x64xf32>
    %ge3A_201 = arith.constant 0.000000e+00 : f32
    %ge3A_202 = vector.broadcast %ge3A_201 : f32 to vector<64x64xf32>
    %ge3A_203 = arith.cmpf oge, %add3A_200, %ge3A_202 : vector<64x64xf32>
    %mul3A_204 = arith.constant 2.000000e-01 : f32
    %mul3A_205 = vector.broadcast %mul3A_204 : f32 to vector<64x64xf32>
    %mul3A_206 = arith.mulf %mul3A_205, %add3A_200 : vector<64x64xf32>
    %select_n3A_207 = arith.select %ge3A_203, %add3A_200, %mul3A_206 : vector<64x64xi1>, vector<64x64xf32>
    %reduce_max3A_208 = arith.constant dense<0xFF800000> : vector<64xf32>
    %reduce_max3A_209 = vector.multi_reduction <maximumf>, %select_n3A_207, %reduce_max3A_208 [1] : vector<64x64xf32> to vector<64xf32>
    %broadcast_in_dim3A_210 = vector.shape_cast %reduce_max3A_209 : vector<64xf32> to vector<64x1xf32>
    %sub3A_211 = vector.broadcast %broadcast_in_dim3A_210 : vector<64x1xf32> to vector<64x64xf32>
    %sub3A_212 = arith.subf %select_n3A_207, %sub3A_211 : vector<64x64xf32>
    %exp3A_213 = math.exp %sub3A_212 : vector<64x64xf32>
    %swap3A_214 = arith.constant 0 : index
    %swap3A_215 = arith.constant 64 : index
    %swap3A_216 = vector.load %arg21[%swap3A_214, %swap3A_215] : memref<64x512xf32, #tpu.memory_space<vmem>>, vector<64x64xf32>
    tpu.vector_store %arg21[%swap3A_214, %swap3A_215], %exp3A_213 {strides = array<i32>} : memref<64x512xf32, #tpu.memory_space<vmem>>, vector<64x64xf32>,
    %slice3A_217 = vector.extract_strided_slice %dot_general3A_171 {offsets = [0, 2], sizes = [64, 1], strides = [1, 1]} : vector<64x8xf32> to vector<64x1xf32>
    %slice3A_218 = vector.extract_strided_slice %dot_general3A_178 {offsets = [2, 0], sizes = [1, 64], strides = [1, 1]} : vector<8x64xf32> to vector<1x64xf32>
    %add3A_219 = vector.broadcast %slice3A_217 : vector<64x1xf32> to vector<64x64xf32>
    %add3A_220 = vector.broadcast %slice3A_218 : vector<1x64xf32> to vector<64x64xf32>
    %add3A_221 = arith.addf %add3A_219, %add3A_220 : vector<64x64xf32>
    %ge3A_222 = arith.constant 0.000000e+00 : f32
    %ge3A_223 = vector.broadcast %ge3A_222 : f32 to vector<64x64xf32>
    %ge3A_224 = arith.cmpf oge, %add3A_221, %ge3A_223 : vector<64x64xf32>
    %mul3A_225 = arith.constant 2.000000e-01 : f32
    %mul3A_226 = vector.broadcast %mul3A_225 : f32 to vector<64x64xf32>
    %mul3A_227 = arith.mulf %mul3A_226, %add3A_221 : vector<64x64xf32>
    %select_n3A_228 = arith.select %ge3A_224, %add3A_221, %mul3A_227 : vector<64x64xi1>, vector<64x64xf32>
    %reduce_max3A_229 = arith.constant dense<0xFF800000> : vector<64xf32>
    %reduce_max3A_230 = vector.multi_reduction <maximumf>, %select_n3A_228, %reduce_max3A_229 [1] : vector<64x64xf32> to vector<64xf32>
    %broadcast_in_dim3A_231 = vector.shape_cast %reduce_max3A_230 : vector<64xf32> to vector<64x1xf32>
    %sub3A_232 = vector.broadcast %broadcast_in_dim3A_231 : vector<64x1xf32> to vector<64x64xf32>
    %sub3A_233 = arith.subf %select_n3A_228, %sub3A_232 : vector<64x64xf32>
    %exp3A_234 = math.exp %sub3A_233 : vector<64x64xf32>
    %swap3A_235 = arith.constant 0 : index
    %swap3A_236 = arith.constant 128 : index
    %swap3A_237 = vector.load %arg21[%swap3A_235, %swap3A_236] : memref<64x512xf32, #tpu.memory_space<vmem>>, vector<64x64xf32>
    tpu.vector_store %arg21[%swap3A_235, %swap3A_236], %exp3A_234 {strides = array<i32>} : memref<64x512xf32, #tpu.memory_space<vmem>>, vector<64x64xf32>,
    %slice3A_238 = vector.extract_strided_slice %dot_general3A_171 {offsets = [0, 3], sizes = [64, 1], strides = [1, 1]} : vector<64x8xf32> to vector<64x1xf32>
    %slice3A_239 = vector.extract_strided_slice %dot_general3A_178 {offsets = [3, 0], sizes = [1, 64], strides = [1, 1]} : vector<8x64xf32> to vector<1x64xf32>
    %add3A_240 = vector.broadcast %slice3A_238 : vector<64x1xf32> to vector<64x64xf32>
    %add3A_241 = vector.broadcast %slice3A_239 : vector<1x64xf32> to vector<64x64xf32>
    %add3A_242 = arith.addf %add3A_240, %add3A_241 : vector<64x64xf32>
    %ge3A_243 = arith.constant 0.000000e+00 : f32
    %ge3A_244 = vector.broadcast %ge3A_243 : f32 to vector<64x64xf32>
    %ge3A_245 = arith.cmpf oge, %add3A_242, %ge3A_244 : vector<64x64xf32>
    %mul3A_246 = arith.constant 2.000000e-01 : f32
    %mul3A_247 = vector.broadcast %mul3A_246 : f32 to vector<64x64xf32>
    %mul3A_248 = arith.mulf %mul3A_247, %add3A_242 : vector<64x64xf32>
    %select_n3A_249 = arith.select %ge3A_245, %add3A_242, %mul3A_248 : vector<64x64xi1>, vector<64x64xf32>
    %reduce_max3A_250 = arith.constant dense<0xFF800000> : vector<64xf32>
    %reduce_max3A_251 = vector.multi_reduction <maximumf>, %select_n3A_249, %reduce_max3A_250 [1] : vector<64x64xf32> to vector<64xf32>
    %broadcast_in_dim3A_252 = vector.shape_cast %reduce_max3A_251 : vector<64xf32> to vector<64x1xf32>
    %sub3A_253 = vector.broadcast %broadcast_in_dim3A_252 : vector<64x1xf32> to vector<64x64xf32>
    %sub3A_254 = arith.subf %select_n3A_249, %sub3A_253 : vector<64x64xf32>
    %exp3A_255 = math.exp %sub3A_254 : vector<64x64xf32>
    %swap3A_256 = arith.constant 0 : index
    %swap3A_257 = arith.constant 192 : index
    %swap3A_258 = vector.load %arg21[%swap3A_256, %swap3A_257] : memref<64x512xf32, #tpu.memory_space<vmem>>, vector<64x64xf32>
    tpu.vector_store %arg21[%swap3A_256, %swap3A_257], %exp3A_255 {strides = array<i32>} : memref<64x512xf32, #tpu.memory_space<vmem>>, vector<64x64xf32>,
    %slice3A_259 = vector.extract_strided_slice %dot_general3A_171 {offsets = [0, 4], sizes = [64, 1], strides = [1, 1]} : vector<64x8xf32> to vector<64x1xf32>
    %slice3A_260 = vector.extract_strided_slice %dot_general3A_178 {offsets = [4, 0], sizes = [1, 64], strides = [1, 1]} : vector<8x64xf32> to vector<1x64xf32>
    %add3A_261 = vector.broadcast %slice3A_259 : vector<64x1xf32> to vector<64x64xf32>
    %add3A_262 = vector.broadcast %slice3A_260 : vector<1x64xf32> to vector<64x64xf32>
    %add3A_263 = arith.addf %add3A_261, %add3A_262 : vector<64x64xf32>
    %ge3A_264 = arith.constant 0.000000e+00 : f32
    %ge3A_265 = vector.broadcast %ge3A_264 : f32 to vector<64x64xf32>
    %ge3A_266 = arith.cmpf oge, %add3A_263, %ge3A_265 : vector<64x64xf32>
    %mul3A_267 = arith.constant 2.000000e-01 : f32
    %mul3A_268 = vector.broadcast %mul3A_267 : f32 to vector<64x64xf32>
    %mul3A_269 = arith.mulf %mul3A_268, %add3A_263 : vector<64x64xf32>
    %select_n3A_270 = arith.select %ge3A_266, %add3A_263, %mul3A_269 : vector<64x64xi1>, vector<64x64xf32>
    %reduce_max3A_271 = arith.constant dense<0xFF800000> : vector<64xf32>
    %reduce_max3A_272 = vector.multi_reduction <maximumf>, %select_n3A_270, %reduce_max3A_271 [1] : vector<64x64xf32> to vector<64xf32>
    %broadcast_in_dim3A_273 = vector.shape_cast %reduce_max3A_272 : vector<64xf32> to vector<64x1xf32>
    %sub3A_274 = vector.broadcast %broadcast_in_dim3A_273 : vector<64x1xf32> to vector<64x64xf32>
    %sub3A_275 = arith.subf %select_n3A_270, %sub3A_274 : vector<64x64xf32>
    %exp3A_276 = math.exp %sub3A_275 : vector<64x64xf32>
    %swap3A_277 = arith.constant 0 : index
    %swap3A_278 = arith.constant 256 : index
    %swap3A_279 = vector.load %arg21[%swap3A_277, %swap3A_278] : memref<64x512xf32, #tpu.memory_space<vmem>>, vector<64x64xf32>
    tpu.vector_store %arg21[%swap3A_277, %swap3A_278], %exp3A_276 {strides = array<i32>} : memref<64x512xf32, #tpu.memory_space<vmem>>, vector<64x64xf32>,
    %slice3A_280 = vector.extract_strided_slice %dot_general3A_171 {offsets = [0, 5], sizes = [64, 1], strides = [1, 1]} : vector<64x8xf32> to vector<64x1xf32>
    %slice3A_281 = vector.extract_strided_slice %dot_general3A_178 {offsets = [5, 0], sizes = [1, 64], strides = [1, 1]} : vector<8x64xf32> to vector<1x64xf32>
    %add3A_282 = vector.broadcast %slice3A_280 : vector<64x1xf32> to vector<64x64xf32>
    %add3A_283 = vector.broadcast %slice3A_281 : vector<1x64xf32> to vector<64x64xf32>
    %add3A_284 = arith.addf %add3A_282, %add3A_283 : vector<64x64xf32>
    %ge3A_285 = arith.constant 0.000000e+00 : f32
    %ge3A_286 = vector.broadcast %ge3A_285 : f32 to vector<64x64xf32>
    %ge3A_287 = arith.cmpf oge, %add3A_284, %ge3A_286 : vector<64x64xf32>
    %mul3A_288 = arith.constant 2.000000e-01 : f32
    %mul3A_289 = vector.broadcast %mul3A_288 : f32 to vector<64x64xf32>
    %mul3A_290 = arith.mulf %mul3A_289, %add3A_284 : vector<64x64xf32>
    %select_n3A_291 = arith.select %ge3A_287, %add3A_284, %mul3A_290 : vector<64x64xi1>, vector<64x64xf32>
    %reduce_max3A_292 = arith.constant dense<0xFF800000> : vector<64xf32>
    %reduce_max3A_293 = vector.multi_reduction <maximumf>, %select_n3A_291, %reduce_max3A_292 [1] : vector<64x64xf32> to vector<64xf32>
    %broadcast_in_dim3A_294 = vector.shape_cast %reduce_max3A_293 : vector<64xf32> to vector<64x1xf32>
    %sub3A_295 = vector.broadcast %broadcast_in_dim3A_294 : vector<64x1xf32> to vector<64x64xf32>
    %sub3A_296 = arith.subf %select_n3A_291, %sub3A_295 : vector<64x64xf32>
    %exp3A_297 = math.exp %sub3A_296 : vector<64x64xf32>
    %swap3A_298 = arith.constant 0 : index
    %swap3A_299 = arith.constant 320 : index
    %swap3A_300 = vector.load %arg21[%swap3A_298, %swap3A_299] : memref<64x512xf32, #tpu.memory_space<vmem>>, vector<64x64xf32>
    tpu.vector_store %arg21[%swap3A_298, %swap3A_299], %exp3A_297 {strides = array<i32>} : memref<64x512xf32, #tpu.memory_space<vmem>>, vector<64x64xf32>,
    %slice3A_301 = vector.extract_strided_slice %dot_general3A_171 {offsets = [0, 6], sizes = [64, 1], strides = [1, 1]} : vector<64x8xf32> to vector<64x1xf32>
    %slice3A_302 = vector.extract_strided_slice %dot_general3A_178 {offsets = [6, 0], sizes = [1, 64], strides = [1, 1]} : vector<8x64xf32> to vector<1x64xf32>
    %add3A_303 = vector.broadcast %slice3A_301 : vector<64x1xf32> to vector<64x64xf32>
    %add3A_304 = vector.broadcast %slice3A_302 : vector<1x64xf32> to vector<64x64xf32>
    %add3A_305 = arith.addf %add3A_303, %add3A_304 : vector<64x64xf32>
    %ge3A_306 = arith.constant 0.000000e+00 : f32
    %ge3A_307 = vector.broadcast %ge3A_306 : f32 to vector<64x64xf32>
    %ge3A_308 = arith.cmpf oge, %add3A_305, %ge3A_307 : vector<64x64xf32>
    %mul3A_309 = arith.constant 2.000000e-01 : f32
    %mul3A_310 = vector.broadcast %mul3A_309 : f32 to vector<64x64xf32>
    %mul3A_311 = arith.mulf %mul3A_310, %add3A_305 : vector<64x64xf32>
    %select_n3A_312 = arith.select %ge3A_308, %add3A_305, %mul3A_311 : vector<64x64xi1>, vector<64x64xf32>
    %reduce_max3A_313 = arith.constant dense<0xFF800000> : vector<64xf32>
    %reduce_max3A_314 = vector.multi_reduction <maximumf>, %select_n3A_312, %reduce_max3A_313 [1] : vector<64x64xf32> to vector<64xf32>
    %broadcast_in_dim3A_315 = vector.shape_cast %reduce_max3A_314 : vector<64xf32> to vector<64x1xf32>
    %sub3A_316 = vector.broadcast %broadcast_in_dim3A_315 : vector<64x1xf32> to vector<64x64xf32>
    %sub3A_317 = arith.subf %select_n3A_312, %sub3A_316 : vector<64x64xf32>
    %exp3A_318 = math.exp %sub3A_317 : vector<64x64xf32>
    %swap3A_319 = arith.constant 0 : index
    %swap3A_320 = arith.constant 384 : index
    %swap3A_321 = vector.load %arg21[%swap3A_319, %swap3A_320] : memref<64x512xf32, #tpu.memory_space<vmem>>, vector<64x64xf32>
    tpu.vector_store %arg21[%swap3A_319, %swap3A_320], %exp3A_318 {strides = array<i32>} : memref<64x512xf32, #tpu.memory_space<vmem>>, vector<64x64xf32>,
    %slice3A_322 = vector.extract_strided_slice %dot_general3A_171 {offsets = [0, 7], sizes = [64, 1], strides = [1, 1]} : vector<64x8xf32> to vector<64x1xf32>
    %slice3A_323 = vector.extract_strided_slice %dot_general3A_178 {offsets = [7, 0], sizes = [1, 64], strides = [1, 1]} : vector<8x64xf32> to vector<1x64xf32>
    %add3A_324 = vector.broadcast %slice3A_322 : vector<64x1xf32> to vector<64x64xf32>
    %add3A_325 = vector.broadcast %slice3A_323 : vector<1x64xf32> to vector<64x64xf32>
    %add3A_326 = arith.addf %add3A_324, %add3A_325 : vector<64x64xf32>
    %ge3A_327 = arith.constant 0.000000e+00 : f32
    %ge3A_328 = vector.broadcast %ge3A_327 : f32 to vector<64x64xf32>
    %ge3A_329 = arith.cmpf oge, %add3A_326, %ge3A_328 : vector<64x64xf32>
    %mul3A_330 = arith.constant 2.000000e-01 : f32
    %mul3A_331 = vector.broadcast %mul3A_330 : f32 to vector<64x64xf32>
    %mul3A_332 = arith.mulf %mul3A_331, %add3A_326 : vector<64x64xf32>
    %select_n3A_333 = arith.select %ge3A_329, %add3A_326, %mul3A_332 : vector<64x64xi1>, vector<64x64xf32>
    %reduce_max3A_334 = arith.constant dense<0xFF800000> : vector<64xf32>
    %reduce_max3A_335 = vector.multi_reduction <maximumf>, %select_n3A_333, %reduce_max3A_334 [1] : vector<64x64xf32> to vector<64xf32>
    %broadcast_in_dim3A_336 = vector.shape_cast %reduce_max3A_335 : vector<64xf32> to vector<64x1xf32>
    %sub3A_337 = vector.broadcast %broadcast_in_dim3A_336 : vector<64x1xf32> to vector<64x64xf32>
    %sub3A_338 = arith.subf %select_n3A_333, %sub3A_337 : vector<64x64xf32>
    %exp3A_339 = math.exp %sub3A_338 : vector<64x64xf32>
    %swap3A_340 = arith.constant 0 : index
    %swap3A_341 = arith.constant 448 : index
    %swap3A_342 = vector.load %arg21[%swap3A_340, %swap3A_341] : memref<64x512xf32, #tpu.memory_space<vmem>>, vector<64x64xf32>
    tpu.vector_store %arg21[%swap3A_340, %swap3A_341], %exp3A_339 {strides = array<i32>} : memref<64x512xf32, #tpu.memory_space<vmem>>, vector<64x64xf32>,
    %get3A_343 = arith.constant 0 : index
    %get3A_344 = arith.constant 0 : index
    %get3A_345 = vector.load %arg16[%get3A_343, %get3A_344] : memref<256x256xf32, #tpu.memory_space<vmem>>, vector<256x256xf32>
    %dot_general3A_346 = arith.constant dense<0.000000e+00> : vector<64x256xf32>
    %dot_general3A_347 = tpu.matmul %add3A_43, %get3A_345, %dot_general3A_346 {dimension_numbers = #tpu.dot_dimension_numbers<[1], [0], [0], [1], [0, 0, 1, 1], [], []>, transpose_lhs_hint = false} : vector<64x256xf32>, vector<256x256xf32>, vector<64x256xf32> -> vector<64x256xf32>
    %get3A_348 = arith.constant 0 : index
    %get3A_349 = arith.constant 0 : index
    %get3A_350 = vector.load %arg15[%get3A_348, %get3A_349] : memref<64x64xf32, #tpu.memory_space<vmem>>, vector<64x64xf32>
    %dot_general3A_351 = arith.constant dense<0.000000e+00> : vector<64x256xf32>
    %dot_general3A_352 = tpu.matmul %get3A_350, %dot_general3A_347, %dot_general3A_351 {dimension_numbers = #tpu.dot_dimension_numbers<[1], [0], [0], [1], [0, 0, 1, 1], [], []>, transpose_lhs_hint = false} : vector<64x64xf32>, vector<64x256xf32>, vector<64x256xf32> -> vector<64x256xf32>
    %get3A_353 = arith.constant 0 : index
    %get3A_354 = arith.constant 0 : index
    %get3A_355 = vector.load %arg17[%get3A_353, %get3A_354] : memref<1x256xf32, #tpu.memory_space<vmem>>, vector<1x256xf32>
    %add3A_356 = vector.broadcast %get3A_355 : vector<1x256xf32> to vector<64x256xf32>
    %add3A_357 = arith.addf %dot_general3A_352, %add3A_356 : vector<64x256xf32>
    %max3A = arith.constant 0.000000e+00 : f32
    %max3A_358 = vector.broadcast %max3A : f32 to vector<64x256xf32>
    %max3A_359 = arith.maximumf %add3A_357, %max3A_358 : vector<64x256xf32>
    %get3A_360 = arith.constant 0 : index
    %get3A_361 = arith.constant 0 : index
    %get3A_362 = vector.load %arg18[%get3A_360, %get3A_361] : memref<256x256xf32, #tpu.memory_space<vmem>>, vector<256x256xf32>
    %dot_general3A_363 = arith.constant dense<0.000000e+00> : vector<64x256xf32>
    %dot_general3A_364 = tpu.matmul %max3A_359, %get3A_362, %dot_general3A_363 {dimension_numbers = #tpu.dot_dimension_numbers<[1], [0], [0], [1], [0, 0, 1, 1], [], []>, transpose_lhs_hint = false} : vector<64x256xf32>, vector<256x256xf32>, vector<64x256xf32> -> vector<64x256xf32>
    %get3A_365 = arith.constant 0 : index
    %get3A_366 = arith.constant 0 : index
    %get3A_367 = vector.load %arg19[%get3A_365, %get3A_366] : memref<1x256xf32, #tpu.memory_space<vmem>>, vector<1x256xf32>
    %add3A_368 = vector.broadcast %get3A_367 : vector<1x256xf32> to vector<64x256xf32>
    %add3A_369 = arith.addf %dot_general3A_364, %add3A_368 : vector<64x256xf32>
    %swap3A_370 = arith.constant 0 : index
    %swap3A_371 = arith.constant 0 : index
    %swap3A_372 = vector.load %arg22[%swap3A_370, %swap3A_371] : memref<64x256xf32, #tpu.memory_space<vmem>>, vector<64x256xf32>
    tpu.vector_store %arg22[%swap3A_370, %swap3A_371], %add3A_369 {strides = array<i32>} : memref<64x256xf32, #tpu.memory_space<vmem>>, vector<64x256xf32>,
    return
  }
}

module attributes {stable_mosaic.version = 14 : i64} {
  func.func @_l1_body(%arg0: i32, %arg1: memref<2000x64xf32, #tpu.memory_space<vmem>>, %arg2: memref<2000x64xf32, #tpu.memory_space<vmem>>, %arg3: memref<2000x1xi32, #tpu.memory_space<vmem>>, %arg4: memref<64x512xf32, #tpu.memory_space<vmem>>, %arg5: memref<64x256xf32, #tpu.memory_space<vmem>>, %arg6: memref<1x256xf32, #tpu.memory_space<vmem>>, %arg7: memref<64x256xf32, #tpu.memory_space<vmem>>, %arg8: memref<256x256xf32, #tpu.memory_space<vmem>>, %arg9: memref<1x256xf32, #tpu.memory_space<vmem>>, %arg10: memref<256x256xf32, #tpu.memory_space<vmem>>, %arg11: memref<1x256xf32, #tpu.memory_space<vmem>>, %arg12: memref<2000x256xf32, #tpu.memory_space<vmem>>, %arg13: memref<2000x8xf32, #tpu.memory_space<vmem>>, %arg14: memref<1x8xf32, #tpu.memory_space<vmem>>, %arg15: memref<2000x256xf32, #tpu.memory_space<vmem>>) attributes {dimension_semantics = [#tpu.dimension_semantics<arbitrary>], iteration_bounds = array<i64: 5>, scalar_prefetch = 0 : i64, scratch_operands = 1 : i64, tpu.core_type = #tpu.core_type<tc>, window_params = [{transform_indices = @transform_0, window_bounds = array<i64: 2000, 64>}, {transform_indices = @transform_1, window_bounds = array<i64: 2000, 64>}, {transform_indices = @transform_2, window_bounds = array<i64: 2000, 1>}, {pipeline_mode = #tpu.pipeline_mode<synchronous>, transform_indices = @transform_3, window_bounds = array<i64: 64, 512>}, {pipeline_mode = #tpu.pipeline_mode<synchronous>, transform_indices = @transform_4, window_bounds = array<i64: 64, 256>}, {pipeline_mode = #tpu.pipeline_mode<synchronous>, transform_indices = @transform_5, window_bounds = array<i64: 1, 256>}, {pipeline_mode = #tpu.pipeline_mode<synchronous>, transform_indices = @transform_6, window_bounds = array<i64: 64, 256>}, {pipeline_mode = #tpu.pipeline_mode<synchronous>, transform_indices = @transform_7, window_bounds = array<i64: 256, 256>}, {pipeline_mode = #tpu.pipeline_mode<synchronous>, transform_indices = @transform_8, window_bounds = array<i64: 1, 256>}, {pipeline_mode = #tpu.pipeline_mode<synchronous>, transform_indices = @transform_9, window_bounds = array<i64: 256, 256>}, {pipeline_mode = #tpu.pipeline_mode<synchronous>, transform_indices = @transform_10, window_bounds = array<i64: 1, 256>}, {transform_indices = @transform_11, window_bounds = array<i64: 2000, 256>}, {transform_indices = @transform_12, window_bounds = array<i64: 2000, 8>}, {pipeline_mode = #tpu.pipeline_mode<synchronous>, transform_indices = @transform_13, window_bounds = array<i64: 1, 8>}]} {
    %get3A = arith.constant 0 : index
    %get3A_0 = arith.constant 0 : index
    %get3A_1 = vector.load %arg1[%get3A, %get3A_0] : memref<2000x64xf32, #tpu.memory_space<vmem>>, vector<2000x64xf32>
    %get3A_2 = arith.constant 0 : index
    %get3A_3 = arith.constant 0 : index
    %get3A_4 = vector.load %arg2[%get3A_2, %get3A_3] : memref<2000x64xf32, #tpu.memory_space<vmem>>, vector<2000x64xf32>
    %add3A = arith.addf %get3A_1, %get3A_4 : vector<2000x64xf32>
    %get3A_5 = arith.constant 0 : index
    %get3A_6 = arith.constant 0 : index
    %get3A_7 = vector.load %arg3[%get3A_5, %get3A_6] : memref<2000x1xi32, #tpu.memory_space<vmem>>, vector<2000x1xi32>
    %iota3A = tpu.iota {dimensions = array<i32: 1>} : vector<2000x64xi32>
    %eq3A = vector.broadcast %get3A_7 : vector<2000x1xi32> to vector<2000x64xi32>
    %eq3A_8 = arith.cmpi eq, %eq3A, %iota3A : vector<2000x64xi32>
    %convert_element_type3A = arith.extui %eq3A_8 : vector<2000x64xi1> to vector<2000x64xi32>
    %convert_element_type3A_9 = arith.sitofp %convert_element_type3A : vector<2000x64xi32> to vector<2000x64xf32>
    %get3A_10 = arith.constant 0 : index
    %get3A_11 = arith.constant 0 : index
    %get3A_12 = vector.load %arg4[%get3A_10, %get3A_11] : memref<64x512xf32, #tpu.memory_space<vmem>>, vector<64x512xf32>
    %dot_general3A = arith.constant dense<0.000000e+00> : vector<2000x512xf32>
    %dot_general3A_13 = tpu.matmul %convert_element_type3A_9, %get3A_12, %dot_general3A {dimension_numbers = #tpu.dot_dimension_numbers<[1], [0], [0], [1], [0, 0, 1, 1], [], []>, transpose_lhs_hint = false} : vector<2000x64xf32>, vector<64x512xf32>, vector<2000x512xf32> -> vector<2000x512xf32>
    %iota3A_14 = tpu.iota {dimensions = array<i32: 1>} : vector<64x512xi32>
    %jit3A = arith.constant 64 : i32
    %eq3A_15 = arith.constant 0 : i32
    %eq3A_16 = arith.cmpi eq, %jit3A, %eq3A_15 : i32
    %jit3A_17 = arith.constant 1 : i32
    %select_n3A = arith.select %eq3A_16, %jit3A_17, %jit3A : i32
    %rem3A = vector.broadcast %select_n3A : i32 to vector<64x512xi32>
    %rem3A_18 = arith.remsi %iota3A_14, %rem3A : vector<64x512xi32>
    %ne3A = arith.constant 0 : i32
    %ne3A_19 = vector.broadcast %ne3A : i32 to vector<64x512xi32>
    %ne3A_20 = arith.cmpi ne, %rem3A_18, %ne3A_19 : vector<64x512xi32>
    %lt3A = arith.constant 0 : i32
    %lt3A_21 = vector.broadcast %lt3A : i32 to vector<64x512xi32>
    %lt3A_22 = arith.cmpi slt, %rem3A_18, %lt3A_21 : vector<64x512xi32>
    %lt3A_23 = arith.constant 0 : i32
    %lt3A_24 = arith.cmpi slt, %select_n3A, %lt3A_23 : i32
    %ne3A_25 = vector.broadcast %lt3A_24 : i1 to vector<64x512xi1>
    %ne3A_26 = vector.broadcast %ne3A_25 : vector<64x512xi1> to vector<64x512xi1>
    %ne3A_27 = arith.xori %lt3A_22, %ne3A_26 : vector<64x512xi1>
    %and3A = arith.andi %ne3A_27, %ne3A_20 : vector<64x512xi1>
    %add3A_28 = vector.broadcast %select_n3A : i32 to vector<64x512xi32>
    %add3A_29 = arith.addi %rem3A_18, %add3A_28 : vector<64x512xi32>
    %select_n3A_30 = arith.select %and3A, %add3A_29, %rem3A_18 : vector<64x512xi1>, vector<64x512xi32>
    %iota3A_31 = tpu.iota {dimensions = array<i32: 0>} : vector<64x512xi32>
    %eq3A_32 = arith.cmpi eq, %select_n3A_30, %iota3A_31 : vector<64x512xi32>
    %convert_element_type3A_33 = arith.extui %eq3A_32 : vector<64x512xi1> to vector<64x512xi32>
    %convert_element_type3A_34 = arith.sitofp %convert_element_type3A_33 : vector<64x512xi32> to vector<64x512xf32>
    %dot_general3A_35 = arith.constant dense<0.000000e+00> : vector<2000x512xf32>
    %dot_general3A_36 = tpu.matmul %add3A, %convert_element_type3A_34, %dot_general3A_35 {dimension_numbers = #tpu.dot_dimension_numbers<[1], [0], [0], [1], [0, 0, 1, 1], [], []>, transpose_lhs_hint = false} : vector<2000x64xf32>, vector<64x512xf32>, vector<2000x512xf32> -> vector<2000x512xf32>
    %mul3A = arith.mulf %dot_general3A_36, %dot_general3A_13 : vector<2000x512xf32>
    %iota3A_37 = tpu.iota {dimensions = array<i32: 0>} : vector<512x8xi32>
    %jit3A_38 = arith.constant 64 : i32
    %div3A = vector.broadcast %jit3A_38 : i32 to vector<512x8xi32>
    %div3A_39 = arith.divsi %iota3A_37, %div3A : vector<512x8xi32>
    %sign3A = arith.constant 0 : i32
    %sign3A_40 = vector.broadcast %sign3A : i32 to vector<512x8xi32>
    %sign3A_41 = arith.cmpi sgt, %iota3A_37, %sign3A_40 : vector<512x8xi32>
    %sign3A_42 = arith.extui %sign3A_41 : vector<512x8xi1> to vector<512x8xi32>
    %sign3A_43 = arith.constant 0 : i32
    %sign3A_44 = vector.broadcast %sign3A_43 : i32 to vector<512x8xi32>
    %sign3A_45 = arith.cmpi slt, %iota3A_37, %sign3A_44 : vector<512x8xi32>
    %sign3A_46 = arith.extui %sign3A_45 : vector<512x8xi1> to vector<512x8xi32>
    %sign3A_47 = arith.subi %sign3A_42, %sign3A_46 : vector<512x8xi32>
    %sign3A_48 = arith.constant 0 : i32
    %sign3A_49 = arith.cmpi sgt, %jit3A_38, %sign3A_48 : i32
    %sign3A_50 = arith.extui %sign3A_49 : i1 to i32
    %sign3A_51 = arith.constant 0 : i32
    %sign3A_52 = arith.cmpi slt, %jit3A_38, %sign3A_51 : i32
    %sign3A_53 = arith.extui %sign3A_52 : i1 to i32
    %sign3A_54 = arith.subi %sign3A_50, %sign3A_53 : i32
    %ne3A_55 = vector.broadcast %sign3A_54 : i32 to vector<512x8xi32>
    %ne3A_56 = arith.cmpi ne, %sign3A_47, %ne3A_55 : vector<512x8xi32>
    %rem3A_57 = vector.broadcast %jit3A_38 : i32 to vector<512x8xi32>
    %rem3A_58 = arith.remsi %iota3A_37, %rem3A_57 : vector<512x8xi32>
    %ne3A_59 = arith.constant 0 : i32
    %ne3A_60 = vector.broadcast %ne3A_59 : i32 to vector<512x8xi32>
    %ne3A_61 = arith.cmpi ne, %rem3A_58, %ne3A_60 : vector<512x8xi32>
    %and3A_62 = arith.andi %ne3A_56, %ne3A_61 : vector<512x8xi1>
    %sub3A = arith.constant 1 : i32
    %sub3A_63 = vector.broadcast %sub3A : i32 to vector<512x8xi32>
    %sub3A_64 = arith.subi %div3A_39, %sub3A_63 : vector<512x8xi32>
    %select_n3A_65 = arith.select %and3A_62, %sub3A_64, %div3A_39 : vector<512x8xi1>, vector<512x8xi32>
    %iota3A_66 = tpu.iota {dimensions = array<i32: 1>} : vector<512x8xi32>
    %eq3A_67 = arith.cmpi eq, %select_n3A_65, %iota3A_66 : vector<512x8xi32>
    %convert_element_type3A_68 = arith.extui %eq3A_67 : vector<512x8xi1> to vector<512x8xi32>
    %convert_element_type3A_69 = arith.sitofp %convert_element_type3A_68 : vector<512x8xi32> to vector<512x8xf32>
    %dot_general3A_70 = arith.constant dense<0.000000e+00> : vector<2000x8xf32>
    %dot_general3A_71 = tpu.matmul %mul3A, %convert_element_type3A_69, %dot_general3A_70 {dimension_numbers = #tpu.dot_dimension_numbers<[1], [0], [0], [1], [0, 0, 1, 1], [], []>, transpose_lhs_hint = false} : vector<2000x512xf32>, vector<512x8xf32>, vector<2000x8xf32> -> vector<2000x8xf32>
    %get3A_72 = arith.constant 0 : index
    %get3A_73 = arith.constant 0 : index
    %get3A_74 = vector.load %arg5[%get3A_72, %get3A_73] : memref<64x256xf32, #tpu.memory_space<vmem>>, vector<64x256xf32>
    %slice3A = vector.extract_strided_slice %mul3A {offsets = [0, 0], sizes = [2000, 64], strides = [1, 1]} : vector<2000x512xf32> to vector<2000x64xf32>
    %slice3A_75 = vector.extract_strided_slice %get3A_74 {offsets = [0, 0], sizes = [64, 32], strides = [1, 1]} : vector<64x256xf32> to vector<64x32xf32>
    %dot_general3A_76 = arith.constant dense<0.000000e+00> : vector<2000x32xf32>
    %dot_general3A_77 = tpu.matmul %slice3A, %slice3A_75, %dot_general3A_76 {dimension_numbers = #tpu.dot_dimension_numbers<[1], [0], [0], [1], [0, 0, 1, 1], [], []>, transpose_lhs_hint = false} : vector<2000x64xf32>, vector<64x32xf32>, vector<2000x32xf32> -> vector<2000x32xf32>
    %swap3A = arith.constant 0 : index
    %swap3A_78 = arith.constant 0 : index
    %swap3A_79 = vector.load %arg15[%swap3A, %swap3A_78] : memref<2000x256xf32, #tpu.memory_space<vmem>>, vector<2000x32xf32>
    tpu.vector_store %arg15[%swap3A, %swap3A_78], %dot_general3A_77 {strides = array<i32>} : memref<2000x256xf32, #tpu.memory_space<vmem>>, vector<2000x32xf32>,
    %slice3A_80 = vector.extract_strided_slice %mul3A {offsets = [0, 64], sizes = [2000, 64], strides = [1, 1]} : vector<2000x512xf32> to vector<2000x64xf32>
    %slice3A_81 = vector.extract_strided_slice %get3A_74 {offsets = [0, 32], sizes = [64, 32], strides = [1, 1]} : vector<64x256xf32> to vector<64x32xf32>
    %dot_general3A_82 = arith.constant dense<0.000000e+00> : vector<2000x32xf32>
    %dot_general3A_83 = tpu.matmul %slice3A_80, %slice3A_81, %dot_general3A_82 {dimension_numbers = #tpu.dot_dimension_numbers<[1], [0], [0], [1], [0, 0, 1, 1], [], []>, transpose_lhs_hint = false} : vector<2000x64xf32>, vector<64x32xf32>, vector<2000x32xf32> -> vector<2000x32xf32>
    %swap3A_84 = arith.constant 0 : index
    %swap3A_85 = arith.constant 32 : index
    %swap3A_86 = vector.load %arg15[%swap3A_84, %swap3A_85] : memref<2000x256xf32, #tpu.memory_space<vmem>>, vector<2000x32xf32>
    tpu.vector_store %arg15[%swap3A_84, %swap3A_85], %dot_general3A_83 {strides = array<i32>} : memref<2000x256xf32, #tpu.memory_space<vmem>>, vector<2000x32xf32>,
    %slice3A_87 = vector.extract_strided_slice %mul3A {offsets = [0, 128], sizes = [2000, 64], strides = [1, 1]} : vector<2000x512xf32> to vector<2000x64xf32>
    %slice3A_88 = vector.extract_strided_slice %get3A_74 {offsets = [0, 64], sizes = [64, 32], strides = [1, 1]} : vector<64x256xf32> to vector<64x32xf32>
    %dot_general3A_89 = arith.constant dense<0.000000e+00> : vector<2000x32xf32>
    %dot_general3A_90 = tpu.matmul %slice3A_87, %slice3A_88, %dot_general3A_89 {dimension_numbers = #tpu.dot_dimension_numbers<[1], [0], [0], [1], [0, 0, 1, 1], [], []>, transpose_lhs_hint = false} : vector<2000x64xf32>, vector<64x32xf32>, vector<2000x32xf32> -> vector<2000x32xf32>
    %swap3A_91 = arith.constant 0 : index
    %swap3A_92 = arith.constant 64 : index
    %swap3A_93 = vector.load %arg15[%swap3A_91, %swap3A_92] : memref<2000x256xf32, #tpu.memory_space<vmem>>, vector<2000x32xf32>
    tpu.vector_store %arg15[%swap3A_91, %swap3A_92], %dot_general3A_90 {strides = array<i32>} : memref<2000x256xf32, #tpu.memory_space<vmem>>, vector<2000x32xf32>,
    %slice3A_94 = vector.extract_strided_slice %mul3A {offsets = [0, 192], sizes = [2000, 64], strides = [1, 1]} : vector<2000x512xf32> to vector<2000x64xf32>
    %slice3A_95 = vector.extract_strided_slice %get3A_74 {offsets = [0, 96], sizes = [64, 32], strides = [1, 1]} : vector<64x256xf32> to vector<64x32xf32>
    %dot_general3A_96 = arith.constant dense<0.000000e+00> : vector<2000x32xf32>
    %dot_general3A_97 = tpu.matmul %slice3A_94, %slice3A_95, %dot_general3A_96 {dimension_numbers = #tpu.dot_dimension_numbers<[1], [0], [0], [1], [0, 0, 1, 1], [], []>, transpose_lhs_hint = false} : vector<2000x64xf32>, vector<64x32xf32>, vector<2000x32xf32> -> vector<2000x32xf32>
    %swap3A_98 = arith.constant 0 : index
    %swap3A_99 = arith.constant 96 : index
    %swap3A_100 = vector.load %arg15[%swap3A_98, %swap3A_99] : memref<2000x256xf32, #tpu.memory_space<vmem>>, vector<2000x32xf32>
    tpu.vector_store %arg15[%swap3A_98, %swap3A_99], %dot_general3A_97 {strides = array<i32>} : memref<2000x256xf32, #tpu.memory_space<vmem>>, vector<2000x32xf32>,
    %slice3A_101 = vector.extract_strided_slice %mul3A {offsets = [0, 256], sizes = [2000, 64], strides = [1, 1]} : vector<2000x512xf32> to vector<2000x64xf32>
    %slice3A_102 = vector.extract_strided_slice %get3A_74 {offsets = [0, 128], sizes = [64, 32], strides = [1, 1]} : vector<64x256xf32> to vector<64x32xf32>
    %dot_general3A_103 = arith.constant dense<0.000000e+00> : vector<2000x32xf32>
    %dot_general3A_104 = tpu.matmul %slice3A_101, %slice3A_102, %dot_general3A_103 {dimension_numbers = #tpu.dot_dimension_numbers<[1], [0], [0], [1], [0, 0, 1, 1], [], []>, transpose_lhs_hint = false} : vector<2000x64xf32>, vector<64x32xf32>, vector<2000x32xf32> -> vector<2000x32xf32>
    %swap3A_105 = arith.constant 0 : index
    %swap3A_106 = arith.constant 128 : index
    %swap3A_107 = vector.load %arg15[%swap3A_105, %swap3A_106] : memref<2000x256xf32, #tpu.memory_space<vmem>>, vector<2000x32xf32>
    tpu.vector_store %arg15[%swap3A_105, %swap3A_106], %dot_general3A_104 {strides = array<i32>} : memref<2000x256xf32, #tpu.memory_space<vmem>>, vector<2000x32xf32>,
    %slice3A_108 = vector.extract_strided_slice %mul3A {offsets = [0, 320], sizes = [2000, 64], strides = [1, 1]} : vector<2000x512xf32> to vector<2000x64xf32>
    %slice3A_109 = vector.extract_strided_slice %get3A_74 {offsets = [0, 160], sizes = [64, 32], strides = [1, 1]} : vector<64x256xf32> to vector<64x32xf32>
    %dot_general3A_110 = arith.constant dense<0.000000e+00> : vector<2000x32xf32>
    %dot_general3A_111 = tpu.matmul %slice3A_108, %slice3A_109, %dot_general3A_110 {dimension_numbers = #tpu.dot_dimension_numbers<[1], [0], [0], [1], [0, 0, 1, 1], [], []>, transpose_lhs_hint = false} : vector<2000x64xf32>, vector<64x32xf32>, vector<2000x32xf32> -> vector<2000x32xf32>
    %swap3A_112 = arith.constant 0 : index
    %swap3A_113 = arith.constant 160 : index
    %swap3A_114 = vector.load %arg15[%swap3A_112, %swap3A_113] : memref<2000x256xf32, #tpu.memory_space<vmem>>, vector<2000x32xf32>
    tpu.vector_store %arg15[%swap3A_112, %swap3A_113], %dot_general3A_111 {strides = array<i32>} : memref<2000x256xf32, #tpu.memory_space<vmem>>, vector<2000x32xf32>,
    %slice3A_115 = vector.extract_strided_slice %mul3A {offsets = [0, 384], sizes = [2000, 64], strides = [1, 1]} : vector<2000x512xf32> to vector<2000x64xf32>
    %slice3A_116 = vector.extract_strided_slice %get3A_74 {offsets = [0, 192], sizes = [64, 32], strides = [1, 1]} : vector<64x256xf32> to vector<64x32xf32>
    %dot_general3A_117 = arith.constant dense<0.000000e+00> : vector<2000x32xf32>
    %dot_general3A_118 = tpu.matmul %slice3A_115, %slice3A_116, %dot_general3A_117 {dimension_numbers = #tpu.dot_dimension_numbers<[1], [0], [0], [1], [0, 0, 1, 1], [], []>, transpose_lhs_hint = false} : vector<2000x64xf32>, vector<64x32xf32>, vector<2000x32xf32> -> vector<2000x32xf32>
    %swap3A_119 = arith.constant 0 : index
    %swap3A_120 = arith.constant 192 : index
    %swap3A_121 = vector.load %arg15[%swap3A_119, %swap3A_120] : memref<2000x256xf32, #tpu.memory_space<vmem>>, vector<2000x32xf32>
    tpu.vector_store %arg15[%swap3A_119, %swap3A_120], %dot_general3A_118 {strides = array<i32>} : memref<2000x256xf32, #tpu.memory_space<vmem>>, vector<2000x32xf32>,
    %slice3A_122 = vector.extract_strided_slice %mul3A {offsets = [0, 448], sizes = [2000, 64], strides = [1, 1]} : vector<2000x512xf32> to vector<2000x64xf32>
    %slice3A_123 = vector.extract_strided_slice %get3A_74 {offsets = [0, 224], sizes = [64, 32], strides = [1, 1]} : vector<64x256xf32> to vector<64x32xf32>
    %dot_general3A_124 = arith.constant dense<0.000000e+00> : vector<2000x32xf32>
    %dot_general3A_125 = tpu.matmul %slice3A_122, %slice3A_123, %dot_general3A_124 {dimension_numbers = #tpu.dot_dimension_numbers<[1], [0], [0], [1], [0, 0, 1, 1], [], []>, transpose_lhs_hint = false} : vector<2000x64xf32>, vector<64x32xf32>, vector<2000x32xf32> -> vector<2000x32xf32>
    %swap3A_126 = arith.constant 0 : index
    %swap3A_127 = arith.constant 224 : index
    %swap3A_128 = vector.load %arg15[%swap3A_126, %swap3A_127] : memref<2000x256xf32, #tpu.memory_space<vmem>>, vector<2000x32xf32>
    tpu.vector_store %arg15[%swap3A_126, %swap3A_127], %dot_general3A_125 {strides = array<i32>} : memref<2000x256xf32, #tpu.memory_space<vmem>>, vector<2000x32xf32>,
    %get3A_129 = arith.constant 0 : index
    %get3A_130 = arith.constant 0 : index
    %get3A_131 = vector.load %arg15[%get3A_129, %get3A_130] : memref<2000x256xf32, #tpu.memory_space<vmem>>, vector<2000x256xf32>
    %iota3A_132 = tpu.iota {dimensions = array<i32: 0>} : vector<8x256xi32>
    %iota3A_133 = tpu.iota {dimensions = array<i32: 1>} : vector<8x256xi32>
    %jit3A_134 = arith.constant 32 : i32
    %div3A_135 = vector.broadcast %jit3A_134 : i32 to vector<8x256xi32>
    %div3A_136 = arith.divsi %iota3A_133, %div3A_135 : vector<8x256xi32>
    %sign3A_137 = arith.constant 0 : i32
    %sign3A_138 = vector.broadcast %sign3A_137 : i32 to vector<8x256xi32>
    %sign3A_139 = arith.cmpi sgt, %iota3A_133, %sign3A_138 : vector<8x256xi32>
    %sign3A_140 = arith.extui %sign3A_139 : vector<8x256xi1> to vector<8x256xi32>
    %sign3A_141 = arith.constant 0 : i32
    %sign3A_142 = vector.broadcast %sign3A_141 : i32 to vector<8x256xi32>
    %sign3A_143 = arith.cmpi slt, %iota3A_133, %sign3A_142 : vector<8x256xi32>
    %sign3A_144 = arith.extui %sign3A_143 : vector<8x256xi1> to vector<8x256xi32>
    %sign3A_145 = arith.subi %sign3A_140, %sign3A_144 : vector<8x256xi32>
    %sign3A_146 = arith.constant 0 : i32
    %sign3A_147 = arith.cmpi sgt, %jit3A_134, %sign3A_146 : i32
    %sign3A_148 = arith.extui %sign3A_147 : i1 to i32
    %sign3A_149 = arith.constant 0 : i32
    %sign3A_150 = arith.cmpi slt, %jit3A_134, %sign3A_149 : i32
    %sign3A_151 = arith.extui %sign3A_150 : i1 to i32
    %sign3A_152 = arith.subi %sign3A_148, %sign3A_151 : i32
    %ne3A_153 = vector.broadcast %sign3A_152 : i32 to vector<8x256xi32>
    %ne3A_154 = arith.cmpi ne, %sign3A_145, %ne3A_153 : vector<8x256xi32>
    %rem3A_155 = vector.broadcast %jit3A_134 : i32 to vector<8x256xi32>
    %rem3A_156 = arith.remsi %iota3A_133, %rem3A_155 : vector<8x256xi32>
    %ne3A_157 = arith.constant 0 : i32
    %ne3A_158 = vector.broadcast %ne3A_157 : i32 to vector<8x256xi32>
    %ne3A_159 = arith.cmpi ne, %rem3A_156, %ne3A_158 : vector<8x256xi32>
    %and3A_160 = arith.andi %ne3A_154, %ne3A_159 : vector<8x256xi1>
    %sub3A_161 = arith.constant 1 : i32
    %sub3A_162 = vector.broadcast %sub3A_161 : i32 to vector<8x256xi32>
    %sub3A_163 = arith.subi %div3A_136, %sub3A_162 : vector<8x256xi32>
    %select_n3A_164 = arith.select %and3A_160, %sub3A_163, %div3A_136 : vector<8x256xi1>, vector<8x256xi32>
    %eq3A_165 = arith.cmpi eq, %iota3A_132, %select_n3A_164 : vector<8x256xi32>
    %convert_element_type3A_166 = arith.extui %eq3A_165 : vector<8x256xi1> to vector<8x256xi32>
    %convert_element_type3A_167 = arith.sitofp %convert_element_type3A_166 : vector<8x256xi32> to vector<8x256xf32>
    %dot_general3A_168 = arith.constant dense<0.000000e+00> : vector<2000x256xf32>
    %dot_general3A_169 = tpu.matmul %dot_general3A_71, %convert_element_type3A_167, %dot_general3A_168 {dimension_numbers = #tpu.dot_dimension_numbers<[1], [0], [0], [1], [0, 0, 1, 1], [], []>, transpose_lhs_hint = false} : vector<2000x8xf32>, vector<8x256xf32>, vector<2000x256xf32> -> vector<2000x256xf32>
    %add3A_170 = arith.constant 1.000000e-16 : f32
    %add3A_171 = vector.broadcast %add3A_170 : f32 to vector<2000x256xf32>
    %add3A_172 = arith.addf %dot_general3A_169, %add3A_171 : vector<2000x256xf32>
    %div3A_173 = arith.divf %get3A_131, %add3A_172 : vector<2000x256xf32>
    %get3A_174 = arith.constant 0 : index
    %get3A_175 = arith.constant 0 : index
    %get3A_176 = vector.load %arg6[%get3A_174, %get3A_175] : memref<1x256xf32, #tpu.memory_space<vmem>>, vector<1x256xf32>
    %add3A_177 = vector.broadcast %get3A_176 : vector<1x256xf32> to vector<2000x256xf32>
    %add3A_178 = arith.addf %div3A_173, %add3A_177 : vector<2000x256xf32>
    %gt3A = arith.constant 0.000000e+00 : f32
    %gt3A_179 = vector.broadcast %gt3A : f32 to vector<2000x256xf32>
    %gt3A_180 = arith.cmpf ogt, %add3A_178, %gt3A_179 : vector<2000x256xf32>
    %min3A = arith.constant 0.000000e+00 : f32
    %min3A_181 = vector.broadcast %min3A : f32 to vector<2000x256xf32>
    %min3A_182 = arith.minimumf %add3A_178, %min3A_181 : vector<2000x256xf32>
    %exp3A = math.exp %min3A_182 : vector<2000x256xf32>
    %sub3A_183 = arith.constant 1.000000e+00 : f32
    %sub3A_184 = vector.broadcast %sub3A_183 : f32 to vector<2000x256xf32>
    %sub3A_185 = arith.subf %exp3A, %sub3A_184 : vector<2000x256xf32>
    %select_n3A_186 = arith.select %gt3A_180, %add3A_178, %sub3A_185 : vector<2000x256xi1>, vector<2000x256xf32>
    %get3A_187 = arith.constant 0 : index
    %get3A_188 = arith.constant 0 : index
    %get3A_189 = vector.load %arg8[%get3A_187, %get3A_188] : memref<256x256xf32, #tpu.memory_space<vmem>>, vector<256x256xf32>
    %dot_general3A_190 = arith.constant dense<0.000000e+00> : vector<2000x256xf32>
    %dot_general3A_191 = tpu.matmul %select_n3A_186, %get3A_189, %dot_general3A_190 {dimension_numbers = #tpu.dot_dimension_numbers<[1], [0], [0], [1], [0, 0, 1, 1], [], []>, transpose_lhs_hint = false} : vector<2000x256xf32>, vector<256x256xf32>, vector<2000x256xf32> -> vector<2000x256xf32>
    %get3A_192 = arith.constant 0 : index
    %get3A_193 = arith.constant 0 : index
    %get3A_194 = vector.load %arg9[%get3A_192, %get3A_193] : memref<1x256xf32, #tpu.memory_space<vmem>>, vector<1x256xf32>
    %add3A_195 = vector.broadcast %get3A_194 : vector<1x256xf32> to vector<2000x256xf32>
    %add3A_196 = arith.addf %dot_general3A_191, %add3A_195 : vector<2000x256xf32>
    %get3A_197 = arith.constant 0 : index
    %get3A_198 = arith.constant 0 : index
    %get3A_199 = vector.load %arg10[%get3A_197, %get3A_198] : memref<256x256xf32, #tpu.memory_space<vmem>>, vector<256x256xf32>
    %dot_general3A_200 = arith.constant dense<0.000000e+00> : vector<2000x256xf32>
    %dot_general3A_201 = tpu.matmul %select_n3A_186, %get3A_199, %dot_general3A_200 {dimension_numbers = #tpu.dot_dimension_numbers<[1], [0], [0], [1], [0, 0, 1, 1], [], []>, transpose_lhs_hint = false} : vector<2000x256xf32>, vector<256x256xf32>, vector<2000x256xf32> -> vector<2000x256xf32>
    %get3A_202 = arith.constant 0 : index
    %get3A_203 = arith.constant 0 : index
    %get3A_204 = vector.load %arg11[%get3A_202, %get3A_203] : memref<1x256xf32, #tpu.memory_space<vmem>>, vector<1x256xf32>
    %add3A_205 = vector.broadcast %get3A_204 : vector<1x256xf32> to vector<2000x256xf32>
    %add3A_206 = arith.addf %dot_general3A_201, %add3A_205 : vector<2000x256xf32>
    %swap3A_207 = arith.constant 0 : index
    %swap3A_208 = arith.constant 0 : index
    %swap3A_209 = vector.load %arg12[%swap3A_207, %swap3A_208] : memref<2000x256xf32, #tpu.memory_space<vmem>>, vector<2000x256xf32>
    tpu.vector_store %arg12[%swap3A_207, %swap3A_208], %add3A_206 {strides = array<i32>} : memref<2000x256xf32, #tpu.memory_space<vmem>>, vector<2000x256xf32>,
    %get3A_210 = arith.constant 0 : index
    %get3A_211 = arith.constant 0 : index
    %get3A_212 = vector.load %arg3[%get3A_210, %get3A_211] : memref<2000x1xi32, #tpu.memory_space<vmem>>, vector<2000x1xi32>
    %iota3A_213 = tpu.iota {dimensions = array<i32: 1>} : vector<2000x64xi32>
    %eq3A_214 = vector.broadcast %get3A_212 : vector<2000x1xi32> to vector<2000x64xi32>
    %eq3A_215 = arith.cmpi eq, %eq3A_214, %iota3A_213 : vector<2000x64xi32>
    %convert_element_type3A_216 = arith.extui %eq3A_215 : vector<2000x64xi1> to vector<2000x64xi32>
    %convert_element_type3A_217 = arith.sitofp %convert_element_type3A_216 : vector<2000x64xi32> to vector<2000x64xf32>
    %get3A_218 = arith.constant 0 : index
    %get3A_219 = arith.constant 0 : index
    %get3A_220 = vector.load %arg7[%get3A_218, %get3A_219] : memref<64x256xf32, #tpu.memory_space<vmem>>, vector<64x256xf32>
    %dot_general3A_221 = arith.constant dense<0.000000e+00> : vector<2000x256xf32>
    %dot_general3A_222 = tpu.matmul %convert_element_type3A_217, %get3A_220, %dot_general3A_221 {dimension_numbers = #tpu.dot_dimension_numbers<[1], [0], [0], [1], [0, 0, 1, 1], [], []>, transpose_lhs_hint = false} : vector<2000x64xf32>, vector<64x256xf32>, vector<2000x256xf32> -> vector<2000x256xf32>
    %mul3A_223 = arith.mulf %dot_general3A_222, %add3A_196 : vector<2000x256xf32>
    %iota3A_224 = tpu.iota {dimensions = array<i32: 0>} : vector<256x8xi32>
    %jit3A_225 = arith.constant 32 : i32
    %div3A_226 = vector.broadcast %jit3A_225 : i32 to vector<256x8xi32>
    %div3A_227 = arith.divsi %iota3A_224, %div3A_226 : vector<256x8xi32>
    %sign3A_228 = arith.constant 0 : i32
    %sign3A_229 = vector.broadcast %sign3A_228 : i32 to vector<256x8xi32>
    %sign3A_230 = arith.cmpi sgt, %iota3A_224, %sign3A_229 : vector<256x8xi32>
    %sign3A_231 = arith.extui %sign3A_230 : vector<256x8xi1> to vector<256x8xi32>
    %sign3A_232 = arith.constant 0 : i32
    %sign3A_233 = vector.broadcast %sign3A_232 : i32 to vector<256x8xi32>
    %sign3A_234 = arith.cmpi slt, %iota3A_224, %sign3A_233 : vector<256x8xi32>
    %sign3A_235 = arith.extui %sign3A_234 : vector<256x8xi1> to vector<256x8xi32>
    %sign3A_236 = arith.subi %sign3A_231, %sign3A_235 : vector<256x8xi32>
    %sign3A_237 = arith.constant 0 : i32
    %sign3A_238 = arith.cmpi sgt, %jit3A_225, %sign3A_237 : i32
    %sign3A_239 = arith.extui %sign3A_238 : i1 to i32
    %sign3A_240 = arith.constant 0 : i32
    %sign3A_241 = arith.cmpi slt, %jit3A_225, %sign3A_240 : i32
    %sign3A_242 = arith.extui %sign3A_241 : i1 to i32
    %sign3A_243 = arith.subi %sign3A_239, %sign3A_242 : i32
    %ne3A_244 = vector.broadcast %sign3A_243 : i32 to vector<256x8xi32>
    %ne3A_245 = arith.cmpi ne, %sign3A_236, %ne3A_244 : vector<256x8xi32>
    %rem3A_246 = vector.broadcast %jit3A_225 : i32 to vector<256x8xi32>
    %rem3A_247 = arith.remsi %iota3A_224, %rem3A_246 : vector<256x8xi32>
    %ne3A_248 = arith.constant 0 : i32
    %ne3A_249 = vector.broadcast %ne3A_248 : i32 to vector<256x8xi32>
    %ne3A_250 = arith.cmpi ne, %rem3A_247, %ne3A_249 : vector<256x8xi32>
    %and3A_251 = arith.andi %ne3A_245, %ne3A_250 : vector<256x8xi1>
    %sub3A_252 = arith.constant 1 : i32
    %sub3A_253 = vector.broadcast %sub3A_252 : i32 to vector<256x8xi32>
    %sub3A_254 = arith.subi %div3A_227, %sub3A_253 : vector<256x8xi32>
    %select_n3A_255 = arith.select %and3A_251, %sub3A_254, %div3A_227 : vector<256x8xi1>, vector<256x8xi32>
    %iota3A_256 = tpu.iota {dimensions = array<i32: 1>} : vector<256x8xi32>
    %eq3A_257 = arith.cmpi eq, %select_n3A_255, %iota3A_256 : vector<256x8xi32>
    %convert_element_type3A_258 = arith.extui %eq3A_257 : vector<256x8xi1> to vector<256x8xi32>
    %convert_element_type3A_259 = arith.sitofp %convert_element_type3A_258 : vector<256x8xi32> to vector<256x8xf32>
    %dot_general3A_260 = arith.constant dense<0.000000e+00> : vector<2000x8xf32>
    %dot_general3A_261 = tpu.matmul %mul3A_223, %convert_element_type3A_259, %dot_general3A_260 {dimension_numbers = #tpu.dot_dimension_numbers<[1], [0], [0], [1], [0, 0, 1, 1], [], []>, transpose_lhs_hint = false} : vector<2000x256xf32>, vector<256x8xf32>, vector<2000x8xf32> -> vector<2000x8xf32>
    %sqrt3A = arith.constant 3.200000e+01 : f32
    %sqrt3A_262 = math.sqrt %sqrt3A : f32
    %div3A_263 = arith.constant 1.000000e+00 : f32
    %div3A_264 = arith.divf %div3A_263, %sqrt3A_262 : f32
    %mul3A_265 = vector.broadcast %div3A_264 : f32 to vector<2000x8xf32>
    %mul3A_266 = arith.mulf %dot_general3A_261, %mul3A_265 : vector<2000x8xf32>
    %swap3A_267 = arith.constant 0 : index
    %swap3A_268 = arith.constant 0 : index
    %swap3A_269 = vector.load %arg13[%swap3A_267, %swap3A_268] : memref<2000x8xf32, #tpu.memory_space<vmem>>, vector<2000x8xf32>
    tpu.vector_store %arg13[%swap3A_267, %swap3A_268], %mul3A_266 {strides = array<i32>} : memref<2000x8xf32, #tpu.memory_space<vmem>>, vector<2000x8xf32>,
    %reduce_max3A = arith.constant dense<0xFF800000> : vector<8xf32>
    %reduce_max3A_270 = vector.multi_reduction <maximumf>, %mul3A_266, %reduce_max3A [0] : vector<2000x8xf32> to vector<8xf32>
    %broadcast_in_dim3A = vector.shape_cast %reduce_max3A_270 : vector<8xf32> to vector<1x8xf32>
    %eq3A_271 = arith.constant 0 : i32
    %eq3A_272 = arith.cmpi eq, %arg0, %eq3A_271 : i32
    %convert_element_type3A_273 = arith.extui %eq3A_272 : i1 to i32
    %cond3A = arith.constant 0 : i32
    %cond3A_274 = arith.cmpi ne, %convert_element_type3A_273, %cond3A : i32
    scf.if %cond3A_274 {
      %swap3A_280 = arith.constant 0 : index
      %swap3A_281 = arith.constant 0 : index
      %swap3A_282 = vector.load %arg14[%swap3A_280, %swap3A_281] : memref<1x8xf32, #tpu.memory_space<vmem>>, vector<1x8xf32>
      tpu.vector_store %arg14[%swap3A_280, %swap3A_281], %broadcast_in_dim3A {strides = array<i32>} : memref<1x8xf32, #tpu.memory_space<vmem>>, vector<1x8xf32>,
    } else {
    }
    %gt3A_275 = arith.constant 0 : i32
    %gt3A_276 = arith.cmpi sgt, %arg0, %gt3A_275 : i32
    %convert_element_type3A_277 = arith.extui %gt3A_276 : i1 to i32
    %cond3A_278 = arith.constant 0 : i32
    %cond3A_279 = arith.cmpi ne, %convert_element_type3A_277, %cond3A_278 : i32
    scf.if %cond3A_279 {
      %get3A_280 = arith.constant 0 : index
      %get3A_281 = arith.constant 0 : index
      %get3A_282 = vector.load %arg14[%get3A_280, %get3A_281] : memref<1x8xf32, #tpu.memory_space<vmem>>, vector<1x8xf32>
      %max3A = arith.maximumf %get3A_282, %broadcast_in_dim3A : vector<1x8xf32>
      %swap3A_283 = arith.constant 0 : index
      %swap3A_284 = arith.constant 0 : index
      %swap3A_285 = vector.load %arg14[%swap3A_283, %swap3A_284] : memref<1x8xf32, #tpu.memory_space<vmem>>, vector<1x8xf32>
      tpu.vector_store %arg14[%swap3A_283, %swap3A_284], %max3A {strides = array<i32>} : memref<1x8xf32, #tpu.memory_space<vmem>>, vector<1x8xf32>,
    } else {
    }
    return
  }
  func.func @transform_0(%arg0: i32) -> (i32, i32) {
    %c0_i32 = arith.constant 0 : i32
    %c0_i32_0 = arith.constant 0 : i32
    return %arg0, %c0_i32 : i32, i32
  }
  func.func @transform_1(%arg0: i32) -> (i32, i32) {
    %c0_i32 = arith.constant 0 : i32
    %c0_i32_0 = arith.constant 0 : i32
    return %arg0, %c0_i32 : i32, i32
  }
  func.func @transform_2(%arg0: i32) -> (i32, i32) {
    %c0_i32 = arith.constant 0 : i32
    %c0_i32_0 = arith.constant 0 : i32
    return %arg0, %c0_i32 : i32, i32
  }
  func.func @transform_3(%arg0: i32) -> (i32, i32) {
    %c0_i32 = arith.constant 0 : i32
    %c0_i32_0 = arith.constant 0 : i32
    %c0_i32_1 = arith.constant 0 : i32
    return %c0_i32, %c0_i32_0 : i32, i32
  }
  func.func @transform_4(%arg0: i32) -> (i32, i32) {
    %c0_i32 = arith.constant 0 : i32
    %c0_i32_0 = arith.constant 0 : i32
    %c0_i32_1 = arith.constant 0 : i32
    return %c0_i32, %c0_i32_0 : i32, i32
  }
  func.func @transform_5(%arg0: i32) -> (i32, i32) {
    %c0_i32 = arith.constant 0 : i32
    %c0_i32_0 = arith.constant 0 : i32
    %c0_i32_1 = arith.constant 0 : i32
    return %c0_i32, %c0_i32_0 : i32, i32
  }
  func.func @transform_6(%arg0: i32) -> (i32, i32) {
    %c0_i32 = arith.constant 0 : i32
    %c0_i32_0 = arith.constant 0 : i32
    %c0_i32_1 = arith.constant 0 : i32
    return %c0_i32, %c0_i32_0 : i32, i32
  }
  func.func @transform_7(%arg0: i32) -> (i32, i32) {
    %c0_i32 = arith.constant 0 : i32
    %c0_i32_0 = arith.constant 0 : i32
    %c0_i32_1 = arith.constant 0 : i32
    return %c0_i32, %c0_i32_0 : i32, i32
  }
  func.func @transform_8(%arg0: i32) -> (i32, i32) {
    %c0_i32 = arith.constant 0 : i32
    %c0_i32_0 = arith.constant 0 : i32
    %c0_i32_1 = arith.constant 0 : i32
    return %c0_i32, %c0_i32_0 : i32, i32
  }
  func.func @transform_9(%arg0: i32) -> (i32, i32) {
    %c0_i32 = arith.constant 0 : i32
    %c0_i32_0 = arith.constant 0 : i32
    %c0_i32_1 = arith.constant 0 : i32
    return %c0_i32, %c0_i32_0 : i32, i32
  }
  func.func @transform_10(%arg0: i32) -> (i32, i32) {
    %c0_i32 = arith.constant 0 : i32
    %c0_i32_0 = arith.constant 0 : i32
    %c0_i32_1 = arith.constant 0 : i32
    return %c0_i32, %c0_i32_0 : i32, i32
  }
  func.func @transform_11(%arg0: i32) -> (i32, i32) {
    %c0_i32 = arith.constant 0 : i32
    %c0_i32_0 = arith.constant 0 : i32
    return %arg0, %c0_i32 : i32, i32
  }
  func.func @transform_12(%arg0: i32) -> (i32, i32) {
    %c0_i32 = arith.constant 0 : i32
    %c0_i32_0 = arith.constant 0 : i32
    return %arg0, %c0_i32 : i32, i32
  }
  func.func @transform_13(%arg0: i32) -> (i32, i32) {
    %c0_i32 = arith.constant 0 : i32
    %c0_i32_0 = arith.constant 0 : i32
    %c0_i32_1 = arith.constant 0 : i32
    return %c0_i32, %c0_i32_0 : i32, i32
  }
}

module attributes {stable_mosaic.version = 14 : i64} {
  func.func @_final_body(%arg0: memref<64x256xf32, #tpu.memory_space<vmem>>, %arg1: memref<64x8xf32, #tpu.memory_space<vmem>>, %arg2: memref<256x256xf32, #tpu.memory_space<vmem>>, %arg3: memref<1x256xf32, #tpu.memory_space<vmem>>, %arg4: memref<256x256xf32, #tpu.memory_space<vmem>>, %arg5: memref<1x256xf32, #tpu.memory_space<vmem>>, %arg6: memref<256x256xf32, #tpu.memory_space<vmem>>, %arg7: memref<1x256xf32, #tpu.memory_space<vmem>>, %arg8: memref<512x768xf32, #tpu.memory_space<vmem>>, %arg9: memref<1x768xf32, #tpu.memory_space<vmem>>, %arg10: memref<256x768xf32, #tpu.memory_space<vmem>>, %arg11: memref<1x768xf32, #tpu.memory_space<vmem>>, %arg12: memref<64x1xf32, #tpu.memory_space<vmem>>, %arg13: memref<1024x512xf32, #tpu.memory_space<vmem>>, %arg14: memref<1x512xf32, #tpu.memory_space<vmem>>, %arg15: memref<512x256xf32, #tpu.memory_space<vmem>>, %arg16: memref<1x256xf32, #tpu.memory_space<vmem>>, %arg17: memref<256x10xf32, #tpu.memory_space<vmem>>, %arg18: memref<1x10xf32, #tpu.memory_space<vmem>>, %arg19: memref<8x10xf32, #tpu.memory_space<vmem>>, %arg20: memref<8x1024xf32, #tpu.memory_space<vmem>>) attributes {dimension_semantics = [], scalar_prefetch = 0 : i64, scratch_operands = 1 : i64, tpu.core_type = #tpu.core_type<tc>} {
    %get3A = arith.constant 0 : index
    %get3A_0 = arith.constant 0 : index
    %get3A_1 = vector.load %arg0[%get3A, %get3A_0] : memref<64x256xf32, #tpu.memory_space<vmem>>, vector<64x256xf32>
    %get3A_2 = arith.constant 0 : index
    %get3A_3 = arith.constant 0 : index
    %get3A_4 = vector.load %arg1[%get3A_2, %get3A_3] : memref<64x8xf32, #tpu.memory_space<vmem>>, vector<64x8xf32>
    %iota3A = tpu.iota {dimensions = array<i32: 0>} : vector<8x256xi32>
    %iota3A_5 = tpu.iota {dimensions = array<i32: 1>} : vector<8x256xi32>
    %jit3A = arith.constant 32 : i32
    %div3A = vector.broadcast %jit3A : i32 to vector<8x256xi32>
    %div3A_6 = arith.divsi %iota3A_5, %div3A : vector<8x256xi32>
    %sign3A = arith.constant 0 : i32
    %sign3A_7 = vector.broadcast %sign3A : i32 to vector<8x256xi32>
    %sign3A_8 = arith.cmpi sgt, %iota3A_5, %sign3A_7 : vector<8x256xi32>
    %sign3A_9 = arith.extui %sign3A_8 : vector<8x256xi1> to vector<8x256xi32>
    %sign3A_10 = arith.constant 0 : i32
    %sign3A_11 = vector.broadcast %sign3A_10 : i32 to vector<8x256xi32>
    %sign3A_12 = arith.cmpi slt, %iota3A_5, %sign3A_11 : vector<8x256xi32>
    %sign3A_13 = arith.extui %sign3A_12 : vector<8x256xi1> to vector<8x256xi32>
    %sign3A_14 = arith.subi %sign3A_9, %sign3A_13 : vector<8x256xi32>
    %sign3A_15 = arith.constant 0 : i32
    %sign3A_16 = arith.cmpi sgt, %jit3A, %sign3A_15 : i32
    %sign3A_17 = arith.extui %sign3A_16 : i1 to i32
    %sign3A_18 = arith.constant 0 : i32
    %sign3A_19 = arith.cmpi slt, %jit3A, %sign3A_18 : i32
    %sign3A_20 = arith.extui %sign3A_19 : i1 to i32
    %sign3A_21 = arith.subi %sign3A_17, %sign3A_20 : i32
    %ne3A = vector.broadcast %sign3A_21 : i32 to vector<8x256xi32>
    %ne3A_22 = arith.cmpi ne, %sign3A_14, %ne3A : vector<8x256xi32>
    %rem3A = vector.broadcast %jit3A : i32 to vector<8x256xi32>
    %rem3A_23 = arith.remsi %iota3A_5, %rem3A : vector<8x256xi32>
    %ne3A_24 = arith.constant 0 : i32
    %ne3A_25 = vector.broadcast %ne3A_24 : i32 to vector<8x256xi32>
    %ne3A_26 = arith.cmpi ne, %rem3A_23, %ne3A_25 : vector<8x256xi32>
    %and3A = arith.andi %ne3A_22, %ne3A_26 : vector<8x256xi1>
    %sub3A = arith.constant 1 : i32
    %sub3A_27 = vector.broadcast %sub3A : i32 to vector<8x256xi32>
    %sub3A_28 = arith.subi %div3A_6, %sub3A_27 : vector<8x256xi32>
    %select_n3A = arith.select %and3A, %sub3A_28, %div3A_6 : vector<8x256xi1>, vector<8x256xi32>
    %eq3A = arith.cmpi eq, %iota3A, %select_n3A : vector<8x256xi32>
    %convert_element_type3A = arith.extui %eq3A : vector<8x256xi1> to vector<8x256xi32>
    %convert_element_type3A_29 = arith.sitofp %convert_element_type3A : vector<8x256xi32> to vector<8x256xf32>
    %dot_general3A = arith.constant dense<0.000000e+00> : vector<64x256xf32>
    %dot_general3A_30 = tpu.matmul %get3A_4, %convert_element_type3A_29, %dot_general3A {dimension_numbers = #tpu.dot_dimension_numbers<[1], [0], [0], [1], [0, 0, 1, 1], [], []>, transpose_lhs_hint = false} : vector<64x8xf32>, vector<8x256xf32>, vector<64x256xf32> -> vector<64x256xf32>
    %add3A = arith.constant 1.000000e-16 : f32
    %add3A_31 = vector.broadcast %add3A : f32 to vector<64x256xf32>
    %add3A_32 = arith.addf %dot_general3A_30, %add3A_31 : vector<64x256xf32>
    %div3A_33 = arith.divf %get3A_1, %add3A_32 : vector<64x256xf32>
    %get3A_34 = arith.constant 0 : index
    %get3A_35 = arith.constant 0 : index
    %get3A_36 = vector.load %arg2[%get3A_34, %get3A_35] : memref<256x256xf32, #tpu.memory_space<vmem>>, vector<256x256xf32>
    %dot_general3A_37 = arith.constant dense<0.000000e+00> : vector<64x256xf32>
    %dot_general3A_38 = tpu.matmul %div3A_33, %get3A_36, %dot_general3A_37 {dimension_numbers = #tpu.dot_dimension_numbers<[1], [0], [0], [1], [0, 0, 1, 1], [], []>, transpose_lhs_hint = false} : vector<64x256xf32>, vector<256x256xf32>, vector<64x256xf32> -> vector<64x256xf32>
    %get3A_39 = arith.constant 0 : index
    %get3A_40 = arith.constant 0 : index
    %get3A_41 = vector.load %arg3[%get3A_39, %get3A_40] : memref<1x256xf32, #tpu.memory_space<vmem>>, vector<1x256xf32>
    %add3A_42 = vector.broadcast %get3A_41 : vector<1x256xf32> to vector<64x256xf32>
    %add3A_43 = arith.addf %dot_general3A_38, %add3A_42 : vector<64x256xf32>
    %get3A_44 = arith.constant 0 : index
    %get3A_45 = arith.constant 0 : index
    %get3A_46 = vector.load %arg4[%get3A_44, %get3A_45] : memref<256x256xf32, #tpu.memory_space<vmem>>, vector<256x256xf32>
    %dot_general3A_47 = arith.constant dense<0.000000e+00> : vector<64x256xf32>
    %dot_general3A_48 = tpu.matmul %add3A_43, %get3A_46, %dot_general3A_47 {dimension_numbers = #tpu.dot_dimension_numbers<[1], [0], [0], [1], [0, 0, 1, 1], [], []>, transpose_lhs_hint = false} : vector<64x256xf32>, vector<256x256xf32>, vector<64x256xf32> -> vector<64x256xf32>
    %get3A_49 = arith.constant 0 : index
    %get3A_50 = arith.constant 0 : index
    %get3A_51 = vector.load %arg5[%get3A_49, %get3A_50] : memref<1x256xf32, #tpu.memory_space<vmem>>, vector<1x256xf32>
    %add3A_52 = vector.broadcast %get3A_51 : vector<1x256xf32> to vector<64x256xf32>
    %add3A_53 = arith.addf %dot_general3A_48, %add3A_52 : vector<64x256xf32>
    %get3A_54 = arith.constant 0 : index
    %get3A_55 = arith.constant 0 : index
    %get3A_56 = vector.load %arg6[%get3A_54, %get3A_55] : memref<256x256xf32, #tpu.memory_space<vmem>>, vector<256x256xf32>
    %dot_general3A_57 = arith.constant dense<0.000000e+00> : vector<64x256xf32>
    %dot_general3A_58 = tpu.matmul %add3A_53, %get3A_56, %dot_general3A_57 {dimension_numbers = #tpu.dot_dimension_numbers<[1], [0], [0], [1], [0, 0, 1, 1], [], []>, transpose_lhs_hint = false} : vector<64x256xf32>, vector<256x256xf32>, vector<64x256xf32> -> vector<64x256xf32>
    %get3A_59 = arith.constant 0 : index
    %get3A_60 = arith.constant 0 : index
    %get3A_61 = vector.load %arg7[%get3A_59, %get3A_60] : memref<1x256xf32, #tpu.memory_space<vmem>>, vector<1x256xf32>
    %add3A_62 = vector.broadcast %get3A_61 : vector<1x256xf32> to vector<64x256xf32>
    %add3A_63 = arith.addf %dot_general3A_58, %add3A_62 : vector<64x256xf32>
    %get3A_64 = arith.constant 0 : index
    %get3A_65 = arith.constant 0 : index
    %get3A_66 = vector.load %arg8[%get3A_64, %get3A_65] : memref<512x768xf32, #tpu.memory_space<vmem>>, vector<256x768xf32>
    %dot_general3A_67 = arith.constant dense<0.000000e+00> : vector<64x768xf32>
    %dot_general3A_68 = tpu.matmul %add3A_63, %get3A_66, %dot_general3A_67 {dimension_numbers = #tpu.dot_dimension_numbers<[1], [0], [0], [1], [0, 0, 1, 1], [], []>, transpose_lhs_hint = false} : vector<64x256xf32>, vector<256x768xf32>, vector<64x768xf32> -> vector<64x768xf32>
    %get3A_69 = arith.constant 256 : index
    %get3A_70 = arith.constant 0 : index
    %get3A_71 = vector.load %arg8[%get3A_69, %get3A_70] : memref<512x768xf32, #tpu.memory_space<vmem>>, vector<256x768xf32>
    %dot_general3A_72 = arith.constant dense<0.000000e+00> : vector<64x768xf32>
    %dot_general3A_73 = tpu.matmul %add3A_43, %get3A_71, %dot_general3A_72 {dimension_numbers = #tpu.dot_dimension_numbers<[1], [0], [0], [1], [0, 0, 1, 1], [], []>, transpose_lhs_hint = false} : vector<64x256xf32>, vector<256x768xf32>, vector<64x768xf32> -> vector<64x768xf32>
    %add3A_74 = arith.addf %dot_general3A_68, %dot_general3A_73 : vector<64x768xf32>
    %get3A_75 = arith.constant 0 : index
    %get3A_76 = arith.constant 0 : index
    %get3A_77 = vector.load %arg9[%get3A_75, %get3A_76] : memref<1x768xf32, #tpu.memory_space<vmem>>, vector<1x768xf32>
    %add3A_78 = vector.broadcast %get3A_77 : vector<1x768xf32> to vector<64x768xf32>
    %add3A_79 = arith.addf %add3A_74, %add3A_78 : vector<64x768xf32>
    %get3A_80 = arith.constant 0 : index
    %get3A_81 = arith.constant 0 : index
    %get3A_82 = vector.load %arg10[%get3A_80, %get3A_81] : memref<256x768xf32, #tpu.memory_space<vmem>>, vector<256x768xf32>
    %dot_general3A_83 = arith.constant dense<0.000000e+00> : vector<64x768xf32>
    %dot_general3A_84 = tpu.matmul %add3A_63, %get3A_82, %dot_general3A_83 {dimension_numbers = #tpu.dot_dimension_numbers<[1], [0], [0], [1], [0, 0, 1, 1], [], []>, transpose_lhs_hint = false} : vector<64x256xf32>, vector<256x768xf32>, vector<64x768xf32> -> vector<64x768xf32>
    %get3A_85 = arith.constant 0 : index
    %get3A_86 = arith.constant 0 : index
    %get3A_87 = vector.load %arg11[%get3A_85, %get3A_86] : memref<1x768xf32, #tpu.memory_space<vmem>>, vector<1x768xf32>
    %add3A_88 = vector.broadcast %get3A_87 : vector<1x768xf32> to vector<64x768xf32>
    %add3A_89 = arith.addf %dot_general3A_84, %add3A_88 : vector<64x768xf32>
    %slice3A = vector.extract_strided_slice %add3A_79 {offsets = [0, 0], sizes = [64, 256], strides = [1, 1]} : vector<64x768xf32> to vector<64x256xf32>
    %slice3A_90 = vector.extract_strided_slice %add3A_89 {offsets = [0, 0], sizes = [64, 256], strides = [1, 1]} : vector<64x768xf32> to vector<64x256xf32>
    %add3A_91 = arith.addf %slice3A, %slice3A_90 : vector<64x256xf32>
    %logistic3A = arith.negf %add3A_91 : vector<64x256xf32>
    %logistic3A_92 = math.exp %logistic3A : vector<64x256xf32>
    %logistic3A_93 = arith.constant 1.000000e+00 : f32
    %logistic3A_94 = vector.broadcast %logistic3A_93 : f32 to vector<64x256xf32>
    %logistic3A_95 = arith.addf %logistic3A_94, %logistic3A_92 : vector<64x256xf32>
    %logistic3A_96 = arith.divf %logistic3A_94, %logistic3A_95 : vector<64x256xf32>
    %slice3A_97 = vector.extract_strided_slice %add3A_79 {offsets = [0, 256], sizes = [64, 256], strides = [1, 1]} : vector<64x768xf32> to vector<64x256xf32>
    %slice3A_98 = vector.extract_strided_slice %add3A_89 {offsets = [0, 256], sizes = [64, 256], strides = [1, 1]} : vector<64x768xf32> to vector<64x256xf32>
    %add3A_99 = arith.addf %slice3A_97, %slice3A_98 : vector<64x256xf32>
    %logistic3A_100 = arith.negf %add3A_99 : vector<64x256xf32>
    %logistic3A_101 = math.exp %logistic3A_100 : vector<64x256xf32>
    %logistic3A_102 = arith.constant 1.000000e+00 : f32
    %logistic3A_103 = vector.broadcast %logistic3A_102 : f32 to vector<64x256xf32>
    %logistic3A_104 = arith.addf %logistic3A_103, %logistic3A_101 : vector<64x256xf32>
    %logistic3A_105 = arith.divf %logistic3A_103, %logistic3A_104 : vector<64x256xf32>
    %slice3A_106 = vector.extract_strided_slice %add3A_79 {offsets = [0, 512], sizes = [64, 256], strides = [1, 1]} : vector<64x768xf32> to vector<64x256xf32>
    %slice3A_107 = vector.extract_strided_slice %add3A_89 {offsets = [0, 512], sizes = [64, 256], strides = [1, 1]} : vector<64x768xf32> to vector<64x256xf32>
    %mul3A = arith.mulf %logistic3A_96, %slice3A_107 : vector<64x256xf32>
    %add3A_108 = arith.addf %slice3A_106, %mul3A : vector<64x256xf32>
    %tanh3A = math.tanh %add3A_108 : vector<64x256xf32>
    %sub3A_109 = arith.constant 1.000000e+00 : f32
    %sub3A_110 = vector.broadcast %sub3A_109 : f32 to vector<64x256xf32>
    %sub3A_111 = arith.subf %sub3A_110, %logistic3A_105 : vector<64x256xf32>
    %mul3A_112 = arith.mulf %sub3A_111, %tanh3A : vector<64x256xf32>
    %mul3A_113 = arith.mulf %logistic3A_105, %add3A_63 : vector<64x256xf32>
    %add3A_114 = arith.addf %mul3A_112, %mul3A_113 : vector<64x256xf32>
    %get3A_115 = arith.constant 0 : index
    %get3A_116 = arith.constant 0 : index
    %get3A_117 = vector.load %arg12[%get3A_115, %get3A_116] : memref<64x1xf32, #tpu.memory_space<vmem>>, vector<64x1xf32>
    %dot_general3A_118 = arith.constant dense<0.000000e+00> : vector<1x256xf32>
    %dot_general3A_119 = tpu.matmul %get3A_117, %add3A_114, %dot_general3A_118 {dimension_numbers = #tpu.dot_dimension_numbers<[0], [0], [1], [1], [0, 1, 1, 1], [], []>, transpose_lhs_hint = false} : vector<64x1xf32>, vector<64x256xf32>, vector<1x256xf32> -> vector<1x256xf32>
    %mul3A_120 = arith.constant 9.99999974E-5 : f32
    %mul3A_121 = vector.broadcast %mul3A_120 : f32 to vector<1x256xf32>
    %mul3A_122 = arith.mulf %dot_general3A_119, %mul3A_121 : vector<1x256xf32>
    %get3A_123 = arith.constant 0 : index
    %get3A_124 = arith.constant 0 : index
    %get3A_125 = vector.load %arg12[%get3A_123, %get3A_124] : memref<64x1xf32, #tpu.memory_space<vmem>>, vector<64x1xf32>
    %gt3A = arith.constant 0.000000e+00 : f32
    %gt3A_126 = vector.broadcast %gt3A : f32 to vector<64x1xf32>
    %gt3A_127 = arith.cmpf ogt, %get3A_125, %gt3A_126 : vector<64x1xf32>
    %jit3A_128 = arith.constant 0xFF800000 : f32
    %broadcast_in_dim3A = vector.shape_cast %gt3A_127 : vector<64x1xi1> to vector<64x1xi1>
    %broadcast_in_dim3A_129 = vector.broadcast %broadcast_in_dim3A : vector<64x1xi1> to vector<64x256xi1>
    %broadcast_in_dim3A_130 = vector.broadcast %jit3A_128 : f32 to vector<64x256xf32>
    %select_n3A_131 = arith.select %broadcast_in_dim3A_129, %add3A_114, %broadcast_in_dim3A_130 : vector<64x256xi1>, vector<64x256xf32>
    %reduce_max3A = arith.constant dense<0xFF800000> : vector<256xf32>
    %reduce_max3A_132 = vector.multi_reduction <maximumf>, %select_n3A_131, %reduce_max3A [0] : vector<64x256xf32> to vector<256xf32>
    %broadcast_in_dim3A_133 = vector.shape_cast %reduce_max3A_132 : vector<256xf32> to vector<1x256xf32>
    %reduce_sum3A = arith.constant dense<0.000000e+00> : vector<256xf32>
    %reduce_sum3A_134 = vector.multi_reduction <add>, %add3A_43, %reduce_sum3A [0] : vector<64x256xf32> to vector<256xf32>
    %broadcast_in_dim3A_135 = vector.shape_cast %reduce_sum3A_134 : vector<256xf32> to vector<1x256xf32>
    %mul3A_136 = arith.constant 1.562500e-02 : f32
    %mul3A_137 = vector.broadcast %mul3A_136 : f32 to vector<1x256xf32>
    %mul3A_138 = arith.mulf %broadcast_in_dim3A_135, %mul3A_137 : vector<1x256xf32>
    %reduce_max3A_139 = arith.constant dense<0xFF800000> : vector<256xf32>
    %reduce_max3A_140 = vector.multi_reduction <maximumf>, %add3A_43, %reduce_max3A_139 [0] : vector<64x256xf32> to vector<256xf32>
    %broadcast_in_dim3A_141 = vector.shape_cast %reduce_max3A_140 : vector<256xf32> to vector<1x256xf32>
    %broadcast_in_dim3A_142 = vector.shape_cast %mul3A_122 : vector<1x256xf32> to vector<1x256xf32>
    %broadcast_in_dim3A_143 = vector.broadcast %broadcast_in_dim3A_142 : vector<1x256xf32> to vector<8x256xf32>
    %swap3A = arith.constant 0 : index
    %swap3A_144 = arith.constant 0 : index
    %swap3A_145 = vector.load %arg20[%swap3A, %swap3A_144] : memref<8x1024xf32, #tpu.memory_space<vmem>>, vector<8x256xf32>
    tpu.vector_store %arg20[%swap3A, %swap3A_144], %broadcast_in_dim3A_143 {strides = array<i32>} : memref<8x1024xf32, #tpu.memory_space<vmem>>, vector<8x256xf32>,
    %broadcast_in_dim3A_146 = vector.shape_cast %broadcast_in_dim3A_133 : vector<1x256xf32> to vector<1x256xf32>
    %broadcast_in_dim3A_147 = vector.broadcast %broadcast_in_dim3A_146 : vector<1x256xf32> to vector<8x256xf32>
    %swap3A_148 = arith.constant 0 : index
    %swap3A_149 = arith.constant 256 : index
    %swap3A_150 = vector.load %arg20[%swap3A_148, %swap3A_149] : memref<8x1024xf32, #tpu.memory_space<vmem>>, vector<8x256xf32>
    tpu.vector_store %arg20[%swap3A_148, %swap3A_149], %broadcast_in_dim3A_147 {strides = array<i32>} : memref<8x1024xf32, #tpu.memory_space<vmem>>, vector<8x256xf32>,
    %broadcast_in_dim3A_151 = vector.shape_cast %mul3A_138 : vector<1x256xf32> to vector<1x256xf32>
    %broadcast_in_dim3A_152 = vector.broadcast %broadcast_in_dim3A_151 : vector<1x256xf32> to vector<8x256xf32>
    %swap3A_153 = arith.constant 0 : index
    %swap3A_154 = arith.constant 512 : index
    %swap3A_155 = vector.load %arg20[%swap3A_153, %swap3A_154] : memref<8x1024xf32, #tpu.memory_space<vmem>>, vector<8x256xf32>
    tpu.vector_store %arg20[%swap3A_153, %swap3A_154], %broadcast_in_dim3A_152 {strides = array<i32>} : memref<8x1024xf32, #tpu.memory_space<vmem>>, vector<8x256xf32>,
    %broadcast_in_dim3A_156 = vector.shape_cast %broadcast_in_dim3A_141 : vector<1x256xf32> to vector<1x256xf32>
    %broadcast_in_dim3A_157 = vector.broadcast %broadcast_in_dim3A_156 : vector<1x256xf32> to vector<8x256xf32>
    %swap3A_158 = arith.constant 0 : index
    %swap3A_159 = arith.constant 768 : index
    %swap3A_160 = vector.load %arg20[%swap3A_158, %swap3A_159] : memref<8x1024xf32, #tpu.memory_space<vmem>>, vector<8x256xf32>
    tpu.vector_store %arg20[%swap3A_158, %swap3A_159], %broadcast_in_dim3A_157 {strides = array<i32>} : memref<8x1024xf32, #tpu.memory_space<vmem>>, vector<8x256xf32>,
    %get3A_161 = arith.constant 0 : index
    %get3A_162 = arith.constant 0 : index
    %get3A_163 = vector.load %arg20[%get3A_161, %get3A_162] : memref<8x1024xf32, #tpu.memory_space<vmem>>, vector<8x1024xf32>
    %get3A_164 = arith.constant 0 : index
    %get3A_165 = arith.constant 0 : index
    %get3A_166 = vector.load %arg13[%get3A_164, %get3A_165] : memref<1024x512xf32, #tpu.memory_space<vmem>>, vector<1024x512xf32>
    %dot_general3A_167 = arith.constant dense<0.000000e+00> : vector<8x512xf32>
    %dot_general3A_168 = tpu.matmul %get3A_163, %get3A_166, %dot_general3A_167 {dimension_numbers = #tpu.dot_dimension_numbers<[1], [0], [0], [1], [0, 0, 1, 1], [], []>, transpose_lhs_hint = false} : vector<8x1024xf32>, vector<1024x512xf32>, vector<8x512xf32> -> vector<8x512xf32>
    %get3A_169 = arith.constant 0 : index
    %get3A_170 = arith.constant 0 : index
    %get3A_171 = vector.load %arg14[%get3A_169, %get3A_170] : memref<1x512xf32, #tpu.memory_space<vmem>>, vector<1x512xf32>
    %add3A_172 = vector.broadcast %get3A_171 : vector<1x512xf32> to vector<8x512xf32>
    %add3A_173 = arith.addf %dot_general3A_168, %add3A_172 : vector<8x512xf32>
    %max3A = arith.constant 0.000000e+00 : f32
    %max3A_174 = vector.broadcast %max3A : f32 to vector<8x512xf32>
    %max3A_175 = arith.maximumf %add3A_173, %max3A_174 : vector<8x512xf32>
    %get3A_176 = arith.constant 0 : index
    %get3A_177 = arith.constant 0 : index
    %get3A_178 = vector.load %arg15[%get3A_176, %get3A_177] : memref<512x256xf32, #tpu.memory_space<vmem>>, vector<512x256xf32>
    %dot_general3A_179 = arith.constant dense<0.000000e+00> : vector<8x256xf32>
    %dot_general3A_180 = tpu.matmul %max3A_175, %get3A_178, %dot_general3A_179 {dimension_numbers = #tpu.dot_dimension_numbers<[1], [0], [0], [1], [0, 0, 1, 1], [], []>, transpose_lhs_hint = false} : vector<8x512xf32>, vector<512x256xf32>, vector<8x256xf32> -> vector<8x256xf32>
    %get3A_181 = arith.constant 0 : index
    %get3A_182 = arith.constant 0 : index
    %get3A_183 = vector.load %arg16[%get3A_181, %get3A_182] : memref<1x256xf32, #tpu.memory_space<vmem>>, vector<1x256xf32>
    %add3A_184 = vector.broadcast %get3A_183 : vector<1x256xf32> to vector<8x256xf32>
    %add3A_185 = arith.addf %dot_general3A_180, %add3A_184 : vector<8x256xf32>
    %max3A_186 = arith.constant 0.000000e+00 : f32
    %max3A_187 = vector.broadcast %max3A_186 : f32 to vector<8x256xf32>
    %max3A_188 = arith.maximumf %add3A_185, %max3A_187 : vector<8x256xf32>
    %get3A_189 = arith.constant 0 : index
    %get3A_190 = arith.constant 0 : index
    %get3A_191 = vector.load %arg17[%get3A_189, %get3A_190] : memref<256x10xf32, #tpu.memory_space<vmem>>, vector<256x10xf32>
    %dot_general3A_192 = arith.constant dense<0.000000e+00> : vector<8x10xf32>
    %dot_general3A_193 = tpu.matmul %max3A_188, %get3A_191, %dot_general3A_192 {dimension_numbers = #tpu.dot_dimension_numbers<[1], [0], [0], [1], [0, 0, 1, 1], [], []>, transpose_lhs_hint = false} : vector<8x256xf32>, vector<256x10xf32>, vector<8x10xf32> -> vector<8x10xf32>
    %get3A_194 = arith.constant 0 : index
    %get3A_195 = arith.constant 0 : index
    %get3A_196 = vector.load %arg18[%get3A_194, %get3A_195] : memref<1x10xf32, #tpu.memory_space<vmem>>, vector<1x10xf32>
    %add3A_197 = vector.broadcast %get3A_196 : vector<1x10xf32> to vector<8x10xf32>
    %add3A_198 = arith.addf %dot_general3A_193, %add3A_197 : vector<8x10xf32>
    %swap3A_199 = arith.constant 0 : index
    %swap3A_200 = arith.constant 0 : index
    %swap3A_201 = vector.load %arg19[%swap3A_199, %swap3A_200] : memref<8x10xf32, #tpu.memory_space<vmem>>, vector<8x10xf32>
    tpu.vector_store %arg19[%swap3A_199, %swap3A_200], %add3A_198 {strides = array<i32>} : memref<8x10xf32, #tpu.memory_space<vmem>>, vector<8x10xf32>,
    return
  }
}

</mosaic_0001>

<sc_bundles>
// kernel: kernel.13.cloned.1.call-start
scs
__scs_entry_jumppad:
0x0: {  	(pc) =	sbr.rel $0x88, $3  }
0x1: {  	(tag) =	ssettag $0x0;
	lr =	simm.s32 $0x1  }
0x2: {  	[smem:$0x3F7D] =	sst lr;
	_ =	strace $0xD0000000  }
0x3: {  	_ = 	snop  }
0x4: {  	_ = 	snop  }
0x5: {  	_ = 	snop  }
0x6: {  	_ = 	snop  }
0x7: {  	_ = 	snop  }
__scs_overlays_trampoline_lowered:
0x8: {  	[smem:$0x3F8C] =	sst s0  }
0x9: {  	[smem:$0x3F8D] =	sst s1  }
0xa: {  	[smem:$0x3F8E] =	sst s2  }
0xb: {  	[smem:$0x3F8F] =	sst s3  }
0xc: {  	[smem:$0x3F90] =	sst s4  }
0xd: {  	[smem:$0x3F91] =	sst s5  }
0xe: {  	[smem:$0x3F92] =	sst s6  }
0xf: {  	[smem:$0x3F93] =	sst s7  }
0x10: {  	[smem:$0x3F94] =	sst s8  }
0x11: {  	[smem:$0x3F95] =	sst s9;
	s0 =	simm.s32 @!p0 $0x0  }
0x12: {  	s1 =	sld [smem:$0x3F7B];
	s0 =	simm.s32 @p0 $0x1  }
0x13: {  	[smem:$0x3F96] =	sst s0;
	s0 =	simm.s32 @!p1 $0x0  }
0x14: {  	s2 =	sld [smem:$0x3F7A];
	s0 =	simm.s32 @p1 $0x1  }
0x15: {  	[smem:$0x3F97] =	sst s0;
	s0 =	simm.s32 @!p2 $0x0  }
0x16: {  	s3 =	sld [smem:$0x3FDB];
	s0 =	simm.s32 @p2 $0x1  }
0x17: {  	s4 =	simm.s32 $0x1BF5;
	[smem:$0x3F99] =	sst s0  }
0x18: {  	s0 =	sld [smem:$0x3F7C];
	_ =	swait.ge [sflag:s4], $0x0  }
0x19: {  	s7 =	sld [smem:$0x3F7D]  }
0x1a: {  	s8 =	sadd.s32 $0xFFFFE003, lr  }
0x1b: {  	s9 =	sadd.s32 $0xFFFFFEF7, lr;
	s5 =	simm.s32 $0xFFFFFFFF;
	p2 =	slt.u32 s8, $0xFFFFF086  }
0x1c: {  	p1 =	slt.u32 s9, $0xF7A;
	s5 =	simm.s32 @!p2 $0x0  }
0x1d: {  	s5 =	simm.s32 @p1 $0x1;
	p0 =	seq.s32 s7, s2  }
0x1e: {  	s7 =	smul.u32 @!p0 $0xF7A, s2;
	p2 =	seq.s32 @!p0 s5, $0x0  }
0x1f: {  	s9 =	smul.u32 $0xF7A, s1;
	s8 =	simm.s32 @!p0 $0x1BF5;
	p2 =	por !p2, p0  }
0x20: {  	[sflag:s8] =	ssyncset.s32 @!p0 $0xFFFFF086;
	s6 =	sadd.s32 @!p0 s3, s7;
	s7 =	simm.s32 @!p0 $0x108  }
0x21: {  	s3 =	sadd.s32 s3, s9;
	s6 =	sadd.s32 @!p0 $0x88, s6;
	s7 =	simm.s32 @p2 $0x1082  }
0x22: {  	[simem:s7], [sflag:s8] =	dma.local @!p0 [hbm:s6], $0xF7A  }
0x23: {  	s9 =	sor.u32 $0xD0000000, s2;
	s6 =	simm.s32 $0x108;
	_ =	swait.ge @!p0 [sflag:s8], $0x0  }
0x24: {  	s3 =	sadd.s32 $0x88, s3;
	s6 =	simm.s32 @!p1 $0x1082;
	[sflag:s4] =	ssyncset.s32 $0xFFFFF086  }
0x25: {  	[simem:s6], [sflag:s4] =	dma.local [hbm:s3], $0xF7A  }
0x26: {  	[smem:$0x3F7D] =	sst s1;
	(tag) =	ssettag s2;
	_ =	strace s9  }
0x27: {  	s1 =	sld [smem:$0x3F8D]  }
0x28: {  	s2 =	sld [smem:$0x3F8E]  }
0x29: {  	s4 =	sld [smem:$0x3F90]  }
0x2a: {  	p0 =	seq.s32 s5, $0x0;
	s5 =	sld [smem:$0x3F91]  }
0x2b: {  	s6 =	sld [smem:$0x3F92]  }
0x2c: {  	s7 =	sld [smem:$0x3F93]  }
0x2d: {  	s3 =	simm.s32 $0x108;
	s8 =	sld [smem:$0x3F94]  }
0x2e: {  	s3 =	simm.s32 @!p0 $0x1082;
	s9 =	sld [smem:$0x3F95]  }
0x2f: {  	lr =	sadd.s32 s0, s3;
	s0 =	sld [smem:$0x3F8C]  }
0x30: {  	s3 =	sld [smem:$0x3F8F]  }
0x31: {  	[smem:$0x3F98] =	sst s10  }
0x32: {  	s10 =	sld [smem:$0x3F96];
	_ =	sdelay $0x3  }
0x33: {  	p0 =	seq.s32 s10, $0x1;
	s10 =	sld [smem:$0x3F98];
	_ =	sdelay $0x3  }
0x34: {  	[smem:$0x3F98] =	sst s10  }
0x35: {  	s10 =	sld [smem:$0x3F97];
	_ =	sdelay $0x3  }
0x36: {  	p1 =	seq.s32 s10, $0x1;
	s10 =	sld [smem:$0x3F98];
	_ =	sdelay $0x3  }
0x37: {  	[smem:$0x3F98] =	sst s10  }
0x38: {  	s10 =	sld [smem:$0x3F99]  }
0x39: {  	_ = 	snop;
	(pc) =	sbr.ind lr, $3  }
0x3a: {  	_ = 	snop  }
0x3b: {  	_ = 	snop  }
0x3c: {  	p2 =	seq.s32 s10, $0x1;
	s10 =	sld [smem:$0x3F98]  }
0x3d: {  	_ =	shalt  }
0x3e: {  	_ =	shalt  }
0x3f: {  	_ =	shalt  }
0x40: {  	_ =	shalt  }
0x41: {  	_ =	shalt  }
0x42: {  	_ =	shalt  }
0x43: {  	_ =	shalt  }
0x44: {  	_ =	shalt  }
0x45: {  	_ =	shalt  }
0x46: {  	_ =	shalt  }
0x47: {  	_ =	shalt  }
0x48: {  	_ =	shalt  }
0x49: {  	_ =	shalt  }
0x4a: {  	_ =	shalt  }
0x4b: {  	_ =	shalt  }
0x4c: {  	_ =	shalt  }
0x4d: {  	_ =	shalt  }
0x4e: {  	_ =	shalt  }
0x4f: {  	_ =	shalt  }
0x50: {  	_ =	shalt  }
0x51: {  	_ =	shalt  }
0x52: {  	_ =	shalt  }
0x53: {  	_ =	shalt  }
0x54: {  	_ =	shalt  }
0x55: {  	_ =	shalt  }
0x56: {  	_ =	shalt  }
0x57: {  	_ =	shalt  }
0x58: {  	_ =	shalt  }
0x59: {  	_ =	shalt  }
0x5a: {  	_ =	shalt  }
0x5b: {  	_ =	shalt  }
0x5c: {  	_ =	shalt  }
0x5d: {  	_ =	shalt  }
0x5e: {  	_ =	shalt  }
0x5f: {  	_ =	shalt  }
0x60: {  	_ =	shalt  }
0x61: {  	_ =	shalt  }
0x62: {  	_ =	shalt  }
0x63: {  	_ =	shalt  }
0x64: {  	_ =	shalt  }
0x65: {  	_ =	shalt  }
0x66: {  	_ =	shalt  }
0x67: {  	_ =	shalt  }
0x68: {  	_ =	shalt  }
0x69: {  	_ =	shalt  }
0x6a: {  	_ =	shalt  }
0x6b: {  	_ =	shalt  }
0x6c: {  	_ =	shalt  }
0x6d: {  	_ =	shalt  }
0x6e: {  	_ =	shalt  }
0x6f: {  	_ =	shalt  }
0x70: {  	_ =	shalt  }
0x71: {  	_ =	shalt  }
0x72: {  	_ =	shalt  }
0x73: {  	_ =	shalt  }
0x74: {  	_ =	shalt  }
0x75: {  	_ =	shalt  }
0x76: {  	_ =	shalt  }
0x77: {  	_ =	shalt  }
0x78: {  	_ =	shalt  }
0x79: {  	_ =	shalt  }
0x7a: {  	_ =	shalt  }
0x7b: {  	_ =	shalt  }
0x7c: {  	_ =	shalt  }
0x7d: {  	_ =	shalt  }
0x7e: {  	_ =	shalt  }
0x7f: {  	_ =	shalt  }
0x80: {  	_ =	shalt  }
0x81: {  	_ =	shalt  }
0x82: {  	_ =	shalt  }
0x83: {  	_ =	shalt  }
0x84: {  	_ =	shalt  }
0x85: {  	_ =	shalt  }
0x86: {  	_ =	shalt  }
0x87: {  	_ =	shalt  }
.Lfunc_end0:
.L_simem_size_0:
called_computation_lowered:
.L_overlay_start_0:
0x88: {  	s2 =	sld [smem:$0x3FD9]  }
0x89: {  	s3 =	sld [smem:$0x3FFE];
	_ =	sdelay $0x1  }
0x8a: {  	s1 =	srdreg.scid  }
0x8b: {  	s0 =	sand.u32 $0x1, s1  }
0x8c: {  	s17 =	sshll.u32 s0, $0xA;
	s2 =	sadd.s32 s3, s2  }
0x8d: {  	s2 =	sadd.s32 s2, s17  }
0x8e: {  	[smem:$0x3FA4] =	sst s2  }
0x8f: {  	_ = 	snop  }
0x90: {  	s2 =	sld [smem:$0x3FD0];
	(tm) =	ssettm $0x1  }
0x91: {  	s18 =	sld [smem:$0x3FFB];
	_ =	sdelay $0x3  }
0x92: {  	_ =	strace s18  }
0x93: {  	s3 =	sld [smem:$0x3FFC];
	_ =	sdelay $0x3  }
0x94: {  	_ =	strace s3  }
0x95: {  	s3 =	sld [smem:$0x3FFD];
	_ =	sdelay $0x3  }
0x96: {  	_ =	strace s3  }
0x97: {  	_ =	strace $0x8FFFFFFF  }
0x98: {  	s19 =	sld [smem:$0x3FDB];
	_ =	sdelay $0x1  }
0x99: {  	s4 =	simm.s32 $_scs_section_size  }
0x9a: {  	s5 =	simm.s32 $_size__tile_overlayer_lowered;
	s6 =	simm.s32 $_tile_overlayer_lowered  }
0x9b: {  	s22 =	simm.s32 $0x1BFF;
	s21 =	sshll.u32 s6, $0x1;
	s3 =	sadd.s32 s4, s19  }
0x9c: {  	s7 =	simm.s32 $0x0;
	s20 =	sshll.u32 s5, $0x1;
	s5 =	sadd.s32 s21, s3  }
0x9d: {  	[timem:s7], [sflag:s22] =	dma.local [hbm:s5], s20  }
0x9e: {  	_ =	swait.ge [sflag:s22], s20  }
0x9f: {  	s4 =	ssub.s32 $0x0, s20;
	[sflag:s22] =	ssyncset.done $0x0  }
0xa0: {  	[sflag:s22] =	ssyncadd.s32 s4;
	_ =	sdelay $0x1  }
0xa1: {  	s23 =	simm.s32 $0x1B8B  }
0xa2: {  	_ =	swait.ge [sflag:s23], $0x1  }
0xa3: {  	[sflag:s23] =	ssyncset.done $0x0  }
0xa4: {  	s25 =	simm.s32 $0x1B8E;
	s24 =	sld [smem:$0x3FFE];
	[sflag:s23] =	ssyncadd.s32 $0xFFFFFFFF  }
0xa5: {  	s26 =	simm.s32 $execute0_lowered;
	[smem:$0x3FD2] =	sst s25  }
0xa6: {  	s5 =	sshll.u32 s26, $0x1;
	_ =	strace $0x80000046;
	[dreg:$0x1] =	wrdreg $0xFFFFFFFF  }
0xa7: {  	s28 =	simm.s32 $_size_execute0_lowered;
	s3 =	sadd.s32 s3, s5;
	[dreg:$0x0] =	wrdreg $0x0  }
0xa8: {  	s5 =	sshll.u32 s28, $0x1;
	[dreg:$0x2] =	wrdreg s3  }
0xa9: {  	[dreg:$0x3] =	wrdreg s5  }
0xaa: {  	[dreg:$0x4] =	wrdreg $0xC0  }
0xab: {  	_ =	task [dreg:s7], $0x5FFFF  }
0xac: {  	[dreg:$0x1] =	wrdreg $0xFFFFFFFF  }
0xad: {  	[dreg:$0x0] =	wrdreg $0x60  }
0xae: {  	[dreg:$0x2] =	wrdreg s24  }
0xaf: {  	[dreg:$0x3] =	wrdreg s2  }
0xb0: {  	[dreg:$0x4] =	wrdreg $0x0  }
0xb1: {  	[dreg:$0x5] =	wrdreg $0x138800  }
0xb2: {  	[dreg:$0x6] =	wrdreg $0x9  }
0xb3: {  	_ =	task.clear_ibuf [dreg:s7], $0x7FFFF;
	_ =	strace $0x90000046  }
0xb4: {  	s29 =	simm.s32 $0x9;
	_ =	strace $0x80000048  }
0xb5: {  	_ =	swait.ge [sflag:s29], $0x1  }
0xb6: {  	[sflag:s29] =	ssyncadd.s32 $0xFFFFFFFF  }
0xb7: {  	_ =	strace $0x90000048  }
0xb8: {  	_ =	sfence  }
0xb9: {  	s30 =	sld [smem:$0x0];
	_ =	sdelay $0x2  }
0xba: {  	s31 =	sshll.u32 s1, $0xD;
	s1 =	sshrl.u32 s1, $0x2  }
0xbb: {  	s3 =	sand.u32 $0x4000, s31;
	s1 =	sadd.s32 s1, s30  }
0xbc: {  	s0 =	sor.u32 s3, s0;
	s1 =	sshll.u32 s1, $0x11  }
0xbd: {  	s0 =	sor.u32 s1, s0  }
0xbe: {  	s0 =	sadd.s32 $0x8F2B, s0  }
0xbf: {  	[sflag:s0] =	ssyncadd.remote.s32 $0x1  }
0xc0: {  	_ =	sfence.sel $0xFFFF  }
0xc1: {  	[dreg:$0x0] =	wrdreg $0xFFFFFFFF;
	(pc) =	sbr.abs _section_cstart, $3  }
0xc2: {  	[dreg:$0x1] =	wrdreg $0xFFFFFFFF  }
0xc3: {  	_ =	task.clear_ibuf [dreg:s7], $0x2FFFF;
	_ =	strace $0x9FFFFFFF  }
0xc4: {  	(tm) =	ssettm $0x7FFFFFFF  }
0xc5: {  	_ =	shalt  }
tec
execute0_lowered:
.L_overlay_start_1:
0x0: {  	(tag) =	ssettag $0x1  }
0x1: {  	s2 =	rddreg [dreg:$0x0]  }
0x2: {  	s23 =	rddreg [dreg:$0x2]  }
0x3: {  	s29 =	simm.s32 $0x0;
	s0 =	srdreg.scid;
	s22 =	stileid.u32  }
0x4: {  	s28 =	simm.s32 $0x4;
	[smem:$0x7FF] =	sst s29;
	s4 =	smul.u32 $0x271, s22  }
0x5: {  	s0 =	sand.u32 $0x1, s0;
	s3 =	sadd.s32 $0xE600, s2;
	s7 =	smul.u32 $0x13880, s22  }
0x6: {  	s5 =	sadd.s32 $0x71000, s2;
	s1 =	ssub.s32 $0x2, s0;
	s11 =	smul.u32 $0x138800, s0  }
0x7: {  	s13 =	smul.u32 $0x13880, s0;
	p0 =	seq.s32 s0, $0x0;
	s6 =	sshrl.u32 s1, $0x1  }
0x8: {  	s8 =	sadd.s32 $0x80, s4;
	s10 =	sadd.s32 $0x100, s4;
	s12 =	sadd.s32 $0x180, s4  }
0x9: {  	s4 =	sadd.s32 $0x200, s4;
	s30 =	sadd.s32 s7, s23;
	s1 =	ssub.s32 s1, s6  }
0xa: {  	s6 =	smul.u32 $0x1388, s22;
	s9 =	sshll.u32 s8, $0x7;
	s14 =	sshll.u32 s10, $0x7  }
0xb: {  	s15 =	sshll.u32 s12, $0x7;
	s21 =	sshll.u32 s4, $0x7;
	s16 =	sadd.s32 s7, s11  }
0xc: {  	s20 =	sadd.s32 s5, s8;
	s24 =	sadd.s32 s5, s10;
	s25 =	sadd.s32 s5, s12  }
0xd: {  	s7 =	sshll.u32 s8, $0x3;
	s16 =	sshrl.u32 s16, $0x3;
	s18 =	sadd.s32 s11, s9  }
0xe: {  	s8 =	sadd.s32 s14, s23;
	s17 =	sadd.s32 s6, s13;
	s16 =	sadd.s32 s3, s16  }
0xf: {  	s31 =	sshrl.u32 s18, $0x3;
	s13 =	sshrl.u32 s13, $0x3;
	s18 =	sadd.s32 s11, s15  }
0x10: {  	s17 =	sshrl.u32 s17, $0x3;
	[dreg:$0x6] =	wrdreg s16;
	s16 =	sadd.s32 s3, s31  }
0x11: {  	s19 =	sshrl.u32 s18, $0x3;
	s31 =	sadd.s32 s5, s4;
	s18 =	sadd.s32 $0x66800, s2  }
0x12: {  	s26 =	sadd.s32 s5, s17;
	[dreg:$0x8] =	wrdreg s16;
	s17 =	sadd.s32 s11, s14  }
0x13: {  	s11 =	sadd.s32 s11, s21;
	s5 =	simm.s32 $0xAB000;
	s14 =	sshll.u32 s4, $0x3  }
0x14: {  	[dreg:$0x7] =	wrdreg s26;
	s16 =	sshrl.u32 s17, $0x3;
	s26 =	sadd.s32 s13, s25  }
0x15: {  	s21 =	sadd.s32 s21, s23;
	s16 =	sadd.s32 s3, s16;
	[dreg:$0xe] =	wrdreg s26  }
0x16: {  	s4 =	simm.s32 $0x1A188;
	s11 =	sshrl.u32 s11, $0x3;
	[dreg:$0x9] =	wrdreg s16  }
0x17: {  	s16 =	sadd.s32 s3, s19;
	s3 =	sadd.s32 s3, s11;
	s11 =	rddreg [dreg:$0x3]  }
0x18: {  	s5 =	simm.s32 @!p0 $0x83E00;
	s17 =	sadd.s32 $0x6BC00, s2;
	[dreg:$0xa] =	wrdreg s16  }
0x19: {  	s25 =	sshll.u32 s0, $0x2;
	[dreg:$0xb] =	wrdreg s3;
	s3 =	sadd.s32 s13, s20  }
0x1a: {  	s0 =	simm.s32 $0x15508;
	[dreg:$0xc] =	wrdreg s3;
	s3 =	sadd.s32 s13, s24  }
0x1b: {  	s19 =	sadd.s32 $0x61800, s2;
	[dreg:$0xd] =	wrdreg s3;
	s3 =	sadd.s32 s13, s31  }
0x1c: {  	s16 =	sadd.s32 s5, s2;
	s5 =	sadd.s32 s6, s11;
	[dreg:$0xf] =	wrdreg s3  }
0x1d: {  	s6 =	sadd.s32 s9, s23;
	_ =	strace $0x80000047;
	[dreg:$0x11] =	wrdreg s5  }
0x1e: {  	s20 =	sadd.s32 $0x5C800, s2;
	s2 =	sadd.s32 s7, s11;
	[dreg:$0x12] =	wrdreg s6  }
0x1f: {  	s26 =	smax.u32 s1, $0x1;
	s9 =	sshll.u32 s10, $0x3;
	[dreg:$0x13] =	wrdreg s2  }
0x20: {  	s10 =	sadd.s32 s15, s23;
	s15 =	smul.u32 $0x540, s22;
	[dreg:$0x14] =	wrdreg s8  }
0x21: {  	s1 =	simm.s32 $0x1A108;
	v0 =	vmov s25;
	s25 =	simm.s32 $0x2;
	[dreg:$0x16] =	wrdreg s10  }
0x22: {  	s22 =	smul.u32 $0x54, s22;
	s23 =	sadd.s32 s17, s15;
	[dreg:$0x18] =	wrdreg s21  }
0x23: {  	s7 =	simm.s32 $0x5;
	s24 =	sadd.s32 s18, s15;
	[dreg:$0x1b] =	wrdreg s23  }
0x24: {  	s13 =	sshll.u32 s12, $0x3;
	s31 =	sor.u32 $0x2, s22;
	[dreg:$0x1c] =	wrdreg s24  }
0x25: {  	s12 =	simm.s32 $0x14C88;
	s15 =	simm.s32 $0x14D08;
	[dreg:$0x1d] =	wrdreg s26  }
0x26: {  	s2 =	sadd.s32 s9, s11;
	s8 =	sadd.s32 s14, s11;
	[dreg:$0x1a] =	wrdreg s22  }
0x27: {  	[dreg:$0x1e] =	wrdreg s31;
	s6 =	simm.s32 $0x1F608;
	s9 =	simm.s32 $0x19D08  }
0x28: {  	s10 =	simm.s32 $0x1A208;
	s21 =	simm.s32 $0x1AA08;
	[dreg:$0x10] =	wrdreg s30  }
0x29: {  	s22 =	simm.s32 $0x1B208;
	s23 =	simm.s32 $0x1;
	[dreg:$0x15] =	wrdreg s2  }
0x2a: {  	v5 =	vimm.f32 $0.0e+00;
	v6 =	vlaneseq.u32;
	v1 =	vor.u32 $0x8, v0;
	s24 =	simm.s32 $0x3;
	s2 =	sadd.s32 s13, s11;
	[dreg:$0x19] =	wrdreg s8  }
0x2b: {  	v2 =	vor.u32 $0x1, v0;
	v3 =	vor.u32 $0x2, v0;
	v4 =	vor.u32 $0x3, v0;
	s26 =	simm.s32 $0x1F208;
	s13 =	simm.s32 $0x80;
	[dreg:$0x17] =	wrdreg s2  }
.LBB2_1:
0x2c: {  	[dreg:$0x5] =	wrdreg s29;
	s2 =	simm.s32 $0x0;
	s3 =	simm.s32 $0x200  }
.LBB2_2:
0x2d: {  	p0 =	sne.s32 s3, $0xFE00;
	[tilespmem:s2+$0x15D78] =	vst v5  }
0x2e: {  	[tilespmem:s2+$0x15D08] =	vst v5  }
0x2f: {  	[tilespmem:s2+$0x15D18] =	vst v5  }
.Ltmp0:
0x30: {  	[tilespmem:s2+$0x15D28] =	vst v5;
	(pc) =	sbr.rel @p0 .LBB2_2-.Ltmp0, $4  }
0x31: {  	[tilespmem:s2+$0x15D38] =	vst v5  }
0x32: {  	[tilespmem:s2+$0x15D48] =	vst v5  }
0x33: {  	[tilespmem:s2+$0x15D58] =	vst v5  }
0x34: {  	[tilespmem:s2+$0x15D68] =	vst v5;
	s2 =	sshra.s32 s3, $0x2;
	s3 =	sadd.s32 $0x200, s3  }
0x35: {  	[tilespmem:s2+$0x15D78] =	vst v5  }
0x36: {  	[tilespmem:s2+$0x15D08] =	vst v5  }
0x37: {  	[tilespmem:s2+$0x15D18] =	vst v5  }
0x38: {  	[tilespmem:s2+$0x15D28] =	vst v5  }
0x39: {  	[tilespmem:s2+$0x15D38] =	vst v5  }
0x3a: {  	[tilespmem:s2+$0x15D48] =	vst v5  }
0x3b: {  	[tilespmem:s2+$0x15D58] =	vst v5  }
0x3c: {  	[tilespmem:s2+$0x15D68] =	vst v5;
	s29 =	simm.s32 $0x0;
	s14 =	rddreg [dreg:$0x1]  }
0x3d: {  	[tilespmem:s6], [sflag:$0x5] =	stream.linear.gather [hbm4b:s14+s29], $0x10, $0x38;
	[tilespmem:$0x1F618] =	vst v63  }
0x3e: {  	_ =	swait.ge [sflag:s7], $0x10  }
0x3f: {  	[sflag:s7] =	ssyncset.done $0x0  }
0x40: {  	s3 =	simm.s32 $0x15D08;
	[sflag:s7] =	ssyncadd.s32 $0xFFFFFFF0  }
0x41: {  	[spmem:s30] =	stream.linear.scatter [tilespmem:s3], [sflag:$0x5], $0x4000, $0x38;
	[tilespmem:$0x1F618] =	vst v63  }
0x42: {  	_ =	swait.ge [sflag:s7], $0x4000  }
0x43: {  	[sflag:s7] =	ssyncset.done $0x0  }
0x44: {  	s31 =	rddreg [dreg:$0x11];
	[sflag:s7] =	ssyncadd.s32 $0xFFFFC000  }
0x45: {  	[spmem:s31] =	stream.linear.scatter [tilespmem:s9], [sflag:$0x5], $0x400, $0x38;
	[tilespmem:$0x1F618] =	vst v63  }
0x46: {  	_ =	swait.ge [sflag:s7], $0x400  }
0x47: {  	[sflag:s7] =	ssyncset.done $0x0  }
0x48: {  	s5 =	rddreg [dreg:$0x12];
	[sflag:s7] =	ssyncadd.s32 $0xFFFFFC00  }
0x49: {  	[spmem:s5] =	stream.linear.scatter [tilespmem:s3], [sflag:$0x5], $0x4000, $0x38;
	[tilespmem:$0x1F618] =	vst v63  }
0x4a: {  	_ =	swait.ge [sflag:s7], $0x4000  }
0x4b: {  	[sflag:s7] =	ssyncset.done $0x0  }
0x4c: {  	s14 =	rddreg [dreg:$0x13];
	[sflag:s7] =	ssyncadd.s32 $0xFFFFC000  }
0x4d: {  	[spmem:s14] =	stream.linear.scatter [tilespmem:s9], [sflag:$0x5], $0x400, $0x38;
	[tilespmem:$0x1F618] =	vst v63  }
0x4e: {  	_ =	swait.ge [sflag:s7], $0x400  }
0x4f: {  	[sflag:s7] =	ssyncset.done $0x0  }
0x50: {  	s31 =	rddreg [dreg:$0x14];
	[sflag:s7] =	ssyncadd.s32 $0xFFFFFC00  }
0x51: {  	[spmem:s31] =	stream.linear.scatter [tilespmem:s3], [sflag:$0x5], $0x4000, $0x38;
	[tilespmem:$0x1F618] =	vst v63  }
0x52: {  	_ =	swait.ge [sflag:s7], $0x4000  }
0x53: {  	[sflag:s7] =	ssyncset.done $0x0  }
0x54: {  	s5 =	rddreg [dreg:$0x15];
	[sflag:s7] =	ssyncadd.s32 $0xFFFFC000  }
0x55: {  	[spmem:s5] =	stream.linear.scatter [tilespmem:s9], [sflag:$0x5], $0x400, $0x38;
	[tilespmem:$0x1F618] =	vst v63  }
0x56: {  	_ =	swait.ge [sflag:s7], $0x400  }
0x57: {  	[sflag:s7] =	ssyncset.done $0x0  }
0x58: {  	s14 =	rddreg [dreg:$0x16];
	[sflag:s7] =	ssyncadd.s32 $0xFFFFFC00  }
0x59: {  	[spmem:s14] =	stream.linear.scatter [tilespmem:s3], [sflag:$0x5], $0x4000, $0x38;
	[tilespmem:$0x1F618] =	vst v63  }
0x5a: {  	_ =	swait.ge [sflag:s7], $0x4000  }
0x5b: {  	[sflag:s7] =	ssyncset.done $0x0  }
0x5c: {  	s31 =	rddreg [dreg:$0x17];
	[sflag:s7] =	ssyncadd.s32 $0xFFFFC000  }
0x5d: {  	[spmem:s31] =	stream.linear.scatter [tilespmem:s9], [sflag:$0x5], $0x400, $0x38;
	[tilespmem:$0x1F618] =	vst v63  }
0x5e: {  	_ =	swait.ge [sflag:s7], $0x400  }
0x5f: {  	[sflag:s7] =	ssyncset.done $0x0  }
0x60: {  	s5 =	rddreg [dreg:$0x18];
	[sflag:s7] =	ssyncadd.s32 $0xFFFFFC00  }
0x61: {  	[spmem:s5] =	stream.linear.scatter [tilespmem:s3], [sflag:$0x5], $0x3880, $0x38;
	[tilespmem:$0x1F618] =	vst v63  }
0x62: {  	_ =	swait.ge [sflag:s7], $0x3880  }
0x63: {  	[sflag:s7] =	ssyncset.done $0x0  }
0x64: {  	[sflag:s7] =	ssyncadd.s32 $0xFFFFC780  }
0x65: {  	[spmem:s8] =	stream.linear.scatter [tilespmem:s9], [sflag:$0x5], $0x388, $0x38;
	[tilespmem:$0x1F618] =	vst v63  }
0x66: {  	_ =	swait.ge [sflag:s7], $0x388  }
0x67: {  	[sflag:s7] =	ssyncset.done $0x0  }
0x68: {  	[sflag:s7] =	ssyncadd.s32 $0xFFFFFC78  }
0x69: {  	[bflag:$0x0] =	sbarrier.arrive $0xFFFF  }
0x6a: {  	s5 =	simm.s32 $0x14C08;
	s14 =	rddreg [dreg:$0x1b]  }
0x6b: {  	[tilespmem:s5], [sflag:$0x5] =	stream.linear.gather [hbm4b:s14+s29], $0x80, $0x38;
	[tilespmem:$0x1F618] =	vst v63  }
0x6c: {  	_ =	swait.ge [sflag:s7], $0x80  }
0x6d: {  	[sflag:s7] =	ssyncset.done $0x0  }
0x6e: {  	s31 =	rddreg [dreg:$0x1c];
	[sflag:s7] =	ssyncadd.s32 $0xFFFFFF80  }
0x6f: {  	[tilespmem:s12], [sflag:$0x5] =	stream.linear.gather [hbm4b:s31+s29], $0x80, $0x38;
	[tilespmem:$0x1F618] =	vst v63  }
0x70: {  	_ =	swait.ge [sflag:s7], $0x80  }
0x71: {  	[sflag:s7] =	ssyncset.done $0x0  }
0x72: {  	[sflag:s7] =	ssyncadd.s32 $0xFFFFFF80  }
0x73: {  	[tilespmem:s15], [sflag:$0x1] =	stream.indirect.gather [hbm4b:s19+s13], $0x10, s5, s13, $0xb8;
	[tilespmem:$0x1F618] =	vst v63  }
0x74: {  	_ = 	snop  }
0x75: {  	[tilespmem:s0], [sflag:$0x1] =	stream.indirect.gather [hbm4b:s20+s13], $0x10, s12, s13, $0xb8;
	[tilespmem:$0x1F618] =	vst v63  }
0x76: {  	s30 =	simm.s32 $0x0  }
0x77: {  	[tilespmem:s3], [sflag:$0x1] =	stream.indirect.gather [hbm4b:s16+s13], $0x80, s5, s13, $0xb8;
	[tilespmem:$0x1F618] =	vst v63  }
.LBB2_4:
0x78: {  	s3 =	sshll.u32 s30, $0x1;
	p0 =	seq.s32 s30, $0x0;
	s5 =	rddreg [dreg:$0x1a]  }
0x79: {  	s2 =	simm.s32 @!p0 $0x4;
	s8 =	sadd.s32 s5, s3  }
0x7a: {  	_ =	swait.ge @!p0 [sflag:s2], $0x4000;
	s31 =	sadd.s32 $0x1, s8  }
0x7b: {  	[sflag:s2] =	ssyncset.done @!p0 $0x0;
	s14 =	sshll.u32 s31, $0x4  }
0x7c: {  	[sflag:s2] =	ssyncadd.s32 @!p0 $0xFFFFC000;
	s5 =	sadd.s32 s17, s14  }
0x7d: {  	[tilespmem:s1], [sflag:$0x5] =	stream.linear.gather [hbm4b:s5+s29], $0x80, $0x38;
	[tilespmem:$0x1F618] =	vst v63  }
0x7e: {  	_ =	swait.ge [sflag:s7], $0x80  }
0x7f: {  	[sflag:s7] =	ssyncset.done $0x0  }
0x80: {  	s5 =	sadd.s32 s18, s14;
	[sflag:s7] =	ssyncadd.s32 $0xFFFFFF80  }
0x81: {  	[tilespmem:s4], [sflag:$0x5] =	stream.linear.gather [hbm4b:s5+s29], $0x80, $0x38;
	[tilespmem:$0x1F618] =	vst v63  }
0x82: {  	_ =	swait.ge [sflag:s7], $0x80  }
0x83: {  	[sflag:s7] =	ssyncset.done $0x0  }
0x84: {  	[sflag:s7] =	ssyncadd.s32 $0xFFFFFF80  }
0x85: {  	[tilespmem:s10], [sflag:$0x2] =	stream.indirect.gather [hbm4b:s19+s13], $0x10, s1, s13, $0xb8;
	[tilespmem:$0x1F618] =	vst v63  }
0x86: {  	_ = 	snop  }
0x87: {  	[tilespmem:s21], [sflag:$0x2] =	stream.indirect.gather [hbm4b:s20+s13], $0x10, s4, s13, $0xb8;
	[tilespmem:$0x1F618] =	vst v63  }
0x88: {  	_ = 	snop  }
0x89: {  	[tilespmem:s22], [sflag:$0x2] =	stream.indirect.gather [hbm4b:s16+s13], $0x80, s1, s13, $0xb8;
	[tilespmem:$0x1F618] =	vst v63  }
0x8a: {  	_ =	swait.ge [sflag:s23], $0x800  }
0x8b: {  	[sflag:s23] =	ssyncset.done $0x0  }
0x8c: {  	v9 =	vor.u32 s29, v6;
	[sflag:s23] =	ssyncadd.s32 $0xFFFFF800  }
0x8d: {  	v7 =	vshll.u32 v9, $0x4;
	_ =	swait.ge [sflag:s23], $0x800  }
0x8e: {  	v8 =	vor.u32 v0, v7;
	[sflag:s23] =	ssyncset.done $0x0  }
0x8f: {  	v10 =	vor.u32 v1, v7;
	[sflag:s23] =	ssyncadd.s32 $0xFFFFF800  }
0x90: {  	_ =	swait.ge [sflag:s23], $0x4000  }
0x91: {  	[sflag:s23] =	ssyncset.done $0x0  }
0x92: {  	[sflag:s23] =	ssyncadd.s32 $0xFFFFC000  }
0x93: {  	v11 =	vld.idx.msk [tilespmem:v8+s0+$0x0], $0xffff  }
0x94: {  	v12 =	vld.idx.msk [tilespmem:v10+s0+$0x0], $0xffff  }
0x95: {  	v13 =	vld.idx.msk [tilespmem:v8+s15+$0x0], $0xffff  }
0x96: {  	v10 =	vld.idx.msk [tilespmem:v10+s15+$0x0], $0xffff  }
0x97: {  	v14 =	vld.idx.msk [tilespmem:v0+s6+$0x0], $0xffff;
	_ =	sdelay $0x2  }
0x98: {  	v9 =	vshll.u32 v9, $0x3;
	v11 =	vmul.f32 v11, v13  }
0x99: {  	s8 =	sshll.u32 s8, $0x7;
	v10 =	vmul.f32 v12, v10;
	v12 =	vor.u32 v2, v7  }
0x9a: {  	s14 =	sor.u32 s8, s29;
	v13 =	vor.u32 $0x9, v8;
	vm0 =	vge.f32 v11, v14  }
0x9b: {  	p0 =	slt.u32 s14, $0x29810;
	v10 =	vsel vm0, v11, v10  }
0x9c: {  	v10 =	vpsel !p0, $0x0, v10  }
0x9d: {  	[tilespmem:v9+s9+$0x0] =	vst.idx.msk $0xffff, v10  }
0x9e: {  	v11 =	vld.idx.msk [tilespmem:v12+s15+$0x0], $0xffff  }
0x9f: {  	v10 =	vld.idx.msk [tilespmem:v13+s0+$0x0], $0xffff  }
0xa0: {  	v14 =	vld.idx.msk [tilespmem:v12+s0+$0x0], $0xffff  }
0xa1: {  	v13 =	vld.idx.msk [tilespmem:v13+s15+$0x0], $0xffff  }
0xa2: {  	s2 =	simm.s32 $0x10;
	v12 =	vld.idx.msk [tilespmem:v2+s6+$0x0], $0xffff  }
.LBB2_5:
0xa3: {  	_ = 	snop  }
0xa4: {  	p1 =	sne.s32 s2, $0x70;
	s14 =	smov.u32 s2;
	s2 =	sadd.s32 $0x10, s2  }
0xa5: {  	v11 =	vmul.f32 v14, v11;
	v14 =	vor.u32 $0x1, v9  }
0xa6: {  	v10 =	vmul.f32 v10, v13;
	v13 =	vor.u32 v3, v7  }
0xa7: {  	v15 =	vor.u32 s14, v6;
	vm0 =	vge.f32 v11, v12  }
0xa8: {  	v12 =	vshll.u32 v15, $0x4;
	v10 =	vsel vm0, v11, v10;
	v11 =	vor.u32 $0xA, v8  }
0xa9: {  	v16 =	vor.u32 v0, v12;
	v17 =	vor.u32 v1, v12;
	v10 =	vpsel !p0, $0x0, v10  }
0xaa: {  	[tilespmem:v14+s9+$0x0] =	vst.idx.msk $0xffff, v10  }
0xab: {  	v10 =	vld.idx.msk [tilespmem:v13+s15+$0x0], $0xffff  }
0xac: {  	v13 =	vld.idx.msk [tilespmem:v13+s0+$0x0], $0xffff  }
0xad: {  	v14 =	vld.idx.msk [tilespmem:v3+s6+$0x0], $0xffff  }
0xae: {  	v18 =	vld.idx.msk [tilespmem:v11+s0+$0x0], $0xffff  }
0xaf: {  	v11 =	vld.idx.msk [tilespmem:v11+s15+$0x0], $0xffff;
	_ =	sdelay $0x2  }
0xb0: {  	v10 =	vmul.f32 v13, v10;
	_ =	sdelay $0x1  }
0xb1: {  	v13 =	vor.u32 $0x2, v9;
	vm0 =	vge.f32 v10, v14  }
0xb2: {  	v14 =	vor.u32 $0xB, v8;
	v8 =	vmov v16;
	v11 =	vmul.f32 v18, v11  }
0xb3: {  	v16 =	vor.u32 v4, v7;
	v7 =	vmov v12  }
0xb4: {  	v10 =	vsel vm0, v10, v11  }
0xb5: {  	v10 =	vpsel !p0, $0x0, v10  }
0xb6: {  	[tilespmem:v13+s9+$0x0] =	vst.idx.msk $0xffff, v10  }
0xb7: {  	v10 =	vld.idx.msk [tilespmem:v14+s15+$0x0], $0xffff  }
0xb8: {  	v11 =	vld.idx.msk [tilespmem:v16+s0+$0x0], $0xffff  }
0xb9: {  	v12 =	vld.idx.msk [tilespmem:v16+s15+$0x0], $0xffff  }
0xba: {  	v13 =	vld.idx.msk [tilespmem:v14+s0+$0x0], $0xffff  }
0xbb: {  	v14 =	vld.idx.msk [tilespmem:v4+s6+$0x0], $0xffff;
	_ =	sdelay $0x3  }
0xbc: {  	v9 =	vor.u32 $0x3, v9;
	v11 =	vmul.f32 v11, v12  }
0xbd: {  	v10 =	vmul.f32 v13, v10  }
0xbe: {  	vm0 =	vge.f32 v11, v14  }
0xbf: {  	v10 =	vsel vm0, v11, v10  }
0xc0: {  	v10 =	vpsel !p0, $0x0, v10  }
0xc1: {  	[tilespmem:v9+s9+$0x0] =	vst.idx.msk $0xffff, v10  }
0xc2: {  	v9 =	vld.idx.msk [tilespmem:v8+s0+$0x0], $0xffff  }
0xc3: {  	v10 =	vld.idx.msk [tilespmem:v17+s0+$0x0], $0xffff  }
0xc4: {  	v11 =	vld.idx.msk [tilespmem:v8+s15+$0x0], $0xffff  }
0xc5: {  	v12 =	vld.idx.msk [tilespmem:v17+s15+$0x0], $0xffff  }
0xc6: {  	v13 =	vld.idx.msk [tilespmem:v0+s6+$0x0], $0xffff;
	_ =	sdelay $0x3  }
0xc7: {  	v11 =	vmul.f32 v9, v11;
	v9 =	vshll.u32 v15, $0x3  }
0xc8: {  	v10 =	vmul.f32 v10, v12;
	v12 =	vor.u32 v2, v7  }
0xc9: {  	s14 =	sor.u32 s8, s14;
	vm0 =	vge.f32 v11, v13;
	v13 =	vor.u32 $0x9, v8  }
0xca: {  	p0 =	slt.u32 s14, $0x29810;
	v10 =	vsel vm0, v11, v10  }
0xcb: {  	v10 =	vpsel !p0, $0x0, v10  }
0xcc: {  	[tilespmem:v9+s9+$0x0] =	vst.idx.msk $0xffff, v10  }
.Ltmp1:
0xcd: {  	v11 =	vld.idx.msk [tilespmem:v12+s15+$0x0], $0xffff;
	(pc) =	sbr.rel @p1 .LBB2_5-.Ltmp1, $4  }
0xce: {  	v10 =	vld.idx.msk [tilespmem:v13+s0+$0x0], $0xffff  }
0xcf: {  	v14 =	vld.idx.msk [tilespmem:v12+s0+$0x0], $0xffff  }
0xd0: {  	v13 =	vld.idx.msk [tilespmem:v13+s15+$0x0], $0xffff  }
0xd1: {  	v12 =	vld.idx.msk [tilespmem:v2+s6+$0x0], $0xffff  }
0xd2: {  	_ =	sdelay $0x1  }
0xd3: {  	v59 =	vor.u32 $0x1, v9;
	v11 =	vmul.f32 v14, v11  }
0xd4: {  	v60 =	vor.u32 v3, v7;
	v10 =	vmul.f32 v10, v13  }
0xd5: {  	vm0 =	vge.f32 v11, v12  }
0xd6: {  	v10 =	vsel vm0, v11, v10;
	v11 =	vor.u32 $0xA, v8  }
0xd7: {  	v10 =	vpsel !p0, $0x0, v10  }
0xd8: {  	[tilespmem:v59+s9+$0x0] =	vst.idx.msk $0xffff, v10  }
0xd9: {  	v10 =	vld.idx.msk [tilespmem:v60+s15+$0x0], $0xffff  }
0xda: {  	v61 =	vld.idx.msk [tilespmem:v60+s0+$0x0], $0xffff  }
0xdb: {  	v62 =	vld.idx.msk [tilespmem:v11+s0+$0x0], $0xffff  }
0xdc: {  	v11 =	vld.idx.msk [tilespmem:v11+s15+$0x0], $0xffff  }
0xdd: {  	v14 =	vld.idx.msk [tilespmem:v3+s6+$0x0], $0xffff;
	_ =	sdelay $0x2  }
0xde: {  	v63 =	vor.u32 $0x2, v9;
	v10 =	vmul.f32 v61, v10  }
0xdf: {  	v8 =	vor.u32 $0xB, v8;
	v11 =	vmul.f32 v62, v11  }
0xe0: {  	v7 =	vor.u32 v4, v7;
	vm14 =	vge.f32 v10, v14  }
0xe1: {  	v10 =	vsel vm14, v10, v11  }
0xe2: {  	v10 =	vpsel !p0, $0x0, v10  }
0xe3: {  	[tilespmem:v63+s9+$0x0] =	vst.idx.msk $0xffff, v10  }
0xe4: {  	v10 =	vld.idx.msk [tilespmem:v8+s15+$0x0], $0xffff  }
0xe5: {  	v11 =	vld.idx.msk [tilespmem:v7+s0+$0x0], $0xffff  }
0xe6: {  	v7 =	vld.idx.msk [tilespmem:v7+s15+$0x0], $0xffff  }
0xe7: {  	v8 =	vld.idx.msk [tilespmem:v8+s0+$0x0], $0xffff  }
0xe8: {  	v12 =	vld.idx.msk [tilespmem:v4+s6+$0x0], $0xffff;
	_ =	sdelay $0x2  }
0xe9: {  	v9 =	vor.u32 $0x3, v9;
	v7 =	vmul.f32 v11, v7  }
0xea: {  	v8 =	vmul.f32 v8, v10  }
0xeb: {  	vm15 =	vge.f32 v7, v12  }
0xec: {  	v7 =	vsel vm15, v7, v8  }
0xed: {  	s2 =	simm.s32 $0x0;
	v7 =	vpsel !p0, $0x0, v7  }
0xee: {  	[tilespmem:v9+s9+$0x0] =	vst.idx.msk $0xffff, v7;
	v7 =	vmov s2  }
0xef: {  	[spmem:s11] =	stream.indirect.scatter.add.f32 [tilespmem:s9], [sflag:$0x3], $0x8, s12, s13, $0xb8;
	[tilespmem:$0x1F618] =	vst v63  }
0xf0: {  	_ =	swait.ge [sflag:s24], $0x400  }
0xf1: {  	[sflag:s24] =	ssyncset.done $0x0  }
0xf2: {  	[sflag:s24] =	ssyncadd.s32 $0xFFFFFC00  }
0xf3: {  	s2 =	simm.s32 $0x15D48;
	v8 =	vld.idx.msk [tilespmem:v7+s9+$0x0], $0xffff  }
0xf4: {  	v9 =	vld [tilespmem:s2+$0xFFFFFFC0]  }
0xf5: {  	v10 =	vld [tilespmem:s2+$0xFFFFFFD0];
	_ =	sdelay $0x2  }
0xf6: {  	v11 =	vor.u32 $0x1, v7  }
0xf7: {  	v9 =	vmul.f32 v9, v8  }
0xf8: {  	v8 =	vmul.f32 v10, v8  }
0xf9: {  	[tilespmem:s2+$0xFFFFFFC0] =	vst v9  }
0xfa: {  	[tilespmem:s2+$0xFFFFFFD0] =	vst v8;
	v9 =	vld [tilespmem:s2+$0xFFFFFFE0]  }
0xfb: {  	v8 =	vld.idx.msk [tilespmem:v11+s9+$0x0], $0xffff  }
0xfc: {  	v10 =	vld [tilespmem:s2+$0xFFFFFFF0];
	_ =	sdelay $0x2  }
0xfd: {  	v11 =	vor.u32 $0x2, v7  }
0xfe: {  	v9 =	vmul.f32 v9, v8  }
0xff: {  	v8 =	vmul.f32 v10, v8  }
0x100: {  	[tilespmem:s2+$0xFFFFFFE0] =	vst v9  }
0x101: {  	[tilespmem:s2+$0xFFFFFFF0] =	vst v8;
	v8 =	vld [tilespmem:s2+$0x10]  }
0x102: {  	v9 =	vld.idx.msk [tilespmem:v11+s9+$0x0], $0xffff  }
0x103: {  	v10 =	vld [tilespmem:s2+$0x0];
	_ =	sdelay $0x2  }
0x104: {  	v7 =	vor.u32 $0x3, v7  }
0x105: {  	v8 =	vmul.f32 v8, v9  }
0x106: {  	v9 =	vmul.f32 v10, v9  }
0x107: {  	[tilespmem:s2+$0x10] =	vst v8;
	v8 =	vld [tilespmem:s2+$0x30]  }
0x108: {  	[tilespmem:s2+$0x0] =	vst v9;
	v9 =	vld [tilespmem:s2+$0x20]  }
0x109: {  	v10 =	vld.idx.msk [tilespmem:v7+s9+$0x0], $0xffff;
	_ =	sdelay $0x2  }
0x10a: {  	s8 =	simm.s32 $0x8  }
0x10b: {  	v7 =	vmov s8  }
0x10c: {  	s5 =	smov.u32 s11;
	s8 =	simm.s32 $0x2;
	v9 =	vmul.f32 v9, v10;
	v8 =	vmul.f32 v8, v10  }
.LBB2_7:
0x10d: {  	p0 =	sne.s32 s8, $0x7F  }
0x10e: {  	[tilespmem:s2+$0x20] =	vst v9  }
0x10f: {  	[tilespmem:s2+$0x30] =	vst v8  }
0x110: {  	s2 =	sadd.s32 $0x80, s2;
	v8 =	vld.idx.msk [tilespmem:v7+s9+$0x0], $0xffff  }
0x111: {  	v9 =	vld [tilespmem:s2+$0xFFFFFFC0]  }
0x112: {  	v10 =	vld [tilespmem:s2+$0xFFFFFFD0];
	_ =	sdelay $0x2  }
0x113: {  	v11 =	vor.u32 $0x1, v7  }
0x114: {  	v9 =	vmul.f32 v9, v8  }
0x115: {  	v8 =	vmul.f32 v10, v8  }
0x116: {  	[tilespmem:s2+$0xFFFFFFC0] =	vst v9  }
0x117: {  	[tilespmem:s2+$0xFFFFFFD0] =	vst v8  }
0x118: {  	v8 =	vld.idx.msk [tilespmem:v11+s9+$0x0], $0xffff  }
0x119: {  	v9 =	vld [tilespmem:s2+$0xFFFFFFE0]  }
0x11a: {  	v10 =	vld [tilespmem:s2+$0xFFFFFFF0];
	_ =	sdelay $0x2  }
0x11b: {  	v11 =	vor.u32 $0x2, v7  }
0x11c: {  	v9 =	vmul.f32 v9, v8  }
0x11d: {  	v8 =	vmul.f32 v10, v8  }
0x11e: {  	[tilespmem:s2+$0xFFFFFFE0] =	vst v9  }
0x11f: {  	[tilespmem:s2+$0xFFFFFFF0] =	vst v8;
	v8 =	vld [tilespmem:s2+$0x10]  }
0x120: {  	v9 =	vld.idx.msk [tilespmem:v11+s9+$0x0], $0xffff  }
0x121: {  	v10 =	vld [tilespmem:s2+$0x0];
	_ =	sdelay $0x3  }
0x122: {  	v7 =	vor.u32 $0x3, v7  }
0x123: {  	v8 =	vmul.f32 v8, v9;
	v10 =	vmul.f32 v10, v9;
	_ =	sdelay $0x1  }
0x124: {  	[tilespmem:s2+$0x10] =	vst v8  }
0x125: {  	[tilespmem:s2+$0x0] =	vst v10;
	v8 =	vld [tilespmem:s2+$0x30]  }
0x126: {  	v10 =	vld.idx.msk [tilespmem:v7+s9+$0x0], $0xffff  }
0x127: {  	v9 =	vld [tilespmem:s2+$0x20]  }
.Ltmp2:
0x128: {  	(pc) =	sbr.rel @p0 .LBB2_7-.Ltmp2, $4  }
0x129: {  	_ = 	snop  }
0x12a: {  	s14 =	sshll.u32 s8, $0x3  }
0x12b: {  	v7 =	vmov s14  }
0x12c: {  	s8 =	sadd.s32 $0x1, s8;
	v8 =	vmul.f32 v8, v10;
	v9 =	vmul.f32 v9, v10  }
0x12d: {  	_ =	sdelay $0x1  }
0x12e: {  	s8 =	sadd.s32 $0x80, s2;
	[tilespmem:s2+$0x20] =	vst v9  }
0x12f: {  	[tilespmem:s2+$0x30] =	vst v8;
	v9 =	vld [tilespmem:s8+$0xFFFFFFC0]  }
0x130: {  	v8 =	vld.idx.msk [tilespmem:v7+s9+$0x0], $0xffff  }
0x131: {  	v10 =	vld [tilespmem:s8+$0xFFFFFFD0];
	_ =	sdelay $0x2  }
0x132: {  	v11 =	vor.u32 $0x1, v7  }
0x133: {  	v9 =	vmul.f32 v9, v8  }
0x134: {  	v8 =	vmul.f32 v10, v8  }
0x135: {  	[tilespmem:s8+$0xFFFFFFC0] =	vst v9  }
0x136: {  	[tilespmem:s8+$0xFFFFFFD0] =	vst v8;
	v9 =	vld [tilespmem:s8+$0xFFFFFFE0]  }
0x137: {  	v8 =	vld.idx.msk [tilespmem:v11+s9+$0x0], $0xffff  }
0x138: {  	v10 =	vld [tilespmem:s8+$0xFFFFFFF0];
	_ =	sdelay $0x2  }
0x139: {  	v11 =	vor.u32 $0x2, v7  }
0x13a: {  	v9 =	vmul.f32 v9, v8  }
0x13b: {  	v8 =	vmul.f32 v10, v8  }
0x13c: {  	[tilespmem:s8+$0xFFFFFFE0] =	vst v9  }
0x13d: {  	[tilespmem:s8+$0xFFFFFFF0] =	vst v8;
	v8 =	vld [tilespmem:s8+$0x10]  }
0x13e: {  	v9 =	vld.idx.msk [tilespmem:v11+s9+$0x0], $0xffff  }
0x13f: {  	v10 =	vld [tilespmem:s8+$0x0];
	_ =	sdelay $0x2  }
0x140: {  	v7 =	vor.u32 $0x3, v7  }
0x141: {  	v8 =	vmul.f32 v8, v9  }
0x142: {  	v9 =	vmul.f32 v10, v9  }
0x143: {  	[tilespmem:s8+$0x10] =	vst v8  }
0x144: {  	[tilespmem:s8+$0x0] =	vst v9;
	v8 =	vld [tilespmem:s8+$0x20]  }
0x145: {  	v7 =	vld.idx.msk [tilespmem:v7+s9+$0x0], $0xffff  }
0x146: {  	v9 =	vld [tilespmem:s8+$0x30];
	_ =	sdelay $0x3  }
0x147: {  	v8 =	vmul.f32 v8, v7  }
0x148: {  	v7 =	vmul.f32 v9, v7  }
0x149: {  	[tilespmem:s8+$0x20] =	vst v8  }
0x14a: {  	s11 =	rddreg [dreg:$0x2];
	[tilespmem:s8+$0x30] =	vst v7;
	s8 =	simm.s32 $0x15D08  }
0x14b: {  	[spmem:s11] =	stream.indirect.scatter.add.f32 [tilespmem:s8], [sflag:$0x3], $0x80, s12, s13, $0xb8;
	[tilespmem:$0x1F618] =	vst v63  }
0x14c: {  	_ =	swait.ge [sflag:s24], $0x4000  }
0x14d: {  	p0 =	seq.s32 s30, $0x29;
	s2 =	rddreg [dreg:$0x1e]  }
0x14e: {  	s2 =	sadd.s32 @!p0 s3, s2  }
0x14f: {  	s14 =	simm.s32 @!p0 $0x14C08;
	[sflag:s24] =	ssyncset.done $0x0;
	s2 =	sshll.u32 @!p0 s2, $0x4  }
0x150: {  	s8 =	simm.s32 @!p0 $0x0;
	[sflag:s24] =	ssyncadd.s32 $0xFFFFC000;
	s3 =	sadd.s32 @!p0 s17, s2  }
0x151: {  	[tilespmem:s14], [sflag:$0x5] =	stream.linear.gather @!p0 [hbm4b:s3+s8], $0x80, $0x38;
	[tilespmem:$0x1F618] =	vst v63  }
0x152: {  	s3 =	simm.s32 @!p0 $0x5  }
0x153: {  	_ =	swait.ge @!p0 [sflag:s3], $0x80  }
0x154: {  	[sflag:s3] =	ssyncset.done @!p0 $0x0  }
0x155: {  	s11 =	simm.s32 @!p0 $0x14C88;
	s2 =	sadd.s32 @!p0 s18, s2;
	[sflag:s3] =	ssyncadd.s32 @!p0 $0xFFFFFF80  }
0x156: {  	[tilespmem:s11], [sflag:$0x5] =	stream.linear.gather @!p0 [hbm4b:s2+s8], $0x80, $0x38;
	[tilespmem:$0x1F618] =	vst v63  }
0x157: {  	_ =	swait.ge @!p0 [sflag:s3], $0x80  }
0x158: {  	[sflag:s3] =	ssyncset.done @!p0 $0x0  }
0x159: {  	s2 =	simm.s32 @!p0 $0x80;
	[sflag:s3] =	ssyncadd.s32 @!p0 $0xFFFFFF80;
	s3 =	simm.s32 @!p0 $0x14D08  }
0x15a: {  	[tilespmem:s3], [sflag:$0x1] =	stream.indirect.gather @!p0 [hbm4b:s19+s2], $0x10, s14, s2, $0xb8;
	[tilespmem:$0x1F618] =	vst v63  }
0x15b: {  	s3 =	simm.s32 @!p0 $0x15508  }
0x15c: {  	[tilespmem:s3], [sflag:$0x1] =	stream.indirect.gather @!p0 [hbm4b:s20+s2], $0x10, s11, s2, $0xb8;
	[tilespmem:$0x1F618] =	vst v63  }
0x15d: {  	s3 =	simm.s32 @!p0 $0x15D08  }
0x15e: {  	[tilespmem:s3], [sflag:$0x1] =	stream.indirect.gather @!p0 [hbm4b:s16+s2], $0x80, s14, s2, $0xb8;
	[tilespmem:$0x1F618] =	vst v63  }
0x15f: {  	_ =	swait.ge [sflag:s25], $0x800  }
0x160: {  	s14 =	simm.s32 $0x0;
	[sflag:s25] =	ssyncset.done $0x0  }
0x161: {  	v9 =	vor.u32 s14, v6;
	[sflag:s25] =	ssyncadd.s32 $0xFFFFF800  }
0x162: {  	v7 =	vshll.u32 v9, $0x4;
	_ =	swait.ge [sflag:s25], $0x800  }
0x163: {  	v8 =	vor.u32 v0, v7;
	[sflag:s25] =	ssyncset.done $0x0  }
0x164: {  	v10 =	vor.u32 v1, v7;
	[sflag:s25] =	ssyncadd.s32 $0xFFFFF800  }
0x165: {  	_ =	swait.ge [sflag:s25], $0x4000  }
0x166: {  	[sflag:s25] =	ssyncset.done $0x0  }
0x167: {  	[sflag:s25] =	ssyncadd.s32 $0xFFFFC000  }
0x168: {  	v11 =	vld.idx.msk [tilespmem:v8+s21+$0x0], $0xffff  }
0x169: {  	v12 =	vld.idx.msk [tilespmem:v10+s21+$0x0], $0xffff  }
0x16a: {  	v13 =	vld.idx.msk [tilespmem:v8+s10+$0x0], $0xffff  }
0x16b: {  	v10 =	vld.idx.msk [tilespmem:v10+s10+$0x0], $0xffff  }
0x16c: {  	v14 =	vld.idx.msk [tilespmem:v0+s6+$0x0], $0xffff;
	_ =	sdelay $0x2  }
0x16d: {  	v9 =	vshll.u32 v9, $0x3;
	v11 =	vmul.f32 v11, v13  }
0x16e: {  	s3 =	sshll.u32 s31, $0x7;
	v10 =	vmul.f32 v12, v10;
	v12 =	vor.u32 v2, v7  }
0x16f: {  	s2 =	sor.u32 s3, s14;
	v13 =	vor.u32 $0x9, v8;
	vm0 =	vge.f32 v11, v14  }
0x170: {  	p0 =	slt.u32 s2, $0x29810;
	v10 =	vsel vm0, v11, v10  }
0x171: {  	v10 =	vpsel !p0, $0x0, v10  }
0x172: {  	[tilespmem:v9+s26+$0x0] =	vst.idx.msk $0xffff, v10  }
0x173: {  	v11 =	vld.idx.msk [tilespmem:v12+s10+$0x0], $0xffff  }
0x174: {  	v10 =	vld.idx.msk [tilespmem:v13+s21+$0x0], $0xffff  }
0x175: {  	v14 =	vld.idx.msk [tilespmem:v12+s21+$0x0], $0xffff  }
0x176: {  	v13 =	vld.idx.msk [tilespmem:v13+s10+$0x0], $0xffff  }
0x177: {  	s2 =	simm.s32 $0x10;
	v12 =	vld.idx.msk [tilespmem:v2+s6+$0x0], $0xffff  }
.LBB2_9:
0x178: {  	_ = 	snop  }
0x179: {  	p1 =	sne.s32 s2, $0x70;
	s8 =	smov.u32 s2;
	s2 =	sadd.s32 $0x10, s2  }
0x17a: {  	v11 =	vmul.f32 v14, v11;
	v14 =	vor.u32 $0x1, v9  }
0x17b: {  	v10 =	vmul.f32 v10, v13;
	v13 =	vor.u32 v3, v7  }
0x17c: {  	v15 =	vor.u32 s8, v6;
	vm0 =	vge.f32 v11, v12  }
0x17d: {  	v12 =	vshll.u32 v15, $0x4;
	v10 =	vsel vm0, v11, v10;
	v11 =	vor.u32 $0xA, v8  }
0x17e: {  	v16 =	vor.u32 v0, v12;
	v17 =	vor.u32 v1, v12;
	v10 =	vpsel !p0, $0x0, v10  }
0x17f: {  	[tilespmem:v14+s26+$0x0] =	vst.idx.msk $0xffff, v10  }
0x180: {  	v10 =	vld.idx.msk [tilespmem:v13+s10+$0x0], $0xffff  }
0x181: {  	v13 =	vld.idx.msk [tilespmem:v13+s21+$0x0], $0xffff  }
0x182: {  	v14 =	vld.idx.msk [tilespmem:v3+s6+$0x0], $0xffff  }
0x183: {  	v18 =	vld.idx.msk [tilespmem:v11+s21+$0x0], $0xffff  }
0x184: {  	v11 =	vld.idx.msk [tilespmem:v11+s10+$0x0], $0xffff;
	_ =	sdelay $0x2  }
0x185: {  	v10 =	vmul.f32 v13, v10;
	_ =	sdelay $0x1  }
0x186: {  	v13 =	vor.u32 $0x2, v9;
	vm0 =	vge.f32 v10, v14  }
0x187: {  	v14 =	vor.u32 $0xB, v8;
	v8 =	vmov v16;
	v11 =	vmul.f32 v18, v11  }
0x188: {  	v16 =	vor.u32 v4, v7;
	v7 =	vmov v12  }
0x189: {  	v10 =	vsel vm0, v10, v11  }
0x18a: {  	v10 =	vpsel !p0, $0x0, v10  }
0x18b: {  	[tilespmem:v13+s26+$0x0] =	vst.idx.msk $0xffff, v10  }
0x18c: {  	v10 =	vld.idx.msk [tilespmem:v14+s10+$0x0], $0xffff  }
0x18d: {  	v11 =	vld.idx.msk [tilespmem:v16+s21+$0x0], $0xffff  }
0x18e: {  	v12 =	vld.idx.msk [tilespmem:v16+s10+$0x0], $0xffff  }
0x18f: {  	v13 =	vld.idx.msk [tilespmem:v14+s21+$0x0], $0xffff  }
0x190: {  	v14 =	vld.idx.msk [tilespmem:v4+s6+$0x0], $0xffff;
	_ =	sdelay $0x3  }
0x191: {  	v9 =	vor.u32 $0x3, v9;
	v11 =	vmul.f32 v11, v12  }
0x192: {  	v10 =	vmul.f32 v13, v10  }
0x193: {  	vm0 =	vge.f32 v11, v14  }
0x194: {  	v10 =	vsel vm0, v11, v10  }
0x195: {  	v10 =	vpsel !p0, $0x0, v10  }
0x196: {  	[tilespmem:v9+s26+$0x0] =	vst.idx.msk $0xffff, v10  }
0x197: {  	v9 =	vld.idx.msk [tilespmem:v8+s21+$0x0], $0xffff  }
0x198: {  	v10 =	vld.idx.msk [tilespmem:v17+s21+$0x0], $0xffff  }
0x199: {  	v11 =	vld.idx.msk [tilespmem:v8+s10+$0x0], $0xffff  }
0x19a: {  	v12 =	vld.idx.msk [tilespmem:v17+s10+$0x0], $0xffff  }
0x19b: {  	v13 =	vld.idx.msk [tilespmem:v0+s6+$0x0], $0xffff;
	_ =	sdelay $0x3  }
0x19c: {  	v11 =	vmul.f32 v9, v11;
	v9 =	vshll.u32 v15, $0x3  }
0x19d: {  	v10 =	vmul.f32 v10, v12;
	v12 =	vor.u32 v2, v7  }
0x19e: {  	s8 =	sor.u32 s3, s8;
	vm0 =	vge.f32 v11, v13;
	v13 =	vor.u32 $0x9, v8  }
0x19f: {  	p0 =	slt.u32 s8, $0x29810;
	v10 =	vsel vm0, v11, v10  }
0x1a0: {  	v10 =	vpsel !p0, $0x0, v10  }
0x1a1: {  	[tilespmem:v9+s26+$0x0] =	vst.idx.msk $0xffff, v10  }
.Ltmp3:
0x1a2: {  	v11 =	vld.idx.msk [tilespmem:v12+s10+$0x0], $0xffff;
	(pc) =	sbr.rel @p1 .LBB2_9-.Ltmp3, $4  }
0x1a3: {  	v10 =	vld.idx.msk [tilespmem:v13+s21+$0x0], $0xffff  }
0x1a4: {  	v14 =	vld.idx.msk [tilespmem:v12+s21+$0x0], $0xffff  }
0x1a5: {  	v13 =	vld.idx.msk [tilespmem:v13+s10+$0x0], $0xffff  }
0x1a6: {  	v12 =	vld.idx.msk [tilespmem:v2+s6+$0x0], $0xffff  }
0x1a7: {  	_ =	sdelay $0x1  }
0x1a8: {  	v59 =	vor.u32 $0x1, v9;
	v11 =	vmul.f32 v14, v11  }
0x1a9: {  	v60 =	vor.u32 v3, v7;
	v10 =	vmul.f32 v10, v13  }
0x1aa: {  	vm0 =	vge.f32 v11, v12  }
0x1ab: {  	v10 =	vsel vm0, v11, v10;
	v11 =	vor.u32 $0xA, v8  }
0x1ac: {  	v10 =	vpsel !p0, $0x0, v10  }
0x1ad: {  	[tilespmem:v59+s26+$0x0] =	vst.idx.msk $0xffff, v10  }
0x1ae: {  	v10 =	vld.idx.msk [tilespmem:v60+s10+$0x0], $0xffff  }
0x1af: {  	v61 =	vld.idx.msk [tilespmem:v60+s21+$0x0], $0xffff  }
0x1b0: {  	v62 =	vld.idx.msk [tilespmem:v11+s21+$0x0], $0xffff  }
0x1b1: {  	v11 =	vld.idx.msk [tilespmem:v11+s10+$0x0], $0xffff  }
0x1b2: {  	v14 =	vld.idx.msk [tilespmem:v3+s6+$0x0], $0xffff;
	_ =	sdelay $0x2  }
0x1b3: {  	v63 =	vor.u32 $0x2, v9;
	v10 =	vmul.f32 v61, v10  }
0x1b4: {  	v8 =	vor.u32 $0xB, v8;
	v11 =	vmul.f32 v62, v11  }
0x1b5: {  	v7 =	vor.u32 v4, v7;
	vm14 =	vge.f32 v10, v14  }
0x1b6: {  	v10 =	vsel vm14, v10, v11  }
0x1b7: {  	v10 =	vpsel !p0, $0x0, v10  }
0x1b8: {  	[tilespmem:v63+s26+$0x0] =	vst.idx.msk $0xffff, v10  }
0x1b9: {  	v10 =	vld.idx.msk [tilespmem:v8+s10+$0x0], $0xffff  }
0x1ba: {  	v11 =	vld.idx.msk [tilespmem:v7+s21+$0x0], $0xffff  }
0x1bb: {  	v7 =	vld.idx.msk [tilespmem:v7+s10+$0x0], $0xffff  }
0x1bc: {  	v8 =	vld.idx.msk [tilespmem:v8+s21+$0x0], $0xffff  }
0x1bd: {  	v12 =	vld.idx.msk [tilespmem:v4+s6+$0x0], $0xffff;
	_ =	sdelay $0x2  }
0x1be: {  	v9 =	vor.u32 $0x3, v9;
	v7 =	vmul.f32 v11, v7  }
0x1bf: {  	v8 =	vmul.f32 v8, v10  }
0x1c0: {  	vm15 =	vge.f32 v7, v12  }
0x1c1: {  	v7 =	vsel vm15, v7, v8  }
0x1c2: {  	s2 =	simm.s32 $0x0;
	v7 =	vpsel !p0, $0x0, v7  }
0x1c3: {  	[tilespmem:v9+s26+$0x0] =	vst.idx.msk $0xffff, v7;
	v7 =	vmov s2  }
0x1c4: {  	[spmem:s5] =	stream.indirect.scatter.add.f32 [tilespmem:s26], [sflag:$0x4], $0x8, s4, s13, $0xb8;
	[tilespmem:$0x1F618] =	vst v63  }
0x1c5: {  	_ =	swait.ge [sflag:s28], $0x400  }
0x1c6: {  	[sflag:s28] =	ssyncset.done $0x0  }
0x1c7: {  	[sflag:s28] =	ssyncadd.s32 $0xFFFFFC00  }
0x1c8: {  	s2 =	simm.s32 $0x1B248;
	v8 =	vld.idx.msk [tilespmem:v7+s26+$0x0], $0xffff  }
0x1c9: {  	v9 =	vld [tilespmem:s2+$0xFFFFFFC0]  }
0x1ca: {  	v10 =	vld [tilespmem:s2+$0xFFFFFFD0];
	_ =	sdelay $0x2  }
0x1cb: {  	v11 =	vor.u32 $0x1, v7  }
0x1cc: {  	v9 =	vmul.f32 v9, v8  }
0x1cd: {  	v8 =	vmul.f32 v10, v8  }
0x1ce: {  	[tilespmem:s2+$0xFFFFFFC0] =	vst v9  }
0x1cf: {  	[tilespmem:s2+$0xFFFFFFD0] =	vst v8;
	v9 =	vld [tilespmem:s2+$0xFFFFFFE0]  }
0x1d0: {  	v8 =	vld.idx.msk [tilespmem:v11+s26+$0x0], $0xffff  }
0x1d1: {  	v10 =	vld [tilespmem:s2+$0xFFFFFFF0];
	_ =	sdelay $0x2  }
0x1d2: {  	v11 =	vor.u32 $0x2, v7  }
0x1d3: {  	v9 =	vmul.f32 v9, v8  }
0x1d4: {  	v8 =	vmul.f32 v10, v8  }
0x1d5: {  	[tilespmem:s2+$0xFFFFFFE0] =	vst v9  }
0x1d6: {  	[tilespmem:s2+$0xFFFFFFF0] =	vst v8;
	v8 =	vld [tilespmem:s2+$0x10]  }
0x1d7: {  	v9 =	vld.idx.msk [tilespmem:v11+s26+$0x0], $0xffff  }
0x1d8: {  	v10 =	vld [tilespmem:s2+$0x0];
	_ =	sdelay $0x2  }
0x1d9: {  	v7 =	vor.u32 $0x3, v7  }
0x1da: {  	v8 =	vmul.f32 v8, v9  }
0x1db: {  	v9 =	vmul.f32 v10, v9  }
0x1dc: {  	[tilespmem:s2+$0x10] =	vst v8;
	v8 =	vld [tilespmem:s2+$0x30]  }
0x1dd: {  	[tilespmem:s2+$0x0] =	vst v9;
	v9 =	vld [tilespmem:s2+$0x20]  }
0x1de: {  	v10 =	vld.idx.msk [tilespmem:v7+s26+$0x0], $0xffff;
	_ =	sdelay $0x2  }
0x1df: {  	s3 =	simm.s32 $0x8  }
0x1e0: {  	v7 =	vmov s3  }
0x1e1: {  	s11 =	smov.u32 s5;
	s3 =	simm.s32 $0x2;
	v9 =	vmul.f32 v9, v10;
	v8 =	vmul.f32 v8, v10  }
.LBB2_11:
0x1e2: {  	p0 =	sne.s32 s3, $0x7F  }
0x1e3: {  	[tilespmem:s2+$0x20] =	vst v9  }
0x1e4: {  	[tilespmem:s2+$0x30] =	vst v8  }
0x1e5: {  	s2 =	sadd.s32 $0x80, s2;
	v8 =	vld.idx.msk [tilespmem:v7+s26+$0x0], $0xffff  }
0x1e6: {  	v9 =	vld [tilespmem:s2+$0xFFFFFFC0]  }
0x1e7: {  	v10 =	vld [tilespmem:s2+$0xFFFFFFD0];
	_ =	sdelay $0x2  }
0x1e8: {  	v11 =	vor.u32 $0x1, v7  }
0x1e9: {  	v9 =	vmul.f32 v9, v8  }
0x1ea: {  	v8 =	vmul.f32 v10, v8  }
0x1eb: {  	[tilespmem:s2+$0xFFFFFFC0] =	vst v9  }
0x1ec: {  	[tilespmem:s2+$0xFFFFFFD0] =	vst v8  }
0x1ed: {  	v8 =	vld.idx.msk [tilespmem:v11+s26+$0x0], $0xffff  }
0x1ee: {  	v9 =	vld [tilespmem:s2+$0xFFFFFFE0]  }
0x1ef: {  	v10 =	vld [tilespmem:s2+$0xFFFFFFF0];
	_ =	sdelay $0x2  }
0x1f0: {  	v11 =	vor.u32 $0x2, v7  }
0x1f1: {  	v9 =	vmul.f32 v9, v8  }
0x1f2: {  	v8 =	vmul.f32 v10, v8  }
0x1f3: {  	[tilespmem:s2+$0xFFFFFFE0] =	vst v9  }
0x1f4: {  	[tilespmem:s2+$0xFFFFFFF0] =	vst v8;
	v8 =	vld [tilespmem:s2+$0x10]  }
0x1f5: {  	v9 =	vld.idx.msk [tilespmem:v11+s26+$0x0], $0xffff  }
0x1f6: {  	v10 =	vld [tilespmem:s2+$0x0];
	_ =	sdelay $0x3  }
0x1f7: {  	v7 =	vor.u32 $0x3, v7  }
0x1f8: {  	v8 =	vmul.f32 v8, v9;
	v10 =	vmul.f32 v10, v9;
	_ =	sdelay $0x1  }
0x1f9: {  	[tilespmem:s2+$0x10] =	vst v8  }
0x1fa: {  	[tilespmem:s2+$0x0] =	vst v10;
	v8 =	vld [tilespmem:s2+$0x30]  }
0x1fb: {  	v10 =	vld.idx.msk [tilespmem:v7+s26+$0x0], $0xffff  }
0x1fc: {  	v9 =	vld [tilespmem:s2+$0x20]  }
.Ltmp4:
0x1fd: {  	(pc) =	sbr.rel @p0 .LBB2_11-.Ltmp4, $4  }
0x1fe: {  	_ = 	snop  }
0x1ff: {  	s8 =	sshll.u32 s3, $0x3  }
0x200: {  	v7 =	vmov s8  }
0x201: {  	s3 =	sadd.s32 $0x1, s3;
	v8 =	vmul.f32 v8, v10;
	v9 =	vmul.f32 v9, v10  }
0x202: {  	_ =	sdelay $0x1  }
0x203: {  	s14 =	sadd.s32 $0x80, s2;
	[tilespmem:s2+$0x20] =	vst v9  }
0x204: {  	[tilespmem:s2+$0x30] =	vst v8;
	v58 =	vld [tilespmem:s14+$0xFFFFFFC0]  }
0x205: {  	v8 =	vld.idx.msk [tilespmem:v7+s26+$0x0], $0xffff  }
0x206: {  	v10 =	vld [tilespmem:s14+$0xFFFFFFD0];
	_ =	sdelay $0x2  }
0x207: {  	v11 =	vor.u32 $0x1, v7  }
0x208: {  	v9 =	vmul.f32 v58, v8  }
0x209: {  	v8 =	vmul.f32 v10, v8  }
0x20a: {  	[tilespmem:s14+$0xFFFFFFC0] =	vst v9  }
0x20b: {  	v59 =	vld [tilespmem:s14+$0xFFFFFFE0];
	[tilespmem:s14+$0xFFFFFFD0] =	vst v8  }
0x20c: {  	v8 =	vld.idx.msk [tilespmem:v11+s26+$0x0], $0xffff  }
0x20d: {  	v60 =	vld [tilespmem:s14+$0xFFFFFFF0];
	_ =	sdelay $0x2  }
0x20e: {  	v61 =	vor.u32 $0x2, v7  }
0x20f: {  	v9 =	vmul.f32 v59, v8  }
0x210: {  	v8 =	vmul.f32 v60, v8  }
0x211: {  	[tilespmem:s14+$0xFFFFFFE0] =	vst v9  }
0x212: {  	[tilespmem:s14+$0xFFFFFFF0] =	vst v8;
	v8 =	vld [tilespmem:s14+$0x10]  }
0x213: {  	v9 =	vld.idx.msk [tilespmem:v61+s26+$0x0], $0xffff  }
0x214: {  	v62 =	vld [tilespmem:s14+$0x0];
	_ =	sdelay $0x2  }
0x215: {  	v7 =	vor.u32 $0x3, v7  }
0x216: {  	v8 =	vmul.f32 v8, v9  }
0x217: {  	v9 =	vmul.f32 v62, v9  }
0x218: {  	[tilespmem:s14+$0x10] =	vst v8  }
0x219: {  	[tilespmem:s14+$0x0] =	vst v9;
	v8 =	vld [tilespmem:s14+$0x20]  }
0x21a: {  	v7 =	vld.idx.msk [tilespmem:v7+s26+$0x0], $0xffff  }
0x21b: {  	v63 =	vld [tilespmem:s14+$0x30];
	_ =	sdelay $0x1  }
0x21c: {  	s30 =	sadd.s32 $0x1, s30  }
0x21d: {  	p0 =	sne.s32 s30, $0x2A  }
.Ltmp5:
0x21e: {  	v8 =	vmul.f32 v8, v7;
	(pc) =	sbr.rel @p0 .LBB2_4-.Ltmp5, $4  }
0x21f: {  	v7 =	vmul.f32 v63, v7  }
0x220: {  	[tilespmem:s14+$0x20] =	vst v8  }
0x221: {  	s31 =	rddreg [dreg:$0x2];
	[tilespmem:s14+$0x30] =	vst v7  }
0x222: {  	[spmem:s31] =	stream.indirect.scatter.add.f32 [tilespmem:s22], [sflag:$0x4], $0x80, s4, s13, $0xb8;
	[tilespmem:$0x1F618] =	vst v63  }
0x223: {  	_ =	swait.ge [sflag:s28], $0x4000  }
0x224: {  	[sflag:s28] =	ssyncset.done $0x0  }
0x225: {  	[sflag:s28] =	ssyncadd.s32 $0xFFFFC000  }
0x226: {  	s2 =	stileid.u32;
	[bflag:$0x0] =	sbarrier.arrive $0xFFFF  }
0x227: {  	s2 =	sshll.u32 s2, $0x6;
	s30 =	rddreg [dreg:$0x10]  }
0x228: {  	s2 =	sor.u32 $0x1C05, s2;
	s8 =	rddreg [dreg:$0x6];
	s3 =	sshrl.u32 s30, $0x3  }
0x229: {  	[hbm:s8], [sflag:s2] =	dma.local [spmem:s3], $0x800  }
0x22a: {  	_ =	swait.ge [sflag:s7], $0x800  }
0x22b: {  	[sflag:s7] =	ssyncset.done $0x0;
	s8 =	rddreg [dreg:$0x11]  }
0x22c: {  	s14 =	rddreg [dreg:$0x7];
	[sflag:s7] =	ssyncadd.s32 $0xFFFFF800;
	s3 =	sshrl.u32 s8, $0x3  }
0x22d: {  	[hbm:s14], [sflag:s2] =	dma.local [spmem:s3], $0x80  }
0x22e: {  	_ =	swait.ge [sflag:s7], $0x80  }
0x22f: {  	[sflag:s7] =	ssyncset.done $0x0;
	s31 =	rddreg [dreg:$0x12]  }
0x230: {  	s5 =	rddreg [dreg:$0x8];
	[sflag:s7] =	ssyncadd.s32 $0xFFFFFF80;
	s3 =	sshrl.u32 s31, $0x3  }
0x231: {  	[hbm:s5], [sflag:s2] =	dma.local [spmem:s3], $0x800  }
0x232: {  	_ =	swait.ge [sflag:s7], $0x800  }
0x233: {  	[sflag:s7] =	ssyncset.done $0x0;
	s8 =	rddreg [dreg:$0x13]  }
0x234: {  	s14 =	rddreg [dreg:$0xc];
	[sflag:s7] =	ssyncadd.s32 $0xFFFFF800;
	s3 =	sshrl.u32 s8, $0x3  }
0x235: {  	[hbm:s14], [sflag:s2] =	dma.local [spmem:s3], $0x80  }
0x236: {  	_ =	swait.ge [sflag:s7], $0x80  }
0x237: {  	[sflag:s7] =	ssyncset.done $0x0;
	s31 =	rddreg [dreg:$0x14]  }
0x238: {  	s5 =	rddreg [dreg:$0x9];
	[sflag:s7] =	ssyncadd.s32 $0xFFFFFF80;
	s3 =	sshrl.u32 s31, $0x3  }
0x239: {  	[hbm:s5], [sflag:s2] =	dma.local [spmem:s3], $0x800  }
0x23a: {  	_ =	swait.ge [sflag:s7], $0x800  }
0x23b: {  	[sflag:s7] =	ssyncset.done $0x0;
	s8 =	rddreg [dreg:$0x15]  }
0x23c: {  	s14 =	rddreg [dreg:$0xd];
	[sflag:s7] =	ssyncadd.s32 $0xFFFFF800;
	s3 =	sshrl.u32 s8, $0x3  }
0x23d: {  	[hbm:s14], [sflag:s2] =	dma.local [spmem:s3], $0x80  }
0x23e: {  	_ =	swait.ge [sflag:s7], $0x80  }
0x23f: {  	[sflag:s7] =	ssyncset.done $0x0;
	s31 =	rddreg [dreg:$0x16]  }
0x240: {  	s5 =	rddreg [dreg:$0xa];
	[sflag:s7] =	ssyncadd.s32 $0xFFFFFF80;
	s3 =	sshrl.u32 s31, $0x3  }
0x241: {  	[hbm:s5], [sflag:s2] =	dma.local [spmem:s3], $0x800  }
0x242: {  	_ =	swait.ge [sflag:s7], $0x800  }
0x243: {  	[sflag:s7] =	ssyncset.done $0x0;
	s8 =	rddreg [dreg:$0x17]  }
0x244: {  	s14 =	rddreg [dreg:$0xe];
	[sflag:s7] =	ssyncadd.s32 $0xFFFFF800;
	s3 =	sshrl.u32 s8, $0x3  }
0x245: {  	[hbm:s14], [sflag:s2] =	dma.local [spmem:s3], $0x80  }
0x246: {  	_ =	swait.ge [sflag:s7], $0x80  }
0x247: {  	[sflag:s7] =	ssyncset.done $0x0;
	s31 =	rddreg [dreg:$0x18]  }
0x248: {  	s5 =	rddreg [dreg:$0xb];
	[sflag:s7] =	ssyncadd.s32 $0xFFFFFF80;
	s3 =	sshrl.u32 s31, $0x3  }
0x249: {  	[hbm:s5], [sflag:s2] =	dma.local [spmem:s3], $0x710  }
0x24a: {  	_ =	swait.ge [sflag:s7], $0x710  }
0x24b: {  	[sflag:s7] =	ssyncset.done $0x0;
	s8 =	rddreg [dreg:$0x19]  }
0x24c: {  	s5 =	rddreg [dreg:$0xf];
	[sflag:s7] =	ssyncadd.s32 $0xFFFFF8F0;
	s14 =	sshrl.u32 s8, $0x3  }
0x24d: {  	[hbm:s5], [sflag:s2] =	dma.local [spmem:s14], $0x71  }
0x24e: {  	_ =	swait.ge [sflag:s7], $0x71  }
0x24f: {  	s29 =	rddreg [dreg:$0x5]  }
0x250: {  	s31 =	rddreg [dreg:$0x1d];
	s29 =	sadd.s32 $0x1, s29  }
0x251: {  	p0 =	sne.s32 s29, s31  }
.Ltmp6:
0x252: {  	_ = 	snop;
	(pc) =	sbr.rel @p0 .LBB2_1-.Ltmp6, $3  }
0x253: {  	_ =	sdelay $0x1  }
0x254: {  	[sflag:s7] =	ssyncset.done $0x0  }
0x255: {  	[sflag:s7] =	ssyncadd.s32 $0xFFFFFF8F  }
0x256: {  	_ =	sfence.sel $0x180000  }
0x257: {  	[bflag:$0x0] =	sbarrier.arrive $0xFFFF  }
0x258: {  	_ =	strace $0x90000047  }
0x259: {  	s0 =	stileid.u32;
	[bflag:$0x2] =	sbarrier.arrive $0xFFFF  }
0x25a: {  	p0 =	sne.s32 s0, $0x0;
	s0 =	rddreg [dreg:$0x4]  }
0x25b: {  	s0 =	sadd.s32 @!p0 $0x100000, s0  }
0x25c: {  	[sflag:s0] =	ssyncadd.tile.s32 @!p0 $0x1;
	_ =	shalt  }
.Lfunc_end2:
_tile_overlayer_lowered:
.L_overlay_start_2:
0x25d: {  	(tag) =	ssettag $0x2  }
0x25e: {  	s0 =	rddreg [dreg:$0x0];
	s2 =	stileid.u32  }
0x25f: {  	s1 =	rddreg [dreg:$0x1];
	p0 =	sne.s32 s2, $0x0  }
0x260: {  	s3 =	rddreg [dreg:$0x2];
	[bflag:$0x3] =	sbarrier.arrive $0xFFFF;
	s2 =	simm.s32 @!p0 $0x1C05  }
0x261: {  	[timem:s3], [sflag:s2] =	dma.local @!p0 [hbm:s0], s1  }
0x262: {  	s0 =	simm.s32 @!p0 $0x5  }
0x263: {  	_ =	swait.ge @!p0 [sflag:s0], s1  }
0x264: {  	s1 =	ssub.s32 @!p0 $0x0, s1;
	[sflag:s0] =	ssyncset.done @!p0 $0x0  }
0x265: {  	[sflag:s0] =	ssyncadd.s32 @!p0 s1  }
0x266: {  	[bflag:$0x3] =	sbarrier.arrive $0xFFFF  }
0x267: {  	_ =	shalt  }

// kernel: kernel.16.cloned.1.call-start
scs
__scs_entry_jumppad:
0x0: {  	(pc) =	sbr.rel $0x88, $3  }
0x1: {  	(tag) =	ssettag $0x0;
	lr =	simm.s32 $0x1  }
0x2: {  	[smem:$0x3F7D] =	sst lr;
	_ =	strace $0xD0000000  }
0x3: {  	_ = 	snop  }
0x4: {  	_ = 	snop  }
0x5: {  	_ = 	snop  }
0x6: {  	_ = 	snop  }
0x7: {  	_ = 	snop  }
__scs_overlays_trampoline_lowered:
0x8: {  	[smem:$0x3F8C] =	sst s0  }
0x9: {  	[smem:$0x3F8D] =	sst s1  }
0xa: {  	[smem:$0x3F8E] =	sst s2  }
0xb: {  	[smem:$0x3F8F] =	sst s3  }
0xc: {  	[smem:$0x3F90] =	sst s4  }
0xd: {  	[smem:$0x3F91] =	sst s5  }
0xe: {  	[smem:$0x3F92] =	sst s6  }
0xf: {  	[smem:$0x3F93] =	sst s7  }
0x10: {  	[smem:$0x3F94] =	sst s8  }
0x11: {  	[smem:$0x3F95] =	sst s9;
	s0 =	simm.s32 @!p0 $0x0  }
0x12: {  	s1 =	sld [smem:$0x3F7B];
	s0 =	simm.s32 @p0 $0x1  }
0x13: {  	[smem:$0x3F96] =	sst s0;
	s0 =	simm.s32 @!p1 $0x0  }
0x14: {  	s2 =	sld [smem:$0x3F7A];
	s0 =	simm.s32 @p1 $0x1  }
0x15: {  	[smem:$0x3F97] =	sst s0;
	s0 =	simm.s32 @!p2 $0x0  }
0x16: {  	s3 =	sld [smem:$0x3FDB];
	s0 =	simm.s32 @p2 $0x1  }
0x17: {  	s4 =	simm.s32 $0x1BF5;
	[smem:$0x3F99] =	sst s0  }
0x18: {  	s0 =	sld [smem:$0x3F7C];
	_ =	swait.ge [sflag:s4], $0x0  }
0x19: {  	s7 =	sld [smem:$0x3F7D]  }
0x1a: {  	s8 =	sadd.s32 $0xFFFFE003, lr  }
0x1b: {  	s9 =	sadd.s32 $0xFFFFFEF7, lr;
	s5 =	simm.s32 $0xFFFFFFFF;
	p2 =	slt.u32 s8, $0xFFFFF086  }
0x1c: {  	p1 =	slt.u32 s9, $0xF7A;
	s5 =	simm.s32 @!p2 $0x0  }
0x1d: {  	s5 =	simm.s32 @p1 $0x1;
	p0 =	seq.s32 s7, s2  }
0x1e: {  	s7 =	smul.u32 @!p0 $0xF7A, s2;
	p2 =	seq.s32 @!p0 s5, $0x0  }
0x1f: {  	s9 =	smul.u32 $0xF7A, s1;
	s8 =	simm.s32 @!p0 $0x1BF5;
	p2 =	por !p2, p0  }
0x20: {  	[sflag:s8] =	ssyncset.s32 @!p0 $0xFFFFF086;
	s6 =	sadd.s32 @!p0 s3, s7;
	s7 =	simm.s32 @!p0 $0x108  }
0x21: {  	s3 =	sadd.s32 s3, s9;
	s6 =	sadd.s32 @!p0 $0x88, s6;
	s7 =	simm.s32 @p2 $0x1082  }
0x22: {  	[simem:s7], [sflag:s8] =	dma.local @!p0 [hbm:s6], $0xF7A  }
0x23: {  	s9 =	sor.u32 $0xD0000000, s2;
	s6 =	simm.s32 $0x108;
	_ =	swait.ge @!p0 [sflag:s8], $0x0  }
0x24: {  	s3 =	sadd.s32 $0x88, s3;
	s6 =	simm.s32 @!p1 $0x1082;
	[sflag:s4] =	ssyncset.s32 $0xFFFFF086  }
0x25: {  	[simem:s6], [sflag:s4] =	dma.local [hbm:s3], $0xF7A  }
0x26: {  	[smem:$0x3F7D] =	sst s1;
	(tag) =	ssettag s2;
	_ =	strace s9  }
0x27: {  	s1 =	sld [smem:$0x3F8D]  }
0x28: {  	s2 =	sld [smem:$0x3F8E]  }
0x29: {  	s4 =	sld [smem:$0x3F90]  }
0x2a: {  	p0 =	seq.s32 s5, $0x0;
	s5 =	sld [smem:$0x3F91]  }
0x2b: {  	s6 =	sld [smem:$0x3F92]  }
0x2c: {  	s7 =	sld [smem:$0x3F93]  }
0x2d: {  	s3 =	simm.s32 $0x108;
	s8 =	sld [smem:$0x3F94]  }
0x2e: {  	s3 =	simm.s32 @!p0 $0x1082;
	s9 =	sld [smem:$0x3F95]  }
0x2f: {  	lr =	sadd.s32 s0, s3;
	s0 =	sld [smem:$0x3F8C]  }
0x30: {  	s3 =	sld [smem:$0x3F8F]  }
0x31: {  	[smem:$0x3F98] =	sst s10  }
0x32: {  	s10 =	sld [smem:$0x3F96];
	_ =	sdelay $0x3  }
0x33: {  	p0 =	seq.s32 s10, $0x1;
	s10 =	sld [smem:$0x3F98];
	_ =	sdelay $0x3  }
0x34: {  	[smem:$0x3F98] =	sst s10  }
0x35: {  	s10 =	sld [smem:$0x3F97];
	_ =	sdelay $0x3  }
0x36: {  	p1 =	seq.s32 s10, $0x1;
	s10 =	sld [smem:$0x3F98];
	_ =	sdelay $0x3  }
0x37: {  	[smem:$0x3F98] =	sst s10  }
0x38: {  	s10 =	sld [smem:$0x3F99]  }
0x39: {  	_ = 	snop;
	(pc) =	sbr.ind lr, $3  }
0x3a: {  	_ = 	snop  }
0x3b: {  	_ = 	snop  }
0x3c: {  	p2 =	seq.s32 s10, $0x1;
	s10 =	sld [smem:$0x3F98]  }
0x3d: {  	_ =	shalt  }
0x3e: {  	_ =	shalt  }
0x3f: {  	_ =	shalt  }
0x40: {  	_ =	shalt  }
0x41: {  	_ =	shalt  }
0x42: {  	_ =	shalt  }
0x43: {  	_ =	shalt  }
0x44: {  	_ =	shalt  }
0x45: {  	_ =	shalt  }
0x46: {  	_ =	shalt  }
0x47: {  	_ =	shalt  }
0x48: {  	_ =	shalt  }
0x49: {  	_ =	shalt  }
0x4a: {  	_ =	shalt  }
0x4b: {  	_ =	shalt  }
0x4c: {  	_ =	shalt  }
0x4d: {  	_ =	shalt  }
0x4e: {  	_ =	shalt  }
0x4f: {  	_ =	shalt  }
0x50: {  	_ =	shalt  }
0x51: {  	_ =	shalt  }
0x52: {  	_ =	shalt  }
0x53: {  	_ =	shalt  }
0x54: {  	_ =	shalt  }
0x55: {  	_ =	shalt  }
0x56: {  	_ =	shalt  }
0x57: {  	_ =	shalt  }
0x58: {  	_ =	shalt  }
0x59: {  	_ =	shalt  }
0x5a: {  	_ =	shalt  }
0x5b: {  	_ =	shalt  }
0x5c: {  	_ =	shalt  }
0x5d: {  	_ =	shalt  }
0x5e: {  	_ =	shalt  }
0x5f: {  	_ =	shalt  }
0x60: {  	_ =	shalt  }
0x61: {  	_ =	shalt  }
0x62: {  	_ =	shalt  }
0x63: {  	_ =	shalt  }
0x64: {  	_ =	shalt  }
0x65: {  	_ =	shalt  }
0x66: {  	_ =	shalt  }
0x67: {  	_ =	shalt  }
0x68: {  	_ =	shalt  }
0x69: {  	_ =	shalt  }
0x6a: {  	_ =	shalt  }
0x6b: {  	_ =	shalt  }
0x6c: {  	_ =	shalt  }
0x6d: {  	_ =	shalt  }
0x6e: {  	_ =	shalt  }
0x6f: {  	_ =	shalt  }
0x70: {  	_ =	shalt  }
0x71: {  	_ =	shalt  }
0x72: {  	_ =	shalt  }
0x73: {  	_ =	shalt  }
0x74: {  	_ =	shalt  }
0x75: {  	_ =	shalt  }
0x76: {  	_ =	shalt  }
0x77: {  	_ =	shalt  }
0x78: {  	_ =	shalt  }
0x79: {  	_ =	shalt  }
0x7a: {  	_ =	shalt  }
0x7b: {  	_ =	shalt  }
0x7c: {  	_ =	shalt  }
0x7d: {  	_ =	shalt  }
0x7e: {  	_ =	shalt  }
0x7f: {  	_ =	shalt  }
0x80: {  	_ =	shalt  }
0x81: {  	_ =	shalt  }
0x82: {  	_ =	shalt  }
0x83: {  	_ =	shalt  }
0x84: {  	_ =	shalt  }
0x85: {  	_ =	shalt  }
0x86: {  	_ =	shalt  }
0x87: {  	_ =	shalt  }
.Lfunc_end0:
.L_simem_size_0:
called_computation.1_lowered:
.L_overlay_start_0:
0x88: {  	s2 =	sld [smem:$0x3FD9]  }
0x89: {  	s3 =	sld [smem:$0x3FFE];
	_ =	sdelay $0x1  }
0x8a: {  	s1 =	srdreg.scid  }
0x8b: {  	s0 =	sand.u32 $0x1, s1  }
0x8c: {  	s17 =	sshll.u32 s0, $0xA;
	s2 =	sadd.s32 s3, s2  }
0x8d: {  	s2 =	sadd.s32 s2, s17  }
0x8e: {  	[smem:$0x3FA4] =	sst s2  }
0x8f: {  	_ = 	snop  }
0x90: {  	(tm) =	ssettm $0x1  }
0x91: {  	s18 =	sld [smem:$0x3FFB];
	_ =	sdelay $0x3  }
0x92: {  	_ =	strace s18  }
0x93: {  	s2 =	sld [smem:$0x3FFC];
	_ =	sdelay $0x3  }
0x94: {  	_ =	strace s2  }
0x95: {  	s2 =	sld [smem:$0x3FFD];
	_ =	sdelay $0x3  }
0x96: {  	_ =	strace s2  }
0x97: {  	_ =	strace $0x8FFFFFFF  }
0x98: {  	s19 =	sld [smem:$0x3FDB];
	_ =	sdelay $0x1  }
0x99: {  	s20 =	simm.s32 $_scs_section_size  }
0x9a: {  	s4 =	simm.s32 $_size__tile_overlayer_lowered;
	s5 =	simm.s32 $_tile_overlayer_lowered  }
0x9b: {  	s6 =	simm.s32 $0x1BFF;
	s21 =	sshll.u32 s5, $0x1;
	s3 =	sadd.s32 s20, s19  }
0x9c: {  	s22 =	simm.s32 $0x0;
	s4 =	sshll.u32 s4, $0x1;
	s5 =	sadd.s32 s21, s3  }
0x9d: {  	[timem:s22], [sflag:s6] =	dma.local [hbm:s5], s4  }
0x9e: {  	_ =	swait.ge [sflag:s6], s4  }
0x9f: {  	s4 =	ssub.s32 $0x0, s4;
	[sflag:s6] =	ssyncset.done $0x0  }
0xa0: {  	[sflag:s6] =	ssyncadd.s32 s4;
	_ =	sdelay $0x1  }
0xa1: {  	s23 =	simm.s32 $0x1B8B  }
0xa2: {  	_ =	swait.ge [sflag:s23], $0x1  }
0xa3: {  	[sflag:s23] =	ssyncset.done $0x0  }
0xa4: {  	[sflag:s23] =	ssyncadd.s32 $0xFFFFFFFF  }
0xa5: {  	s4 =	sld [smem:$0x0]  }
0xa6: {  	s5 =	sand.u32 $0xFFFFFFFE, s1  }
0xa7: {  	p0 =	sne.s32 s1, s5  }
0xa8: {  	s5 =	sshll.u32 @p0 s5, $0xE  }
0xa9: {  	s5 =	sadd.s32 @p0 $0x11B8D, s5;
	s6 =	sshll.u32 @p0 s4, $0x11  }
0xaa: {  	s5 =	sor.u32 @p0 s6, s5  }
0xab: {  	[sflag:s5] =	ssyncadd.remote.s32 @p0 $0x1;
	_ =	sdelay $0x1  }
0xac: {  	s5 =	simm.s32 @p0 $0x1B8D  }
0xad: {  	_ =	swait.eq @p0 [sflag:s5], $0x1  }
0xae: {  	[sflag:s5] =	ssyncadd.s32 @p0 $0xFFFFFFFF  }
0xaf: {  	s6 =	sshll.u32 @!p0 s1, $0xE  }
0xb0: {  	s6 =	sor.u32 @!p0 $0x4000, s6;
	s5 =	simm.s32 @!p0 $0x1B8D  }
0xb1: {  	s4 =	sshll.u32 @!p0 s4, $0x11;
	s6 =	sadd.s32 @!p0 $0x11B8D, s6;
	_ =	swait.eq @!p0 [sflag:s5], $0x1  }
0xb2: {  	s4 =	sor.u32 @!p0 s4, s6;
	[sflag:s5] =	ssyncadd.s32 @!p0 $0xFFFFFFFF  }
0xb3: {  	s25 =	simm.s32 $0x1B8E;
	s24 =	sld [smem:$0x3FFE];
	[sflag:s4] =	ssyncadd.remote.s32 @!p0 $0x1  }
0xb4: {  	s26 =	simm.s32 $execute0_lowered;
	[smem:$0x3FD2] =	sst s25  }
0xb5: {  	s5 =	sshll.u32 s26, $0x1;
	_ =	strace $0x80000049;
	[dreg:$0x1] =	wrdreg $0xFFFFFFFF  }
0xb6: {  	s28 =	simm.s32 $_size_execute0_lowered;
	s3 =	sadd.s32 s3, s5;
	[dreg:$0x0] =	wrdreg $0x0  }
0xb7: {  	s5 =	sshll.u32 s28, $0x1;
	[dreg:$0x2] =	wrdreg s3  }
0xb8: {  	[dreg:$0x3] =	wrdreg s5  }
0xb9: {  	[dreg:$0x4] =	wrdreg $0xC0  }
0xba: {  	_ =	task [dreg:s22], $0x5FFFF  }
0xbb: {  	[dreg:$0x1] =	wrdreg $0xFFFFFFFF  }
0xbc: {  	[dreg:$0x0] =	wrdreg $0x60  }
0xbd: {  	[dreg:$0x2] =	wrdreg s24  }
0xbe: {  	[dreg:$0x3] =	wrdreg $0x0  }
0xbf: {  	[dreg:$0x4] =	wrdreg $0xA  }
0xc0: {  	_ =	task.clear_ibuf [dreg:s22], $0x5FFFF;
	_ =	strace $0x90000049  }
0xc1: {  	s29 =	simm.s32 $0xA;
	_ =	strace $0x8000004B  }
0xc2: {  	_ =	swait.ge [sflag:s29], $0x1  }
0xc3: {  	[sflag:s29] =	ssyncadd.s32 $0xFFFFFFFF  }
0xc4: {  	_ =	strace $0x9000004B  }
0xc5: {  	_ =	sfence  }
0xc6: {  	s30 =	sld [smem:$0x0];
	_ =	sdelay $0x2  }
0xc7: {  	s31 =	sshll.u32 s1, $0xD;
	s1 =	sshrl.u32 s1, $0x2  }
0xc8: {  	s4 =	sand.u32 $0x4000, s31;
	s1 =	sadd.s32 s1, s30  }
0xc9: {  	s0 =	sor.u32 s4, s0;
	s1 =	sshll.u32 s1, $0x11  }
0xca: {  	s0 =	sor.u32 s1, s0  }
0xcb: {  	s0 =	sadd.s32 $0x8F2B, s0  }
0xcc: {  	[sflag:s0] =	ssyncadd.remote.s32 $0x1  }
0xcd: {  	_ =	sfence.sel $0xFFFF  }
0xce: {  	[dreg:$0x0] =	wrdreg $0xFFFFFFFF;
	(pc) =	sbr.abs _section_cstart, $3  }
0xcf: {  	[dreg:$0x1] =	wrdreg $0xFFFFFFFF  }
0xd0: {  	_ =	task.clear_ibuf [dreg:s22], $0x2FFFF;
	_ =	strace $0x9FFFFFFF  }
0xd1: {  	(tm) =	ssettm $0x7FFFFFFF  }
tec
execute0_lowered:
.L_overlay_start_1:
0x0: {  	(tag) =	ssettag $0x1  }
0x1: {  	s0 =	rddreg [dreg:$0x0]  }
0x2: {  	s1 =	rddreg [dreg:$0x1];
	s2 =	simm.s32 $0x0  }
0x3: {  	s3 =	srdreg.scid;
	s30 =	stileid.u32;
	s21 =	simm.s32 $0x2  }
0x4: {  	s22 =	simm.s32 $0x9C40;
	s23 =	simm.s32 $0x9CC0;
	s24 =	simm.s32 $0x80  }
0x5: {  	s25 =	simm.s32 $0x9D40;
	s26 =	simm.s32 $0x1;
	[smem:$0x7FF] =	sst s2  }
0x6: {  	s4 =	sand.u32 $0x1, s3;
	s5 =	sadd.s32 $0x6BC00, s0;
	s12 =	smul.u32 $0x9C40, s30  }
0x7: {  	s6 =	sadd.s32 $0x66800, s0;
	s7 =	sadd.s32 $0x76000, s0;
	s0 =	sadd.s32 $0xD2200, s0  }
0x8: {  	_ =	strace $0x8000004A;
	s8 =	ssub.s32 $0x2, s4;
	s17 =	smul.u32 $0x9C400, s4  }
0x9: {  	s9 =	sshrl.u32 s8, $0x1;
	s13 =	sadd.s32 $0x2000, s12;
	s16 =	sadd.s32 $0x4000, s12  }
0xa: {  	s18 =	sadd.s32 $0x6000, s12;
	s20 =	sadd.s32 $0x8000, s12;
	s19 =	ssub.s32 s8, s9  }
0xb: {  	s8 =	sadd.s32 s12, s1;
	s9 =	sadd.s32 s13, s1;
	s10 =	sadd.s32 s16, s1  }
0xc: {  	s11 =	sadd.s32 s18, s1;
	s14 =	sadd.s32 s12, s17;
	s12 =	sadd.s32 s20, s1  }
0xd: {  	s15 =	sadd.s32 s17, s13;
	s13 =	smul.u32 $0x54, s30;
	s16 =	sadd.s32 s17, s16  }
.Ltmp0:
0xe: {  	s18 =	sadd.s32 s17, s18;
	s20 =	sadd.s32 s17, s20;
	(pc) =	sbr.rel .LBB2_1-.Ltmp0, $4  }
0xf: {  	s14 =	sshrl.u32 s14, $0x3;
	s15 =	sshrl.u32 s15, $0x3;
	s16 =	sshrl.u32 s16, $0x3  }
0x10: {  	s18 =	sshrl.u32 s18, $0x3;
	s31 =	sshrl.u32 s20, $0x3;
	s19 =	smax.u32 s19, $0x1  }
0x11: {  	s20 =	simm.s32 $0xA540;
	s14 =	sadd.s32 s0, s14;
	s15 =	sadd.s32 s0, s15  }
0x12: {  	v0 =	vimm.f32 $0.0e+00;
	v1 =	vlaneseq.u32;
	v2 =	vimm.f32 $1.000000000e+00;
	s16 =	sadd.s32 s0, s16;
	s17 =	sadd.s32 s0, s18;
	s18 =	sadd.s32 s0, s31  }
.LBB2_11:
0x13: {  	s0 =	stileid.u32  }
0x14: {  	s0 =	sshll.u32 s0, $0x6  }
0x15: {  	[bflag:$0x0] =	sbarrier.arrive $0xFFFF;
	s3 =	sshrl.u32 s8, $0x3;
	s0 =	sor.u32 $0x1C02, s0  }
0x16: {  	[hbm:s14], [sflag:s0] =	dma.local [spmem:s3], $0x400  }
0x17: {  	_ =	swait.ge [sflag:s21], $0x400  }
0x18: {  	[sflag:s21] =	ssyncset.done $0x0  }
0x19: {  	s28 =	sshrl.u32 s9, $0x3;
	[sflag:s21] =	ssyncadd.s32 $0xFFFFFC00  }
0x1a: {  	[hbm:s15], [sflag:s0] =	dma.local [spmem:s28], $0x400  }
0x1b: {  	_ =	swait.ge [sflag:s21], $0x400  }
0x1c: {  	[sflag:s21] =	ssyncset.done $0x0  }
0x1d: {  	s29 =	sshrl.u32 s10, $0x3;
	[sflag:s21] =	ssyncadd.s32 $0xFFFFFC00  }
0x1e: {  	[hbm:s16], [sflag:s0] =	dma.local [spmem:s29], $0x400  }
0x1f: {  	_ =	swait.ge [sflag:s21], $0x400  }
0x20: {  	[sflag:s21] =	ssyncset.done $0x0  }
0x21: {  	s30 =	sshrl.u32 s11, $0x3;
	[sflag:s21] =	ssyncadd.s32 $0xFFFFFC00  }
0x22: {  	[hbm:s17], [sflag:s0] =	dma.local [spmem:s30], $0x400  }
0x23: {  	s2 =	sadd.s32 $0x1, s2;
	_ =	swait.ge [sflag:s21], $0x400  }
0x24: {  	p0 =	sne.s32 s2, s19;
	[sflag:s21] =	ssyncset.done $0x0  }
.Ltmp1:
0x25: {  	s31 =	sshrl.u32 s12, $0x3;
	[sflag:s21] =	ssyncadd.s32 $0xFFFFFC00;
	(pc) =	sbr.rel @!p0 .LBB2_12-.Ltmp1, $4  }
0x26: {  	[hbm:s18], [sflag:s0] =	dma.local [spmem:s31], $0x388  }
0x27: {  	_ =	swait.ge [sflag:s21], $0x388  }
0x28: {  	[sflag:s21] =	ssyncset.done $0x0  }
0x29: {  	[sflag:s21] =	ssyncadd.s32 $0xFFFFFC78  }
.LBB2_1:
0x2a: {  	s28 =	simm.s32 $0x100;
	s0 =	simm.s32 $0x0  }
.LBB2_2:
0x2b: {  	p0 =	sne.s32 s28, $0x7F00;
	[tilespmem:s0+$0xA570] =	vst v0;
	s29 =	smov.u32 s28;
	s28 =	sadd.s32 $0x100, s28  }
.Ltmp2:
0x2c: {  	[tilespmem:s0+$0xA560] =	vst v0;
	(pc) =	sbr.rel @p0 .LBB2_2-.Ltmp2, $3  }
0x2d: {  	[tilespmem:s0+$0xA540] =	vst v0  }
0x2e: {  	[tilespmem:s0+$0xA550] =	vst v0;
	_ =	sdelay $0x1  }
0x2f: {  	s0 =	sshra.s32 s29, $0x2  }
0x30: {  	[tilespmem:s0+$0xA570] =	vst v0  }
0x31: {  	[tilespmem:s0+$0xA560] =	vst v0  }
0x32: {  	[tilespmem:s0+$0xA540] =	vst v0  }
0x33: {  	[tilespmem:s0+$0xA550] =	vst v0  }
0x34: {  	[spmem:s8] =	stream.linear.scatter [tilespmem:s20], [sflag:$0x2], $0x2000, $0x38;
	[tilespmem:$0xC540] =	vst v63  }
0x35: {  	_ =	swait.ge [sflag:s21], $0x2000  }
0x36: {  	[sflag:s21] =	ssyncset.done $0x0  }
0x37: {  	[sflag:s21] =	ssyncadd.s32 $0xFFFFE000  }
0x38: {  	[spmem:s9] =	stream.linear.scatter [tilespmem:s20], [sflag:$0x2], $0x2000, $0x38;
	[tilespmem:$0xC540] =	vst v63  }
0x39: {  	_ =	swait.ge [sflag:s21], $0x2000  }
0x3a: {  	[sflag:s21] =	ssyncset.done $0x0  }
0x3b: {  	[sflag:s21] =	ssyncadd.s32 $0xFFFFE000  }
0x3c: {  	[spmem:s10] =	stream.linear.scatter [tilespmem:s20], [sflag:$0x2], $0x2000, $0x38;
	[tilespmem:$0xC540] =	vst v63  }
0x3d: {  	_ =	swait.ge [sflag:s21], $0x2000  }
0x3e: {  	[sflag:s21] =	ssyncset.done $0x0  }
0x3f: {  	[sflag:s21] =	ssyncadd.s32 $0xFFFFE000  }
0x40: {  	[spmem:s11] =	stream.linear.scatter [tilespmem:s20], [sflag:$0x2], $0x2000, $0x38;
	[tilespmem:$0xC540] =	vst v63  }
0x41: {  	_ =	swait.ge [sflag:s21], $0x2000  }
0x42: {  	[sflag:s21] =	ssyncset.done $0x0  }
0x43: {  	[sflag:s21] =	ssyncadd.s32 $0xFFFFE000  }
0x44: {  	[spmem:s12] =	stream.linear.scatter [tilespmem:s20], [sflag:$0x2], $0x1C40, $0x38;
	[tilespmem:$0xC540] =	vst v63  }
.Ltmp3:
0x45: {  	_ =	swait.ge [sflag:s21], $0x1C40;
	(pc) =	sbr.rel .LBB2_4-.Ltmp3, $4  }
0x46: {  	[sflag:s21] =	ssyncset.done $0x0  }
0x47: {  	[sflag:s21] =	ssyncadd.s32 $0xFFFFE3C0  }
0x48: {  	[bflag:$0x0] =	sbarrier.arrive $0xFFFF  }
0x49: {  	s28 =	simm.s32 $0x0  }
.LBB2_10:
0x4a: {  	s28 =	sadd.s32 $0x1, s28  }
0x4b: {  	p0 =	sne.s32 s28, $0x54  }
.Ltmp4:
0x4c: {  	_ = 	snop;
	(pc) =	sbr.rel @!p0 .LBB2_11-.Ltmp4, $1  }
0x4d: {  	_ =	sdelay $0x3  }
.LBB2_4:
0x4e: {  	s0 =	sand.u32 $0x1, s28  }
0x4f: {  	p0 =	sne.s32 s0, s4  }
.Ltmp5:
0x50: {  	_ = 	snop;
	(pc) =	sbr.rel @p0 .LBB2_10-.Ltmp5, $1  }
0x51: {  	_ =	sdelay $0x3  }
0x52: {  	s0 =	sadd.s32 s13, s28  }
0x53: {  	s30 =	sshll.u32 s0, $0x4  }
0x54: {  	s29 =	simm.s32 $0x0;
	s31 =	sadd.s32 s5, s30  }
0x55: {  	[tilespmem:s22], [sflag:$0x2] =	stream.linear.gather [hbm4b:s31+s29], $0x80, $0x38;
	[tilespmem:$0xC540] =	vst v63  }
0x56: {  	_ =	swait.ge [sflag:s21], $0x80  }
0x57: {  	[sflag:s21] =	ssyncset.done $0x0  }
0x58: {  	s30 =	sadd.s32 s6, s30;
	[sflag:s21] =	ssyncadd.s32 $0xFFFFFF80  }
0x59: {  	[tilespmem:s23], [sflag:$0x2] =	stream.linear.gather [hbm4b:s30+s29], $0x80, $0x38;
	[tilespmem:$0xC540] =	vst v63  }
0x5a: {  	_ =	swait.ge [sflag:s21], $0x80  }
0x5b: {  	v3 =	vor.u32 s29, v1;
	[sflag:s21] =	ssyncset.done $0x0  }
0x5c: {  	v4 =	vshll.u32 v3, $0x4;
	[sflag:s21] =	ssyncadd.s32 $0xFFFFFF80  }
0x5d: {  	[tilespmem:s25], [sflag:$0x1] =	stream.indirect.gather [hbm4b:s7+s24], $0x10, s22, s24, $0xb8;
	[tilespmem:$0xC540] =	vst v63  }
0x5e: {  	_ =	swait.ge [sflag:s26], $0x800  }
0x5f: {  	[sflag:s26] =	ssyncset.done $0x0  }
0x60: {  	[sflag:s26] =	ssyncadd.s32 $0xFFFFF800  }
0x61: {  	v4 =	vld.idx.msk [tilespmem:v4+s25+$0x0], $0xffff;
	_ =	sdelay $0x4  }
0x62: {  	v3 =	vshll.u32 v3, $0x6;
	v5 =	vand.u32 $0xFFFFFFF8, v4  }
0x63: {  	s30 =	simm.s32 $0x10;
	v4 =	vand.u32 $0x7, v4;
	v5 =	vadd.s32 v3, v5  }
0x64: {  	s31 =	sshll.u32 s0, $0x7;
	s0 =	simm.s32 $0x20;
	v3 =	vor.u32 s30, v1;
	v4 =	vor.u32 v4, v5  }
.LBB2_6:
0x65: {  	p0 =	sne.s32 s0, $0x70;
	v5 =	vshll.u32 v3, $0x4  }
0x66: {  	s3 =	sor.u32 s31, s29;
	s29 =	smov.u32 s30;
	s30 =	smov.u32 s0  }
0x67: {  	p1 =	slt.u32 s3, $0x29810  }
0x68: {  	v6 =	vpsel !p1, $0x0, v2  }
0x69: {  	[tilespmem:v4+s20+$0x0] =	vst.idx.msk $0xffff, v6  }
0x6a: {  	v4 =	vld.idx.msk [tilespmem:v5+s25+$0x0], $0xffff;
	_ =	sdelay $0x3  }
.Ltmp6:
0x6b: {  	(pc) =	sbr.rel @p0 .LBB2_6-.Ltmp6, $4  }
0x6c: {  	_ = 	snop  }
0x6d: {  	v3 =	vshll.u32 v3, $0x6;
	v5 =	vand.u32 $0xFFFFFFF8, v4  }
0x6e: {  	v4 =	vand.u32 $0x7, v4;
	v5 =	vadd.s32 v3, v5  }
0x6f: {  	s0 =	sadd.s32 $0x10, s0;
	v3 =	vor.u32 s30, v1;
	v4 =	vor.u32 v4, v5  }
0x70: {  	v5 =	vshll.u32 v3, $0x4  }
0x71: {  	s0 =	sor.u32 s31, s29  }
0x72: {  	p0 =	slt.u32 s0, $0x29810  }
0x73: {  	v6 =	vpsel !p0, $0x0, v2  }
0x74: {  	[tilespmem:v4+s20+$0x0] =	vst.idx.msk $0xffff, v6  }
0x75: {  	v4 =	vld.idx.msk [tilespmem:v5+s25+$0x0], $0xffff;
	_ =	sdelay $0x4  }
0x76: {  	v3 =	vshll.u32 v3, $0x6;
	v5 =	vand.u32 $0xFFFFFFF8, v4  }
0x77: {  	v4 =	vand.u32 $0x7, v4;
	v3 =	vadd.s32 v3, v5  }
0x78: {  	v3 =	vor.u32 v4, v3;
	_ =	sdelay $0x1  }
0x79: {  	s29 =	sor.u32 s31, s30  }
0x7a: {  	s30 =	simm.s32 $0x0;
	p6 =	slt.u32 s29, $0x29810  }
0x7b: {  	v5 =	vor.u32 s30, v1;
	v4 =	vpsel !p6, $0x0, v2  }
0x7c: {  	[tilespmem:v3+s20+$0x0] =	vst.idx.msk $0xffff, v4;
	v3 =	vshll.u32 v5, $0x4  }
0x7d: {  	[spmem:s1] =	stream.indirect.scatter.add.f32 [tilespmem:s20], [sflag:$0x2], $0x40, s23, s24, $0xb8;
	[tilespmem:$0xC540] =	vst v63  }
0x7e: {  	_ =	swait.ge [sflag:s21], $0x2000  }
0x7f: {  	[sflag:s21] =	ssyncset.done $0x0  }
0x80: {  	[sflag:s21] =	ssyncadd.s32 $0xFFFFE000  }
0x81: {  	v3 =	vld.idx.msk [tilespmem:v3+s25+$0x0], $0xffff;
	_ =	sdelay $0x4  }
0x82: {  	v5 =	vshll.u32 v5, $0x6;
	v4 =	vand.u32 $0xFFFFFFF8, v3  }
0x83: {  	s31 =	simm.s32 $0x10;
	v6 =	vand.u32 $0x7, v3;
	v4 =	vadd.s32 v5, v4  }
0x84: {  	s0 =	simm.s32 $0x20;
	v3 =	vor.u32 s31, v1;
	v4 =	vor.u32 v6, v4  }
.LBB2_8:
0x85: {  	p0 =	sne.s32 s0, $0x70;
	v5 =	vshll.u32 v3, $0x4;
	_ =	sdelay $0x3  }
0x86: {  	[tilespmem:v4+s20+$0x0] =	vst.idx.msk $0xffff, v0  }
0x87: {  	v4 =	vld.idx.msk [tilespmem:v5+s25+$0x0], $0xffff;
	_ =	sdelay $0x3  }
.Ltmp7:
0x88: {  	(pc) =	sbr.rel @p0 .LBB2_8-.Ltmp7, $4  }
0x89: {  	_ = 	snop  }
0x8a: {  	v3 =	vshll.u32 v3, $0x6;
	v5 =	vand.u32 $0xFFFFFFF8, v4  }
0x8b: {  	v4 =	vand.u32 $0x7, v4;
	v5 =	vadd.s32 v3, v5  }
0x8c: {  	v3 =	vor.u32 s0, v1;
	s0 =	sadd.s32 $0x10, s0;
	v4 =	vor.u32 v4, v5  }
0x8d: {  	v5 =	vshll.u32 v3, $0x4;
	_ =	sdelay $0x3  }
0x8e: {  	[tilespmem:v4+s20+$0x0] =	vst.idx.msk $0xffff, v0  }
0x8f: {  	v4 =	vld.idx.msk [tilespmem:v5+s25+$0x0], $0xffff;
	_ =	sdelay $0x4  }
0x90: {  	v3 =	vshll.u32 v3, $0x6;
	v5 =	vand.u32 $0xFFFFFFF8, v4  }
0x91: {  	v4 =	vand.u32 $0x7, v4;
	v3 =	vadd.s32 v3, v5  }
0x92: {  	v3 =	vor.u32 v4, v3  }
.Ltmp8:
0x93: {  	_ = 	snop;
	(pc) =	sbr.rel .LBB2_10-.Ltmp8, $2  }
0x94: {  	_ =	sdelay $0x2  }
0x95: {  	[tilespmem:v3+s20+$0x0] =	vst.idx.msk $0xffff, v0  }
.LBB2_12:
0x96: {  	_ =	sfence.sel $0x180000  }
0x97: {  	[bflag:$0x0] =	sbarrier.arrive $0xFFFF  }
0x98: {  	_ =	strace $0x9000004A  }
0x99: {  	s0 =	stileid.u32;
	[bflag:$0x2] =	sbarrier.arrive $0xFFFF  }
0x9a: {  	p0 =	sne.s32 s0, $0x0;
	s0 =	rddreg [dreg:$0x2]  }
0x9b: {  	s0 =	sadd.s32 @!p0 $0x100000, s0  }
0x9c: {  	[sflag:s0] =	ssyncadd.tile.s32 @!p0 $0x1;
	_ =	shalt  }
.Lfunc_end2:
_tile_overlayer_lowered:
.L_overlay_start_2:
0x9d: {  	(tag) =	ssettag $0x2  }
0x9e: {  	s0 =	rddreg [dreg:$0x0];
	s2 =	stileid.u32  }
0x9f: {  	s1 =	rddreg [dreg:$0x1];
	p0 =	sne.s32 s2, $0x0  }
0xa0: {  	s3 =	rddreg [dreg:$0x2];
	[bflag:$0x3] =	sbarrier.arrive $0xFFFF;
	s2 =	simm.s32 @!p0 $0x1C02  }
0xa1: {  	[timem:s3], [sflag:s2] =	dma.local @!p0 [hbm:s0], s1  }
0xa2: {  	s0 =	simm.s32 @!p0 $0x2  }
0xa3: {  	_ =	swait.ge @!p0 [sflag:s0], s1  }
0xa4: {  	s1 =	ssub.s32 @!p0 $0x0, s1;
	[sflag:s0] =	ssyncset.done @!p0 $0x0  }
0xa5: {  	[sflag:s0] =	ssyncadd.s32 @!p0 s1  }
0xa6: {  	[bflag:$0x3] =	sbarrier.arrive $0xFFFF  }
0xa7: {  	_ =	shalt  }

</sc_bundles>
